<compile_context>
chip_gen: v7x
topology: tpu7x:2x2x1
jax: 0.10.2.dev20260603
libtpu: 0.0.44.dev20260713+nightly
codegen_flags: <defaults>
</compile_context>

<pallas_src>
import functools

import jax
import jax.numpy as jnp
from jax import lax
from jax.experimental import pallas as pl
from jax.experimental.pallas import tpu as pltpu
from jax.experimental.pallas import tpu_sc as plsc

N = 10000
E = 320000
HID = 128
CNT = 16
NUM_LAYERS = 4
NUM_EMB = 121
MAX_NODES = 121
NUM_GRAPHS = 100

F32 = jnp.float32


_NC = 2
_NS = 16
_NT = _NC * _NS
_K = 64
_NSLOT = 3
_CPT = 159
_EPT = _CPT * _K
_EPAD = _NT * _EPT
_NPAD = _EPAD - E
_NITER = _CPT // _NSLOT


def _make_segsum():
  mesh = plsc.VectorSubcoreMesh(core_axis_name="c", subcore_axis_name="s")

  @functools.partial(
      pl.kernel,
      mesh=mesh,
      out_type=[
          jax.ShapeDtypeStruct((N, HID), F32),
          jax.ShapeDtypeStruct((N, HID), F32),
      ],
      scratch_types=(
          [pltpu.VMEM((_CPT, _K), jnp.int32)]
          + [pltpu.VMEM((2, _K), jnp.int32)] * _NSLOT
          + [pltpu.VMEM((_K, HID), F32)] * _NSLOT
          + [pltpu.VMEM((8, HID), F32)]
          + [pltpu.VMEM_SHARED((N, HID), F32)]
          + [pltpu.SemaphoreType.DMA] * (2 * _NSLOT)
          + [pltpu.SemaphoreType.DMA]
      ),
  )
  def segsum(p_hbm, packed_hbm, agg0_hbm, agg1_hbm, packedall, *rest):
    ibufs = rest[:_NSLOT]
    rbufs = rest[_NSLOT:2 * _NSLOT]
    zbuf = rest[2 * _NSLOT]
    acc = rest[2 * _NSLOT + 1]
    gsems = rest[2 * _NSLOT + 2:3 * _NSLOT + 2]
    ssems = rest[3 * _NSLOT + 2:4 * _NSLOT + 2]
    zsem = rest[4 * _NSLOT + 2]
    c = lax.axis_index("c")
    s = lax.axis_index("s")
    t = c * _NS + s

    pltpu.sync_copy(packed_hbm.at[t], packedall)

    def _gather(k, j):
      for u in range(_K // 16):
        v = packedall[k, pl.ds(u * 16, 16)]
        ibufs[j][0, pl.ds(u * 16, 16)] = jnp.bitwise_and(v, 0xFFFF)
        ibufs[j][1, pl.ds(u * 16, 16)] = lax.shift_right_logical(v, 16)
      pltpu.async_copy(p_hbm.at[ibufs[j].at[0]], rbufs[j], gsems[j])

    def _gwait(j):
      pltpu.make_async_copy(p_hbm.at[ibufs[j].at[0]], rbufs[j],
                            gsems[j]).wait()

    def _scat(j):
      return pltpu.async_copy(rbufs[j], acc.at[ibufs[j].at[1]], ssems[j],
                              add=True)

    for j in range(_NSLOT):
      _gather(j, j)

    def _zrow(r, _):
      def _zcol(j, _):
        zbuf[r, pl.ds(j * 16, 16)] = jnp.zeros((16,), F32)
        return 0
      lax.fori_loop(0, HID // 16, _zcol, 0)
      return 0
    lax.fori_loop(0, 8, _zrow, 0)
    _ZN = N // 8
    _ZIT = (_ZN + _NS - 1) // _NS

    def _zchunk(j, _):
      idx = s + j * _NS
      @pl.when(idx < _ZN)
      def _():
        pltpu.async_copy(zbuf, acc.at[pl.ds(idx * 8, 8)], zsem)
      return 0
    lax.fori_loop(0, _ZIT, _zchunk, 0)

    def _zdrain(j, _):
      idx = s + j * _NS
      @pl.when(idx < _ZN)
      def _():
        pltpu.make_async_copy(zbuf, acc.at[pl.ds(0, 8)], zsem).wait()
      return 0
    lax.fori_loop(0, _ZIT, _zdrain, 0)
    plsc.subcore_barrier()

    def _iter(i, _):
      k = _NSLOT * i
      handles = [None] * _NSLOT
      for j in range(_NSLOT):
        _gwait(j)
        handles[j] = _scat(j)
        if j >= 1:
          handles[j - 1].wait()
          @pl.when(i < _NITER - 1)
          def _(j=j):
            _gather(k + _NSLOT + j - 1, j - 1)
      handles[_NSLOT - 1].wait()
      @pl.when(i < _NITER - 1)
      def _():
        _gather(k + 2 * _NSLOT - 1, _NSLOT - 1)
      return 0
    lax.fori_loop(0, _NITER, _iter, 0)
    plsc.subcore_barrier()

    _WN = N // 400
    _WIT = (_WN + _NS - 1) // _NS

    def _writeout(out_hbm):
      def _w(j, _):
        idx = s + j * _NS
        @pl.when(idx < _WN)
        def _():
          r0 = idx * 400
          pltpu.async_copy(acc.at[pl.ds(r0, 400)],
                           out_hbm.at[pl.ds(r0, 400)], zsem)
        return 0
      lax.fori_loop(0, _WIT, _w, 0)

      def _wd(j, _):
        idx = s + j * _NS
        @pl.when(idx < _WN)
        def _():
          pltpu.make_async_copy(acc.at[pl.ds(0, 400)],
                                out_hbm.at[pl.ds(0, 400)], zsem).wait()
        return 0
      lax.fori_loop(0, _WIT, _wd, 0)

    @pl.when(c == 0)
    def _():
      _writeout(agg0_hbm)

    @pl.when(c == 1)
    def _():
      _writeout(agg1_hbm)

  return segsum


_segsum_call = None


def _segsum(p, packed):
  global _segsum_call
  if _segsum_call is None:
    _segsum_call = _make_segsum()
  return _segsum_call(p, packed)




_EROW = E // 128
_PROW = _EPAD // 128


def _enc_body(x_ref, counts_ref, uc_ref, emb_ref, cW1_ref, cb1_ref,
              cW2_ref, cb2_ref, W1_ref, ei_ref, out_ref, pk_ref):
  xi = x_ref[...]
  onehot = (lax.broadcasted_iota(jnp.int32, (N, NUM_EMB), 1) == xi
            ).astype(F32)
  he = jnp.dot(onehot, emb_ref[...], preferred_element_type=F32)
  ch = jnp.maximum(
      jnp.dot(counts_ref[...], cW1_ref[...], preferred_element_type=F32)
      + cb1_ref[...], 0.0)
  ch = jnp.dot(ch, cW2_ref[...], preferred_element_type=F32) + cb2_ref[...]
  ch = ch * uc_ref[0, 0]
  W1 = W1_ref[...]
  out_ref[...] = (
      jnp.dot(he, W1[:HID], preferred_element_type=F32)
      + jnp.dot(ch, W1[HID:], preferred_element_type=F32))
  ei = ei_ref[...]
  pk_ref[pl.ds(0, _EROW), :] = ei[0] | (ei[1] << 16)
  padidx = (lax.broadcasted_iota(jnp.int32, (_PROW - _EROW, 128), 0) * 128
            + lax.broadcasted_iota(jnp.int32, (_PROW - _EROW, 128), 1))
  pk_ref[pl.ds(_EROW, _PROW - _EROW), :] = padidx | (padidx << 16)


def _layer_body(*refs, residual, last):
  if residual:
    h_ref, p_ref, a0_ref, a1_ref, b1_ref, W2_ref, b2_ref, g_ref, be_ref = \
        refs[:9]
    rest = refs[9:]
  else:
    p_ref, a0_ref, a1_ref, b1_ref, W2_ref, b2_ref, g_ref, be_ref = refs[:8]
    rest = refs[8:]
  if last:
    (out_ref,) = rest
  else:
    W1n_ref, out_ref, pout_ref = rest

  p = p_ref[...]
  corr = (lax.broadcasted_iota(jnp.int32, (N, 1), 0) < _NPAD).astype(F32)
  a1 = a1_ref[...] - corr * p
  z = jnp.maximum(p + a0_ref[...] + a1 + b1_ref[...], 0.0)
  z = jnp.dot(z, W2_ref[...], preferred_element_type=F32) + b2_ref[...]
  mu = jnp.mean(z, axis=0, keepdims=True)
  var = jnp.mean(jnp.square(z - mu), axis=0, keepdims=True)
  z = g_ref[...] * (z - mu) * lax.rsqrt(var + 1e-5) + be_ref[...]
  z = jnp.maximum(z, 0.0)
  if residual:
    z = z + h_ref[...]
  out_ref[...] = z
  if not last:
    pout_ref[...] = jnp.dot(z, W1n_ref[...], preferred_element_type=F32)


def _last_body(h_ref, p_ref, a0_ref, a1_ref, b1_ref, W2_ref, b2_ref,
               g_ref, be_ref, batch_ref, dW1_ref, db1_ref, dW2_ref,
               db2_ref, out_ref):
  p = p_ref[...]
  corr = (lax.broadcasted_iota(jnp.int32, (N, 1), 0) < _NPAD).astype(F32)
  a1 = a1_ref[...] - corr * p
  z = jnp.maximum(p + a0_ref[...] + a1 + b1_ref[...], 0.0)
  z = jnp.dot(z, W2_ref[...], preferred_element_type=F32) + b2_ref[...]
  mu = jnp.mean(z, axis=0, keepdims=True)
  var = jnp.mean(jnp.square(z - mu), axis=0, keepdims=True)
  z = g_ref[...] * (z - mu) * lax.rsqrt(var + 1e-5) + be_ref[...]
  h = jnp.maximum(z, 0.0) + h_ref[...]
  z = jnp.maximum(
      jnp.dot(h, dW1_ref[...], preferred_element_type=F32) + db1_ref[...],
      0.0)
  z = jnp.dot(z, dW2_ref[...], preferred_element_type=F32) + db2_ref[...]
  preds = 1.0 / (1.0 + jnp.exp(-z))

  b = batch_ref[...]
  Bh = (lax.broadcasted_iota(jnp.int32, (N, NUM_GRAPHS), 1) == b
        ).astype(F32)
  cnts = jnp.sum(Bh, axis=0, keepdims=True)
  tri = (lax.broadcasted_iota(jnp.int32, (NUM_GRAPHS, NUM_GRAPHS), 0)
         < lax.broadcasted_iota(jnp.int32, (NUM_GRAPHS, NUM_GRAPHS), 1)
         ).astype(F32)
  offs = jnp.dot(cnts, tri, preferred_element_type=F32)
  off_node = lax.dot_general(Bh, offs, (((1,), (1,)), ((), ())),
                             preferred_element_type=F32)
  rowid = lax.broadcasted_iota(jnp.int32, (N, 1), 0).astype(F32)
  pos = rowid - off_node
  mask = pos < float(MAX_NODES)
  Pm = ((lax.broadcasted_iota(jnp.int32, (N, MAX_NODES), 1).astype(F32)
         == pos) & mask).astype(F32)
  out = lax.dot_general(Bh, Pm * preds, (((0,), (0,)), ((), ())),
                        preferred_element_type=F32)
  out_ref[...] = out


def _tc_call(body, out_shape):
  return pl.pallas_call(body, out_shape=out_shape)




def kernel(x, edge_index, counts, use_counts, batch, emb, cW1, cb1, cW2, cb2,
           conv_W1, conv_b1, conv_W2, conv_b2, conv_gamma, conv_beta,
           dW1, db1, dW2, db2):
  x2 = x.reshape(N, 1)
  batch2 = batch.reshape(N, 1)
  uc = jnp.asarray(use_counts, F32).reshape(1, 1)
  ei3 = edge_index.reshape(2, _EROW, 128)

  p, packed2 = _tc_call(
      _enc_body, (jax.ShapeDtypeStruct((N, HID), F32),
                  jax.ShapeDtypeStruct((_PROW, 128), jnp.int32)))(
      x2, counts, uc, emb, cW1, cb1.reshape(1, -1), cW2, cb2.reshape(1, -1),
      conv_W1[0], ei3)
  packed = packed2.reshape(_NT, _CPT, _K)

  h = None
  for i in range(NUM_LAYERS - 1):
    agg0, agg1 = _segsum(p, packed)
    residual = i > 0
    body = functools.partial(_layer_body, residual=residual, last=False)
    out_shape = (jax.ShapeDtypeStruct((N, HID), F32),
                 jax.ShapeDtypeStruct((N, HID), F32))
    args = []
    if residual:
      args.append(h)
    args += [p, agg0, agg1, conv_b1[i].reshape(1, -1), conv_W2[i],
             conv_b2[i].reshape(1, -1), conv_gamma[i].reshape(1, -1),
             conv_beta[i].reshape(1, -1), conv_W1[i + 1]]
    h, p = _tc_call(body, out_shape)(*args)

  i = NUM_LAYERS - 1
  agg0, agg1 = _segsum(p, packed)
  out = _tc_call(_last_body,
                 jax.ShapeDtypeStruct((NUM_GRAPHS, MAX_NODES), F32))(
      h, p, agg0, agg1, conv_b1[i].reshape(1, -1), conv_W2[i],
      conv_b2[i].reshape(1, -1), conv_gamma[i].reshape(1, -1),
      conv_beta[i].reshape(1, -1), batch2,
      dW1, db1.reshape(1, -1), dW2, db2.reshape(1, -1))
  return out

# --- scband reference (transcript-rebuilt; emitter-appended) ---
"""Pipeline reference for scband-gincut-pred-79130477461638 (READ-ONLY COPY).

The authoritative reference and input builder live on the scoring server;
editing this copy changes nothing except your own understanding.
"""

import jax, jax.numpy as jnp
import numpy as np

N = 10000
E = 320000
HID = 128
CNT = 16
NUM_LAYERS = 4
NUM_EMB = 121
MAX_NODES = 121
NUM_GRAPHS = 100


def _mlp2(h, W1, b1, W2, b2):
    return jnp.maximum(h @ W1 + b1, 0.0) @ W2 + b2


def _batchnorm(z, gamma, beta):
    mu = jnp.mean(z, axis=0, keepdims=True)
    var = jnp.var(z, axis=0, keepdims=True)
    return gamma * (z - mu) / jnp.sqrt(var + 1e-5) + beta


def _gin_layer(h, src, dst, W1, b1, W2, b2, gamma, beta):
    agg = jax.ops.segment_sum(h[src], dst, num_segments=N)
    z = h + agg
    z = _mlp2(z, W1, b1, W2, b2)
    z = _batchnorm(z, gamma, beta)
    z = jnp.maximum(z, 0.0)
    if h.shape[1] == z.shape[1]:
        z = z + h
    return z


def setup_inputs(seed: int = 0):
    key = jax.random.key(seed)
    ks = jax.random.split(key, 40)
    x = jax.random.randint(ks[0], (N,), 0, NUM_EMB, dtype=jnp.int32)
    edge_index = jax.random.randint(ks[1], (2, E), 0, N, dtype=jnp.int32)
    counts = jax.random.normal(ks[2], (N, CNT), dtype=jnp.float32)
    batch = jnp.sort(jax.random.randint(ks[3], (N,), 0, NUM_GRAPHS, dtype=jnp.int32))
    s = 0.05
    emb = jax.random.normal(ks[4], (NUM_EMB, HID), dtype=jnp.float32) * s
    cW1 = jax.random.normal(ks[5], (CNT, CNT), dtype=jnp.float32) * s
    cb1 = jnp.zeros((CNT,), jnp.float32)
    cW2 = jax.random.normal(ks[6], (CNT, CNT), dtype=jnp.float32) * s
    cb2 = jnp.zeros((CNT,), jnp.float32)
    conv_W1, conv_b1, conv_W2, conv_b2, conv_gamma, conv_beta = [], [], [], [], [], []
    for i in range(NUM_LAYERS):
        din = HID + CNT if i == 0 else HID
        conv_W1.append(jax.random.normal(ks[7 + 2 * i], (din, HID), dtype=jnp.float32) * s)
        conv_b1.append(jnp.zeros((HID,), jnp.float32))
        conv_W2.append(jax.random.normal(ks[8 + 2 * i], (HID, HID), dtype=jnp.float32) * s)
        conv_b2.append(jnp.zeros((HID,), jnp.float32))
        conv_gamma.append(jnp.ones((HID,), jnp.float32))
        conv_beta.append(jnp.zeros((HID,), jnp.float32))
    dW1 = jax.random.normal(ks[20], (HID, HID), dtype=jnp.float32) * s
    db1 = jnp.zeros((HID,), jnp.float32)
    dW2 = jax.random.normal(ks[21], (HID, 1), dtype=jnp.float32) * s
    db2 = jnp.zeros((1,), jnp.float32)
    return {"x": x, "edge_index": edge_index, "counts": counts, "use_counts": True,
            "batch": batch, "emb": emb, "cW1": cW1, "cb1": cb1, "cW2": cW2, "cb2": cb2,
            "conv_W1": conv_W1, "conv_b1": conv_b1, "conv_W2": conv_W2, "conv_b2": conv_b2,
            "conv_gamma": conv_gamma, "conv_beta": conv_beta,
            "dW1": dW1, "db1": db1, "dW2": dW2, "db2": db2}


def reference(x, edge_index, counts, use_counts, batch, emb, cW1, cb1, cW2, cb2,
              conv_W1, conv_b1, conv_W2, conv_b2, conv_gamma, conv_beta,
              dW1, db1, dW2, db2):
    # encoder: embedding lookup (gather)
    h = emb[x]
    ch = _mlp2(counts, cW1, cb1, cW2, cb2)
    ch = ch * jnp.asarray(use_counts, ch.dtype)
    h = jnp.concatenate([h, ch], axis=1)
    src = edge_index[0]
    dst = edge_index[1]
    for i in range(NUM_LAYERS):
        h = _gin_layer(h, src, dst, conv_W1[i], conv_b1[i], conv_W2[i], conv_b2[i],
                       conv_gamma[i], conv_beta[i])
    logits = _mlp2(h, dW1, db1, dW2, db2)
    preds = jax.nn.sigmoid(logits)[:, 0]
    # per-graph pad/truncate to MAX_NODES (vectorized version of the python loop)
    num_graphs = NUM_GRAPHS
    seg_counts = jnp.bincount(batch, length=num_graphs)
    offsets = jnp.concatenate([jnp.zeros((1,), seg_counts.dtype), jnp.cumsum(seg_counts)[:-1]])
    pos = jnp.arange(N) - offsets[batch]
    mask = pos < MAX_NODES
    row = jnp.where(mask, batch, num_graphs)  # out-of-range rows dropped
    col = jnp.clip(pos, 0, MAX_NODES - 1)
    out = jnp.zeros((num_graphs, MAX_NODES), dtype=preds.dtype).at[row, col].set(preds, mode='drop')
    return out

if __name__ == "__main__":
    import jax
    _d = setup_inputs()
    print(jax.jit(kernel)(*tuple(_d.values())))

</pallas_src>

<mosaic_0001>
#map = affine_map<(d0, d1) -> (0, 0)>
#map1 = affine_map<(d0, d1) -> (0, 0, 0)>
module attributes {stable_mosaic.version = 14 : i64} {
  func.func @segsum(%arg0: i32, %arg1: i32, %arg2: memref<10000x128xf32, #tpu.memory_space<hbm>>, %arg3: memref<32x159x64xi32, #tpu.memory_space<hbm>>, %arg4: memref<10000x128xf32, #tpu.memory_space<hbm>>, %arg5: memref<10000x128xf32, #tpu.memory_space<hbm>>, %arg6: memref<159x64xi32, #tpu.memory_space<vmem>>, %arg7: memref<2x64xi32, #tpu.memory_space<vmem>>, %arg8: memref<2x64xi32, #tpu.memory_space<vmem>>, %arg9: memref<2x64xi32, #tpu.memory_space<vmem>>, %arg10: memref<64x128xf32, #tpu.memory_space<vmem>>, %arg11: memref<64x128xf32, #tpu.memory_space<vmem>>, %arg12: memref<64x128xf32, #tpu.memory_space<vmem>>, %arg13: memref<8x128xf32, #tpu.memory_space<vmem>>, %arg14: memref<10000x128xf32, #tpu.memory_space<vmem_shared>>, %arg15: memref<!tpu.dma_semaphore, #tpu.memory_space<semaphore_mem>>, %arg16: memref<!tpu.dma_semaphore, #tpu.memory_space<semaphore_mem>>, %arg17: memref<!tpu.dma_semaphore, #tpu.memory_space<semaphore_mem>>, %arg18: memref<!tpu.dma_semaphore, #tpu.memory_space<semaphore_mem>>, %arg19: memref<!tpu.dma_semaphore, #tpu.memory_space<semaphore_mem>>, %arg20: memref<!tpu.dma_semaphore, #tpu.memory_space<semaphore_mem>>, %arg21: memref<!tpu.dma_semaphore, #tpu.memory_space<semaphore_mem>>) attributes {dimension_semantics = [#tpu.dimension_semantics<core_parallel>, #tpu.dimension_semantics<subcore_parallel>], iteration_bounds = array<i64: 2, 16>, scalar_prefetch = 0 : i64, scratch_operands = 16 : i64, tpu.core_type = #tpu.core_type<sc_vector_subcore>, window_params = [{transform_indices = #map}, {transform_indices = #map1}, {transform_indices = #map}, {transform_indices = #map}]} {
    %mul3A = arith.constant 16 : i32
    %mul3A_0 = arith.muli %arg0, %mul3A : i32
    %add3A = arith.addi %mul3A_0, %arg1 : i32
    "tpu.region"() ({
      %run_scoped3A = tpu.sem_alloc : memref<!tpu.dma_semaphore, #tpu.memory_space<semaphore_mem>>
      %dma_start3A_328 = arith.constant 0 : i32
      %dma_start3A_329 = arith.constant 0 : i32
      %dma_start3A_330 = tpu.memref_slice %arg3[%add3A, %dma_start3A_328, %dma_start3A_329] : memref<32x159x64xi32, #tpu.memory_space<hbm>> -> memref<1x159x64xi32, #tpu.memory_space<hbm>>
      %dma_start3A_331 = tpu.memref_squeeze %dma_start3A_330 : memref<1x159x64xi32, #tpu.memory_space<hbm>> -> memref<159x64xi32, #tpu.memory_space<hbm>>
      %dma_start3A_332 = arith.constant 0 : i32
      %dma_start3A_333 = arith.constant 0 : i32
      %dma_start3A_334 = tpu.memref_slice %arg3[%add3A, %dma_start3A_332, %dma_start3A_333] : memref<32x159x64xi32, #tpu.memory_space<hbm>> -> memref<1x159x64xi32, #tpu.memory_space<hbm>>
      %dma_start3A_335 = tpu.memref_squeeze %dma_start3A_334 : memref<1x159x64xi32, #tpu.memory_space<hbm>> -> memref<159x64xi32, #tpu.memory_space<hbm>>
      tpu.enqueue_dma source(%dma_start3A_335 : memref<159x64xi32, #tpu.memory_space<hbm>>) target(%arg6 : memref<159x64xi32, #tpu.memory_space<vmem>>) target_semaphore(%run_scoped3A : memref<!tpu.dma_semaphore, #tpu.memory_space<semaphore_mem>>)
      %dma_wait3A = arith.constant 0 : i32
      %dma_wait3A_336 = arith.constant 0 : i32
      %dma_wait3A_337 = tpu.memref_slice %arg3[%add3A, %dma_wait3A, %dma_wait3A_336] : memref<32x159x64xi32, #tpu.memory_space<hbm>> -> memref<1x159x64xi32, #tpu.memory_space<hbm>>
      %dma_wait3A_338 = tpu.memref_squeeze %dma_wait3A_337 : memref<1x159x64xi32, #tpu.memory_space<hbm>> -> memref<159x64xi32, #tpu.memory_space<hbm>>
      %dma_wait3A_339 = arith.constant 0 : i32
      %dma_wait3A_340 = arith.constant 0 : i32
      %dma_wait3A_341 = tpu.memref_slice %arg3[%add3A, %dma_wait3A_339, %dma_wait3A_340] : memref<32x159x64xi32, #tpu.memory_space<hbm>> -> memref<1x159x64xi32, #tpu.memory_space<hbm>>
      %dma_wait3A_342 = tpu.memref_squeeze %dma_wait3A_341 : memref<1x159x64xi32, #tpu.memory_space<hbm>> -> memref<159x64xi32, #tpu.memory_space<hbm>>
      tpu.wait_dma2 semaphore(%run_scoped3A : memref<!tpu.dma_semaphore, #tpu.memory_space<semaphore_mem>>) src(%dma_wait3A_342 : memref<159x64xi32, #tpu.memory_space<hbm>>) dst(%arg6 : memref<159x64xi32, #tpu.memory_space<vmem>>)
      tpu.yield
    }) : () -> ()
    %get3A = arith.constant 0 : i32
    %get3A_1 = arith.index_cast %get3A : i32 to index
    %get3A_2 = arith.constant 0 : index
    %get3A_3 = tpu.vector_load %arg6[%get3A_1, %get3A_2] {strides = array<i32>} : memref<159x64xi32, #tpu.memory_space<vmem>>, vector<1x16xi32>,
    %get3A_4 = vector.shape_cast %get3A_3 : vector<1x16xi32> to vector<16xi32>
    %and3A = arith.constant 65535 : i32
    %and3A_5 = vector.broadcast %and3A : i32 to vector<16xi32>
    %and3A_6 = arith.andi %get3A_4, %and3A_5 : vector<16xi32>
    %swap3A = arith.constant 0 : i32
    %swap3A_7 = arith.index_cast %swap3A : i32 to index
    %swap3A_8 = arith.constant 0 : index
    %swap3A_9 = tpu.vector_load %arg7[%swap3A_7, %swap3A_8] {strides = array<i32>} : memref<2x64xi32, #tpu.memory_space<vmem>>, vector<1x16xi32>,
    %swap3A_10 = vector.shape_cast %swap3A_9 : vector<1x16xi32> to vector<16xi32>
    %swap3A_11 = vector.shape_cast %and3A_6 : vector<16xi32> to vector<1x16xi32>
    tpu.vector_store %arg7[%swap3A_7, %swap3A_8], %swap3A_11 {strides = array<i32>} : memref<2x64xi32, #tpu.memory_space<vmem>>, vector<1x16xi32>,
    %shift_right_logical3A = arith.constant 16 : i32
    %shift_right_logical3A_12 = vector.broadcast %shift_right_logical3A : i32 to vector<16xi32>
    %shift_right_logical3A_13 = arith.shrui %get3A_4, %shift_right_logical3A_12 : vector<16xi32>
    %swap3A_14 = arith.constant 1 : i32
    %swap3A_15 = arith.index_cast %swap3A_14 : i32 to index
    %swap3A_16 = arith.constant 0 : index
    %swap3A_17 = tpu.vector_load %arg7[%swap3A_15, %swap3A_16] {strides = array<i32>} : memref<2x64xi32, #tpu.memory_space<vmem>>, vector<1x16xi32>,
    %swap3A_18 = vector.shape_cast %swap3A_17 : vector<1x16xi32> to vector<16xi32>
    %swap3A_19 = vector.shape_cast %shift_right_logical3A_13 : vector<16xi32> to vector<1x16xi32>
    tpu.vector_store %arg7[%swap3A_15, %swap3A_16], %swap3A_19 {strides = array<i32>} : memref<2x64xi32, #tpu.memory_space<vmem>>, vector<1x16xi32>,
    %get3A_20 = arith.constant 0 : i32
    %get3A_21 = arith.index_cast %get3A_20 : i32 to index
    %get3A_22 = arith.constant 16 : index
    %get3A_23 = tpu.vector_load %arg6[%get3A_21, %get3A_22] {strides = array<i32>} : memref<159x64xi32, #tpu.memory_space<vmem>>, vector<1x16xi32>,
    %get3A_24 = vector.shape_cast %get3A_23 : vector<1x16xi32> to vector<16xi32>
    %and3A_25 = arith.constant 65535 : i32
    %and3A_26 = vector.broadcast %and3A_25 : i32 to vector<16xi32>
    %and3A_27 = arith.andi %get3A_24, %and3A_26 : vector<16xi32>
    %swap3A_28 = arith.constant 0 : i32
    %swap3A_29 = arith.index_cast %swap3A_28 : i32 to index
    %swap3A_30 = arith.constant 16 : index
    %swap3A_31 = tpu.vector_load %arg7[%swap3A_29, %swap3A_30] {strides = array<i32>} : memref<2x64xi32, #tpu.memory_space<vmem>>, vector<1x16xi32>,
    %swap3A_32 = vector.shape_cast %swap3A_31 : vector<1x16xi32> to vector<16xi32>
    %swap3A_33 = vector.shape_cast %and3A_27 : vector<16xi32> to vector<1x16xi32>
    tpu.vector_store %arg7[%swap3A_29, %swap3A_30], %swap3A_33 {strides = array<i32>} : memref<2x64xi32, #tpu.memory_space<vmem>>, vector<1x16xi32>,
    %shift_right_logical3A_34 = arith.constant 16 : i32
    %shift_right_logical3A_35 = vector.broadcast %shift_right_logical3A_34 : i32 to vector<16xi32>
    %shift_right_logical3A_36 = arith.shrui %get3A_24, %shift_right_logical3A_35 : vector<16xi32>
    %swap3A_37 = arith.constant 1 : i32
    %swap3A_38 = arith.index_cast %swap3A_37 : i32 to index
    %swap3A_39 = arith.constant 16 : index
    %swap3A_40 = tpu.vector_load %arg7[%swap3A_38, %swap3A_39] {strides = array<i32>} : memref<2x64xi32, #tpu.memory_space<vmem>>, vector<1x16xi32>,
    %swap3A_41 = vector.shape_cast %swap3A_40 : vector<1x16xi32> to vector<16xi32>
    %swap3A_42 = vector.shape_cast %shift_right_logical3A_36 : vector<16xi32> to vector<1x16xi32>
    tpu.vector_store %arg7[%swap3A_38, %swap3A_39], %swap3A_42 {strides = array<i32>} : memref<2x64xi32, #tpu.memory_space<vmem>>, vector<1x16xi32>,
    %get3A_43 = arith.constant 0 : i32
    %get3A_44 = arith.index_cast %get3A_43 : i32 to index
    %get3A_45 = arith.constant 32 : index
    %get3A_46 = tpu.vector_load %arg6[%get3A_44, %get3A_45] {strides = array<i32>} : memref<159x64xi32, #tpu.memory_space<vmem>>, vector<1x16xi32>,
    %get3A_47 = vector.shape_cast %get3A_46 : vector<1x16xi32> to vector<16xi32>
    %and3A_48 = arith.constant 65535 : i32
    %and3A_49 = vector.broadcast %and3A_48 : i32 to vector<16xi32>
    %and3A_50 = arith.andi %get3A_47, %and3A_49 : vector<16xi32>
    %swap3A_51 = arith.constant 0 : i32
    %swap3A_52 = arith.index_cast %swap3A_51 : i32 to index
    %swap3A_53 = arith.constant 32 : index
    %swap3A_54 = tpu.vector_load %arg7[%swap3A_52, %swap3A_53] {strides = array<i32>} : memref<2x64xi32, #tpu.memory_space<vmem>>, vector<1x16xi32>,
    %swap3A_55 = vector.shape_cast %swap3A_54 : vector<1x16xi32> to vector<16xi32>
    %swap3A_56 = vector.shape_cast %and3A_50 : vector<16xi32> to vector<1x16xi32>
    tpu.vector_store %arg7[%swap3A_52, %swap3A_53], %swap3A_56 {strides = array<i32>} : memref<2x64xi32, #tpu.memory_space<vmem>>, vector<1x16xi32>,
    %shift_right_logical3A_57 = arith.constant 16 : i32
    %shift_right_logical3A_58 = vector.broadcast %shift_right_logical3A_57 : i32 to vector<16xi32>
    %shift_right_logical3A_59 = arith.shrui %get3A_47, %shift_right_logical3A_58 : vector<16xi32>
    %swap3A_60 = arith.constant 1 : i32
    %swap3A_61 = arith.index_cast %swap3A_60 : i32 to index
    %swap3A_62 = arith.constant 32 : index
    %swap3A_63 = tpu.vector_load %arg7[%swap3A_61, %swap3A_62] {strides = array<i32>} : memref<2x64xi32, #tpu.memory_space<vmem>>, vector<1x16xi32>,
    %swap3A_64 = vector.shape_cast %swap3A_63 : vector<1x16xi32> to vector<16xi32>
    %swap3A_65 = vector.shape_cast %shift_right_logical3A_59 : vector<16xi32> to vector<1x16xi32>
    tpu.vector_store %arg7[%swap3A_61, %swap3A_62], %swap3A_65 {strides = array<i32>} : memref<2x64xi32, #tpu.memory_space<vmem>>, vector<1x16xi32>,
    %get3A_66 = arith.constant 0 : i32
    %get3A_67 = arith.index_cast %get3A_66 : i32 to index
    %get3A_68 = arith.constant 48 : index
    %get3A_69 = tpu.vector_load %arg6[%get3A_67, %get3A_68] {strides = array<i32>} : memref<159x64xi32, #tpu.memory_space<vmem>>, vector<1x16xi32>,
    %get3A_70 = vector.shape_cast %get3A_69 : vector<1x16xi32> to vector<16xi32>
    %and3A_71 = arith.constant 65535 : i32
    %and3A_72 = vector.broadcast %and3A_71 : i32 to vector<16xi32>
    %and3A_73 = arith.andi %get3A_70, %and3A_72 : vector<16xi32>
    %swap3A_74 = arith.constant 0 : i32
    %swap3A_75 = arith.index_cast %swap3A_74 : i32 to index
    %swap3A_76 = arith.constant 48 : index
    %swap3A_77 = tpu.vector_load %arg7[%swap3A_75, %swap3A_76] {strides = array<i32>} : memref<2x64xi32, #tpu.memory_space<vmem>>, vector<1x16xi32>,
    %swap3A_78 = vector.shape_cast %swap3A_77 : vector<1x16xi32> to vector<16xi32>
    %swap3A_79 = vector.shape_cast %and3A_73 : vector<16xi32> to vector<1x16xi32>
    tpu.vector_store %arg7[%swap3A_75, %swap3A_76], %swap3A_79 {strides = array<i32>} : memref<2x64xi32, #tpu.memory_space<vmem>>, vector<1x16xi32>,
    %shift_right_logical3A_80 = arith.constant 16 : i32
    %shift_right_logical3A_81 = vector.broadcast %shift_right_logical3A_80 : i32 to vector<16xi32>
    %shift_right_logical3A_82 = arith.shrui %get3A_70, %shift_right_logical3A_81 : vector<16xi32>
    %swap3A_83 = arith.constant 1 : i32
    %swap3A_84 = arith.index_cast %swap3A_83 : i32 to index
    %swap3A_85 = arith.constant 48 : index
    %swap3A_86 = tpu.vector_load %arg7[%swap3A_84, %swap3A_85] {strides = array<i32>} : memref<2x64xi32, #tpu.memory_space<vmem>>, vector<1x16xi32>,
    %swap3A_87 = vector.shape_cast %swap3A_86 : vector<1x16xi32> to vector<16xi32>
    %swap3A_88 = vector.shape_cast %shift_right_logical3A_82 : vector<16xi32> to vector<1x16xi32>
    tpu.vector_store %arg7[%swap3A_84, %swap3A_85], %swap3A_88 {strides = array<i32>} : memref<2x64xi32, #tpu.memory_space<vmem>>, vector<1x16xi32>,
    %dma_start3A = arith.constant 0 : i32
    %dma_start3A_89 = arith.constant 0 : i32
    %dma_start3A_90 = tpu.memref_slice %arg7[%dma_start3A, %dma_start3A_89] : memref<2x64xi32, #tpu.memory_space<vmem>> -> memref<1x64xi32, #tpu.memory_space<vmem>>
    %dma_start3A_91 = tpu.memref_squeeze %dma_start3A_90 : memref<1x64xi32, #tpu.memory_space<vmem>> -> memref<64xi32, #tpu.memory_space<vmem>>
    %dma_start3A_92 = arith.constant 0 : i32
    %dma_start3A_93 = arith.constant 0 : i32
    %dma_start3A_94 = tpu.memref_slice %arg2[%dma_start3A_92, %dma_start3A_93] : memref<10000x128xf32, #tpu.memory_space<hbm>> -> memref<10000x128xf32, #tpu.memory_space<hbm>>
    tpu.enqueue_indirect_dma source(%dma_start3A_94 : memref<10000x128xf32, #tpu.memory_space<hbm>>) target(%arg10 : memref<64x128xf32, #tpu.memory_space<vmem>>) offsets(%dma_start3A_91 : memref<64xi32, #tpu.memory_space<vmem>>) semaphore(%arg15 : memref<!tpu.dma_semaphore, #tpu.memory_space<semaphore_mem>>)
    %get3A_95 = arith.constant 1 : i32
    %get3A_96 = arith.index_cast %get3A_95 : i32 to index
    %get3A_97 = arith.constant 0 : index
    %get3A_98 = tpu.vector_load %arg6[%get3A_96, %get3A_97] {strides = array<i32>} : memref<159x64xi32, #tpu.memory_space<vmem>>, vector<1x16xi32>,
    %get3A_99 = vector.shape_cast %get3A_98 : vector<1x16xi32> to vector<16xi32>
    %and3A_100 = arith.constant 65535 : i32
    %and3A_101 = vector.broadcast %and3A_100 : i32 to vector<16xi32>
    %and3A_102 = arith.andi %get3A_99, %and3A_101 : vector<16xi32>
    %swap3A_103 = arith.constant 0 : i32
    %swap3A_104 = arith.index_cast %swap3A_103 : i32 to index
    %swap3A_105 = arith.constant 0 : index
    %swap3A_106 = tpu.vector_load %arg8[%swap3A_104, %swap3A_105] {strides = array<i32>} : memref<2x64xi32, #tpu.memory_space<vmem>>, vector<1x16xi32>,
    %swap3A_107 = vector.shape_cast %swap3A_106 : vector<1x16xi32> to vector<16xi32>
    %swap3A_108 = vector.shape_cast %and3A_102 : vector<16xi32> to vector<1x16xi32>
    tpu.vector_store %arg8[%swap3A_104, %swap3A_105], %swap3A_108 {strides = array<i32>} : memref<2x64xi32, #tpu.memory_space<vmem>>, vector<1x16xi32>,
    %shift_right_logical3A_109 = arith.constant 16 : i32
    %shift_right_logical3A_110 = vector.broadcast %shift_right_logical3A_109 : i32 to vector<16xi32>
    %shift_right_logical3A_111 = arith.shrui %get3A_99, %shift_right_logical3A_110 : vector<16xi32>
    %swap3A_112 = arith.constant 1 : i32
    %swap3A_113 = arith.index_cast %swap3A_112 : i32 to index
    %swap3A_114 = arith.constant 0 : index
    %swap3A_115 = tpu.vector_load %arg8[%swap3A_113, %swap3A_114] {strides = array<i32>} : memref<2x64xi32, #tpu.memory_space<vmem>>, vector<1x16xi32>,
    %swap3A_116 = vector.shape_cast %swap3A_115 : vector<1x16xi32> to vector<16xi32>
    %swap3A_117 = vector.shape_cast %shift_right_logical3A_111 : vector<16xi32> to vector<1x16xi32>
    tpu.vector_store %arg8[%swap3A_113, %swap3A_114], %swap3A_117 {strides = array<i32>} : memref<2x64xi32, #tpu.memory_space<vmem>>, vector<1x16xi32>,
    %get3A_118 = arith.constant 1 : i32
    %get3A_119 = arith.index_cast %get3A_118 : i32 to index
    %get3A_120 = arith.constant 16 : index
    %get3A_121 = tpu.vector_load %arg6[%get3A_119, %get3A_120] {strides = array<i32>} : memref<159x64xi32, #tpu.memory_space<vmem>>, vector<1x16xi32>,
    %get3A_122 = vector.shape_cast %get3A_121 : vector<1x16xi32> to vector<16xi32>
    %and3A_123 = arith.constant 65535 : i32
    %and3A_124 = vector.broadcast %and3A_123 : i32 to vector<16xi32>
    %and3A_125 = arith.andi %get3A_122, %and3A_124 : vector<16xi32>
    %swap3A_126 = arith.constant 0 : i32
    %swap3A_127 = arith.index_cast %swap3A_126 : i32 to index
    %swap3A_128 = arith.constant 16 : index
    %swap3A_129 = tpu.vector_load %arg8[%swap3A_127, %swap3A_128] {strides = array<i32>} : memref<2x64xi32, #tpu.memory_space<vmem>>, vector<1x16xi32>,
    %swap3A_130 = vector.shape_cast %swap3A_129 : vector<1x16xi32> to vector<16xi32>
    %swap3A_131 = vector.shape_cast %and3A_125 : vector<16xi32> to vector<1x16xi32>
    tpu.vector_store %arg8[%swap3A_127, %swap3A_128], %swap3A_131 {strides = array<i32>} : memref<2x64xi32, #tpu.memory_space<vmem>>, vector<1x16xi32>,
    %shift_right_logical3A_132 = arith.constant 16 : i32
    %shift_right_logical3A_133 = vector.broadcast %shift_right_logical3A_132 : i32 to vector<16xi32>
    %shift_right_logical3A_134 = arith.shrui %get3A_122, %shift_right_logical3A_133 : vector<16xi32>
    %swap3A_135 = arith.constant 1 : i32
    %swap3A_136 = arith.index_cast %swap3A_135 : i32 to index
    %swap3A_137 = arith.constant 16 : index
    %swap3A_138 = tpu.vector_load %arg8[%swap3A_136, %swap3A_137] {strides = array<i32>} : memref<2x64xi32, #tpu.memory_space<vmem>>, vector<1x16xi32>,
    %swap3A_139 = vector.shape_cast %swap3A_138 : vector<1x16xi32> to vector<16xi32>
    %swap3A_140 = vector.shape_cast %shift_right_logical3A_134 : vector<16xi32> to vector<1x16xi32>
    tpu.vector_store %arg8[%swap3A_136, %swap3A_137], %swap3A_140 {strides = array<i32>} : memref<2x64xi32, #tpu.memory_space<vmem>>, vector<1x16xi32>,
    %get3A_141 = arith.constant 1 : i32
    %get3A_142 = arith.index_cast %get3A_141 : i32 to index
    %get3A_143 = arith.constant 32 : index
    %get3A_144 = tpu.vector_load %arg6[%get3A_142, %get3A_143] {strides = array<i32>} : memref<159x64xi32, #tpu.memory_space<vmem>>, vector<1x16xi32>,
    %get3A_145 = vector.shape_cast %get3A_144 : vector<1x16xi32> to vector<16xi32>
    %and3A_146 = arith.constant 65535 : i32
    %and3A_147 = vector.broadcast %and3A_146 : i32 to vector<16xi32>
    %and3A_148 = arith.andi %get3A_145, %and3A_147 : vector<16xi32>
    %swap3A_149 = arith.constant 0 : i32
    %swap3A_150 = arith.index_cast %swap3A_149 : i32 to index
    %swap3A_151 = arith.constant 32 : index
    %swap3A_152 = tpu.vector_load %arg8[%swap3A_150, %swap3A_151] {strides = array<i32>} : memref<2x64xi32, #tpu.memory_space<vmem>>, vector<1x16xi32>,
    %swap3A_153 = vector.shape_cast %swap3A_152 : vector<1x16xi32> to vector<16xi32>
    %swap3A_154 = vector.shape_cast %and3A_148 : vector<16xi32> to vector<1x16xi32>
    tpu.vector_store %arg8[%swap3A_150, %swap3A_151], %swap3A_154 {strides = array<i32>} : memref<2x64xi32, #tpu.memory_space<vmem>>, vector<1x16xi32>,
    %shift_right_logical3A_155 = arith.constant 16 : i32
    %shift_right_logical3A_156 = vector.broadcast %shift_right_logical3A_155 : i32 to vector<16xi32>
    %shift_right_logical3A_157 = arith.shrui %get3A_145, %shift_right_logical3A_156 : vector<16xi32>
    %swap3A_158 = arith.constant 1 : i32
    %swap3A_159 = arith.index_cast %swap3A_158 : i32 to index
    %swap3A_160 = arith.constant 32 : index
    %swap3A_161 = tpu.vector_load %arg8[%swap3A_159, %swap3A_160] {strides = array<i32>} : memref<2x64xi32, #tpu.memory_space<vmem>>, vector<1x16xi32>,
    %swap3A_162 = vector.shape_cast %swap3A_161 : vector<1x16xi32> to vector<16xi32>
    %swap3A_163 = vector.shape_cast %shift_right_logical3A_157 : vector<16xi32> to vector<1x16xi32>
    tpu.vector_store %arg8[%swap3A_159, %swap3A_160], %swap3A_163 {strides = array<i32>} : memref<2x64xi32, #tpu.memory_space<vmem>>, vector<1x16xi32>,
    %get3A_164 = arith.constant 1 : i32
    %get3A_165 = arith.index_cast %get3A_164 : i32 to index
    %get3A_166 = arith.constant 48 : index
    %get3A_167 = tpu.vector_load %arg6[%get3A_165, %get3A_166] {strides = array<i32>} : memref<159x64xi32, #tpu.memory_space<vmem>>, vector<1x16xi32>,
    %get3A_168 = vector.shape_cast %get3A_167 : vector<1x16xi32> to vector<16xi32>
    %and3A_169 = arith.constant 65535 : i32
    %and3A_170 = vector.broadcast %and3A_169 : i32 to vector<16xi32>
    %and3A_171 = arith.andi %get3A_168, %and3A_170 : vector<16xi32>
    %swap3A_172 = arith.constant 0 : i32
    %swap3A_173 = arith.index_cast %swap3A_172 : i32 to index
    %swap3A_174 = arith.constant 48 : index
    %swap3A_175 = tpu.vector_load %arg8[%swap3A_173, %swap3A_174] {strides = array<i32>} : memref<2x64xi32, #tpu.memory_space<vmem>>, vector<1x16xi32>,
    %swap3A_176 = vector.shape_cast %swap3A_175 : vector<1x16xi32> to vector<16xi32>
    %swap3A_177 = vector.shape_cast %and3A_171 : vector<16xi32> to vector<1x16xi32>
    tpu.vector_store %arg8[%swap3A_173, %swap3A_174], %swap3A_177 {strides = array<i32>} : memref<2x64xi32, #tpu.memory_space<vmem>>, vector<1x16xi32>,
    %shift_right_logical3A_178 = arith.constant 16 : i32
    %shift_right_logical3A_179 = vector.broadcast %shift_right_logical3A_178 : i32 to vector<16xi32>
    %shift_right_logical3A_180 = arith.shrui %get3A_168, %shift_right_logical3A_179 : vector<16xi32>
    %swap3A_181 = arith.constant 1 : i32
    %swap3A_182 = arith.index_cast %swap3A_181 : i32 to index
    %swap3A_183 = arith.constant 48 : index
    %swap3A_184 = tpu.vector_load %arg8[%swap3A_182, %swap3A_183] {strides = array<i32>} : memref<2x64xi32, #tpu.memory_space<vmem>>, vector<1x16xi32>,
    %swap3A_185 = vector.shape_cast %swap3A_184 : vector<1x16xi32> to vector<16xi32>
    %swap3A_186 = vector.shape_cast %shift_right_logical3A_180 : vector<16xi32> to vector<1x16xi32>
    tpu.vector_store %arg8[%swap3A_182, %swap3A_183], %swap3A_186 {strides = array<i32>} : memref<2x64xi32, #tpu.memory_space<vmem>>, vector<1x16xi32>,
    %dma_start3A_187 = arith.constant 0 : i32
    %dma_start3A_188 = arith.constant 0 : i32
    %dma_start3A_189 = tpu.memref_slice %arg8[%dma_start3A_187, %dma_start3A_188] : memref<2x64xi32, #tpu.memory_space<vmem>> -> memref<1x64xi32, #tpu.memory_space<vmem>>
    %dma_start3A_190 = tpu.memref_squeeze %dma_start3A_189 : memref<1x64xi32, #tpu.memory_space<vmem>> -> memref<64xi32, #tpu.memory_space<vmem>>
    %dma_start3A_191 = arith.constant 0 : i32
    %dma_start3A_192 = arith.constant 0 : i32
    %dma_start3A_193 = tpu.memref_slice %arg2[%dma_start3A_191, %dma_start3A_192] : memref<10000x128xf32, #tpu.memory_space<hbm>> -> memref<10000x128xf32, #tpu.memory_space<hbm>>
    tpu.enqueue_indirect_dma source(%dma_start3A_193 : memref<10000x128xf32, #tpu.memory_space<hbm>>) target(%arg11 : memref<64x128xf32, #tpu.memory_space<vmem>>) offsets(%dma_start3A_190 : memref<64xi32, #tpu.memory_space<vmem>>) semaphore(%arg16 : memref<!tpu.dma_semaphore, #tpu.memory_space<semaphore_mem>>)
    %get3A_194 = arith.constant 2 : i32
    %get3A_195 = arith.index_cast %get3A_194 : i32 to index
    %get3A_196 = arith.constant 0 : index
    %get3A_197 = tpu.vector_load %arg6[%get3A_195, %get3A_196] {strides = array<i32>} : memref<159x64xi32, #tpu.memory_space<vmem>>, vector<1x16xi32>,
    %get3A_198 = vector.shape_cast %get3A_197 : vector<1x16xi32> to vector<16xi32>
    %and3A_199 = arith.constant 65535 : i32
    %and3A_200 = vector.broadcast %and3A_199 : i32 to vector<16xi32>
    %and3A_201 = arith.andi %get3A_198, %and3A_200 : vector<16xi32>
    %swap3A_202 = arith.constant 0 : i32
    %swap3A_203 = arith.index_cast %swap3A_202 : i32 to index
    %swap3A_204 = arith.constant 0 : index
    %swap3A_205 = tpu.vector_load %arg9[%swap3A_203, %swap3A_204] {strides = array<i32>} : memref<2x64xi32, #tpu.memory_space<vmem>>, vector<1x16xi32>,
    %swap3A_206 = vector.shape_cast %swap3A_205 : vector<1x16xi32> to vector<16xi32>
    %swap3A_207 = vector.shape_cast %and3A_201 : vector<16xi32> to vector<1x16xi32>
    tpu.vector_store %arg9[%swap3A_203, %swap3A_204], %swap3A_207 {strides = array<i32>} : memref<2x64xi32, #tpu.memory_space<vmem>>, vector<1x16xi32>,
    %shift_right_logical3A_208 = arith.constant 16 : i32
    %shift_right_logical3A_209 = vector.broadcast %shift_right_logical3A_208 : i32 to vector<16xi32>
    %shift_right_logical3A_210 = arith.shrui %get3A_198, %shift_right_logical3A_209 : vector<16xi32>
    %swap3A_211 = arith.constant 1 : i32
    %swap3A_212 = arith.index_cast %swap3A_211 : i32 to index
    %swap3A_213 = arith.constant 0 : index
    %swap3A_214 = tpu.vector_load %arg9[%swap3A_212, %swap3A_213] {strides = array<i32>} : memref<2x64xi32, #tpu.memory_space<vmem>>, vector<1x16xi32>,
    %swap3A_215 = vector.shape_cast %swap3A_214 : vector<1x16xi32> to vector<16xi32>
    %swap3A_216 = vector.shape_cast %shift_right_logical3A_210 : vector<16xi32> to vector<1x16xi32>
    tpu.vector_store %arg9[%swap3A_212, %swap3A_213], %swap3A_216 {strides = array<i32>} : memref<2x64xi32, #tpu.memory_space<vmem>>, vector<1x16xi32>,
    %get3A_217 = arith.constant 2 : i32
    %get3A_218 = arith.index_cast %get3A_217 : i32 to index
    %get3A_219 = arith.constant 16 : index
    %get3A_220 = tpu.vector_load %arg6[%get3A_218, %get3A_219] {strides = array<i32>} : memref<159x64xi32, #tpu.memory_space<vmem>>, vector<1x16xi32>,
    %get3A_221 = vector.shape_cast %get3A_220 : vector<1x16xi32> to vector<16xi32>
    %and3A_222 = arith.constant 65535 : i32
    %and3A_223 = vector.broadcast %and3A_222 : i32 to vector<16xi32>
    %and3A_224 = arith.andi %get3A_221, %and3A_223 : vector<16xi32>
    %swap3A_225 = arith.constant 0 : i32
    %swap3A_226 = arith.index_cast %swap3A_225 : i32 to index
    %swap3A_227 = arith.constant 16 : index
    %swap3A_228 = tpu.vector_load %arg9[%swap3A_226, %swap3A_227] {strides = array<i32>} : memref<2x64xi32, #tpu.memory_space<vmem>>, vector<1x16xi32>,
    %swap3A_229 = vector.shape_cast %swap3A_228 : vector<1x16xi32> to vector<16xi32>
    %swap3A_230 = vector.shape_cast %and3A_224 : vector<16xi32> to vector<1x16xi32>
    tpu.vector_store %arg9[%swap3A_226, %swap3A_227], %swap3A_230 {strides = array<i32>} : memref<2x64xi32, #tpu.memory_space<vmem>>, vector<1x16xi32>,
    %shift_right_logical3A_231 = arith.constant 16 : i32
    %shift_right_logical3A_232 = vector.broadcast %shift_right_logical3A_231 : i32 to vector<16xi32>
    %shift_right_logical3A_233 = arith.shrui %get3A_221, %shift_right_logical3A_232 : vector<16xi32>
    %swap3A_234 = arith.constant 1 : i32
    %swap3A_235 = arith.index_cast %swap3A_234 : i32 to index
    %swap3A_236 = arith.constant 16 : index
    %swap3A_237 = tpu.vector_load %arg9[%swap3A_235, %swap3A_236] {strides = array<i32>} : memref<2x64xi32, #tpu.memory_space<vmem>>, vector<1x16xi32>,
    %swap3A_238 = vector.shape_cast %swap3A_237 : vector<1x16xi32> to vector<16xi32>
    %swap3A_239 = vector.shape_cast %shift_right_logical3A_233 : vector<16xi32> to vector<1x16xi32>
    tpu.vector_store %arg9[%swap3A_235, %swap3A_236], %swap3A_239 {strides = array<i32>} : memref<2x64xi32, #tpu.memory_space<vmem>>, vector<1x16xi32>,
    %get3A_240 = arith.constant 2 : i32
    %get3A_241 = arith.index_cast %get3A_240 : i32 to index
    %get3A_242 = arith.constant 32 : index
    %get3A_243 = tpu.vector_load %arg6[%get3A_241, %get3A_242] {strides = array<i32>} : memref<159x64xi32, #tpu.memory_space<vmem>>, vector<1x16xi32>,
    %get3A_244 = vector.shape_cast %get3A_243 : vector<1x16xi32> to vector<16xi32>
    %and3A_245 = arith.constant 65535 : i32
    %and3A_246 = vector.broadcast %and3A_245 : i32 to vector<16xi32>
    %and3A_247 = arith.andi %get3A_244, %and3A_246 : vector<16xi32>
    %swap3A_248 = arith.constant 0 : i32
    %swap3A_249 = arith.index_cast %swap3A_248 : i32 to index
    %swap3A_250 = arith.constant 32 : index
    %swap3A_251 = tpu.vector_load %arg9[%swap3A_249, %swap3A_250] {strides = array<i32>} : memref<2x64xi32, #tpu.memory_space<vmem>>, vector<1x16xi32>,
    %swap3A_252 = vector.shape_cast %swap3A_251 : vector<1x16xi32> to vector<16xi32>
    %swap3A_253 = vector.shape_cast %and3A_247 : vector<16xi32> to vector<1x16xi32>
    tpu.vector_store %arg9[%swap3A_249, %swap3A_250], %swap3A_253 {strides = array<i32>} : memref<2x64xi32, #tpu.memory_space<vmem>>, vector<1x16xi32>,
    %shift_right_logical3A_254 = arith.constant 16 : i32
    %shift_right_logical3A_255 = vector.broadcast %shift_right_logical3A_254 : i32 to vector<16xi32>
    %shift_right_logical3A_256 = arith.shrui %get3A_244, %shift_right_logical3A_255 : vector<16xi32>
    %swap3A_257 = arith.constant 1 : i32
    %swap3A_258 = arith.index_cast %swap3A_257 : i32 to index
    %swap3A_259 = arith.constant 32 : index
    %swap3A_260 = tpu.vector_load %arg9[%swap3A_258, %swap3A_259] {strides = array<i32>} : memref<2x64xi32, #tpu.memory_space<vmem>>, vector<1x16xi32>,
    %swap3A_261 = vector.shape_cast %swap3A_260 : vector<1x16xi32> to vector<16xi32>
    %swap3A_262 = vector.shape_cast %shift_right_logical3A_256 : vector<16xi32> to vector<1x16xi32>
    tpu.vector_store %arg9[%swap3A_258, %swap3A_259], %swap3A_262 {strides = array<i32>} : memref<2x64xi32, #tpu.memory_space<vmem>>, vector<1x16xi32>,
    %get3A_263 = arith.constant 2 : i32
    %get3A_264 = arith.index_cast %get3A_263 : i32 to index
    %get3A_265 = arith.constant 48 : index
    %get3A_266 = tpu.vector_load %arg6[%get3A_264, %get3A_265] {strides = array<i32>} : memref<159x64xi32, #tpu.memory_space<vmem>>, vector<1x16xi32>,
    %get3A_267 = vector.shape_cast %get3A_266 : vector<1x16xi32> to vector<16xi32>
    %and3A_268 = arith.constant 65535 : i32
    %and3A_269 = vector.broadcast %and3A_268 : i32 to vector<16xi32>
    %and3A_270 = arith.andi %get3A_267, %and3A_269 : vector<16xi32>
    %swap3A_271 = arith.constant 0 : i32
    %swap3A_272 = arith.index_cast %swap3A_271 : i32 to index
    %swap3A_273 = arith.constant 48 : index
    %swap3A_274 = tpu.vector_load %arg9[%swap3A_272, %swap3A_273] {strides = array<i32>} : memref<2x64xi32, #tpu.memory_space<vmem>>, vector<1x16xi32>,
    %swap3A_275 = vector.shape_cast %swap3A_274 : vector<1x16xi32> to vector<16xi32>
    %swap3A_276 = vector.shape_cast %and3A_270 : vector<16xi32> to vector<1x16xi32>
    tpu.vector_store %arg9[%swap3A_272, %swap3A_273], %swap3A_276 {strides = array<i32>} : memref<2x64xi32, #tpu.memory_space<vmem>>, vector<1x16xi32>,
    %shift_right_logical3A_277 = arith.constant 16 : i32
    %shift_right_logical3A_278 = vector.broadcast %shift_right_logical3A_277 : i32 to vector<16xi32>
    %shift_right_logical3A_279 = arith.shrui %get3A_267, %shift_right_logical3A_278 : vector<16xi32>
    %swap3A_280 = arith.constant 1 : i32
    %swap3A_281 = arith.index_cast %swap3A_280 : i32 to index
    %swap3A_282 = arith.constant 48 : index
    %swap3A_283 = tpu.vector_load %arg9[%swap3A_281, %swap3A_282] {strides = array<i32>} : memref<2x64xi32, #tpu.memory_space<vmem>>, vector<1x16xi32>,
    %swap3A_284 = vector.shape_cast %swap3A_283 : vector<1x16xi32> to vector<16xi32>
    %swap3A_285 = vector.shape_cast %shift_right_logical3A_279 : vector<16xi32> to vector<1x16xi32>
    tpu.vector_store %arg9[%swap3A_281, %swap3A_282], %swap3A_285 {strides = array<i32>} : memref<2x64xi32, #tpu.memory_space<vmem>>, vector<1x16xi32>,
    %dma_start3A_286 = arith.constant 0 : i32
    %dma_start3A_287 = arith.constant 0 : i32
    %dma_start3A_288 = tpu.memref_slice %arg9[%dma_start3A_286, %dma_start3A_287] : memref<2x64xi32, #tpu.memory_space<vmem>> -> memref<1x64xi32, #tpu.memory_space<vmem>>
    %dma_start3A_289 = tpu.memref_squeeze %dma_start3A_288 : memref<1x64xi32, #tpu.memory_space<vmem>> -> memref<64xi32, #tpu.memory_space<vmem>>
    %dma_start3A_290 = arith.constant 0 : i32
    %dma_start3A_291 = arith.constant 0 : i32
    %dma_start3A_292 = tpu.memref_slice %arg2[%dma_start3A_290, %dma_start3A_291] : memref<10000x128xf32, #tpu.memory_space<hbm>> -> memref<10000x128xf32, #tpu.memory_space<hbm>>
    tpu.enqueue_indirect_dma source(%dma_start3A_292 : memref<10000x128xf32, #tpu.memory_space<hbm>>) target(%arg12 : memref<64x128xf32, #tpu.memory_space<vmem>>) offsets(%dma_start3A_289 : memref<64xi32, #tpu.memory_space<vmem>>) semaphore(%arg17 : memref<!tpu.dma_semaphore, #tpu.memory_space<semaphore_mem>>)
    %scan3A = arith.constant 0 : i32
    %scan3A_293 = arith.constant 0 : i32
    %scan3A_294 = arith.constant 8 : i32
    %scan3A_295 = arith.addi %scan3A_293, %scan3A_294 : i32
    %scan3A_296 = arith.constant 1 : i32
    %scan3A_297 = scf.for %scan3A_328 = %scan3A_293 to %scan3A_295 step %scan3A_296 iter_args(%scan3A_329 = %scan3A) -> (i32)  : i32 {
      %scan3A_330 = arith.constant 0 : i32
      %scan3A_331 = arith.constant 0 : i32
      %scan3A_332 = arith.constant 8 : i32
      %scan3A_333 = arith.addi %scan3A_331, %scan3A_332 : i32
      %scan3A_334 = arith.constant 1 : i32
      %scan3A_335 = scf.for %scan3A_338 = %scan3A_331 to %scan3A_333 step %scan3A_334 iter_args(%scan3A_339 = %scan3A_330) -> (i32)  : i32 {
        %broadcast_in_dim3A = arith.constant 0.000000e+00 : f32
        %broadcast_in_dim3A_340 = vector.broadcast %broadcast_in_dim3A : f32 to vector<16xf32>
        %mul3A_341 = arith.constant 16 : i32
        %mul3A_342 = arith.muli %scan3A_338, %mul3A_341 : i32
        %swap3A_343 = arith.index_cast %scan3A_328 : i32 to index
        %swap3A_344 = arith.index_cast %mul3A_342 : i32 to index
        %swap3A_345 = tpu.vector_load %arg13[%swap3A_343, %swap3A_344] {strides = array<i32>} : memref<8x128xf32, #tpu.memory_space<vmem>>, vector<1x16xf32>,
        %swap3A_346 = vector.shape_cast %swap3A_345 : vector<1x16xf32> to vector<16xf32>
        %swap3A_347 = vector.shape_cast %broadcast_in_dim3A_340 : vector<16xf32> to vector<1x16xf32>
        tpu.vector_store %arg13[%swap3A_343, %swap3A_344], %swap3A_347 {strides = array<i32>} : memref<8x128xf32, #tpu.memory_space<vmem>>, vector<1x16xf32>,
        %scan3A_348 = arith.constant 0 : i32
        scf.yield %scan3A_348 : i32
      }
      %scan3A_336 = arith.constant 8 : i32
      %scan3A_337 = arith.constant 0 : i32
      scf.yield %scan3A_337 : i32
    }
    %scan3A_298 = arith.constant 8 : i32
    %scan3A_299 = arith.constant 0 : i32
    %scan3A_300 = arith.constant 0 : i32
    %scan3A_301 = arith.constant 79 : i32
    %scan3A_302 = arith.addi %scan3A_300, %scan3A_301 : i32
    %scan3A_303 = arith.constant 1 : i32
    %scan3A_304 = scf.for %scan3A_328 = %scan3A_300 to %scan3A_302 step %scan3A_303 iter_args(%scan3A_329 = %scan3A_299) -> (i32)  : i32 {
      %mul3A_330 = arith.constant 16 : i32
      %mul3A_331 = arith.muli %scan3A_328, %mul3A_330 : i32
      %add3A_332 = arith.addi %arg1, %mul3A_331 : i32
      %lt3A = arith.constant 1250 : i32
      %lt3A_333 = arith.cmpi slt, %add3A_332, %lt3A : i32
      %convert_element_type3A_334 = arith.extui %lt3A_333 : i1 to i32
      %cond3A_335 = arith.constant 0 : i32
      %cond3A_336 = arith.cmpi ne, %convert_element_type3A_334, %cond3A_335 : i32
      scf.if %cond3A_336 {
        %mul3A_338 = arith.constant 8 : i32
        %mul3A_339 = arith.muli %add3A_332, %mul3A_338 : i32
        %dma_start3A_340 = arith.constant 0 : i32
        %dma_start3A_341 = tpu.memref_slice %arg14[%mul3A_339, %dma_start3A_340] : memref<10000x128xf32, #tpu.memory_space<vmem_shared>> -> memref<8x128xf32, #tpu.memory_space<vmem_shared>>
        %dma_start3A_342 = arith.constant 0 : i32
        %dma_start3A_343 = tpu.memref_slice %arg14[%mul3A_339, %dma_start3A_342] : memref<10000x128xf32, #tpu.memory_space<vmem_shared>> -> memref<8x128xf32, #tpu.memory_space<vmem_shared>>
        tpu.enqueue_dma source(%arg13 : memref<8x128xf32, #tpu.memory_space<vmem>>) target(%dma_start3A_343 : memref<8x128xf32, #tpu.memory_space<vmem_shared>>) target_semaphore(%arg21 : memref<!tpu.dma_semaphore, #tpu.memory_space<semaphore_mem>>)
      } else {
      }
      %scan3A_337 = arith.constant 0 : i32
      scf.yield %scan3A_337 : i32
    }
    %scan3A_305 = arith.constant 79 : i32
    %scan3A_306 = arith.constant 0 : i32
    %scan3A_307 = arith.constant 0 : i32
    %scan3A_308 = arith.constant 79 : i32
    %scan3A_309 = arith.addi %scan3A_307, %scan3A_308 : i32
    %scan3A_310 = arith.constant 1 : i32
    %scan3A_311 = scf.for %scan3A_328 = %scan3A_307 to %scan3A_309 step %scan3A_310 iter_args(%scan3A_329 = %scan3A_306) -> (i32)  : i32 {
      %mul3A_330 = arith.constant 16 : i32
      %mul3A_331 = arith.muli %scan3A_328, %mul3A_330 : i32
      %add3A_332 = arith.addi %arg1, %mul3A_331 : i32
      %lt3A = arith.constant 1250 : i32
      %lt3A_333 = arith.cmpi slt, %add3A_332, %lt3A : i32
      %convert_element_type3A_334 = arith.extui %lt3A_333 : i1 to i32
      %cond3A_335 = arith.constant 0 : i32
      %cond3A_336 = arith.cmpi ne, %convert_element_type3A_334, %cond3A_335 : i32
      scf.if %cond3A_336 {
        %dma_wait3A = arith.constant 0 : i32
        %dma_wait3A_338 = arith.constant 0 : i32
        %dma_wait3A_339 = tpu.memref_slice %arg14[%dma_wait3A, %dma_wait3A_338] : memref<10000x128xf32, #tpu.memory_space<vmem_shared>> -> memref<8x128xf32, #tpu.memory_space<vmem_shared>>
        %dma_wait3A_340 = arith.constant 0 : i32
        %dma_wait3A_341 = arith.constant 0 : i32
        %dma_wait3A_342 = tpu.memref_slice %arg14[%dma_wait3A_340, %dma_wait3A_341] : memref<10000x128xf32, #tpu.memory_space<vmem_shared>> -> memref<8x128xf32, #tpu.memory_space<vmem_shared>>
        tpu.wait_dma2 semaphore(%arg21 : memref<!tpu.dma_semaphore, #tpu.memory_space<semaphore_mem>>) src(%arg13 : memref<8x128xf32, #tpu.memory_space<vmem>>) dst(%dma_wait3A_342 : memref<8x128xf32, #tpu.memory_space<vmem_shared>>)
      } else {
      }
      %scan3A_337 = arith.constant 0 : i32
      scf.yield %scan3A_337 : i32
    }
    %scan3A_312 = arith.constant 79 : i32
    %barrier3A = arith.constant 0 : index
    tpu.barrier barrier_id(%barrier3A)
    %scan3A_313 = arith.constant 0 : i32
    %scan3A_314 = arith.constant 0 : i32
    %scan3A_315 = arith.constant 53 : i32
    %scan3A_316 = arith.addi %scan3A_314, %scan3A_315 : i32
    %scan3A_317 = arith.constant 1 : i32
    %scan3A_318 = scf.for %scan3A_328 = %scan3A_314 to %scan3A_316 step %scan3A_317 iter_args(%scan3A_329 = %scan3A_313) -> (i32)  : i32 {
      %mul3A_330 = arith.constant 3 : i32
      %mul3A_331 = arith.muli %mul3A_330, %scan3A_328 : i32
      %dma_wait3A = arith.constant 0 : i32
      %dma_wait3A_332 = arith.constant 0 : i32
      %dma_wait3A_333 = tpu.memref_slice %arg7[%dma_wait3A, %dma_wait3A_332] : memref<2x64xi32, #tpu.memory_space<vmem>> -> memref<1x64xi32, #tpu.memory_space<vmem>>
      %dma_wait3A_334 = tpu.memref_squeeze %dma_wait3A_333 : memref<1x64xi32, #tpu.memory_space<vmem>> -> memref<64xi32, #tpu.memory_space<vmem>>
      %dma_wait3A_335 = arith.constant 0 : i32
      %dma_wait3A_336 = arith.constant 0 : i32
      %dma_wait3A_337 = tpu.memref_slice %arg2[%dma_wait3A_335, %dma_wait3A_336] : memref<10000x128xf32, #tpu.memory_space<hbm>> -> memref<10000x128xf32, #tpu.memory_space<hbm>>
      tpu.wait_indirect_dma semaphore(%arg15 : memref<!tpu.dma_semaphore, #tpu.memory_space<semaphore_mem>>) src(%dma_wait3A_337 : memref<10000x128xf32, #tpu.memory_space<hbm>>) dst(%arg10 : memref<64x128xf32, #tpu.memory_space<vmem>>)
      %dma_start3A_338 = arith.constant 1 : i32
      %dma_start3A_339 = arith.constant 0 : i32
      %dma_start3A_340 = tpu.memref_slice %arg7[%dma_start3A_338, %dma_start3A_339] : memref<2x64xi32, #tpu.memory_space<vmem>> -> memref<1x64xi32, #tpu.memory_space<vmem>>
      %dma_start3A_341 = tpu.memref_squeeze %dma_start3A_340 : memref<1x64xi32, #tpu.memory_space<vmem>> -> memref<64xi32, #tpu.memory_space<vmem>>
      %dma_start3A_342 = arith.constant 0 : i32
      %dma_start3A_343 = arith.constant 0 : i32
      %dma_start3A_344 = tpu.memref_slice %arg14[%dma_start3A_342, %dma_start3A_343] : memref<10000x128xf32, #tpu.memory_space<vmem_shared>> -> memref<10000x128xf32, #tpu.memory_space<vmem_shared>>
      tpu.enqueue_indirect_dma source(%arg10 : memref<64x128xf32, #tpu.memory_space<vmem>>) target(%dma_start3A_344 : memref<10000x128xf32, #tpu.memory_space<vmem_shared>>) offsets(%dma_start3A_341 : memref<64xi32, #tpu.memory_space<vmem>>) semaphore(%arg18 : memref<!tpu.dma_semaphore, #tpu.memory_space<semaphore_mem>>) {add = true}
      %dma_wait3A_345 = arith.constant 0 : i32
      %dma_wait3A_346 = arith.constant 0 : i32
      %dma_wait3A_347 = tpu.memref_slice %arg8[%dma_wait3A_345, %dma_wait3A_346] : memref<2x64xi32, #tpu.memory_space<vmem>> -> memref<1x64xi32, #tpu.memory_space<vmem>>
      %dma_wait3A_348 = tpu.memref_squeeze %dma_wait3A_347 : memref<1x64xi32, #tpu.memory_space<vmem>> -> memref<64xi32, #tpu.memory_space<vmem>>
      %dma_wait3A_349 = arith.constant 0 : i32
      %dma_wait3A_350 = arith.constant 0 : i32
      %dma_wait3A_351 = tpu.memref_slice %arg2[%dma_wait3A_349, %dma_wait3A_350] : memref<10000x128xf32, #tpu.memory_space<hbm>> -> memref<10000x128xf32, #tpu.memory_space<hbm>>
      tpu.wait_indirect_dma semaphore(%arg16 : memref<!tpu.dma_semaphore, #tpu.memory_space<semaphore_mem>>) src(%dma_wait3A_351 : memref<10000x128xf32, #tpu.memory_space<hbm>>) dst(%arg11 : memref<64x128xf32, #tpu.memory_space<vmem>>)
      %dma_start3A_352 = arith.constant 1 : i32
      %dma_start3A_353 = arith.constant 0 : i32
      %dma_start3A_354 = tpu.memref_slice %arg8[%dma_start3A_352, %dma_start3A_353] : memref<2x64xi32, #tpu.memory_space<vmem>> -> memref<1x64xi32, #tpu.memory_space<vmem>>
      %dma_start3A_355 = tpu.memref_squeeze %dma_start3A_354 : memref<1x64xi32, #tpu.memory_space<vmem>> -> memref<64xi32, #tpu.memory_space<vmem>>
      %dma_start3A_356 = arith.constant 0 : i32
      %dma_start3A_357 = arith.constant 0 : i32
      %dma_start3A_358 = tpu.memref_slice %arg14[%dma_start3A_356, %dma_start3A_357] : memref<10000x128xf32, #tpu.memory_space<vmem_shared>> -> memref<10000x128xf32, #tpu.memory_space<vmem_shared>>
      tpu.enqueue_indirect_dma source(%arg11 : memref<64x128xf32, #tpu.memory_space<vmem>>) target(%dma_start3A_358 : memref<10000x128xf32, #tpu.memory_space<vmem_shared>>) offsets(%dma_start3A_355 : memref<64xi32, #tpu.memory_space<vmem>>) semaphore(%arg19 : memref<!tpu.dma_semaphore, #tpu.memory_space<semaphore_mem>>) {add = true}
      %dma_wait3A_359 = arith.constant 1 : i32
      %dma_wait3A_360 = arith.constant 0 : i32
      %dma_wait3A_361 = tpu.memref_slice %arg7[%dma_wait3A_359, %dma_wait3A_360] : memref<2x64xi32, #tpu.memory_space<vmem>> -> memref<1x64xi32, #tpu.memory_space<vmem>>
      %dma_wait3A_362 = tpu.memref_squeeze %dma_wait3A_361 : memref<1x64xi32, #tpu.memory_space<vmem>> -> memref<64xi32, #tpu.memory_space<vmem>>
      %dma_wait3A_363 = arith.constant 0 : i32
      %dma_wait3A_364 = arith.constant 0 : i32
      %dma_wait3A_365 = tpu.memref_slice %arg14[%dma_wait3A_363, %dma_wait3A_364] : memref<10000x128xf32, #tpu.memory_space<vmem_shared>> -> memref<10000x128xf32, #tpu.memory_space<vmem_shared>>
      tpu.wait_indirect_dma semaphore(%arg18 : memref<!tpu.dma_semaphore, #tpu.memory_space<semaphore_mem>>) src(%arg10 : memref<64x128xf32, #tpu.memory_space<vmem>>) dst(%dma_wait3A_365 : memref<10000x128xf32, #tpu.memory_space<vmem_shared>>)
      %lt3A = arith.constant 52 : i32
      %lt3A_366 = arith.cmpi slt, %scan3A_328, %lt3A : i32
      %convert_element_type3A_367 = arith.extui %lt3A_366 : i1 to i32
      %cond3A_368 = arith.constant 0 : i32
      %cond3A_369 = arith.cmpi ne, %convert_element_type3A_367, %cond3A_368 : i32
      scf.if %cond3A_369 {
        %add3A_409 = arith.constant 3 : i32
        %add3A_410 = arith.addi %mul3A_331, %add3A_409 : i32
        %add3A_411 = arith.constant 1 : i32
        %add3A_412 = arith.addi %add3A_410, %add3A_411 : i32
        %sub3A = arith.constant 1 : i32
        %sub3A_413 = arith.subi %add3A_412, %sub3A : i32
        %get3A_414 = arith.index_cast %sub3A_413 : i32 to index
        %get3A_415 = arith.constant 0 : index
        %get3A_416 = tpu.vector_load %arg6[%get3A_414, %get3A_415] {strides = array<i32>} : memref<159x64xi32, #tpu.memory_space<vmem>>, vector<1x16xi32>,
        %get3A_417 = vector.shape_cast %get3A_416 : vector<1x16xi32> to vector<16xi32>
        %and3A_418 = arith.constant 65535 : i32
        %and3A_419 = vector.broadcast %and3A_418 : i32 to vector<16xi32>
        %and3A_420 = arith.andi %get3A_417, %and3A_419 : vector<16xi32>
        %swap3A_421 = arith.constant 0 : i32
        %swap3A_422 = arith.index_cast %swap3A_421 : i32 to index
        %swap3A_423 = arith.constant 0 : index
        %swap3A_424 = tpu.vector_load %arg7[%swap3A_422, %swap3A_423] {strides = array<i32>} : memref<2x64xi32, #tpu.memory_space<vmem>>, vector<1x16xi32>,
        %swap3A_425 = vector.shape_cast %swap3A_424 : vector<1x16xi32> to vector<16xi32>
        %swap3A_426 = vector.shape_cast %and3A_420 : vector<16xi32> to vector<1x16xi32>
        tpu.vector_store %arg7[%swap3A_422, %swap3A_423], %swap3A_426 {strides = array<i32>} : memref<2x64xi32, #tpu.memory_space<vmem>>, vector<1x16xi32>,
        %shift_right_logical3A_427 = arith.constant 16 : i32
        %shift_right_logical3A_428 = vector.broadcast %shift_right_logical3A_427 : i32 to vector<16xi32>
        %shift_right_logical3A_429 = arith.shrui %get3A_417, %shift_right_logical3A_428 : vector<16xi32>
        %swap3A_430 = arith.constant 1 : i32
        %swap3A_431 = arith.index_cast %swap3A_430 : i32 to index
        %swap3A_432 = arith.constant 0 : index
        %swap3A_433 = tpu.vector_load %arg7[%swap3A_431, %swap3A_432] {strides = array<i32>} : memref<2x64xi32, #tpu.memory_space<vmem>>, vector<1x16xi32>,
        %swap3A_434 = vector.shape_cast %swap3A_433 : vector<1x16xi32> to vector<16xi32>
        %swap3A_435 = vector.shape_cast %shift_right_logical3A_429 : vector<16xi32> to vector<1x16xi32>
        tpu.vector_store %arg7[%swap3A_431, %swap3A_432], %swap3A_435 {strides = array<i32>} : memref<2x64xi32, #tpu.memory_space<vmem>>, vector<1x16xi32>,
        %get3A_436 = arith.index_cast %sub3A_413 : i32 to index
        %get3A_437 = arith.constant 16 : index
        %get3A_438 = tpu.vector_load %arg6[%get3A_436, %get3A_437] {strides = array<i32>} : memref<159x64xi32, #tpu.memory_space<vmem>>, vector<1x16xi32>,
        %get3A_439 = vector.shape_cast %get3A_438 : vector<1x16xi32> to vector<16xi32>
        %and3A_440 = arith.constant 65535 : i32
        %and3A_441 = vector.broadcast %and3A_440 : i32 to vector<16xi32>
        %and3A_442 = arith.andi %get3A_439, %and3A_441 : vector<16xi32>
        %swap3A_443 = arith.constant 0 : i32
        %swap3A_444 = arith.index_cast %swap3A_443 : i32 to index
        %swap3A_445 = arith.constant 16 : index
        %swap3A_446 = tpu.vector_load %arg7[%swap3A_444, %swap3A_445] {strides = array<i32>} : memref<2x64xi32, #tpu.memory_space<vmem>>, vector<1x16xi32>,
        %swap3A_447 = vector.shape_cast %swap3A_446 : vector<1x16xi32> to vector<16xi32>
        %swap3A_448 = vector.shape_cast %and3A_442 : vector<16xi32> to vector<1x16xi32>
        tpu.vector_store %arg7[%swap3A_444, %swap3A_445], %swap3A_448 {strides = array<i32>} : memref<2x64xi32, #tpu.memory_space<vmem>>, vector<1x16xi32>,
        %shift_right_logical3A_449 = arith.constant 16 : i32
        %shift_right_logical3A_450 = vector.broadcast %shift_right_logical3A_449 : i32 to vector<16xi32>
        %shift_right_logical3A_451 = arith.shrui %get3A_439, %shift_right_logical3A_450 : vector<16xi32>
        %swap3A_452 = arith.constant 1 : i32
        %swap3A_453 = arith.index_cast %swap3A_452 : i32 to index
        %swap3A_454 = arith.constant 16 : index
        %swap3A_455 = tpu.vector_load %arg7[%swap3A_453, %swap3A_454] {strides = array<i32>} : memref<2x64xi32, #tpu.memory_space<vmem>>, vector<1x16xi32>,
        %swap3A_456 = vector.shape_cast %swap3A_455 : vector<1x16xi32> to vector<16xi32>
        %swap3A_457 = vector.shape_cast %shift_right_logical3A_451 : vector<16xi32> to vector<1x16xi32>
        tpu.vector_store %arg7[%swap3A_453, %swap3A_454], %swap3A_457 {strides = array<i32>} : memref<2x64xi32, #tpu.memory_space<vmem>>, vector<1x16xi32>,
        %get3A_458 = arith.index_cast %sub3A_413 : i32 to index
        %get3A_459 = arith.constant 32 : index
        %get3A_460 = tpu.vector_load %arg6[%get3A_458, %get3A_459] {strides = array<i32>} : memref<159x64xi32, #tpu.memory_space<vmem>>, vector<1x16xi32>,
        %get3A_461 = vector.shape_cast %get3A_460 : vector<1x16xi32> to vector<16xi32>
        %and3A_462 = arith.constant 65535 : i32
        %and3A_463 = vector.broadcast %and3A_462 : i32 to vector<16xi32>
        %and3A_464 = arith.andi %get3A_461, %and3A_463 : vector<16xi32>
        %swap3A_465 = arith.constant 0 : i32
        %swap3A_466 = arith.index_cast %swap3A_465 : i32 to index
        %swap3A_467 = arith.constant 32 : index
        %swap3A_468 = tpu.vector_load %arg7[%swap3A_466, %swap3A_467] {strides = array<i32>} : memref<2x64xi32, #tpu.memory_space<vmem>>, vector<1x16xi32>,
        %swap3A_469 = vector.shape_cast %swap3A_468 : vector<1x16xi32> to vector<16xi32>
        %swap3A_470 = vector.shape_cast %and3A_464 : vector<16xi32> to vector<1x16xi32>
        tpu.vector_store %arg7[%swap3A_466, %swap3A_467], %swap3A_470 {strides = array<i32>} : memref<2x64xi32, #tpu.memory_space<vmem>>, vector<1x16xi32>,
        %shift_right_logical3A_471 = arith.constant 16 : i32
        %shift_right_logical3A_472 = vector.broadcast %shift_right_logical3A_471 : i32 to vector<16xi32>
        %shift_right_logical3A_473 = arith.shrui %get3A_461, %shift_right_logical3A_472 : vector<16xi32>
        %swap3A_474 = arith.constant 1 : i32
        %swap3A_475 = arith.index_cast %swap3A_474 : i32 to index
        %swap3A_476 = arith.constant 32 : index
        %swap3A_477 = tpu.vector_load %arg7[%swap3A_475, %swap3A_476] {strides = array<i32>} : memref<2x64xi32, #tpu.memory_space<vmem>>, vector<1x16xi32>,
        %swap3A_478 = vector.shape_cast %swap3A_477 : vector<1x16xi32> to vector<16xi32>
        %swap3A_479 = vector.shape_cast %shift_right_logical3A_473 : vector<16xi32> to vector<1x16xi32>
        tpu.vector_store %arg7[%swap3A_475, %swap3A_476], %swap3A_479 {strides = array<i32>} : memref<2x64xi32, #tpu.memory_space<vmem>>, vector<1x16xi32>,
        %get3A_480 = arith.index_cast %sub3A_413 : i32 to index
        %get3A_481 = arith.constant 48 : index
        %get3A_482 = tpu.vector_load %arg6[%get3A_480, %get3A_481] {strides = array<i32>} : memref<159x64xi32, #tpu.memory_space<vmem>>, vector<1x16xi32>,
        %get3A_483 = vector.shape_cast %get3A_482 : vector<1x16xi32> to vector<16xi32>
        %and3A_484 = arith.constant 65535 : i32
        %and3A_485 = vector.broadcast %and3A_484 : i32 to vector<16xi32>
        %and3A_486 = arith.andi %get3A_483, %and3A_485 : vector<16xi32>
        %swap3A_487 = arith.constant 0 : i32
        %swap3A_488 = arith.index_cast %swap3A_487 : i32 to index
        %swap3A_489 = arith.constant 48 : index
        %swap3A_490 = tpu.vector_load %arg7[%swap3A_488, %swap3A_489] {strides = array<i32>} : memref<2x64xi32, #tpu.memory_space<vmem>>, vector<1x16xi32>,
        %swap3A_491 = vector.shape_cast %swap3A_490 : vector<1x16xi32> to vector<16xi32>
        %swap3A_492 = vector.shape_cast %and3A_486 : vector<16xi32> to vector<1x16xi32>
        tpu.vector_store %arg7[%swap3A_488, %swap3A_489], %swap3A_492 {strides = array<i32>} : memref<2x64xi32, #tpu.memory_space<vmem>>, vector<1x16xi32>,
        %shift_right_logical3A_493 = arith.constant 16 : i32
        %shift_right_logical3A_494 = vector.broadcast %shift_right_logical3A_493 : i32 to vector<16xi32>
        %shift_right_logical3A_495 = arith.shrui %get3A_483, %shift_right_logical3A_494 : vector<16xi32>
        %swap3A_496 = arith.constant 1 : i32
        %swap3A_497 = arith.index_cast %swap3A_496 : i32 to index
        %swap3A_498 = arith.constant 48 : index
        %swap3A_499 = tpu.vector_load %arg7[%swap3A_497, %swap3A_498] {strides = array<i32>} : memref<2x64xi32, #tpu.memory_space<vmem>>, vector<1x16xi32>,
        %swap3A_500 = vector.shape_cast %swap3A_499 : vector<1x16xi32> to vector<16xi32>
        %swap3A_501 = vector.shape_cast %shift_right_logical3A_495 : vector<16xi32> to vector<1x16xi32>
        tpu.vector_store %arg7[%swap3A_497, %swap3A_498], %swap3A_501 {strides = array<i32>} : memref<2x64xi32, #tpu.memory_space<vmem>>, vector<1x16xi32>,
        %dma_start3A_502 = arith.constant 0 : i32
        %dma_start3A_503 = arith.constant 0 : i32
        %dma_start3A_504 = tpu.memref_slice %arg7[%dma_start3A_502, %dma_start3A_503] : memref<2x64xi32, #tpu.memory_space<vmem>> -> memref<1x64xi32, #tpu.memory_space<vmem>>
        %dma_start3A_505 = tpu.memref_squeeze %dma_start3A_504 : memref<1x64xi32, #tpu.memory_space<vmem>> -> memref<64xi32, #tpu.memory_space<vmem>>
        %dma_start3A_506 = arith.constant 0 : i32
        %dma_start3A_507 = arith.constant 0 : i32
        %dma_start3A_508 = tpu.memref_slice %arg2[%dma_start3A_506, %dma_start3A_507] : memref<10000x128xf32, #tpu.memory_space<hbm>> -> memref<10000x128xf32, #tpu.memory_space<hbm>>
        tpu.enqueue_indirect_dma source(%dma_start3A_508 : memref<10000x128xf32, #tpu.memory_space<hbm>>) target(%arg10 : memref<64x128xf32, #tpu.memory_space<vmem>>) offsets(%dma_start3A_505 : memref<64xi32, #tpu.memory_space<vmem>>) semaphore(%arg15 : memref<!tpu.dma_semaphore, #tpu.memory_space<semaphore_mem>>)
      } else {
      }
      %dma_wait3A_370 = arith.constant 0 : i32
      %dma_wait3A_371 = arith.constant 0 : i32
      %dma_wait3A_372 = tpu.memref_slice %arg9[%dma_wait3A_370, %dma_wait3A_371] : memref<2x64xi32, #tpu.memory_space<vmem>> -> memref<1x64xi32, #tpu.memory_space<vmem>>
      %dma_wait3A_373 = tpu.memref_squeeze %dma_wait3A_372 : memref<1x64xi32, #tpu.memory_space<vmem>> -> memref<64xi32, #tpu.memory_space<vmem>>
      %dma_wait3A_374 = arith.constant 0 : i32
      %dma_wait3A_375 = arith.constant 0 : i32
      %dma_wait3A_376 = tpu.memref_slice %arg2[%dma_wait3A_374, %dma_wait3A_375] : memref<10000x128xf32, #tpu.memory_space<hbm>> -> memref<10000x128xf32, #tpu.memory_space<hbm>>
      tpu.wait_indirect_dma semaphore(%arg17 : memref<!tpu.dma_semaphore, #tpu.memory_space<semaphore_mem>>) src(%dma_wait3A_376 : memref<10000x128xf32, #tpu.memory_space<hbm>>) dst(%arg12 : memref<64x128xf32, #tpu.memory_space<vmem>>)
      %dma_start3A_377 = arith.constant 1 : i32
      %dma_start3A_378 = arith.constant 0 : i32
      %dma_start3A_379 = tpu.memref_slice %arg9[%dma_start3A_377, %dma_start3A_378] : memref<2x64xi32, #tpu.memory_space<vmem>> -> memref<1x64xi32, #tpu.memory_space<vmem>>
      %dma_start3A_380 = tpu.memref_squeeze %dma_start3A_379 : memref<1x64xi32, #tpu.memory_space<vmem>> -> memref<64xi32, #tpu.memory_space<vmem>>
      %dma_start3A_381 = arith.constant 0 : i32
      %dma_start3A_382 = arith.constant 0 : i32
      %dma_start3A_383 = tpu.memref_slice %arg14[%dma_start3A_381, %dma_start3A_382] : memref<10000x128xf32, #tpu.memory_space<vmem_shared>> -> memref<10000x128xf32, #tpu.memory_space<vmem_shared>>
      tpu.enqueue_indirect_dma source(%arg12 : memref<64x128xf32, #tpu.memory_space<vmem>>) target(%dma_start3A_383 : memref<10000x128xf32, #tpu.memory_space<vmem_shared>>) offsets(%dma_start3A_380 : memref<64xi32, #tpu.memory_space<vmem>>) semaphore(%arg20 : memref<!tpu.dma_semaphore, #tpu.memory_space<semaphore_mem>>) {add = true}
      %dma_wait3A_384 = arith.constant 1 : i32
      %dma_wait3A_385 = arith.constant 0 : i32
      %dma_wait3A_386 = tpu.memref_slice %arg8[%dma_wait3A_384, %dma_wait3A_385] : memref<2x64xi32, #tpu.memory_space<vmem>> -> memref<1x64xi32, #tpu.memory_space<vmem>>
      %dma_wait3A_387 = tpu.memref_squeeze %dma_wait3A_386 : memref<1x64xi32, #tpu.memory_space<vmem>> -> memref<64xi32, #tpu.memory_space<vmem>>
      %dma_wait3A_388 = arith.constant 0 : i32
      %dma_wait3A_389 = arith.constant 0 : i32
      %dma_wait3A_390 = tpu.memref_slice %arg14[%dma_wait3A_388, %dma_wait3A_389] : memref<10000x128xf32, #tpu.memory_space<vmem_shared>> -> memref<10000x128xf32, #tpu.memory_space<vmem_shared>>
      tpu.wait_indirect_dma semaphore(%arg19 : memref<!tpu.dma_semaphore, #tpu.memory_space<semaphore_mem>>) src(%arg11 : memref<64x128xf32, #tpu.memory_space<vmem>>) dst(%dma_wait3A_390 : memref<10000x128xf32, #tpu.memory_space<vmem_shared>>)
      %lt3A_391 = arith.constant 52 : i32
      %lt3A_392 = arith.cmpi slt, %scan3A_328, %lt3A_391 : i32
      %convert_element_type3A_393 = arith.extui %lt3A_392 : i1 to i32
      %cond3A_394 = arith.constant 0 : i32
      %cond3A_395 = arith.cmpi ne, %convert_element_type3A_393, %cond3A_394 : i32
      scf.if %cond3A_395 {
        %add3A_409 = arith.constant 3 : i32
        %add3A_410 = arith.addi %mul3A_331, %add3A_409 : i32
        %add3A_411 = arith.constant 2 : i32
        %add3A_412 = arith.addi %add3A_410, %add3A_411 : i32
        %sub3A = arith.constant 1 : i32
        %sub3A_413 = arith.subi %add3A_412, %sub3A : i32
        %get3A_414 = arith.index_cast %sub3A_413 : i32 to index
        %get3A_415 = arith.constant 0 : index
        %get3A_416 = tpu.vector_load %arg6[%get3A_414, %get3A_415] {strides = array<i32>} : memref<159x64xi32, #tpu.memory_space<vmem>>, vector<1x16xi32>,
        %get3A_417 = vector.shape_cast %get3A_416 : vector<1x16xi32> to vector<16xi32>
        %and3A_418 = arith.constant 65535 : i32
        %and3A_419 = vector.broadcast %and3A_418 : i32 to vector<16xi32>
        %and3A_420 = arith.andi %get3A_417, %and3A_419 : vector<16xi32>
        %swap3A_421 = arith.constant 0 : i32
        %swap3A_422 = arith.index_cast %swap3A_421 : i32 to index
        %swap3A_423 = arith.constant 0 : index
        %swap3A_424 = tpu.vector_load %arg8[%swap3A_422, %swap3A_423] {strides = array<i32>} : memref<2x64xi32, #tpu.memory_space<vmem>>, vector<1x16xi32>,
        %swap3A_425 = vector.shape_cast %swap3A_424 : vector<1x16xi32> to vector<16xi32>
        %swap3A_426 = vector.shape_cast %and3A_420 : vector<16xi32> to vector<1x16xi32>
        tpu.vector_store %arg8[%swap3A_422, %swap3A_423], %swap3A_426 {strides = array<i32>} : memref<2x64xi32, #tpu.memory_space<vmem>>, vector<1x16xi32>,
        %shift_right_logical3A_427 = arith.constant 16 : i32
        %shift_right_logical3A_428 = vector.broadcast %shift_right_logical3A_427 : i32 to vector<16xi32>
        %shift_right_logical3A_429 = arith.shrui %get3A_417, %shift_right_logical3A_428 : vector<16xi32>
        %swap3A_430 = arith.constant 1 : i32
        %swap3A_431 = arith.index_cast %swap3A_430 : i32 to index
        %swap3A_432 = arith.constant 0 : index
        %swap3A_433 = tpu.vector_load %arg8[%swap3A_431, %swap3A_432] {strides = array<i32>} : memref<2x64xi32, #tpu.memory_space<vmem>>, vector<1x16xi32>,
        %swap3A_434 = vector.shape_cast %swap3A_433 : vector<1x16xi32> to vector<16xi32>
        %swap3A_435 = vector.shape_cast %shift_right_logical3A_429 : vector<16xi32> to vector<1x16xi32>
        tpu.vector_store %arg8[%swap3A_431, %swap3A_432], %swap3A_435 {strides = array<i32>} : memref<2x64xi32, #tpu.memory_space<vmem>>, vector<1x16xi32>,
        %get3A_436 = arith.index_cast %sub3A_413 : i32 to index
        %get3A_437 = arith.constant 16 : index
        %get3A_438 = tpu.vector_load %arg6[%get3A_436, %get3A_437] {strides = array<i32>} : memref<159x64xi32, #tpu.memory_space<vmem>>, vector<1x16xi32>,
        %get3A_439 = vector.shape_cast %get3A_438 : vector<1x16xi32> to vector<16xi32>
        %and3A_440 = arith.constant 65535 : i32
        %and3A_441 = vector.broadcast %and3A_440 : i32 to vector<16xi32>
        %and3A_442 = arith.andi %get3A_439, %and3A_441 : vector<16xi32>
        %swap3A_443 = arith.constant 0 : i32
        %swap3A_444 = arith.index_cast %swap3A_443 : i32 to index
        %swap3A_445 = arith.constant 16 : index
        %swap3A_446 = tpu.vector_load %arg8[%swap3A_444, %swap3A_445] {strides = array<i32>} : memref<2x64xi32, #tpu.memory_space<vmem>>, vector<1x16xi32>,
        %swap3A_447 = vector.shape_cast %swap3A_446 : vector<1x16xi32> to vector<16xi32>
        %swap3A_448 = vector.shape_cast %and3A_442 : vector<16xi32> to vector<1x16xi32>
        tpu.vector_store %arg8[%swap3A_444, %swap3A_445], %swap3A_448 {strides = array<i32>} : memref<2x64xi32, #tpu.memory_space<vmem>>, vector<1x16xi32>,
        %shift_right_logical3A_449 = arith.constant 16 : i32
        %shift_right_logical3A_450 = vector.broadcast %shift_right_logical3A_449 : i32 to vector<16xi32>
        %shift_right_logical3A_451 = arith.shrui %get3A_439, %shift_right_logical3A_450 : vector<16xi32>
        %swap3A_452 = arith.constant 1 : i32
        %swap3A_453 = arith.index_cast %swap3A_452 : i32 to index
        %swap3A_454 = arith.constant 16 : index
        %swap3A_455 = tpu.vector_load %arg8[%swap3A_453, %swap3A_454] {strides = array<i32>} : memref<2x64xi32, #tpu.memory_space<vmem>>, vector<1x16xi32>,
        %swap3A_456 = vector.shape_cast %swap3A_455 : vector<1x16xi32> to vector<16xi32>
        %swap3A_457 = vector.shape_cast %shift_right_logical3A_451 : vector<16xi32> to vector<1x16xi32>
        tpu.vector_store %arg8[%swap3A_453, %swap3A_454], %swap3A_457 {strides = array<i32>} : memref<2x64xi32, #tpu.memory_space<vmem>>, vector<1x16xi32>,
        %get3A_458 = arith.index_cast %sub3A_413 : i32 to index
        %get3A_459 = arith.constant 32 : index
        %get3A_460 = tpu.vector_load %arg6[%get3A_458, %get3A_459] {strides = array<i32>} : memref<159x64xi32, #tpu.memory_space<vmem>>, vector<1x16xi32>,
        %get3A_461 = vector.shape_cast %get3A_460 : vector<1x16xi32> to vector<16xi32>
        %and3A_462 = arith.constant 65535 : i32
        %and3A_463 = vector.broadcast %and3A_462 : i32 to vector<16xi32>
        %and3A_464 = arith.andi %get3A_461, %and3A_463 : vector<16xi32>
        %swap3A_465 = arith.constant 0 : i32
        %swap3A_466 = arith.index_cast %swap3A_465 : i32 to index
        %swap3A_467 = arith.constant 32 : index
        %swap3A_468 = tpu.vector_load %arg8[%swap3A_466, %swap3A_467] {strides = array<i32>} : memref<2x64xi32, #tpu.memory_space<vmem>>, vector<1x16xi32>,
        %swap3A_469 = vector.shape_cast %swap3A_468 : vector<1x16xi32> to vector<16xi32>
        %swap3A_470 = vector.shape_cast %and3A_464 : vector<16xi32> to vector<1x16xi32>
        tpu.vector_store %arg8[%swap3A_466, %swap3A_467], %swap3A_470 {strides = array<i32>} : memref<2x64xi32, #tpu.memory_space<vmem>>, vector<1x16xi32>,
        %shift_right_logical3A_471 = arith.constant 16 : i32
        %shift_right_logical3A_472 = vector.broadcast %shift_right_logical3A_471 : i32 to vector<16xi32>
        %shift_right_logical3A_473 = arith.shrui %get3A_461, %shift_right_logical3A_472 : vector<16xi32>
        %swap3A_474 = arith.constant 1 : i32
        %swap3A_475 = arith.index_cast %swap3A_474 : i32 to index
        %swap3A_476 = arith.constant 32 : index
        %swap3A_477 = tpu.vector_load %arg8[%swap3A_475, %swap3A_476] {strides = array<i32>} : memref<2x64xi32, #tpu.memory_space<vmem>>, vector<1x16xi32>,
        %swap3A_478 = vector.shape_cast %swap3A_477 : vector<1x16xi32> to vector<16xi32>
        %swap3A_479 = vector.shape_cast %shift_right_logical3A_473 : vector<16xi32> to vector<1x16xi32>
        tpu.vector_store %arg8[%swap3A_475, %swap3A_476], %swap3A_479 {strides = array<i32>} : memref<2x64xi32, #tpu.memory_space<vmem>>, vector<1x16xi32>,
        %get3A_480 = arith.index_cast %sub3A_413 : i32 to index
        %get3A_481 = arith.constant 48 : index
        %get3A_482 = tpu.vector_load %arg6[%get3A_480, %get3A_481] {strides = array<i32>} : memref<159x64xi32, #tpu.memory_space<vmem>>, vector<1x16xi32>,
        %get3A_483 = vector.shape_cast %get3A_482 : vector<1x16xi32> to vector<16xi32>
        %and3A_484 = arith.constant 65535 : i32
        %and3A_485 = vector.broadcast %and3A_484 : i32 to vector<16xi32>
        %and3A_486 = arith.andi %get3A_483, %and3A_485 : vector<16xi32>
        %swap3A_487 = arith.constant 0 : i32
        %swap3A_488 = arith.index_cast %swap3A_487 : i32 to index
        %swap3A_489 = arith.constant 48 : index
        %swap3A_490 = tpu.vector_load %arg8[%swap3A_488, %swap3A_489] {strides = array<i32>} : memref<2x64xi32, #tpu.memory_space<vmem>>, vector<1x16xi32>,
        %swap3A_491 = vector.shape_cast %swap3A_490 : vector<1x16xi32> to vector<16xi32>
        %swap3A_492 = vector.shape_cast %and3A_486 : vector<16xi32> to vector<1x16xi32>
        tpu.vector_store %arg8[%swap3A_488, %swap3A_489], %swap3A_492 {strides = array<i32>} : memref<2x64xi32, #tpu.memory_space<vmem>>, vector<1x16xi32>,
        %shift_right_logical3A_493 = arith.constant 16 : i32
        %shift_right_logical3A_494 = vector.broadcast %shift_right_logical3A_493 : i32 to vector<16xi32>
        %shift_right_logical3A_495 = arith.shrui %get3A_483, %shift_right_logical3A_494 : vector<16xi32>
        %swap3A_496 = arith.constant 1 : i32
        %swap3A_497 = arith.index_cast %swap3A_496 : i32 to index
        %swap3A_498 = arith.constant 48 : index
        %swap3A_499 = tpu.vector_load %arg8[%swap3A_497, %swap3A_498] {strides = array<i32>} : memref<2x64xi32, #tpu.memory_space<vmem>>, vector<1x16xi32>,
        %swap3A_500 = vector.shape_cast %swap3A_499 : vector<1x16xi32> to vector<16xi32>
        %swap3A_501 = vector.shape_cast %shift_right_logical3A_495 : vector<16xi32> to vector<1x16xi32>
        tpu.vector_store %arg8[%swap3A_497, %swap3A_498], %swap3A_501 {strides = array<i32>} : memref<2x64xi32, #tpu.memory_space<vmem>>, vector<1x16xi32>,
        %dma_start3A_502 = arith.constant 0 : i32
        %dma_start3A_503 = arith.constant 0 : i32
        %dma_start3A_504 = tpu.memref_slice %arg8[%dma_start3A_502, %dma_start3A_503] : memref<2x64xi32, #tpu.memory_space<vmem>> -> memref<1x64xi32, #tpu.memory_space<vmem>>
        %dma_start3A_505 = tpu.memref_squeeze %dma_start3A_504 : memref<1x64xi32, #tpu.memory_space<vmem>> -> memref<64xi32, #tpu.memory_space<vmem>>
        %dma_start3A_506 = arith.constant 0 : i32
        %dma_start3A_507 = arith.constant 0 : i32
        %dma_start3A_508 = tpu.memref_slice %arg2[%dma_start3A_506, %dma_start3A_507] : memref<10000x128xf32, #tpu.memory_space<hbm>> -> memref<10000x128xf32, #tpu.memory_space<hbm>>
        tpu.enqueue_indirect_dma source(%dma_start3A_508 : memref<10000x128xf32, #tpu.memory_space<hbm>>) target(%arg11 : memref<64x128xf32, #tpu.memory_space<vmem>>) offsets(%dma_start3A_505 : memref<64xi32, #tpu.memory_space<vmem>>) semaphore(%arg16 : memref<!tpu.dma_semaphore, #tpu.memory_space<semaphore_mem>>)
      } else {
      }
      %dma_wait3A_396 = arith.constant 1 : i32
      %dma_wait3A_397 = arith.constant 0 : i32
      %dma_wait3A_398 = tpu.memref_slice %arg9[%dma_wait3A_396, %dma_wait3A_397] : memref<2x64xi32, #tpu.memory_space<vmem>> -> memref<1x64xi32, #tpu.memory_space<vmem>>
      %dma_wait3A_399 = tpu.memref_squeeze %dma_wait3A_398 : memref<1x64xi32, #tpu.memory_space<vmem>> -> memref<64xi32, #tpu.memory_space<vmem>>
      %dma_wait3A_400 = arith.constant 0 : i32
      %dma_wait3A_401 = arith.constant 0 : i32
      %dma_wait3A_402 = tpu.memref_slice %arg14[%dma_wait3A_400, %dma_wait3A_401] : memref<10000x128xf32, #tpu.memory_space<vmem_shared>> -> memref<10000x128xf32, #tpu.memory_space<vmem_shared>>
      tpu.wait_indirect_dma semaphore(%arg20 : memref<!tpu.dma_semaphore, #tpu.memory_space<semaphore_mem>>) src(%arg12 : memref<64x128xf32, #tpu.memory_space<vmem>>) dst(%dma_wait3A_402 : memref<10000x128xf32, #tpu.memory_space<vmem_shared>>)
      %lt3A_403 = arith.constant 52 : i32
      %lt3A_404 = arith.cmpi slt, %scan3A_328, %lt3A_403 : i32
      %convert_element_type3A_405 = arith.extui %lt3A_404 : i1 to i32
      %cond3A_406 = arith.constant 0 : i32
      %cond3A_407 = arith.cmpi ne, %convert_element_type3A_405, %cond3A_406 : i32
      scf.if %cond3A_407 {
        %add3A_409 = arith.constant 6 : i32
        %add3A_410 = arith.addi %mul3A_331, %add3A_409 : i32
        %sub3A = arith.constant 1 : i32
        %sub3A_411 = arith.subi %add3A_410, %sub3A : i32
        %get3A_412 = arith.index_cast %sub3A_411 : i32 to index
        %get3A_413 = arith.constant 0 : index
        %get3A_414 = tpu.vector_load %arg6[%get3A_412, %get3A_413] {strides = array<i32>} : memref<159x64xi32, #tpu.memory_space<vmem>>, vector<1x16xi32>,
        %get3A_415 = vector.shape_cast %get3A_414 : vector<1x16xi32> to vector<16xi32>
        %and3A_416 = arith.constant 65535 : i32
        %and3A_417 = vector.broadcast %and3A_416 : i32 to vector<16xi32>
        %and3A_418 = arith.andi %get3A_415, %and3A_417 : vector<16xi32>
        %swap3A_419 = arith.constant 0 : i32
        %swap3A_420 = arith.index_cast %swap3A_419 : i32 to index
        %swap3A_421 = arith.constant 0 : index
        %swap3A_422 = tpu.vector_load %arg9[%swap3A_420, %swap3A_421] {strides = array<i32>} : memref<2x64xi32, #tpu.memory_space<vmem>>, vector<1x16xi32>,
        %swap3A_423 = vector.shape_cast %swap3A_422 : vector<1x16xi32> to vector<16xi32>
        %swap3A_424 = vector.shape_cast %and3A_418 : vector<16xi32> to vector<1x16xi32>
        tpu.vector_store %arg9[%swap3A_420, %swap3A_421], %swap3A_424 {strides = array<i32>} : memref<2x64xi32, #tpu.memory_space<vmem>>, vector<1x16xi32>,
        %shift_right_logical3A_425 = arith.constant 16 : i32
        %shift_right_logical3A_426 = vector.broadcast %shift_right_logical3A_425 : i32 to vector<16xi32>
        %shift_right_logical3A_427 = arith.shrui %get3A_415, %shift_right_logical3A_426 : vector<16xi32>
        %swap3A_428 = arith.constant 1 : i32
        %swap3A_429 = arith.index_cast %swap3A_428 : i32 to index
        %swap3A_430 = arith.constant 0 : index
        %swap3A_431 = tpu.vector_load %arg9[%swap3A_429, %swap3A_430] {strides = array<i32>} : memref<2x64xi32, #tpu.memory_space<vmem>>, vector<1x16xi32>,
        %swap3A_432 = vector.shape_cast %swap3A_431 : vector<1x16xi32> to vector<16xi32>
        %swap3A_433 = vector.shape_cast %shift_right_logical3A_427 : vector<16xi32> to vector<1x16xi32>
        tpu.vector_store %arg9[%swap3A_429, %swap3A_430], %swap3A_433 {strides = array<i32>} : memref<2x64xi32, #tpu.memory_space<vmem>>, vector<1x16xi32>,
        %get3A_434 = arith.index_cast %sub3A_411 : i32 to index
        %get3A_435 = arith.constant 16 : index
        %get3A_436 = tpu.vector_load %arg6[%get3A_434, %get3A_435] {strides = array<i32>} : memref<159x64xi32, #tpu.memory_space<vmem>>, vector<1x16xi32>,
        %get3A_437 = vector.shape_cast %get3A_436 : vector<1x16xi32> to vector<16xi32>
        %and3A_438 = arith.constant 65535 : i32
        %and3A_439 = vector.broadcast %and3A_438 : i32 to vector<16xi32>
        %and3A_440 = arith.andi %get3A_437, %and3A_439 : vector<16xi32>
        %swap3A_441 = arith.constant 0 : i32
        %swap3A_442 = arith.index_cast %swap3A_441 : i32 to index
        %swap3A_443 = arith.constant 16 : index
        %swap3A_444 = tpu.vector_load %arg9[%swap3A_442, %swap3A_443] {strides = array<i32>} : memref<2x64xi32, #tpu.memory_space<vmem>>, vector<1x16xi32>,
        %swap3A_445 = vector.shape_cast %swap3A_444 : vector<1x16xi32> to vector<16xi32>
        %swap3A_446 = vector.shape_cast %and3A_440 : vector<16xi32> to vector<1x16xi32>
        tpu.vector_store %arg9[%swap3A_442, %swap3A_443], %swap3A_446 {strides = array<i32>} : memref<2x64xi32, #tpu.memory_space<vmem>>, vector<1x16xi32>,
        %shift_right_logical3A_447 = arith.constant 16 : i32
        %shift_right_logical3A_448 = vector.broadcast %shift_right_logical3A_447 : i32 to vector<16xi32>
        %shift_right_logical3A_449 = arith.shrui %get3A_437, %shift_right_logical3A_448 : vector<16xi32>
        %swap3A_450 = arith.constant 1 : i32
        %swap3A_451 = arith.index_cast %swap3A_450 : i32 to index
        %swap3A_452 = arith.constant 16 : index
        %swap3A_453 = tpu.vector_load %arg9[%swap3A_451, %swap3A_452] {strides = array<i32>} : memref<2x64xi32, #tpu.memory_space<vmem>>, vector<1x16xi32>,
        %swap3A_454 = vector.shape_cast %swap3A_453 : vector<1x16xi32> to vector<16xi32>
        %swap3A_455 = vector.shape_cast %shift_right_logical3A_449 : vector<16xi32> to vector<1x16xi32>
        tpu.vector_store %arg9[%swap3A_451, %swap3A_452], %swap3A_455 {strides = array<i32>} : memref<2x64xi32, #tpu.memory_space<vmem>>, vector<1x16xi32>,
        %get3A_456 = arith.index_cast %sub3A_411 : i32 to index
        %get3A_457 = arith.constant 32 : index
        %get3A_458 = tpu.vector_load %arg6[%get3A_456, %get3A_457] {strides = array<i32>} : memref<159x64xi32, #tpu.memory_space<vmem>>, vector<1x16xi32>,
        %get3A_459 = vector.shape_cast %get3A_458 : vector<1x16xi32> to vector<16xi32>
        %and3A_460 = arith.constant 65535 : i32
        %and3A_461 = vector.broadcast %and3A_460 : i32 to vector<16xi32>
        %and3A_462 = arith.andi %get3A_459, %and3A_461 : vector<16xi32>
        %swap3A_463 = arith.constant 0 : i32
        %swap3A_464 = arith.index_cast %swap3A_463 : i32 to index
        %swap3A_465 = arith.constant 32 : index
        %swap3A_466 = tpu.vector_load %arg9[%swap3A_464, %swap3A_465] {strides = array<i32>} : memref<2x64xi32, #tpu.memory_space<vmem>>, vector<1x16xi32>,
        %swap3A_467 = vector.shape_cast %swap3A_466 : vector<1x16xi32> to vector<16xi32>
        %swap3A_468 = vector.shape_cast %and3A_462 : vector<16xi32> to vector<1x16xi32>
        tpu.vector_store %arg9[%swap3A_464, %swap3A_465], %swap3A_468 {strides = array<i32>} : memref<2x64xi32, #tpu.memory_space<vmem>>, vector<1x16xi32>,
        %shift_right_logical3A_469 = arith.constant 16 : i32
        %shift_right_logical3A_470 = vector.broadcast %shift_right_logical3A_469 : i32 to vector<16xi32>
        %shift_right_logical3A_471 = arith.shrui %get3A_459, %shift_right_logical3A_470 : vector<16xi32>
        %swap3A_472 = arith.constant 1 : i32
        %swap3A_473 = arith.index_cast %swap3A_472 : i32 to index
        %swap3A_474 = arith.constant 32 : index
        %swap3A_475 = tpu.vector_load %arg9[%swap3A_473, %swap3A_474] {strides = array<i32>} : memref<2x64xi32, #tpu.memory_space<vmem>>, vector<1x16xi32>,
        %swap3A_476 = vector.shape_cast %swap3A_475 : vector<1x16xi32> to vector<16xi32>
        %swap3A_477 = vector.shape_cast %shift_right_logical3A_471 : vector<16xi32> to vector<1x16xi32>
        tpu.vector_store %arg9[%swap3A_473, %swap3A_474], %swap3A_477 {strides = array<i32>} : memref<2x64xi32, #tpu.memory_space<vmem>>, vector<1x16xi32>,
        %get3A_478 = arith.index_cast %sub3A_411 : i32 to index
        %get3A_479 = arith.constant 48 : index
        %get3A_480 = tpu.vector_load %arg6[%get3A_478, %get3A_479] {strides = array<i32>} : memref<159x64xi32, #tpu.memory_space<vmem>>, vector<1x16xi32>,
        %get3A_481 = vector.shape_cast %get3A_480 : vector<1x16xi32> to vector<16xi32>
        %and3A_482 = arith.constant 65535 : i32
        %and3A_483 = vector.broadcast %and3A_482 : i32 to vector<16xi32>
        %and3A_484 = arith.andi %get3A_481, %and3A_483 : vector<16xi32>
        %swap3A_485 = arith.constant 0 : i32
        %swap3A_486 = arith.index_cast %swap3A_485 : i32 to index
        %swap3A_487 = arith.constant 48 : index
        %swap3A_488 = tpu.vector_load %arg9[%swap3A_486, %swap3A_487] {strides = array<i32>} : memref<2x64xi32, #tpu.memory_space<vmem>>, vector<1x16xi32>,
        %swap3A_489 = vector.shape_cast %swap3A_488 : vector<1x16xi32> to vector<16xi32>
        %swap3A_490 = vector.shape_cast %and3A_484 : vector<16xi32> to vector<1x16xi32>
        tpu.vector_store %arg9[%swap3A_486, %swap3A_487], %swap3A_490 {strides = array<i32>} : memref<2x64xi32, #tpu.memory_space<vmem>>, vector<1x16xi32>,
        %shift_right_logical3A_491 = arith.constant 16 : i32
        %shift_right_logical3A_492 = vector.broadcast %shift_right_logical3A_491 : i32 to vector<16xi32>
        %shift_right_logical3A_493 = arith.shrui %get3A_481, %shift_right_logical3A_492 : vector<16xi32>
        %swap3A_494 = arith.constant 1 : i32
        %swap3A_495 = arith.index_cast %swap3A_494 : i32 to index
        %swap3A_496 = arith.constant 48 : index
        %swap3A_497 = tpu.vector_load %arg9[%swap3A_495, %swap3A_496] {strides = array<i32>} : memref<2x64xi32, #tpu.memory_space<vmem>>, vector<1x16xi32>,
        %swap3A_498 = vector.shape_cast %swap3A_497 : vector<1x16xi32> to vector<16xi32>
        %swap3A_499 = vector.shape_cast %shift_right_logical3A_493 : vector<16xi32> to vector<1x16xi32>
        tpu.vector_store %arg9[%swap3A_495, %swap3A_496], %swap3A_499 {strides = array<i32>} : memref<2x64xi32, #tpu.memory_space<vmem>>, vector<1x16xi32>,
        %dma_start3A_500 = arith.constant 0 : i32
        %dma_start3A_501 = arith.constant 0 : i32
        %dma_start3A_502 = tpu.memref_slice %arg9[%dma_start3A_500, %dma_start3A_501] : memref<2x64xi32, #tpu.memory_space<vmem>> -> memref<1x64xi32, #tpu.memory_space<vmem>>
        %dma_start3A_503 = tpu.memref_squeeze %dma_start3A_502 : memref<1x64xi32, #tpu.memory_space<vmem>> -> memref<64xi32, #tpu.memory_space<vmem>>
        %dma_start3A_504 = arith.constant 0 : i32
        %dma_start3A_505 = arith.constant 0 : i32
        %dma_start3A_506 = tpu.memref_slice %arg2[%dma_start3A_504, %dma_start3A_505] : memref<10000x128xf32, #tpu.memory_space<hbm>> -> memref<10000x128xf32, #tpu.memory_space<hbm>>
        tpu.enqueue_indirect_dma source(%dma_start3A_506 : memref<10000x128xf32, #tpu.memory_space<hbm>>) target(%arg12 : memref<64x128xf32, #tpu.memory_space<vmem>>) offsets(%dma_start3A_503 : memref<64xi32, #tpu.memory_space<vmem>>) semaphore(%arg17 : memref<!tpu.dma_semaphore, #tpu.memory_space<semaphore_mem>>)
      } else {
      }
      %scan3A_408 = arith.constant 0 : i32
      scf.yield %scan3A_408 : i32
    }
    %scan3A_319 = arith.constant 53 : i32
    %barrier3A_320 = arith.constant 0 : index
    tpu.barrier barrier_id(%barrier3A_320)
    %eq3A = arith.constant 0 : i32
    %eq3A_321 = arith.cmpi eq, %arg0, %eq3A : i32
    %convert_element_type3A = arith.extui %eq3A_321 : i1 to i32
    %cond3A = arith.constant 0 : i32
    %cond3A_322 = arith.cmpi ne, %convert_element_type3A, %cond3A : i32
    scf.if %cond3A_322 {
      %scan3A_328 = arith.constant 0 : i32
      %scan3A_329 = arith.constant 0 : i32
      %scan3A_330 = arith.constant 2 : i32
      %scan3A_331 = arith.addi %scan3A_329, %scan3A_330 : i32
      %scan3A_332 = arith.constant 1 : i32
      %scan3A_333 = scf.for %scan3A_342 = %scan3A_329 to %scan3A_331 step %scan3A_332 iter_args(%scan3A_343 = %scan3A_328) -> (i32)  : i32 {
        %mul3A_344 = arith.constant 16 : i32
        %mul3A_345 = arith.muli %scan3A_342, %mul3A_344 : i32
        %add3A_346 = arith.addi %arg1, %mul3A_345 : i32
        %lt3A = arith.constant 25 : i32
        %lt3A_347 = arith.cmpi slt, %add3A_346, %lt3A : i32
        %convert_element_type3A_348 = arith.extui %lt3A_347 : i1 to i32
        %cond3A_349 = arith.constant 0 : i32
        %cond3A_350 = arith.cmpi ne, %convert_element_type3A_348, %cond3A_349 : i32
        scf.if %cond3A_350 {
          %mul3A_352 = arith.constant 400 : i32
          %mul3A_353 = arith.muli %add3A_346, %mul3A_352 : i32
          %dma_start3A_354 = arith.constant 0 : i32
          %dma_start3A_355 = tpu.memref_slice %arg4[%mul3A_353, %dma_start3A_354] : memref<10000x128xf32, #tpu.memory_space<hbm>> -> memref<400x128xf32, #tpu.memory_space<hbm>>
          %dma_start3A_356 = arith.constant 0 : i32
          %dma_start3A_357 = tpu.memref_slice %arg14[%mul3A_353, %dma_start3A_356] : memref<10000x128xf32, #tpu.memory_space<vmem_shared>> -> memref<400x128xf32, #tpu.memory_space<vmem_shared>>
          tpu.enqueue_dma source(%dma_start3A_357 : memref<400x128xf32, #tpu.memory_space<vmem_shared>>) target(%dma_start3A_355 : memref<400x128xf32, #tpu.memory_space<hbm>>) target_semaphore(%arg21 : memref<!tpu.dma_semaphore, #tpu.memory_space<semaphore_mem>>)
        } else {
        }
        %scan3A_351 = arith.constant 0 : i32
        scf.yield %scan3A_351 : i32
      }
      %scan3A_334 = arith.constant 2 : i32
      %scan3A_335 = arith.constant 0 : i32
      %scan3A_336 = arith.constant 0 : i32
      %scan3A_337 = arith.constant 2 : i32
      %scan3A_338 = arith.addi %scan3A_336, %scan3A_337 : i32
      %scan3A_339 = arith.constant 1 : i32
      %scan3A_340 = scf.for %scan3A_342 = %scan3A_336 to %scan3A_338 step %scan3A_339 iter_args(%scan3A_343 = %scan3A_335) -> (i32)  : i32 {
        %mul3A_344 = arith.constant 16 : i32
        %mul3A_345 = arith.muli %scan3A_342, %mul3A_344 : i32
        %add3A_346 = arith.addi %arg1, %mul3A_345 : i32
        %lt3A = arith.constant 25 : i32
        %lt3A_347 = arith.cmpi slt, %add3A_346, %lt3A : i32
        %convert_element_type3A_348 = arith.extui %lt3A_347 : i1 to i32
        %cond3A_349 = arith.constant 0 : i32
        %cond3A_350 = arith.cmpi ne, %convert_element_type3A_348, %cond3A_349 : i32
        scf.if %cond3A_350 {
          %dma_wait3A = arith.constant 0 : i32
          %dma_wait3A_352 = arith.constant 0 : i32
          %dma_wait3A_353 = tpu.memref_slice %arg4[%dma_wait3A, %dma_wait3A_352] : memref<10000x128xf32, #tpu.memory_space<hbm>> -> memref<400x128xf32, #tpu.memory_space<hbm>>
          %dma_wait3A_354 = arith.constant 0 : i32
          %dma_wait3A_355 = arith.constant 0 : i32
          %dma_wait3A_356 = tpu.memref_slice %arg14[%dma_wait3A_354, %dma_wait3A_355] : memref<10000x128xf32, #tpu.memory_space<vmem_shared>> -> memref<400x128xf32, #tpu.memory_space<vmem_shared>>
          tpu.wait_dma2 semaphore(%arg21 : memref<!tpu.dma_semaphore, #tpu.memory_space<semaphore_mem>>) src(%dma_wait3A_356 : memref<400x128xf32, #tpu.memory_space<vmem_shared>>) dst(%dma_wait3A_353 : memref<400x128xf32, #tpu.memory_space<hbm>>)
        } else {
        }
        %scan3A_351 = arith.constant 0 : i32
        scf.yield %scan3A_351 : i32
      }
      %scan3A_341 = arith.constant 2 : i32
    } else {
    }
    %eq3A_323 = arith.constant 1 : i32
    %eq3A_324 = arith.cmpi eq, %arg0, %eq3A_323 : i32
    %convert_element_type3A_325 = arith.extui %eq3A_324 : i1 to i32
    %cond3A_326 = arith.constant 0 : i32
    %cond3A_327 = arith.cmpi ne, %convert_element_type3A_325, %cond3A_326 : i32
    scf.if %cond3A_327 {
      %scan3A_328 = arith.constant 0 : i32
      %scan3A_329 = arith.constant 0 : i32
      %scan3A_330 = arith.constant 2 : i32
      %scan3A_331 = arith.addi %scan3A_329, %scan3A_330 : i32
      %scan3A_332 = arith.constant 1 : i32
      %scan3A_333 = scf.for %scan3A_342 = %scan3A_329 to %scan3A_331 step %scan3A_332 iter_args(%scan3A_343 = %scan3A_328) -> (i32)  : i32 {
        %mul3A_344 = arith.constant 16 : i32
        %mul3A_345 = arith.muli %scan3A_342, %mul3A_344 : i32
        %add3A_346 = arith.addi %arg1, %mul3A_345 : i32
        %lt3A = arith.constant 25 : i32
        %lt3A_347 = arith.cmpi slt, %add3A_346, %lt3A : i32
        %convert_element_type3A_348 = arith.extui %lt3A_347 : i1 to i32
        %cond3A_349 = arith.constant 0 : i32
        %cond3A_350 = arith.cmpi ne, %convert_element_type3A_348, %cond3A_349 : i32
        scf.if %cond3A_350 {
          %mul3A_352 = arith.constant 400 : i32
          %mul3A_353 = arith.muli %add3A_346, %mul3A_352 : i32
          %dma_start3A_354 = arith.constant 0 : i32
          %dma_start3A_355 = tpu.memref_slice %arg5[%mul3A_353, %dma_start3A_354] : memref<10000x128xf32, #tpu.memory_space<hbm>> -> memref<400x128xf32, #tpu.memory_space<hbm>>
          %dma_start3A_356 = arith.constant 0 : i32
          %dma_start3A_357 = tpu.memref_slice %arg14[%mul3A_353, %dma_start3A_356] : memref<10000x128xf32, #tpu.memory_space<vmem_shared>> -> memref<400x128xf32, #tpu.memory_space<vmem_shared>>
          tpu.enqueue_dma source(%dma_start3A_357 : memref<400x128xf32, #tpu.memory_space<vmem_shared>>) target(%dma_start3A_355 : memref<400x128xf32, #tpu.memory_space<hbm>>) target_semaphore(%arg21 : memref<!tpu.dma_semaphore, #tpu.memory_space<semaphore_mem>>)
        } else {
        }
        %scan3A_351 = arith.constant 0 : i32
        scf.yield %scan3A_351 : i32
      }
      %scan3A_334 = arith.constant 2 : i32
      %scan3A_335 = arith.constant 0 : i32
      %scan3A_336 = arith.constant 0 : i32
      %scan3A_337 = arith.constant 2 : i32
      %scan3A_338 = arith.addi %scan3A_336, %scan3A_337 : i32
      %scan3A_339 = arith.constant 1 : i32
      %scan3A_340 = scf.for %scan3A_342 = %scan3A_336 to %scan3A_338 step %scan3A_339 iter_args(%scan3A_343 = %scan3A_335) -> (i32)  : i32 {
        %mul3A_344 = arith.constant 16 : i32
        %mul3A_345 = arith.muli %scan3A_342, %mul3A_344 : i32
        %add3A_346 = arith.addi %arg1, %mul3A_345 : i32
        %lt3A = arith.constant 25 : i32
        %lt3A_347 = arith.cmpi slt, %add3A_346, %lt3A : i32
        %convert_element_type3A_348 = arith.extui %lt3A_347 : i1 to i32
        %cond3A_349 = arith.constant 0 : i32
        %cond3A_350 = arith.cmpi ne, %convert_element_type3A_348, %cond3A_349 : i32
        scf.if %cond3A_350 {
          %dma_wait3A = arith.constant 0 : i32
          %dma_wait3A_352 = arith.constant 0 : i32
          %dma_wait3A_353 = tpu.memref_slice %arg5[%dma_wait3A, %dma_wait3A_352] : memref<10000x128xf32, #tpu.memory_space<hbm>> -> memref<400x128xf32, #tpu.memory_space<hbm>>
          %dma_wait3A_354 = arith.constant 0 : i32
          %dma_wait3A_355 = arith.constant 0 : i32
          %dma_wait3A_356 = tpu.memref_slice %arg14[%dma_wait3A_354, %dma_wait3A_355] : memref<10000x128xf32, #tpu.memory_space<vmem_shared>> -> memref<400x128xf32, #tpu.memory_space<vmem_shared>>
          tpu.wait_dma2 semaphore(%arg21 : memref<!tpu.dma_semaphore, #tpu.memory_space<semaphore_mem>>) src(%dma_wait3A_356 : memref<400x128xf32, #tpu.memory_space<vmem_shared>>) dst(%dma_wait3A_353 : memref<400x128xf32, #tpu.memory_space<hbm>>)
        } else {
        }
        %scan3A_351 = arith.constant 0 : i32
        scf.yield %scan3A_351 : i32
      }
      %scan3A_341 = arith.constant 2 : i32
    } else {
    }
    return
  }
}

#map = affine_map<(d0, d1) -> (0, 0)>
#map1 = affine_map<(d0, d1) -> (0, 0, 0)>
module attributes {stable_mosaic.version = 14 : i64} {
  func.func @segsum(%arg0: i32, %arg1: i32, %arg2: memref<10000x128xf32, #tpu.memory_space<hbm>>, %arg3: memref<32x159x64xi32, #tpu.memory_space<hbm>>, %arg4: memref<10000x128xf32, #tpu.memory_space<hbm>>, %arg5: memref<10000x128xf32, #tpu.memory_space<hbm>>, %arg6: memref<159x64xi32, #tpu.memory_space<vmem>>, %arg7: memref<2x64xi32, #tpu.memory_space<vmem>>, %arg8: memref<2x64xi32, #tpu.memory_space<vmem>>, %arg9: memref<2x64xi32, #tpu.memory_space<vmem>>, %arg10: memref<64x128xf32, #tpu.memory_space<vmem>>, %arg11: memref<64x128xf32, #tpu.memory_space<vmem>>, %arg12: memref<64x128xf32, #tpu.memory_space<vmem>>, %arg13: memref<8x128xf32, #tpu.memory_space<vmem>>, %arg14: memref<10000x128xf32, #tpu.memory_space<vmem_shared>>, %arg15: memref<!tpu.dma_semaphore, #tpu.memory_space<semaphore_mem>>, %arg16: memref<!tpu.dma_semaphore, #tpu.memory_space<semaphore_mem>>, %arg17: memref<!tpu.dma_semaphore, #tpu.memory_space<semaphore_mem>>, %arg18: memref<!tpu.dma_semaphore, #tpu.memory_space<semaphore_mem>>, %arg19: memref<!tpu.dma_semaphore, #tpu.memory_space<semaphore_mem>>, %arg20: memref<!tpu.dma_semaphore, #tpu.memory_space<semaphore_mem>>, %arg21: memref<!tpu.dma_semaphore, #tpu.memory_space<semaphore_mem>>) attributes {dimension_semantics = [#tpu.dimension_semantics<core_parallel>, #tpu.dimension_semantics<subcore_parallel>], iteration_bounds = array<i64: 2, 16>, scalar_prefetch = 0 : i64, scratch_operands = 16 : i64, tpu.core_type = #tpu.core_type<sc_vector_subcore>, window_params = [{transform_indices = #map}, {transform_indices = #map1}, {transform_indices = #map}, {transform_indices = #map}]} {
    %mul3A = arith.constant 16 : i32
    %mul3A_0 = arith.muli %arg0, %mul3A : i32
    %add3A = arith.addi %mul3A_0, %arg1 : i32
    "tpu.region"() ({
      %run_scoped3A = tpu.sem_alloc : memref<!tpu.dma_semaphore, #tpu.memory_space<semaphore_mem>>
      %dma_start3A_328 = arith.constant 0 : i32
      %dma_start3A_329 = arith.constant 0 : i32
      %dma_start3A_330 = tpu.memref_slice %arg3[%add3A, %dma_start3A_328, %dma_start3A_329] : memref<32x159x64xi32, #tpu.memory_space<hbm>> -> memref<1x159x64xi32, #tpu.memory_space<hbm>>
      %dma_start3A_331 = tpu.memref_squeeze %dma_start3A_330 : memref<1x159x64xi32, #tpu.memory_space<hbm>> -> memref<159x64xi32, #tpu.memory_space<hbm>>
      %dma_start3A_332 = arith.constant 0 : i32
      %dma_start3A_333 = arith.constant 0 : i32
      %dma_start3A_334 = tpu.memref_slice %arg3[%add3A, %dma_start3A_332, %dma_start3A_333] : memref<32x159x64xi32, #tpu.memory_space<hbm>> -> memref<1x159x64xi32, #tpu.memory_space<hbm>>
      %dma_start3A_335 = tpu.memref_squeeze %dma_start3A_334 : memref<1x159x64xi32, #tpu.memory_space<hbm>> -> memref<159x64xi32, #tpu.memory_space<hbm>>
      tpu.enqueue_dma source(%dma_start3A_335 : memref<159x64xi32, #tpu.memory_space<hbm>>) target(%arg6 : memref<159x64xi32, #tpu.memory_space<vmem>>) target_semaphore(%run_scoped3A : memref<!tpu.dma_semaphore, #tpu.memory_space<semaphore_mem>>)
      %dma_wait3A = arith.constant 0 : i32
      %dma_wait3A_336 = arith.constant 0 : i32
      %dma_wait3A_337 = tpu.memref_slice %arg3[%add3A, %dma_wait3A, %dma_wait3A_336] : memref<32x159x64xi32, #tpu.memory_space<hbm>> -> memref<1x159x64xi32, #tpu.memory_space<hbm>>
      %dma_wait3A_338 = tpu.memref_squeeze %dma_wait3A_337 : memref<1x159x64xi32, #tpu.memory_space<hbm>> -> memref<159x64xi32, #tpu.memory_space<hbm>>
      %dma_wait3A_339 = arith.constant 0 : i32
      %dma_wait3A_340 = arith.constant 0 : i32
      %dma_wait3A_341 = tpu.memref_slice %arg3[%add3A, %dma_wait3A_339, %dma_wait3A_340] : memref<32x159x64xi32, #tpu.memory_space<hbm>> -> memref<1x159x64xi32, #tpu.memory_space<hbm>>
      %dma_wait3A_342 = tpu.memref_squeeze %dma_wait3A_341 : memref<1x159x64xi32, #tpu.memory_space<hbm>> -> memref<159x64xi32, #tpu.memory_space<hbm>>
      tpu.wait_dma2 semaphore(%run_scoped3A : memref<!tpu.dma_semaphore, #tpu.memory_space<semaphore_mem>>) src(%dma_wait3A_342 : memref<159x64xi32, #tpu.memory_space<hbm>>) dst(%arg6 : memref<159x64xi32, #tpu.memory_space<vmem>>)
      tpu.yield
    }) : () -> ()
    %get3A = arith.constant 0 : i32
    %get3A_1 = arith.index_cast %get3A : i32 to index
    %get3A_2 = arith.constant 0 : index
    %get3A_3 = tpu.vector_load %arg6[%get3A_1, %get3A_2] {strides = array<i32>} : memref<159x64xi32, #tpu.memory_space<vmem>>, vector<1x16xi32>,
    %get3A_4 = vector.shape_cast %get3A_3 : vector<1x16xi32> to vector<16xi32>
    %and3A = arith.constant 65535 : i32
    %and3A_5 = vector.broadcast %and3A : i32 to vector<16xi32>
    %and3A_6 = arith.andi %get3A_4, %and3A_5 : vector<16xi32>
    %swap3A = arith.constant 0 : i32
    %swap3A_7 = arith.index_cast %swap3A : i32 to index
    %swap3A_8 = arith.constant 0 : index
    %swap3A_9 = tpu.vector_load %arg7[%swap3A_7, %swap3A_8] {strides = array<i32>} : memref<2x64xi32, #tpu.memory_space<vmem>>, vector<1x16xi32>,
    %swap3A_10 = vector.shape_cast %swap3A_9 : vector<1x16xi32> to vector<16xi32>
    %swap3A_11 = vector.shape_cast %and3A_6 : vector<16xi32> to vector<1x16xi32>
    tpu.vector_store %arg7[%swap3A_7, %swap3A_8], %swap3A_11 {strides = array<i32>} : memref<2x64xi32, #tpu.memory_space<vmem>>, vector<1x16xi32>,
    %shift_right_logical3A = arith.constant 16 : i32
    %shift_right_logical3A_12 = vector.broadcast %shift_right_logical3A : i32 to vector<16xi32>
    %shift_right_logical3A_13 = arith.shrui %get3A_4, %shift_right_logical3A_12 : vector<16xi32>
    %swap3A_14 = arith.constant 1 : i32
    %swap3A_15 = arith.index_cast %swap3A_14 : i32 to index
    %swap3A_16 = arith.constant 0 : index
    %swap3A_17 = tpu.vector_load %arg7[%swap3A_15, %swap3A_16] {strides = array<i32>} : memref<2x64xi32, #tpu.memory_space<vmem>>, vector<1x16xi32>,
    %swap3A_18 = vector.shape_cast %swap3A_17 : vector<1x16xi32> to vector<16xi32>
    %swap3A_19 = vector.shape_cast %shift_right_logical3A_13 : vector<16xi32> to vector<1x16xi32>
    tpu.vector_store %arg7[%swap3A_15, %swap3A_16], %swap3A_19 {strides = array<i32>} : memref<2x64xi32, #tpu.memory_space<vmem>>, vector<1x16xi32>,
    %get3A_20 = arith.constant 0 : i32
    %get3A_21 = arith.index_cast %get3A_20 : i32 to index
    %get3A_22 = arith.constant 16 : index
    %get3A_23 = tpu.vector_load %arg6[%get3A_21, %get3A_22] {strides = array<i32>} : memref<159x64xi32, #tpu.memory_space<vmem>>, vector<1x16xi32>,
    %get3A_24 = vector.shape_cast %get3A_23 : vector<1x16xi32> to vector<16xi32>
    %and3A_25 = arith.constant 65535 : i32
    %and3A_26 = vector.broadcast %and3A_25 : i32 to vector<16xi32>
    %and3A_27 = arith.andi %get3A_24, %and3A_26 : vector<16xi32>
    %swap3A_28 = arith.constant 0 : i32
    %swap3A_29 = arith.index_cast %swap3A_28 : i32 to index
    %swap3A_30 = arith.constant 16 : index
    %swap3A_31 = tpu.vector_load %arg7[%swap3A_29, %swap3A_30] {strides = array<i32>} : memref<2x64xi32, #tpu.memory_space<vmem>>, vector<1x16xi32>,
    %swap3A_32 = vector.shape_cast %swap3A_31 : vector<1x16xi32> to vector<16xi32>
    %swap3A_33 = vector.shape_cast %and3A_27 : vector<16xi32> to vector<1x16xi32>
    tpu.vector_store %arg7[%swap3A_29, %swap3A_30], %swap3A_33 {strides = array<i32>} : memref<2x64xi32, #tpu.memory_space<vmem>>, vector<1x16xi32>,
    %shift_right_logical3A_34 = arith.constant 16 : i32
    %shift_right_logical3A_35 = vector.broadcast %shift_right_logical3A_34 : i32 to vector<16xi32>
    %shift_right_logical3A_36 = arith.shrui %get3A_24, %shift_right_logical3A_35 : vector<16xi32>
    %swap3A_37 = arith.constant 1 : i32
    %swap3A_38 = arith.index_cast %swap3A_37 : i32 to index
    %swap3A_39 = arith.constant 16 : index
    %swap3A_40 = tpu.vector_load %arg7[%swap3A_38, %swap3A_39] {strides = array<i32>} : memref<2x64xi32, #tpu.memory_space<vmem>>, vector<1x16xi32>,
    %swap3A_41 = vector.shape_cast %swap3A_40 : vector<1x16xi32> to vector<16xi32>
    %swap3A_42 = vector.shape_cast %shift_right_logical3A_36 : vector<16xi32> to vector<1x16xi32>
    tpu.vector_store %arg7[%swap3A_38, %swap3A_39], %swap3A_42 {strides = array<i32>} : memref<2x64xi32, #tpu.memory_space<vmem>>, vector<1x16xi32>,
    %get3A_43 = arith.constant 0 : i32
    %get3A_44 = arith.index_cast %get3A_43 : i32 to index
    %get3A_45 = arith.constant 32 : index
    %get3A_46 = tpu.vector_load %arg6[%get3A_44, %get3A_45] {strides = array<i32>} : memref<159x64xi32, #tpu.memory_space<vmem>>, vector<1x16xi32>,
    %get3A_47 = vector.shape_cast %get3A_46 : vector<1x16xi32> to vector<16xi32>
    %and3A_48 = arith.constant 65535 : i32
    %and3A_49 = vector.broadcast %and3A_48 : i32 to vector<16xi32>
    %and3A_50 = arith.andi %get3A_47, %and3A_49 : vector<16xi32>
    %swap3A_51 = arith.constant 0 : i32
    %swap3A_52 = arith.index_cast %swap3A_51 : i32 to index
    %swap3A_53 = arith.constant 32 : index
    %swap3A_54 = tpu.vector_load %arg7[%swap3A_52, %swap3A_53] {strides = array<i32>} : memref<2x64xi32, #tpu.memory_space<vmem>>, vector<1x16xi32>,
    %swap3A_55 = vector.shape_cast %swap3A_54 : vector<1x16xi32> to vector<16xi32>
    %swap3A_56 = vector.shape_cast %and3A_50 : vector<16xi32> to vector<1x16xi32>
    tpu.vector_store %arg7[%swap3A_52, %swap3A_53], %swap3A_56 {strides = array<i32>} : memref<2x64xi32, #tpu.memory_space<vmem>>, vector<1x16xi32>,
    %shift_right_logical3A_57 = arith.constant 16 : i32
    %shift_right_logical3A_58 = vector.broadcast %shift_right_logical3A_57 : i32 to vector<16xi32>
    %shift_right_logical3A_59 = arith.shrui %get3A_47, %shift_right_logical3A_58 : vector<16xi32>
    %swap3A_60 = arith.constant 1 : i32
    %swap3A_61 = arith.index_cast %swap3A_60 : i32 to index
    %swap3A_62 = arith.constant 32 : index
    %swap3A_63 = tpu.vector_load %arg7[%swap3A_61, %swap3A_62] {strides = array<i32>} : memref<2x64xi32, #tpu.memory_space<vmem>>, vector<1x16xi32>,
    %swap3A_64 = vector.shape_cast %swap3A_63 : vector<1x16xi32> to vector<16xi32>
    %swap3A_65 = vector.shape_cast %shift_right_logical3A_59 : vector<16xi32> to vector<1x16xi32>
    tpu.vector_store %arg7[%swap3A_61, %swap3A_62], %swap3A_65 {strides = array<i32>} : memref<2x64xi32, #tpu.memory_space<vmem>>, vector<1x16xi32>,
    %get3A_66 = arith.constant 0 : i32
    %get3A_67 = arith.index_cast %get3A_66 : i32 to index
    %get3A_68 = arith.constant 48 : index
    %get3A_69 = tpu.vector_load %arg6[%get3A_67, %get3A_68] {strides = array<i32>} : memref<159x64xi32, #tpu.memory_space<vmem>>, vector<1x16xi32>,
    %get3A_70 = vector.shape_cast %get3A_69 : vector<1x16xi32> to vector<16xi32>
    %and3A_71 = arith.constant 65535 : i32
    %and3A_72 = vector.broadcast %and3A_71 : i32 to vector<16xi32>
    %and3A_73 = arith.andi %get3A_70, %and3A_72 : vector<16xi32>
    %swap3A_74 = arith.constant 0 : i32
    %swap3A_75 = arith.index_cast %swap3A_74 : i32 to index
    %swap3A_76 = arith.constant 48 : index
    %swap3A_77 = tpu.vector_load %arg7[%swap3A_75, %swap3A_76] {strides = array<i32>} : memref<2x64xi32, #tpu.memory_space<vmem>>, vector<1x16xi32>,
    %swap3A_78 = vector.shape_cast %swap3A_77 : vector<1x16xi32> to vector<16xi32>
    %swap3A_79 = vector.shape_cast %and3A_73 : vector<16xi32> to vector<1x16xi32>
    tpu.vector_store %arg7[%swap3A_75, %swap3A_76], %swap3A_79 {strides = array<i32>} : memref<2x64xi32, #tpu.memory_space<vmem>>, vector<1x16xi32>,
    %shift_right_logical3A_80 = arith.constant 16 : i32
    %shift_right_logical3A_81 = vector.broadcast %shift_right_logical3A_80 : i32 to vector<16xi32>
    %shift_right_logical3A_82 = arith.shrui %get3A_70, %shift_right_logical3A_81 : vector<16xi32>
    %swap3A_83 = arith.constant 1 : i32
    %swap3A_84 = arith.index_cast %swap3A_83 : i32 to index
    %swap3A_85 = arith.constant 48 : index
    %swap3A_86 = tpu.vector_load %arg7[%swap3A_84, %swap3A_85] {strides = array<i32>} : memref<2x64xi32, #tpu.memory_space<vmem>>, vector<1x16xi32>,
    %swap3A_87 = vector.shape_cast %swap3A_86 : vector<1x16xi32> to vector<16xi32>
    %swap3A_88 = vector.shape_cast %shift_right_logical3A_82 : vector<16xi32> to vector<1x16xi32>
    tpu.vector_store %arg7[%swap3A_84, %swap3A_85], %swap3A_88 {strides = array<i32>} : memref<2x64xi32, #tpu.memory_space<vmem>>, vector<1x16xi32>,
    %dma_start3A = arith.constant 0 : i32
    %dma_start3A_89 = arith.constant 0 : i32
    %dma_start3A_90 = tpu.memref_slice %arg7[%dma_start3A, %dma_start3A_89] : memref<2x64xi32, #tpu.memory_space<vmem>> -> memref<1x64xi32, #tpu.memory_space<vmem>>
    %dma_start3A_91 = tpu.memref_squeeze %dma_start3A_90 : memref<1x64xi32, #tpu.memory_space<vmem>> -> memref<64xi32, #tpu.memory_space<vmem>>
    %dma_start3A_92 = arith.constant 0 : i32
    %dma_start3A_93 = arith.constant 0 : i32
    %dma_start3A_94 = tpu.memref_slice %arg2[%dma_start3A_92, %dma_start3A_93] : memref<10000x128xf32, #tpu.memory_space<hbm>> -> memref<10000x128xf32, #tpu.memory_space<hbm>>
    tpu.enqueue_indirect_dma source(%dma_start3A_94 : memref<10000x128xf32, #tpu.memory_space<hbm>>) target(%arg10 : memref<64x128xf32, #tpu.memory_space<vmem>>) offsets(%dma_start3A_91 : memref<64xi32, #tpu.memory_space<vmem>>) semaphore(%arg15 : memref<!tpu.dma_semaphore, #tpu.memory_space<semaphore_mem>>)
    %get3A_95 = arith.constant 1 : i32
    %get3A_96 = arith.index_cast %get3A_95 : i32 to index
    %get3A_97 = arith.constant 0 : index
    %get3A_98 = tpu.vector_load %arg6[%get3A_96, %get3A_97] {strides = array<i32>} : memref<159x64xi32, #tpu.memory_space<vmem>>, vector<1x16xi32>,
    %get3A_99 = vector.shape_cast %get3A_98 : vector<1x16xi32> to vector<16xi32>
    %and3A_100 = arith.constant 65535 : i32
    %and3A_101 = vector.broadcast %and3A_100 : i32 to vector<16xi32>
    %and3A_102 = arith.andi %get3A_99, %and3A_101 : vector<16xi32>
    %swap3A_103 = arith.constant 0 : i32
    %swap3A_104 = arith.index_cast %swap3A_103 : i32 to index
    %swap3A_105 = arith.constant 0 : index
    %swap3A_106 = tpu.vector_load %arg8[%swap3A_104, %swap3A_105] {strides = array<i32>} : memref<2x64xi32, #tpu.memory_space<vmem>>, vector<1x16xi32>,
    %swap3A_107 = vector.shape_cast %swap3A_106 : vector<1x16xi32> to vector<16xi32>
    %swap3A_108 = vector.shape_cast %and3A_102 : vector<16xi32> to vector<1x16xi32>
    tpu.vector_store %arg8[%swap3A_104, %swap3A_105], %swap3A_108 {strides = array<i32>} : memref<2x64xi32, #tpu.memory_space<vmem>>, vector<1x16xi32>,
    %shift_right_logical3A_109 = arith.constant 16 : i32
    %shift_right_logical3A_110 = vector.broadcast %shift_right_logical3A_109 : i32 to vector<16xi32>
    %shift_right_logical3A_111 = arith.shrui %get3A_99, %shift_right_logical3A_110 : vector<16xi32>
    %swap3A_112 = arith.constant 1 : i32
    %swap3A_113 = arith.index_cast %swap3A_112 : i32 to index
    %swap3A_114 = arith.constant 0 : index
    %swap3A_115 = tpu.vector_load %arg8[%swap3A_113, %swap3A_114] {strides = array<i32>} : memref<2x64xi32, #tpu.memory_space<vmem>>, vector<1x16xi32>,
    %swap3A_116 = vector.shape_cast %swap3A_115 : vector<1x16xi32> to vector<16xi32>
    %swap3A_117 = vector.shape_cast %shift_right_logical3A_111 : vector<16xi32> to vector<1x16xi32>
    tpu.vector_store %arg8[%swap3A_113, %swap3A_114], %swap3A_117 {strides = array<i32>} : memref<2x64xi32, #tpu.memory_space<vmem>>, vector<1x16xi32>,
    %get3A_118 = arith.constant 1 : i32
    %get3A_119 = arith.index_cast %get3A_118 : i32 to index
    %get3A_120 = arith.constant 16 : index
    %get3A_121 = tpu.vector_load %arg6[%get3A_119, %get3A_120] {strides = array<i32>} : memref<159x64xi32, #tpu.memory_space<vmem>>, vector<1x16xi32>,
    %get3A_122 = vector.shape_cast %get3A_121 : vector<1x16xi32> to vector<16xi32>
    %and3A_123 = arith.constant 65535 : i32
    %and3A_124 = vector.broadcast %and3A_123 : i32 to vector<16xi32>
    %and3A_125 = arith.andi %get3A_122, %and3A_124 : vector<16xi32>
    %swap3A_126 = arith.constant 0 : i32
    %swap3A_127 = arith.index_cast %swap3A_126 : i32 to index
    %swap3A_128 = arith.constant 16 : index
    %swap3A_129 = tpu.vector_load %arg8[%swap3A_127, %swap3A_128] {strides = array<i32>} : memref<2x64xi32, #tpu.memory_space<vmem>>, vector<1x16xi32>,
    %swap3A_130 = vector.shape_cast %swap3A_129 : vector<1x16xi32> to vector<16xi32>
    %swap3A_131 = vector.shape_cast %and3A_125 : vector<16xi32> to vector<1x16xi32>
    tpu.vector_store %arg8[%swap3A_127, %swap3A_128], %swap3A_131 {strides = array<i32>} : memref<2x64xi32, #tpu.memory_space<vmem>>, vector<1x16xi32>,
    %shift_right_logical3A_132 = arith.constant 16 : i32
    %shift_right_logical3A_133 = vector.broadcast %shift_right_logical3A_132 : i32 to vector<16xi32>
    %shift_right_logical3A_134 = arith.shrui %get3A_122, %shift_right_logical3A_133 : vector<16xi32>
    %swap3A_135 = arith.constant 1 : i32
    %swap3A_136 = arith.index_cast %swap3A_135 : i32 to index
    %swap3A_137 = arith.constant 16 : index
    %swap3A_138 = tpu.vector_load %arg8[%swap3A_136, %swap3A_137] {strides = array<i32>} : memref<2x64xi32, #tpu.memory_space<vmem>>, vector<1x16xi32>,
    %swap3A_139 = vector.shape_cast %swap3A_138 : vector<1x16xi32> to vector<16xi32>
    %swap3A_140 = vector.shape_cast %shift_right_logical3A_134 : vector<16xi32> to vector<1x16xi32>
    tpu.vector_store %arg8[%swap3A_136, %swap3A_137], %swap3A_140 {strides = array<i32>} : memref<2x64xi32, #tpu.memory_space<vmem>>, vector<1x16xi32>,
    %get3A_141 = arith.constant 1 : i32
    %get3A_142 = arith.index_cast %get3A_141 : i32 to index
    %get3A_143 = arith.constant 32 : index
    %get3A_144 = tpu.vector_load %arg6[%get3A_142, %get3A_143] {strides = array<i32>} : memref<159x64xi32, #tpu.memory_space<vmem>>, vector<1x16xi32>,
    %get3A_145 = vector.shape_cast %get3A_144 : vector<1x16xi32> to vector<16xi32>
    %and3A_146 = arith.constant 65535 : i32
    %and3A_147 = vector.broadcast %and3A_146 : i32 to vector<16xi32>
    %and3A_148 = arith.andi %get3A_145, %and3A_147 : vector<16xi32>
    %swap3A_149 = arith.constant 0 : i32
    %swap3A_150 = arith.index_cast %swap3A_149 : i32 to index
    %swap3A_151 = arith.constant 32 : index
    %swap3A_152 = tpu.vector_load %arg8[%swap3A_150, %swap3A_151] {strides = array<i32>} : memref<2x64xi32, #tpu.memory_space<vmem>>, vector<1x16xi32>,
    %swap3A_153 = vector.shape_cast %swap3A_152 : vector<1x16xi32> to vector<16xi32>
    %swap3A_154 = vector.shape_cast %and3A_148 : vector<16xi32> to vector<1x16xi32>
    tpu.vector_store %arg8[%swap3A_150, %swap3A_151], %swap3A_154 {strides = array<i32>} : memref<2x64xi32, #tpu.memory_space<vmem>>, vector<1x16xi32>,
    %shift_right_logical3A_155 = arith.constant 16 : i32
    %shift_right_logical3A_156 = vector.broadcast %shift_right_logical3A_155 : i32 to vector<16xi32>
    %shift_right_logical3A_157 = arith.shrui %get3A_145, %shift_right_logical3A_156 : vector<16xi32>
    %swap3A_158 = arith.constant 1 : i32
    %swap3A_159 = arith.index_cast %swap3A_158 : i32 to index
    %swap3A_160 = arith.constant 32 : index
    %swap3A_161 = tpu.vector_load %arg8[%swap3A_159, %swap3A_160] {strides = array<i32>} : memref<2x64xi32, #tpu.memory_space<vmem>>, vector<1x16xi32>,
    %swap3A_162 = vector.shape_cast %swap3A_161 : vector<1x16xi32> to vector<16xi32>
    %swap3A_163 = vector.shape_cast %shift_right_logical3A_157 : vector<16xi32> to vector<1x16xi32>
    tpu.vector_store %arg8[%swap3A_159, %swap3A_160], %swap3A_163 {strides = array<i32>} : memref<2x64xi32, #tpu.memory_space<vmem>>, vector<1x16xi32>,
    %get3A_164 = arith.constant 1 : i32
    %get3A_165 = arith.index_cast %get3A_164 : i32 to index
    %get3A_166 = arith.constant 48 : index
    %get3A_167 = tpu.vector_load %arg6[%get3A_165, %get3A_166] {strides = array<i32>} : memref<159x64xi32, #tpu.memory_space<vmem>>, vector<1x16xi32>,
    %get3A_168 = vector.shape_cast %get3A_167 : vector<1x16xi32> to vector<16xi32>
    %and3A_169 = arith.constant 65535 : i32
    %and3A_170 = vector.broadcast %and3A_169 : i32 to vector<16xi32>
    %and3A_171 = arith.andi %get3A_168, %and3A_170 : vector<16xi32>
    %swap3A_172 = arith.constant 0 : i32
    %swap3A_173 = arith.index_cast %swap3A_172 : i32 to index
    %swap3A_174 = arith.constant 48 : index
    %swap3A_175 = tpu.vector_load %arg8[%swap3A_173, %swap3A_174] {strides = array<i32>} : memref<2x64xi32, #tpu.memory_space<vmem>>, vector<1x16xi32>,
    %swap3A_176 = vector.shape_cast %swap3A_175 : vector<1x16xi32> to vector<16xi32>
    %swap3A_177 = vector.shape_cast %and3A_171 : vector<16xi32> to vector<1x16xi32>
    tpu.vector_store %arg8[%swap3A_173, %swap3A_174], %swap3A_177 {strides = array<i32>} : memref<2x64xi32, #tpu.memory_space<vmem>>, vector<1x16xi32>,
    %shift_right_logical3A_178 = arith.constant 16 : i32
    %shift_right_logical3A_179 = vector.broadcast %shift_right_logical3A_178 : i32 to vector<16xi32>
    %shift_right_logical3A_180 = arith.shrui %get3A_168, %shift_right_logical3A_179 : vector<16xi32>
    %swap3A_181 = arith.constant 1 : i32
    %swap3A_182 = arith.index_cast %swap3A_181 : i32 to index
    %swap3A_183 = arith.constant 48 : index
    %swap3A_184 = tpu.vector_load %arg8[%swap3A_182, %swap3A_183] {strides = array<i32>} : memref<2x64xi32, #tpu.memory_space<vmem>>, vector<1x16xi32>,
    %swap3A_185 = vector.shape_cast %swap3A_184 : vector<1x16xi32> to vector<16xi32>
    %swap3A_186 = vector.shape_cast %shift_right_logical3A_180 : vector<16xi32> to vector<1x16xi32>
    tpu.vector_store %arg8[%swap3A_182, %swap3A_183], %swap3A_186 {strides = array<i32>} : memref<2x64xi32, #tpu.memory_space<vmem>>, vector<1x16xi32>,
    %dma_start3A_187 = arith.constant 0 : i32
    %dma_start3A_188 = arith.constant 0 : i32
    %dma_start3A_189 = tpu.memref_slice %arg8[%dma_start3A_187, %dma_start3A_188] : memref<2x64xi32, #tpu.memory_space<vmem>> -> memref<1x64xi32, #tpu.memory_space<vmem>>
    %dma_start3A_190 = tpu.memref_squeeze %dma_start3A_189 : memref<1x64xi32, #tpu.memory_space<vmem>> -> memref<64xi32, #tpu.memory_space<vmem>>
    %dma_start3A_191 = arith.constant 0 : i32
    %dma_start3A_192 = arith.constant 0 : i32
    %dma_start3A_193 = tpu.memref_slice %arg2[%dma_start3A_191, %dma_start3A_192] : memref<10000x128xf32, #tpu.memory_space<hbm>> -> memref<10000x128xf32, #tpu.memory_space<hbm>>
    tpu.enqueue_indirect_dma source(%dma_start3A_193 : memref<10000x128xf32, #tpu.memory_space<hbm>>) target(%arg11 : memref<64x128xf32, #tpu.memory_space<vmem>>) offsets(%dma_start3A_190 : memref<64xi32, #tpu.memory_space<vmem>>) semaphore(%arg16 : memref<!tpu.dma_semaphore, #tpu.memory_space<semaphore_mem>>)
    %get3A_194 = arith.constant 2 : i32
    %get3A_195 = arith.index_cast %get3A_194 : i32 to index
    %get3A_196 = arith.constant 0 : index
    %get3A_197 = tpu.vector_load %arg6[%get3A_195, %get3A_196] {strides = array<i32>} : memref<159x64xi32, #tpu.memory_space<vmem>>, vector<1x16xi32>,
    %get3A_198 = vector.shape_cast %get3A_197 : vector<1x16xi32> to vector<16xi32>
    %and3A_199 = arith.constant 65535 : i32
    %and3A_200 = vector.broadcast %and3A_199 : i32 to vector<16xi32>
    %and3A_201 = arith.andi %get3A_198, %and3A_200 : vector<16xi32>
    %swap3A_202 = arith.constant 0 : i32
    %swap3A_203 = arith.index_cast %swap3A_202 : i32 to index
    %swap3A_204 = arith.constant 0 : index
    %swap3A_205 = tpu.vector_load %arg9[%swap3A_203, %swap3A_204] {strides = array<i32>} : memref<2x64xi32, #tpu.memory_space<vmem>>, vector<1x16xi32>,
    %swap3A_206 = vector.shape_cast %swap3A_205 : vector<1x16xi32> to vector<16xi32>
    %swap3A_207 = vector.shape_cast %and3A_201 : vector<16xi32> to vector<1x16xi32>
    tpu.vector_store %arg9[%swap3A_203, %swap3A_204], %swap3A_207 {strides = array<i32>} : memref<2x64xi32, #tpu.memory_space<vmem>>, vector<1x16xi32>,
    %shift_right_logical3A_208 = arith.constant 16 : i32
    %shift_right_logical3A_209 = vector.broadcast %shift_right_logical3A_208 : i32 to vector<16xi32>
    %shift_right_logical3A_210 = arith.shrui %get3A_198, %shift_right_logical3A_209 : vector<16xi32>
    %swap3A_211 = arith.constant 1 : i32
    %swap3A_212 = arith.index_cast %swap3A_211 : i32 to index
    %swap3A_213 = arith.constant 0 : index
    %swap3A_214 = tpu.vector_load %arg9[%swap3A_212, %swap3A_213] {strides = array<i32>} : memref<2x64xi32, #tpu.memory_space<vmem>>, vector<1x16xi32>,
    %swap3A_215 = vector.shape_cast %swap3A_214 : vector<1x16xi32> to vector<16xi32>
    %swap3A_216 = vector.shape_cast %shift_right_logical3A_210 : vector<16xi32> to vector<1x16xi32>
    tpu.vector_store %arg9[%swap3A_212, %swap3A_213], %swap3A_216 {strides = array<i32>} : memref<2x64xi32, #tpu.memory_space<vmem>>, vector<1x16xi32>,
    %get3A_217 = arith.constant 2 : i32
    %get3A_218 = arith.index_cast %get3A_217 : i32 to index
    %get3A_219 = arith.constant 16 : index
    %get3A_220 = tpu.vector_load %arg6[%get3A_218, %get3A_219] {strides = array<i32>} : memref<159x64xi32, #tpu.memory_space<vmem>>, vector<1x16xi32>,
    %get3A_221 = vector.shape_cast %get3A_220 : vector<1x16xi32> to vector<16xi32>
    %and3A_222 = arith.constant 65535 : i32
    %and3A_223 = vector.broadcast %and3A_222 : i32 to vector<16xi32>
    %and3A_224 = arith.andi %get3A_221, %and3A_223 : vector<16xi32>
    %swap3A_225 = arith.constant 0 : i32
    %swap3A_226 = arith.index_cast %swap3A_225 : i32 to index
    %swap3A_227 = arith.constant 16 : index
    %swap3A_228 = tpu.vector_load %arg9[%swap3A_226, %swap3A_227] {strides = array<i32>} : memref<2x64xi32, #tpu.memory_space<vmem>>, vector<1x16xi32>,
    %swap3A_229 = vector.shape_cast %swap3A_228 : vector<1x16xi32> to vector<16xi32>
    %swap3A_230 = vector.shape_cast %and3A_224 : vector<16xi32> to vector<1x16xi32>
    tpu.vector_store %arg9[%swap3A_226, %swap3A_227], %swap3A_230 {strides = array<i32>} : memref<2x64xi32, #tpu.memory_space<vmem>>, vector<1x16xi32>,
    %shift_right_logical3A_231 = arith.constant 16 : i32
    %shift_right_logical3A_232 = vector.broadcast %shift_right_logical3A_231 : i32 to vector<16xi32>
    %shift_right_logical3A_233 = arith.shrui %get3A_221, %shift_right_logical3A_232 : vector<16xi32>
    %swap3A_234 = arith.constant 1 : i32
    %swap3A_235 = arith.index_cast %swap3A_234 : i32 to index
    %swap3A_236 = arith.constant 16 : index
    %swap3A_237 = tpu.vector_load %arg9[%swap3A_235, %swap3A_236] {strides = array<i32>} : memref<2x64xi32, #tpu.memory_space<vmem>>, vector<1x16xi32>,
    %swap3A_238 = vector.shape_cast %swap3A_237 : vector<1x16xi32> to vector<16xi32>
    %swap3A_239 = vector.shape_cast %shift_right_logical3A_233 : vector<16xi32> to vector<1x16xi32>
    tpu.vector_store %arg9[%swap3A_235, %swap3A_236], %swap3A_239 {strides = array<i32>} : memref<2x64xi32, #tpu.memory_space<vmem>>, vector<1x16xi32>,
    %get3A_240 = arith.constant 2 : i32
    %get3A_241 = arith.index_cast %get3A_240 : i32 to index
    %get3A_242 = arith.constant 32 : index
    %get3A_243 = tpu.vector_load %arg6[%get3A_241, %get3A_242] {strides = array<i32>} : memref<159x64xi32, #tpu.memory_space<vmem>>, vector<1x16xi32>,
    %get3A_244 = vector.shape_cast %get3A_243 : vector<1x16xi32> to vector<16xi32>
    %and3A_245 = arith.constant 65535 : i32
    %and3A_246 = vector.broadcast %and3A_245 : i32 to vector<16xi32>
    %and3A_247 = arith.andi %get3A_244, %and3A_246 : vector<16xi32>
    %swap3A_248 = arith.constant 0 : i32
    %swap3A_249 = arith.index_cast %swap3A_248 : i32 to index
    %swap3A_250 = arith.constant 32 : index
    %swap3A_251 = tpu.vector_load %arg9[%swap3A_249, %swap3A_250] {strides = array<i32>} : memref<2x64xi32, #tpu.memory_space<vmem>>, vector<1x16xi32>,
    %swap3A_252 = vector.shape_cast %swap3A_251 : vector<1x16xi32> to vector<16xi32>
    %swap3A_253 = vector.shape_cast %and3A_247 : vector<16xi32> to vector<1x16xi32>
    tpu.vector_store %arg9[%swap3A_249, %swap3A_250], %swap3A_253 {strides = array<i32>} : memref<2x64xi32, #tpu.memory_space<vmem>>, vector<1x16xi32>,
    %shift_right_logical3A_254 = arith.constant 16 : i32
    %shift_right_logical3A_255 = vector.broadcast %shift_right_logical3A_254 : i32 to vector<16xi32>
    %shift_right_logical3A_256 = arith.shrui %get3A_244, %shift_right_logical3A_255 : vector<16xi32>
    %swap3A_257 = arith.constant 1 : i32
    %swap3A_258 = arith.index_cast %swap3A_257 : i32 to index
    %swap3A_259 = arith.constant 32 : index
    %swap3A_260 = tpu.vector_load %arg9[%swap3A_258, %swap3A_259] {strides = array<i32>} : memref<2x64xi32, #tpu.memory_space<vmem>>, vector<1x16xi32>,
    %swap3A_261 = vector.shape_cast %swap3A_260 : vector<1x16xi32> to vector<16xi32>
    %swap3A_262 = vector.shape_cast %shift_right_logical3A_256 : vector<16xi32> to vector<1x16xi32>
    tpu.vector_store %arg9[%swap3A_258, %swap3A_259], %swap3A_262 {strides = array<i32>} : memref<2x64xi32, #tpu.memory_space<vmem>>, vector<1x16xi32>,
    %get3A_263 = arith.constant 2 : i32
    %get3A_264 = arith.index_cast %get3A_263 : i32 to index
    %get3A_265 = arith.constant 48 : index
    %get3A_266 = tpu.vector_load %arg6[%get3A_264, %get3A_265] {strides = array<i32>} : memref<159x64xi32, #tpu.memory_space<vmem>>, vector<1x16xi32>,
    %get3A_267 = vector.shape_cast %get3A_266 : vector<1x16xi32> to vector<16xi32>
    %and3A_268 = arith.constant 65535 : i32
    %and3A_269 = vector.broadcast %and3A_268 : i32 to vector<16xi32>
    %and3A_270 = arith.andi %get3A_267, %and3A_269 : vector<16xi32>
    %swap3A_271 = arith.constant 0 : i32
    %swap3A_272 = arith.index_cast %swap3A_271 : i32 to index
    %swap3A_273 = arith.constant 48 : index
    %swap3A_274 = tpu.vector_load %arg9[%swap3A_272, %swap3A_273] {strides = array<i32>} : memref<2x64xi32, #tpu.memory_space<vmem>>, vector<1x16xi32>,
    %swap3A_275 = vector.shape_cast %swap3A_274 : vector<1x16xi32> to vector<16xi32>
    %swap3A_276 = vector.shape_cast %and3A_270 : vector<16xi32> to vector<1x16xi32>
    tpu.vector_store %arg9[%swap3A_272, %swap3A_273], %swap3A_276 {strides = array<i32>} : memref<2x64xi32, #tpu.memory_space<vmem>>, vector<1x16xi32>,
    %shift_right_logical3A_277 = arith.constant 16 : i32
    %shift_right_logical3A_278 = vector.broadcast %shift_right_logical3A_277 : i32 to vector<16xi32>
    %shift_right_logical3A_279 = arith.shrui %get3A_267, %shift_right_logical3A_278 : vector<16xi32>
    %swap3A_280 = arith.constant 1 : i32
    %swap3A_281 = arith.index_cast %swap3A_280 : i32 to index
    %swap3A_282 = arith.constant 48 : index
    %swap3A_283 = tpu.vector_load %arg9[%swap3A_281, %swap3A_282] {strides = array<i32>} : memref<2x64xi32, #tpu.memory_space<vmem>>, vector<1x16xi32>,
    %swap3A_284 = vector.shape_cast %swap3A_283 : vector<1x16xi32> to vector<16xi32>
    %swap3A_285 = vector.shape_cast %shift_right_logical3A_279 : vector<16xi32> to vector<1x16xi32>
    tpu.vector_store %arg9[%swap3A_281, %swap3A_282], %swap3A_285 {strides = array<i32>} : memref<2x64xi32, #tpu.memory_space<vmem>>, vector<1x16xi32>,
    %dma_start3A_286 = arith.constant 0 : i32
    %dma_start3A_287 = arith.constant 0 : i32
    %dma_start3A_288 = tpu.memref_slice %arg9[%dma_start3A_286, %dma_start3A_287] : memref<2x64xi32, #tpu.memory_space<vmem>> -> memref<1x64xi32, #tpu.memory_space<vmem>>
    %dma_start3A_289 = tpu.memref_squeeze %dma_start3A_288 : memref<1x64xi32, #tpu.memory_space<vmem>> -> memref<64xi32, #tpu.memory_space<vmem>>
    %dma_start3A_290 = arith.constant 0 : i32
    %dma_start3A_291 = arith.constant 0 : i32
    %dma_start3A_292 = tpu.memref_slice %arg2[%dma_start3A_290, %dma_start3A_291] : memref<10000x128xf32, #tpu.memory_space<hbm>> -> memref<10000x128xf32, #tpu.memory_space<hbm>>
    tpu.enqueue_indirect_dma source(%dma_start3A_292 : memref<10000x128xf32, #tpu.memory_space<hbm>>) target(%arg12 : memref<64x128xf32, #tpu.memory_space<vmem>>) offsets(%dma_start3A_289 : memref<64xi32, #tpu.memory_space<vmem>>) semaphore(%arg17 : memref<!tpu.dma_semaphore, #tpu.memory_space<semaphore_mem>>)
    %scan3A = arith.constant 0 : i32
    %scan3A_293 = arith.constant 0 : i32
    %scan3A_294 = arith.constant 8 : i32
    %scan3A_295 = arith.addi %scan3A_293, %scan3A_294 : i32
    %scan3A_296 = arith.constant 1 : i32
    %scan3A_297 = scf.for %scan3A_328 = %scan3A_293 to %scan3A_295 step %scan3A_296 iter_args(%scan3A_329 = %scan3A) -> (i32)  : i32 {
      %scan3A_330 = arith.constant 0 : i32
      %scan3A_331 = arith.constant 0 : i32
      %scan3A_332 = arith.constant 8 : i32
      %scan3A_333 = arith.addi %scan3A_331, %scan3A_332 : i32
      %scan3A_334 = arith.constant 1 : i32
      %scan3A_335 = scf.for %scan3A_338 = %scan3A_331 to %scan3A_333 step %scan3A_334 iter_args(%scan3A_339 = %scan3A_330) -> (i32)  : i32 {
        %broadcast_in_dim3A = arith.constant 0.000000e+00 : f32
        %broadcast_in_dim3A_340 = vector.broadcast %broadcast_in_dim3A : f32 to vector<16xf32>
        %mul3A_341 = arith.constant 16 : i32
        %mul3A_342 = arith.muli %scan3A_338, %mul3A_341 : i32
        %swap3A_343 = arith.index_cast %scan3A_328 : i32 to index
        %swap3A_344 = arith.index_cast %mul3A_342 : i32 to index
        %swap3A_345 = tpu.vector_load %arg13[%swap3A_343, %swap3A_344] {strides = array<i32>} : memref<8x128xf32, #tpu.memory_space<vmem>>, vector<1x16xf32>,
        %swap3A_346 = vector.shape_cast %swap3A_345 : vector<1x16xf32> to vector<16xf32>
        %swap3A_347 = vector.shape_cast %broadcast_in_dim3A_340 : vector<16xf32> to vector<1x16xf32>
        tpu.vector_store %arg13[%swap3A_343, %swap3A_344], %swap3A_347 {strides = array<i32>} : memref<8x128xf32, #tpu.memory_space<vmem>>, vector<1x16xf32>,
        %scan3A_348 = arith.constant 0 : i32
        scf.yield %scan3A_348 : i32
      }
      %scan3A_336 = arith.constant 8 : i32
      %scan3A_337 = arith.constant 0 : i32
      scf.yield %scan3A_337 : i32
    }
    %scan3A_298 = arith.constant 8 : i32
    %scan3A_299 = arith.constant 0 : i32
    %scan3A_300 = arith.constant 0 : i32
    %scan3A_301 = arith.constant 79 : i32
    %scan3A_302 = arith.addi %scan3A_300, %scan3A_301 : i32
    %scan3A_303 = arith.constant 1 : i32
    %scan3A_304 = scf.for %scan3A_328 = %scan3A_300 to %scan3A_302 step %scan3A_303 iter_args(%scan3A_329 = %scan3A_299) -> (i32)  : i32 {
      %mul3A_330 = arith.constant 16 : i32
      %mul3A_331 = arith.muli %scan3A_328, %mul3A_330 : i32
      %add3A_332 = arith.addi %arg1, %mul3A_331 : i32
      %lt3A = arith.constant 1250 : i32
      %lt3A_333 = arith.cmpi slt, %add3A_332, %lt3A : i32
      %convert_element_type3A_334 = arith.extui %lt3A_333 : i1 to i32
      %cond3A_335 = arith.constant 0 : i32
      %cond3A_336 = arith.cmpi ne, %convert_element_type3A_334, %cond3A_335 : i32
      scf.if %cond3A_336 {
        %mul3A_338 = arith.constant 8 : i32
        %mul3A_339 = arith.muli %add3A_332, %mul3A_338 : i32
        %dma_start3A_340 = arith.constant 0 : i32
        %dma_start3A_341 = tpu.memref_slice %arg14[%mul3A_339, %dma_start3A_340] : memref<10000x128xf32, #tpu.memory_space<vmem_shared>> -> memref<8x128xf32, #tpu.memory_space<vmem_shared>>
        %dma_start3A_342 = arith.constant 0 : i32
        %dma_start3A_343 = tpu.memref_slice %arg14[%mul3A_339, %dma_start3A_342] : memref<10000x128xf32, #tpu.memory_space<vmem_shared>> -> memref<8x128xf32, #tpu.memory_space<vmem_shared>>
        tpu.enqueue_dma source(%arg13 : memref<8x128xf32, #tpu.memory_space<vmem>>) target(%dma_start3A_343 : memref<8x128xf32, #tpu.memory_space<vmem_shared>>) target_semaphore(%arg21 : memref<!tpu.dma_semaphore, #tpu.memory_space<semaphore_mem>>)
      } else {
      }
      %scan3A_337 = arith.constant 0 : i32
      scf.yield %scan3A_337 : i32
    }
    %scan3A_305 = arith.constant 79 : i32
    %scan3A_306 = arith.constant 0 : i32
    %scan3A_307 = arith.constant 0 : i32
    %scan3A_308 = arith.constant 79 : i32
    %scan3A_309 = arith.addi %scan3A_307, %scan3A_308 : i32
    %scan3A_310 = arith.constant 1 : i32
    %scan3A_311 = scf.for %scan3A_328 = %scan3A_307 to %scan3A_309 step %scan3A_310 iter_args(%scan3A_329 = %scan3A_306) -> (i32)  : i32 {
      %mul3A_330 = arith.constant 16 : i32
      %mul3A_331 = arith.muli %scan3A_328, %mul3A_330 : i32
      %add3A_332 = arith.addi %arg1, %mul3A_331 : i32
      %lt3A = arith.constant 1250 : i32
      %lt3A_333 = arith.cmpi slt, %add3A_332, %lt3A : i32
      %convert_element_type3A_334 = arith.extui %lt3A_333 : i1 to i32
      %cond3A_335 = arith.constant 0 : i32
      %cond3A_336 = arith.cmpi ne, %convert_element_type3A_334, %cond3A_335 : i32
      scf.if %cond3A_336 {
        %dma_wait3A = arith.constant 0 : i32
        %dma_wait3A_338 = arith.constant 0 : i32
        %dma_wait3A_339 = tpu.memref_slice %arg14[%dma_wait3A, %dma_wait3A_338] : memref<10000x128xf32, #tpu.memory_space<vmem_shared>> -> memref<8x128xf32, #tpu.memory_space<vmem_shared>>
        %dma_wait3A_340 = arith.constant 0 : i32
        %dma_wait3A_341 = arith.constant 0 : i32
        %dma_wait3A_342 = tpu.memref_slice %arg14[%dma_wait3A_340, %dma_wait3A_341] : memref<10000x128xf32, #tpu.memory_space<vmem_shared>> -> memref<8x128xf32, #tpu.memory_space<vmem_shared>>
        tpu.wait_dma2 semaphore(%arg21 : memref<!tpu.dma_semaphore, #tpu.memory_space<semaphore_mem>>) src(%arg13 : memref<8x128xf32, #tpu.memory_space<vmem>>) dst(%dma_wait3A_342 : memref<8x128xf32, #tpu.memory_space<vmem_shared>>)
      } else {
      }
      %scan3A_337 = arith.constant 0 : i32
      scf.yield %scan3A_337 : i32
    }
    %scan3A_312 = arith.constant 79 : i32
    %barrier3A = arith.constant 0 : index
    tpu.barrier barrier_id(%barrier3A)
    %scan3A_313 = arith.constant 0 : i32
    %scan3A_314 = arith.constant 0 : i32
    %scan3A_315 = arith.constant 53 : i32
    %scan3A_316 = arith.addi %scan3A_314, %scan3A_315 : i32
    %scan3A_317 = arith.constant 1 : i32
    %scan3A_318 = scf.for %scan3A_328 = %scan3A_314 to %scan3A_316 step %scan3A_317 iter_args(%scan3A_329 = %scan3A_313) -> (i32)  : i32 {
      %mul3A_330 = arith.constant 3 : i32
      %mul3A_331 = arith.muli %mul3A_330, %scan3A_328 : i32
      %dma_wait3A = arith.constant 0 : i32
      %dma_wait3A_332 = arith.constant 0 : i32
      %dma_wait3A_333 = tpu.memref_slice %arg7[%dma_wait3A, %dma_wait3A_332] : memref<2x64xi32, #tpu.memory_space<vmem>> -> memref<1x64xi32, #tpu.memory_space<vmem>>
      %dma_wait3A_334 = tpu.memref_squeeze %dma_wait3A_333 : memref<1x64xi32, #tpu.memory_space<vmem>> -> memref<64xi32, #tpu.memory_space<vmem>>
      %dma_wait3A_335 = arith.constant 0 : i32
      %dma_wait3A_336 = arith.constant 0 : i32
      %dma_wait3A_337 = tpu.memref_slice %arg2[%dma_wait3A_335, %dma_wait3A_336] : memref<10000x128xf32, #tpu.memory_space<hbm>> -> memref<10000x128xf32, #tpu.memory_space<hbm>>
      tpu.wait_indirect_dma semaphore(%arg15 : memref<!tpu.dma_semaphore, #tpu.memory_space<semaphore_mem>>) src(%dma_wait3A_337 : memref<10000x128xf32, #tpu.memory_space<hbm>>) dst(%arg10 : memref<64x128xf32, #tpu.memory_space<vmem>>)
      %dma_start3A_338 = arith.constant 1 : i32
      %dma_start3A_339 = arith.constant 0 : i32
      %dma_start3A_340 = tpu.memref_slice %arg7[%dma_start3A_338, %dma_start3A_339] : memref<2x64xi32, #tpu.memory_space<vmem>> -> memref<1x64xi32, #tpu.memory_space<vmem>>
      %dma_start3A_341 = tpu.memref_squeeze %dma_start3A_340 : memref<1x64xi32, #tpu.memory_space<vmem>> -> memref<64xi32, #tpu.memory_space<vmem>>
      %dma_start3A_342 = arith.constant 0 : i32
      %dma_start3A_343 = arith.constant 0 : i32
      %dma_start3A_344 = tpu.memref_slice %arg14[%dma_start3A_342, %dma_start3A_343] : memref<10000x128xf32, #tpu.memory_space<vmem_shared>> -> memref<10000x128xf32, #tpu.memory_space<vmem_shared>>
      tpu.enqueue_indirect_dma source(%arg10 : memref<64x128xf32, #tpu.memory_space<vmem>>) target(%dma_start3A_344 : memref<10000x128xf32, #tpu.memory_space<vmem_shared>>) offsets(%dma_start3A_341 : memref<64xi32, #tpu.memory_space<vmem>>) semaphore(%arg18 : memref<!tpu.dma_semaphore, #tpu.memory_space<semaphore_mem>>) {add = true}
      %dma_wait3A_345 = arith.constant 0 : i32
      %dma_wait3A_346 = arith.constant 0 : i32
      %dma_wait3A_347 = tpu.memref_slice %arg8[%dma_wait3A_345, %dma_wait3A_346] : memref<2x64xi32, #tpu.memory_space<vmem>> -> memref<1x64xi32, #tpu.memory_space<vmem>>
      %dma_wait3A_348 = tpu.memref_squeeze %dma_wait3A_347 : memref<1x64xi32, #tpu.memory_space<vmem>> -> memref<64xi32, #tpu.memory_space<vmem>>
      %dma_wait3A_349 = arith.constant 0 : i32
      %dma_wait3A_350 = arith.constant 0 : i32
      %dma_wait3A_351 = tpu.memref_slice %arg2[%dma_wait3A_349, %dma_wait3A_350] : memref<10000x128xf32, #tpu.memory_space<hbm>> -> memref<10000x128xf32, #tpu.memory_space<hbm>>
      tpu.wait_indirect_dma semaphore(%arg16 : memref<!tpu.dma_semaphore, #tpu.memory_space<semaphore_mem>>) src(%dma_wait3A_351 : memref<10000x128xf32, #tpu.memory_space<hbm>>) dst(%arg11 : memref<64x128xf32, #tpu.memory_space<vmem>>)
      %dma_start3A_352 = arith.constant 1 : i32
      %dma_start3A_353 = arith.constant 0 : i32
      %dma_start3A_354 = tpu.memref_slice %arg8[%dma_start3A_352, %dma_start3A_353] : memref<2x64xi32, #tpu.memory_space<vmem>> -> memref<1x64xi32, #tpu.memory_space<vmem>>
      %dma_start3A_355 = tpu.memref_squeeze %dma_start3A_354 : memref<1x64xi32, #tpu.memory_space<vmem>> -> memref<64xi32, #tpu.memory_space<vmem>>
      %dma_start3A_356 = arith.constant 0 : i32
      %dma_start3A_357 = arith.constant 0 : i32
      %dma_start3A_358 = tpu.memref_slice %arg14[%dma_start3A_356, %dma_start3A_357] : memref<10000x128xf32, #tpu.memory_space<vmem_shared>> -> memref<10000x128xf32, #tpu.memory_space<vmem_shared>>
      tpu.enqueue_indirect_dma source(%arg11 : memref<64x128xf32, #tpu.memory_space<vmem>>) target(%dma_start3A_358 : memref<10000x128xf32, #tpu.memory_space<vmem_shared>>) offsets(%dma_start3A_355 : memref<64xi32, #tpu.memory_space<vmem>>) semaphore(%arg19 : memref<!tpu.dma_semaphore, #tpu.memory_space<semaphore_mem>>) {add = true}
      %dma_wait3A_359 = arith.constant 1 : i32
      %dma_wait3A_360 = arith.constant 0 : i32
      %dma_wait3A_361 = tpu.memref_slice %arg7[%dma_wait3A_359, %dma_wait3A_360] : memref<2x64xi32, #tpu.memory_space<vmem>> -> memref<1x64xi32, #tpu.memory_space<vmem>>
      %dma_wait3A_362 = tpu.memref_squeeze %dma_wait3A_361 : memref<1x64xi32, #tpu.memory_space<vmem>> -> memref<64xi32, #tpu.memory_space<vmem>>
      %dma_wait3A_363 = arith.constant 0 : i32
      %dma_wait3A_364 = arith.constant 0 : i32
      %dma_wait3A_365 = tpu.memref_slice %arg14[%dma_wait3A_363, %dma_wait3A_364] : memref<10000x128xf32, #tpu.memory_space<vmem_shared>> -> memref<10000x128xf32, #tpu.memory_space<vmem_shared>>
      tpu.wait_indirect_dma semaphore(%arg18 : memref<!tpu.dma_semaphore, #tpu.memory_space<semaphore_mem>>) src(%arg10 : memref<64x128xf32, #tpu.memory_space<vmem>>) dst(%dma_wait3A_365 : memref<10000x128xf32, #tpu.memory_space<vmem_shared>>)
      %lt3A = arith.constant 52 : i32
      %lt3A_366 = arith.cmpi slt, %scan3A_328, %lt3A : i32
      %convert_element_type3A_367 = arith.extui %lt3A_366 : i1 to i32
      %cond3A_368 = arith.constant 0 : i32
      %cond3A_369 = arith.cmpi ne, %convert_element_type3A_367, %cond3A_368 : i32
      scf.if %cond3A_369 {
        %add3A_409 = arith.constant 3 : i32
        %add3A_410 = arith.addi %mul3A_331, %add3A_409 : i32
        %add3A_411 = arith.constant 1 : i32
        %add3A_412 = arith.addi %add3A_410, %add3A_411 : i32
        %sub3A = arith.constant 1 : i32
        %sub3A_413 = arith.subi %add3A_412, %sub3A : i32
        %get3A_414 = arith.index_cast %sub3A_413 : i32 to index
        %get3A_415 = arith.constant 0 : index
        %get3A_416 = tpu.vector_load %arg6[%get3A_414, %get3A_415] {strides = array<i32>} : memref<159x64xi32, #tpu.memory_space<vmem>>, vector<1x16xi32>,
        %get3A_417 = vector.shape_cast %get3A_416 : vector<1x16xi32> to vector<16xi32>
        %and3A_418 = arith.constant 65535 : i32
        %and3A_419 = vector.broadcast %and3A_418 : i32 to vector<16xi32>
        %and3A_420 = arith.andi %get3A_417, %and3A_419 : vector<16xi32>
        %swap3A_421 = arith.constant 0 : i32
        %swap3A_422 = arith.index_cast %swap3A_421 : i32 to index
        %swap3A_423 = arith.constant 0 : index
        %swap3A_424 = tpu.vector_load %arg7[%swap3A_422, %swap3A_423] {strides = array<i32>} : memref<2x64xi32, #tpu.memory_space<vmem>>, vector<1x16xi32>,
        %swap3A_425 = vector.shape_cast %swap3A_424 : vector<1x16xi32> to vector<16xi32>
        %swap3A_426 = vector.shape_cast %and3A_420 : vector<16xi32> to vector<1x16xi32>
        tpu.vector_store %arg7[%swap3A_422, %swap3A_423], %swap3A_426 {strides = array<i32>} : memref<2x64xi32, #tpu.memory_space<vmem>>, vector<1x16xi32>,
        %shift_right_logical3A_427 = arith.constant 16 : i32
        %shift_right_logical3A_428 = vector.broadcast %shift_right_logical3A_427 : i32 to vector<16xi32>
        %shift_right_logical3A_429 = arith.shrui %get3A_417, %shift_right_logical3A_428 : vector<16xi32>
        %swap3A_430 = arith.constant 1 : i32
        %swap3A_431 = arith.index_cast %swap3A_430 : i32 to index
        %swap3A_432 = arith.constant 0 : index
        %swap3A_433 = tpu.vector_load %arg7[%swap3A_431, %swap3A_432] {strides = array<i32>} : memref<2x64xi32, #tpu.memory_space<vmem>>, vector<1x16xi32>,
        %swap3A_434 = vector.shape_cast %swap3A_433 : vector<1x16xi32> to vector<16xi32>
        %swap3A_435 = vector.shape_cast %shift_right_logical3A_429 : vector<16xi32> to vector<1x16xi32>
        tpu.vector_store %arg7[%swap3A_431, %swap3A_432], %swap3A_435 {strides = array<i32>} : memref<2x64xi32, #tpu.memory_space<vmem>>, vector<1x16xi32>,
        %get3A_436 = arith.index_cast %sub3A_413 : i32 to index
        %get3A_437 = arith.constant 16 : index
        %get3A_438 = tpu.vector_load %arg6[%get3A_436, %get3A_437] {strides = array<i32>} : memref<159x64xi32, #tpu.memory_space<vmem>>, vector<1x16xi32>,
        %get3A_439 = vector.shape_cast %get3A_438 : vector<1x16xi32> to vector<16xi32>
        %and3A_440 = arith.constant 65535 : i32
        %and3A_441 = vector.broadcast %and3A_440 : i32 to vector<16xi32>
        %and3A_442 = arith.andi %get3A_439, %and3A_441 : vector<16xi32>
        %swap3A_443 = arith.constant 0 : i32
        %swap3A_444 = arith.index_cast %swap3A_443 : i32 to index
        %swap3A_445 = arith.constant 16 : index
        %swap3A_446 = tpu.vector_load %arg7[%swap3A_444, %swap3A_445] {strides = array<i32>} : memref<2x64xi32, #tpu.memory_space<vmem>>, vector<1x16xi32>,
        %swap3A_447 = vector.shape_cast %swap3A_446 : vector<1x16xi32> to vector<16xi32>
        %swap3A_448 = vector.shape_cast %and3A_442 : vector<16xi32> to vector<1x16xi32>
        tpu.vector_store %arg7[%swap3A_444, %swap3A_445], %swap3A_448 {strides = array<i32>} : memref<2x64xi32, #tpu.memory_space<vmem>>, vector<1x16xi32>,
        %shift_right_logical3A_449 = arith.constant 16 : i32
        %shift_right_logical3A_450 = vector.broadcast %shift_right_logical3A_449 : i32 to vector<16xi32>
        %shift_right_logical3A_451 = arith.shrui %get3A_439, %shift_right_logical3A_450 : vector<16xi32>
        %swap3A_452 = arith.constant 1 : i32
        %swap3A_453 = arith.index_cast %swap3A_452 : i32 to index
        %swap3A_454 = arith.constant 16 : index
        %swap3A_455 = tpu.vector_load %arg7[%swap3A_453, %swap3A_454] {strides = array<i32>} : memref<2x64xi32, #tpu.memory_space<vmem>>, vector<1x16xi32>,
        %swap3A_456 = vector.shape_cast %swap3A_455 : vector<1x16xi32> to vector<16xi32>
        %swap3A_457 = vector.shape_cast %shift_right_logical3A_451 : vector<16xi32> to vector<1x16xi32>
        tpu.vector_store %arg7[%swap3A_453, %swap3A_454], %swap3A_457 {strides = array<i32>} : memref<2x64xi32, #tpu.memory_space<vmem>>, vector<1x16xi32>,
        %get3A_458 = arith.index_cast %sub3A_413 : i32 to index
        %get3A_459 = arith.constant 32 : index
        %get3A_460 = tpu.vector_load %arg6[%get3A_458, %get3A_459] {strides = array<i32>} : memref<159x64xi32, #tpu.memory_space<vmem>>, vector<1x16xi32>,
        %get3A_461 = vector.shape_cast %get3A_460 : vector<1x16xi32> to vector<16xi32>
        %and3A_462 = arith.constant 65535 : i32
        %and3A_463 = vector.broadcast %and3A_462 : i32 to vector<16xi32>
        %and3A_464 = arith.andi %get3A_461, %and3A_463 : vector<16xi32>
        %swap3A_465 = arith.constant 0 : i32
        %swap3A_466 = arith.index_cast %swap3A_465 : i32 to index
        %swap3A_467 = arith.constant 32 : index
        %swap3A_468 = tpu.vector_load %arg7[%swap3A_466, %swap3A_467] {strides = array<i32>} : memref<2x64xi32, #tpu.memory_space<vmem>>, vector<1x16xi32>,
        %swap3A_469 = vector.shape_cast %swap3A_468 : vector<1x16xi32> to vector<16xi32>
        %swap3A_470 = vector.shape_cast %and3A_464 : vector<16xi32> to vector<1x16xi32>
        tpu.vector_store %arg7[%swap3A_466, %swap3A_467], %swap3A_470 {strides = array<i32>} : memref<2x64xi32, #tpu.memory_space<vmem>>, vector<1x16xi32>,
        %shift_right_logical3A_471 = arith.constant 16 : i32
        %shift_right_logical3A_472 = vector.broadcast %shift_right_logical3A_471 : i32 to vector<16xi32>
        %shift_right_logical3A_473 = arith.shrui %get3A_461, %shift_right_logical3A_472 : vector<16xi32>
        %swap3A_474 = arith.constant 1 : i32
        %swap3A_475 = arith.index_cast %swap3A_474 : i32 to index
        %swap3A_476 = arith.constant 32 : index
        %swap3A_477 = tpu.vector_load %arg7[%swap3A_475, %swap3A_476] {strides = array<i32>} : memref<2x64xi32, #tpu.memory_space<vmem>>, vector<1x16xi32>,
        %swap3A_478 = vector.shape_cast %swap3A_477 : vector<1x16xi32> to vector<16xi32>
        %swap3A_479 = vector.shape_cast %shift_right_logical3A_473 : vector<16xi32> to vector<1x16xi32>
        tpu.vector_store %arg7[%swap3A_475, %swap3A_476], %swap3A_479 {strides = array<i32>} : memref<2x64xi32, #tpu.memory_space<vmem>>, vector<1x16xi32>,
        %get3A_480 = arith.index_cast %sub3A_413 : i32 to index
        %get3A_481 = arith.constant 48 : index
        %get3A_482 = tpu.vector_load %arg6[%get3A_480, %get3A_481] {strides = array<i32>} : memref<159x64xi32, #tpu.memory_space<vmem>>, vector<1x16xi32>,
        %get3A_483 = vector.shape_cast %get3A_482 : vector<1x16xi32> to vector<16xi32>
        %and3A_484 = arith.constant 65535 : i32
        %and3A_485 = vector.broadcast %and3A_484 : i32 to vector<16xi32>
        %and3A_486 = arith.andi %get3A_483, %and3A_485 : vector<16xi32>
        %swap3A_487 = arith.constant 0 : i32
        %swap3A_488 = arith.index_cast %swap3A_487 : i32 to index
        %swap3A_489 = arith.constant 48 : index
        %swap3A_490 = tpu.vector_load %arg7[%swap3A_488, %swap3A_489] {strides = array<i32>} : memref<2x64xi32, #tpu.memory_space<vmem>>, vector<1x16xi32>,
        %swap3A_491 = vector.shape_cast %swap3A_490 : vector<1x16xi32> to vector<16xi32>
        %swap3A_492 = vector.shape_cast %and3A_486 : vector<16xi32> to vector<1x16xi32>
        tpu.vector_store %arg7[%swap3A_488, %swap3A_489], %swap3A_492 {strides = array<i32>} : memref<2x64xi32, #tpu.memory_space<vmem>>, vector<1x16xi32>,
        %shift_right_logical3A_493 = arith.constant 16 : i32
        %shift_right_logical3A_494 = vector.broadcast %shift_right_logical3A_493 : i32 to vector<16xi32>
        %shift_right_logical3A_495 = arith.shrui %get3A_483, %shift_right_logical3A_494 : vector<16xi32>
        %swap3A_496 = arith.constant 1 : i32
        %swap3A_497 = arith.index_cast %swap3A_496 : i32 to index
        %swap3A_498 = arith.constant 48 : index
        %swap3A_499 = tpu.vector_load %arg7[%swap3A_497, %swap3A_498] {strides = array<i32>} : memref<2x64xi32, #tpu.memory_space<vmem>>, vector<1x16xi32>,
        %swap3A_500 = vector.shape_cast %swap3A_499 : vector<1x16xi32> to vector<16xi32>
        %swap3A_501 = vector.shape_cast %shift_right_logical3A_495 : vector<16xi32> to vector<1x16xi32>
        tpu.vector_store %arg7[%swap3A_497, %swap3A_498], %swap3A_501 {strides = array<i32>} : memref<2x64xi32, #tpu.memory_space<vmem>>, vector<1x16xi32>,
        %dma_start3A_502 = arith.constant 0 : i32
        %dma_start3A_503 = arith.constant 0 : i32
        %dma_start3A_504 = tpu.memref_slice %arg7[%dma_start3A_502, %dma_start3A_503] : memref<2x64xi32, #tpu.memory_space<vmem>> -> memref<1x64xi32, #tpu.memory_space<vmem>>
        %dma_start3A_505 = tpu.memref_squeeze %dma_start3A_504 : memref<1x64xi32, #tpu.memory_space<vmem>> -> memref<64xi32, #tpu.memory_space<vmem>>
        %dma_start3A_506 = arith.constant 0 : i32
        %dma_start3A_507 = arith.constant 0 : i32
        %dma_start3A_508 = tpu.memref_slice %arg2[%dma_start3A_506, %dma_start3A_507] : memref<10000x128xf32, #tpu.memory_space<hbm>> -> memref<10000x128xf32, #tpu.memory_space<hbm>>
        tpu.enqueue_indirect_dma source(%dma_start3A_508 : memref<10000x128xf32, #tpu.memory_space<hbm>>) target(%arg10 : memref<64x128xf32, #tpu.memory_space<vmem>>) offsets(%dma_start3A_505 : memref<64xi32, #tpu.memory_space<vmem>>) semaphore(%arg15 : memref<!tpu.dma_semaphore, #tpu.memory_space<semaphore_mem>>)
      } else {
      }
      %dma_wait3A_370 = arith.constant 0 : i32
      %dma_wait3A_371 = arith.constant 0 : i32
      %dma_wait3A_372 = tpu.memref_slice %arg9[%dma_wait3A_370, %dma_wait3A_371] : memref<2x64xi32, #tpu.memory_space<vmem>> -> memref<1x64xi32, #tpu.memory_space<vmem>>
      %dma_wait3A_373 = tpu.memref_squeeze %dma_wait3A_372 : memref<1x64xi32, #tpu.memory_space<vmem>> -> memref<64xi32, #tpu.memory_space<vmem>>
      %dma_wait3A_374 = arith.constant 0 : i32
      %dma_wait3A_375 = arith.constant 0 : i32
      %dma_wait3A_376 = tpu.memref_slice %arg2[%dma_wait3A_374, %dma_wait3A_375] : memref<10000x128xf32, #tpu.memory_space<hbm>> -> memref<10000x128xf32, #tpu.memory_space<hbm>>
      tpu.wait_indirect_dma semaphore(%arg17 : memref<!tpu.dma_semaphore, #tpu.memory_space<semaphore_mem>>) src(%dma_wait3A_376 : memref<10000x128xf32, #tpu.memory_space<hbm>>) dst(%arg12 : memref<64x128xf32, #tpu.memory_space<vmem>>)
      %dma_start3A_377 = arith.constant 1 : i32
      %dma_start3A_378 = arith.constant 0 : i32
      %dma_start3A_379 = tpu.memref_slice %arg9[%dma_start3A_377, %dma_start3A_378] : memref<2x64xi32, #tpu.memory_space<vmem>> -> memref<1x64xi32, #tpu.memory_space<vmem>>
      %dma_start3A_380 = tpu.memref_squeeze %dma_start3A_379 : memref<1x64xi32, #tpu.memory_space<vmem>> -> memref<64xi32, #tpu.memory_space<vmem>>
      %dma_start3A_381 = arith.constant 0 : i32
      %dma_start3A_382 = arith.constant 0 : i32
      %dma_start3A_383 = tpu.memref_slice %arg14[%dma_start3A_381, %dma_start3A_382] : memref<10000x128xf32, #tpu.memory_space<vmem_shared>> -> memref<10000x128xf32, #tpu.memory_space<vmem_shared>>
      tpu.enqueue_indirect_dma source(%arg12 : memref<64x128xf32, #tpu.memory_space<vmem>>) target(%dma_start3A_383 : memref<10000x128xf32, #tpu.memory_space<vmem_shared>>) offsets(%dma_start3A_380 : memref<64xi32, #tpu.memory_space<vmem>>) semaphore(%arg20 : memref<!tpu.dma_semaphore, #tpu.memory_space<semaphore_mem>>) {add = true}
      %dma_wait3A_384 = arith.constant 1 : i32
      %dma_wait3A_385 = arith.constant 0 : i32
      %dma_wait3A_386 = tpu.memref_slice %arg8[%dma_wait3A_384, %dma_wait3A_385] : memref<2x64xi32, #tpu.memory_space<vmem>> -> memref<1x64xi32, #tpu.memory_space<vmem>>
      %dma_wait3A_387 = tpu.memref_squeeze %dma_wait3A_386 : memref<1x64xi32, #tpu.memory_space<vmem>> -> memref<64xi32, #tpu.memory_space<vmem>>
      %dma_wait3A_388 = arith.constant 0 : i32
      %dma_wait3A_389 = arith.constant 0 : i32
      %dma_wait3A_390 = tpu.memref_slice %arg14[%dma_wait3A_388, %dma_wait3A_389] : memref<10000x128xf32, #tpu.memory_space<vmem_shared>> -> memref<10000x128xf32, #tpu.memory_space<vmem_shared>>
      tpu.wait_indirect_dma semaphore(%arg19 : memref<!tpu.dma_semaphore, #tpu.memory_space<semaphore_mem>>) src(%arg11 : memref<64x128xf32, #tpu.memory_space<vmem>>) dst(%dma_wait3A_390 : memref<10000x128xf32, #tpu.memory_space<vmem_shared>>)
      %lt3A_391 = arith.constant 52 : i32
      %lt3A_392 = arith.cmpi slt, %scan3A_328, %lt3A_391 : i32
      %convert_element_type3A_393 = arith.extui %lt3A_392 : i1 to i32
      %cond3A_394 = arith.constant 0 : i32
      %cond3A_395 = arith.cmpi ne, %convert_element_type3A_393, %cond3A_394 : i32
      scf.if %cond3A_395 {
        %add3A_409 = arith.constant 3 : i32
        %add3A_410 = arith.addi %mul3A_331, %add3A_409 : i32
        %add3A_411 = arith.constant 2 : i32
        %add3A_412 = arith.addi %add3A_410, %add3A_411 : i32
        %sub3A = arith.constant 1 : i32
        %sub3A_413 = arith.subi %add3A_412, %sub3A : i32
        %get3A_414 = arith.index_cast %sub3A_413 : i32 to index
        %get3A_415 = arith.constant 0 : index
        %get3A_416 = tpu.vector_load %arg6[%get3A_414, %get3A_415] {strides = array<i32>} : memref<159x64xi32, #tpu.memory_space<vmem>>, vector<1x16xi32>,
        %get3A_417 = vector.shape_cast %get3A_416 : vector<1x16xi32> to vector<16xi32>
        %and3A_418 = arith.constant 65535 : i32
        %and3A_419 = vector.broadcast %and3A_418 : i32 to vector<16xi32>
        %and3A_420 = arith.andi %get3A_417, %and3A_419 : vector<16xi32>
        %swap3A_421 = arith.constant 0 : i32
        %swap3A_422 = arith.index_cast %swap3A_421 : i32 to index
        %swap3A_423 = arith.constant 0 : index
        %swap3A_424 = tpu.vector_load %arg8[%swap3A_422, %swap3A_423] {strides = array<i32>} : memref<2x64xi32, #tpu.memory_space<vmem>>, vector<1x16xi32>,
        %swap3A_425 = vector.shape_cast %swap3A_424 : vector<1x16xi32> to vector<16xi32>
        %swap3A_426 = vector.shape_cast %and3A_420 : vector<16xi32> to vector<1x16xi32>
        tpu.vector_store %arg8[%swap3A_422, %swap3A_423], %swap3A_426 {strides = array<i32>} : memref<2x64xi32, #tpu.memory_space<vmem>>, vector<1x16xi32>,
        %shift_right_logical3A_427 = arith.constant 16 : i32
        %shift_right_logical3A_428 = vector.broadcast %shift_right_logical3A_427 : i32 to vector<16xi32>
        %shift_right_logical3A_429 = arith.shrui %get3A_417, %shift_right_logical3A_428 : vector<16xi32>
        %swap3A_430 = arith.constant 1 : i32
        %swap3A_431 = arith.index_cast %swap3A_430 : i32 to index
        %swap3A_432 = arith.constant 0 : index
        %swap3A_433 = tpu.vector_load %arg8[%swap3A_431, %swap3A_432] {strides = array<i32>} : memref<2x64xi32, #tpu.memory_space<vmem>>, vector<1x16xi32>,
        %swap3A_434 = vector.shape_cast %swap3A_433 : vector<1x16xi32> to vector<16xi32>
        %swap3A_435 = vector.shape_cast %shift_right_logical3A_429 : vector<16xi32> to vector<1x16xi32>
        tpu.vector_store %arg8[%swap3A_431, %swap3A_432], %swap3A_435 {strides = array<i32>} : memref<2x64xi32, #tpu.memory_space<vmem>>, vector<1x16xi32>,
        %get3A_436 = arith.index_cast %sub3A_413 : i32 to index
        %get3A_437 = arith.constant 16 : index
        %get3A_438 = tpu.vector_load %arg6[%get3A_436, %get3A_437] {strides = array<i32>} : memref<159x64xi32, #tpu.memory_space<vmem>>, vector<1x16xi32>,
        %get3A_439 = vector.shape_cast %get3A_438 : vector<1x16xi32> to vector<16xi32>
        %and3A_440 = arith.constant 65535 : i32
        %and3A_441 = vector.broadcast %and3A_440 : i32 to vector<16xi32>
        %and3A_442 = arith.andi %get3A_439, %and3A_441 : vector<16xi32>
        %swap3A_443 = arith.constant 0 : i32
        %swap3A_444 = arith.index_cast %swap3A_443 : i32 to index
        %swap3A_445 = arith.constant 16 : index
        %swap3A_446 = tpu.vector_load %arg8[%swap3A_444, %swap3A_445] {strides = array<i32>} : memref<2x64xi32, #tpu.memory_space<vmem>>, vector<1x16xi32>,
        %swap3A_447 = vector.shape_cast %swap3A_446 : vector<1x16xi32> to vector<16xi32>
        %swap3A_448 = vector.shape_cast %and3A_442 : vector<16xi32> to vector<1x16xi32>
        tpu.vector_store %arg8[%swap3A_444, %swap3A_445], %swap3A_448 {strides = array<i32>} : memref<2x64xi32, #tpu.memory_space<vmem>>, vector<1x16xi32>,
        %shift_right_logical3A_449 = arith.constant 16 : i32
        %shift_right_logical3A_450 = vector.broadcast %shift_right_logical3A_449 : i32 to vector<16xi32>
        %shift_right_logical3A_451 = arith.shrui %get3A_439, %shift_right_logical3A_450 : vector<16xi32>
        %swap3A_452 = arith.constant 1 : i32
        %swap3A_453 = arith.index_cast %swap3A_452 : i32 to index
        %swap3A_454 = arith.constant 16 : index
        %swap3A_455 = tpu.vector_load %arg8[%swap3A_453, %swap3A_454] {strides = array<i32>} : memref<2x64xi32, #tpu.memory_space<vmem>>, vector<1x16xi32>,
        %swap3A_456 = vector.shape_cast %swap3A_455 : vector<1x16xi32> to vector<16xi32>
        %swap3A_457 = vector.shape_cast %shift_right_logical3A_451 : vector<16xi32> to vector<1x16xi32>
        tpu.vector_store %arg8[%swap3A_453, %swap3A_454], %swap3A_457 {strides = array<i32>} : memref<2x64xi32, #tpu.memory_space<vmem>>, vector<1x16xi32>,
        %get3A_458 = arith.index_cast %sub3A_413 : i32 to index
        %get3A_459 = arith.constant 32 : index
        %get3A_460 = tpu.vector_load %arg6[%get3A_458, %get3A_459] {strides = array<i32>} : memref<159x64xi32, #tpu.memory_space<vmem>>, vector<1x16xi32>,
        %get3A_461 = vector.shape_cast %get3A_460 : vector<1x16xi32> to vector<16xi32>
        %and3A_462 = arith.constant 65535 : i32
        %and3A_463 = vector.broadcast %and3A_462 : i32 to vector<16xi32>
        %and3A_464 = arith.andi %get3A_461, %and3A_463 : vector<16xi32>
        %swap3A_465 = arith.constant 0 : i32
        %swap3A_466 = arith.index_cast %swap3A_465 : i32 to index
        %swap3A_467 = arith.constant 32 : index
        %swap3A_468 = tpu.vector_load %arg8[%swap3A_466, %swap3A_467] {strides = array<i32>} : memref<2x64xi32, #tpu.memory_space<vmem>>, vector<1x16xi32>,
        %swap3A_469 = vector.shape_cast %swap3A_468 : vector<1x16xi32> to vector<16xi32>
        %swap3A_470 = vector.shape_cast %and3A_464 : vector<16xi32> to vector<1x16xi32>
        tpu.vector_store %arg8[%swap3A_466, %swap3A_467], %swap3A_470 {strides = array<i32>} : memref<2x64xi32, #tpu.memory_space<vmem>>, vector<1x16xi32>,
        %shift_right_logical3A_471 = arith.constant 16 : i32
        %shift_right_logical3A_472 = vector.broadcast %shift_right_logical3A_471 : i32 to vector<16xi32>
        %shift_right_logical3A_473 = arith.shrui %get3A_461, %shift_right_logical3A_472 : vector<16xi32>
        %swap3A_474 = arith.constant 1 : i32
        %swap3A_475 = arith.index_cast %swap3A_474 : i32 to index
        %swap3A_476 = arith.constant 32 : index
        %swap3A_477 = tpu.vector_load %arg8[%swap3A_475, %swap3A_476] {strides = array<i32>} : memref<2x64xi32, #tpu.memory_space<vmem>>, vector<1x16xi32>,
        %swap3A_478 = vector.shape_cast %swap3A_477 : vector<1x16xi32> to vector<16xi32>
        %swap3A_479 = vector.shape_cast %shift_right_logical3A_473 : vector<16xi32> to vector<1x16xi32>
        tpu.vector_store %arg8[%swap3A_475, %swap3A_476], %swap3A_479 {strides = array<i32>} : memref<2x64xi32, #tpu.memory_space<vmem>>, vector<1x16xi32>,
        %get3A_480 = arith.index_cast %sub3A_413 : i32 to index
        %get3A_481 = arith.constant 48 : index
        %get3A_482 = tpu.vector_load %arg6[%get3A_480, %get3A_481] {strides = array<i32>} : memref<159x64xi32, #tpu.memory_space<vmem>>, vector<1x16xi32>,
        %get3A_483 = vector.shape_cast %get3A_482 : vector<1x16xi32> to vector<16xi32>
        %and3A_484 = arith.constant 65535 : i32
        %and3A_485 = vector.broadcast %and3A_484 : i32 to vector<16xi32>
        %and3A_486 = arith.andi %get3A_483, %and3A_485 : vector<16xi32>
        %swap3A_487 = arith.constant 0 : i32
        %swap3A_488 = arith.index_cast %swap3A_487 : i32 to index
        %swap3A_489 = arith.constant 48 : index
        %swap3A_490 = tpu.vector_load %arg8[%swap3A_488, %swap3A_489] {strides = array<i32>} : memref<2x64xi32, #tpu.memory_space<vmem>>, vector<1x16xi32>,
        %swap3A_491 = vector.shape_cast %swap3A_490 : vector<1x16xi32> to vector<16xi32>
        %swap3A_492 = vector.shape_cast %and3A_486 : vector<16xi32> to vector<1x16xi32>
        tpu.vector_store %arg8[%swap3A_488, %swap3A_489], %swap3A_492 {strides = array<i32>} : memref<2x64xi32, #tpu.memory_space<vmem>>, vector<1x16xi32>,
        %shift_right_logical3A_493 = arith.constant 16 : i32
        %shift_right_logical3A_494 = vector.broadcast %shift_right_logical3A_493 : i32 to vector<16xi32>
        %shift_right_logical3A_495 = arith.shrui %get3A_483, %shift_right_logical3A_494 : vector<16xi32>
        %swap3A_496 = arith.constant 1 : i32
        %swap3A_497 = arith.index_cast %swap3A_496 : i32 to index
        %swap3A_498 = arith.constant 48 : index
        %swap3A_499 = tpu.vector_load %arg8[%swap3A_497, %swap3A_498] {strides = array<i32>} : memref<2x64xi32, #tpu.memory_space<vmem>>, vector<1x16xi32>,
        %swap3A_500 = vector.shape_cast %swap3A_499 : vector<1x16xi32> to vector<16xi32>
        %swap3A_501 = vector.shape_cast %shift_right_logical3A_495 : vector<16xi32> to vector<1x16xi32>
        tpu.vector_store %arg8[%swap3A_497, %swap3A_498], %swap3A_501 {strides = array<i32>} : memref<2x64xi32, #tpu.memory_space<vmem>>, vector<1x16xi32>,
        %dma_start3A_502 = arith.constant 0 : i32
        %dma_start3A_503 = arith.constant 0 : i32
        %dma_start3A_504 = tpu.memref_slice %arg8[%dma_start3A_502, %dma_start3A_503] : memref<2x64xi32, #tpu.memory_space<vmem>> -> memref<1x64xi32, #tpu.memory_space<vmem>>
        %dma_start3A_505 = tpu.memref_squeeze %dma_start3A_504 : memref<1x64xi32, #tpu.memory_space<vmem>> -> memref<64xi32, #tpu.memory_space<vmem>>
        %dma_start3A_506 = arith.constant 0 : i32
        %dma_start3A_507 = arith.constant 0 : i32
        %dma_start3A_508 = tpu.memref_slice %arg2[%dma_start3A_506, %dma_start3A_507] : memref<10000x128xf32, #tpu.memory_space<hbm>> -> memref<10000x128xf32, #tpu.memory_space<hbm>>
        tpu.enqueue_indirect_dma source(%dma_start3A_508 : memref<10000x128xf32, #tpu.memory_space<hbm>>) target(%arg11 : memref<64x128xf32, #tpu.memory_space<vmem>>) offsets(%dma_start3A_505 : memref<64xi32, #tpu.memory_space<vmem>>) semaphore(%arg16 : memref<!tpu.dma_semaphore, #tpu.memory_space<semaphore_mem>>)
      } else {
      }
      %dma_wait3A_396 = arith.constant 1 : i32
      %dma_wait3A_397 = arith.constant 0 : i32
      %dma_wait3A_398 = tpu.memref_slice %arg9[%dma_wait3A_396, %dma_wait3A_397] : memref<2x64xi32, #tpu.memory_space<vmem>> -> memref<1x64xi32, #tpu.memory_space<vmem>>
      %dma_wait3A_399 = tpu.memref_squeeze %dma_wait3A_398 : memref<1x64xi32, #tpu.memory_space<vmem>> -> memref<64xi32, #tpu.memory_space<vmem>>
      %dma_wait3A_400 = arith.constant 0 : i32
      %dma_wait3A_401 = arith.constant 0 : i32
      %dma_wait3A_402 = tpu.memref_slice %arg14[%dma_wait3A_400, %dma_wait3A_401] : memref<10000x128xf32, #tpu.memory_space<vmem_shared>> -> memref<10000x128xf32, #tpu.memory_space<vmem_shared>>
      tpu.wait_indirect_dma semaphore(%arg20 : memref<!tpu.dma_semaphore, #tpu.memory_space<semaphore_mem>>) src(%arg12 : memref<64x128xf32, #tpu.memory_space<vmem>>) dst(%dma_wait3A_402 : memref<10000x128xf32, #tpu.memory_space<vmem_shared>>)
      %lt3A_403 = arith.constant 52 : i32
      %lt3A_404 = arith.cmpi slt, %scan3A_328, %lt3A_403 : i32
      %convert_element_type3A_405 = arith.extui %lt3A_404 : i1 to i32
      %cond3A_406 = arith.constant 0 : i32
      %cond3A_407 = arith.cmpi ne, %convert_element_type3A_405, %cond3A_406 : i32
      scf.if %cond3A_407 {
        %add3A_409 = arith.constant 6 : i32
        %add3A_410 = arith.addi %mul3A_331, %add3A_409 : i32
        %sub3A = arith.constant 1 : i32
        %sub3A_411 = arith.subi %add3A_410, %sub3A : i32
        %get3A_412 = arith.index_cast %sub3A_411 : i32 to index
        %get3A_413 = arith.constant 0 : index
        %get3A_414 = tpu.vector_load %arg6[%get3A_412, %get3A_413] {strides = array<i32>} : memref<159x64xi32, #tpu.memory_space<vmem>>, vector<1x16xi32>,
        %get3A_415 = vector.shape_cast %get3A_414 : vector<1x16xi32> to vector<16xi32>
        %and3A_416 = arith.constant 65535 : i32
        %and3A_417 = vector.broadcast %and3A_416 : i32 to vector<16xi32>
        %and3A_418 = arith.andi %get3A_415, %and3A_417 : vector<16xi32>
        %swap3A_419 = arith.constant 0 : i32
        %swap3A_420 = arith.index_cast %swap3A_419 : i32 to index
        %swap3A_421 = arith.constant 0 : index
        %swap3A_422 = tpu.vector_load %arg9[%swap3A_420, %swap3A_421] {strides = array<i32>} : memref<2x64xi32, #tpu.memory_space<vmem>>, vector<1x16xi32>,
        %swap3A_423 = vector.shape_cast %swap3A_422 : vector<1x16xi32> to vector<16xi32>
        %swap3A_424 = vector.shape_cast %and3A_418 : vector<16xi32> to vector<1x16xi32>
        tpu.vector_store %arg9[%swap3A_420, %swap3A_421], %swap3A_424 {strides = array<i32>} : memref<2x64xi32, #tpu.memory_space<vmem>>, vector<1x16xi32>,
        %shift_right_logical3A_425 = arith.constant 16 : i32
        %shift_right_logical3A_426 = vector.broadcast %shift_right_logical3A_425 : i32 to vector<16xi32>
        %shift_right_logical3A_427 = arith.shrui %get3A_415, %shift_right_logical3A_426 : vector<16xi32>
        %swap3A_428 = arith.constant 1 : i32
        %swap3A_429 = arith.index_cast %swap3A_428 : i32 to index
        %swap3A_430 = arith.constant 0 : index
        %swap3A_431 = tpu.vector_load %arg9[%swap3A_429, %swap3A_430] {strides = array<i32>} : memref<2x64xi32, #tpu.memory_space<vmem>>, vector<1x16xi32>,
        %swap3A_432 = vector.shape_cast %swap3A_431 : vector<1x16xi32> to vector<16xi32>
        %swap3A_433 = vector.shape_cast %shift_right_logical3A_427 : vector<16xi32> to vector<1x16xi32>
        tpu.vector_store %arg9[%swap3A_429, %swap3A_430], %swap3A_433 {strides = array<i32>} : memref<2x64xi32, #tpu.memory_space<vmem>>, vector<1x16xi32>,
        %get3A_434 = arith.index_cast %sub3A_411 : i32 to index
        %get3A_435 = arith.constant 16 : index
        %get3A_436 = tpu.vector_load %arg6[%get3A_434, %get3A_435] {strides = array<i32>} : memref<159x64xi32, #tpu.memory_space<vmem>>, vector<1x16xi32>,
        %get3A_437 = vector.shape_cast %get3A_436 : vector<1x16xi32> to vector<16xi32>
        %and3A_438 = arith.constant 65535 : i32
        %and3A_439 = vector.broadcast %and3A_438 : i32 to vector<16xi32>
        %and3A_440 = arith.andi %get3A_437, %and3A_439 : vector<16xi32>
        %swap3A_441 = arith.constant 0 : i32
        %swap3A_442 = arith.index_cast %swap3A_441 : i32 to index
        %swap3A_443 = arith.constant 16 : index
        %swap3A_444 = tpu.vector_load %arg9[%swap3A_442, %swap3A_443] {strides = array<i32>} : memref<2x64xi32, #tpu.memory_space<vmem>>, vector<1x16xi32>,
        %swap3A_445 = vector.shape_cast %swap3A_444 : vector<1x16xi32> to vector<16xi32>
        %swap3A_446 = vector.shape_cast %and3A_440 : vector<16xi32> to vector<1x16xi32>
        tpu.vector_store %arg9[%swap3A_442, %swap3A_443], %swap3A_446 {strides = array<i32>} : memref<2x64xi32, #tpu.memory_space<vmem>>, vector<1x16xi32>,
        %shift_right_logical3A_447 = arith.constant 16 : i32
        %shift_right_logical3A_448 = vector.broadcast %shift_right_logical3A_447 : i32 to vector<16xi32>
        %shift_right_logical3A_449 = arith.shrui %get3A_437, %shift_right_logical3A_448 : vector<16xi32>
        %swap3A_450 = arith.constant 1 : i32
        %swap3A_451 = arith.index_cast %swap3A_450 : i32 to index
        %swap3A_452 = arith.constant 16 : index
        %swap3A_453 = tpu.vector_load %arg9[%swap3A_451, %swap3A_452] {strides = array<i32>} : memref<2x64xi32, #tpu.memory_space<vmem>>, vector<1x16xi32>,
        %swap3A_454 = vector.shape_cast %swap3A_453 : vector<1x16xi32> to vector<16xi32>
        %swap3A_455 = vector.shape_cast %shift_right_logical3A_449 : vector<16xi32> to vector<1x16xi32>
        tpu.vector_store %arg9[%swap3A_451, %swap3A_452], %swap3A_455 {strides = array<i32>} : memref<2x64xi32, #tpu.memory_space<vmem>>, vector<1x16xi32>,
        %get3A_456 = arith.index_cast %sub3A_411 : i32 to index
        %get3A_457 = arith.constant 32 : index
        %get3A_458 = tpu.vector_load %arg6[%get3A_456, %get3A_457] {strides = array<i32>} : memref<159x64xi32, #tpu.memory_space<vmem>>, vector<1x16xi32>,
        %get3A_459 = vector.shape_cast %get3A_458 : vector<1x16xi32> to vector<16xi32>
        %and3A_460 = arith.constant 65535 : i32
        %and3A_461 = vector.broadcast %and3A_460 : i32 to vector<16xi32>
        %and3A_462 = arith.andi %get3A_459, %and3A_461 : vector<16xi32>
        %swap3A_463 = arith.constant 0 : i32
        %swap3A_464 = arith.index_cast %swap3A_463 : i32 to index
        %swap3A_465 = arith.constant 32 : index
        %swap3A_466 = tpu.vector_load %arg9[%swap3A_464, %swap3A_465] {strides = array<i32>} : memref<2x64xi32, #tpu.memory_space<vmem>>, vector<1x16xi32>,
        %swap3A_467 = vector.shape_cast %swap3A_466 : vector<1x16xi32> to vector<16xi32>
        %swap3A_468 = vector.shape_cast %and3A_462 : vector<16xi32> to vector<1x16xi32>
        tpu.vector_store %arg9[%swap3A_464, %swap3A_465], %swap3A_468 {strides = array<i32>} : memref<2x64xi32, #tpu.memory_space<vmem>>, vector<1x16xi32>,
        %shift_right_logical3A_469 = arith.constant 16 : i32
        %shift_right_logical3A_470 = vector.broadcast %shift_right_logical3A_469 : i32 to vector<16xi32>
        %shift_right_logical3A_471 = arith.shrui %get3A_459, %shift_right_logical3A_470 : vector<16xi32>
        %swap3A_472 = arith.constant 1 : i32
        %swap3A_473 = arith.index_cast %swap3A_472 : i32 to index
        %swap3A_474 = arith.constant 32 : index
        %swap3A_475 = tpu.vector_load %arg9[%swap3A_473, %swap3A_474] {strides = array<i32>} : memref<2x64xi32, #tpu.memory_space<vmem>>, vector<1x16xi32>,
        %swap3A_476 = vector.shape_cast %swap3A_475 : vector<1x16xi32> to vector<16xi32>
        %swap3A_477 = vector.shape_cast %shift_right_logical3A_471 : vector<16xi32> to vector<1x16xi32>
        tpu.vector_store %arg9[%swap3A_473, %swap3A_474], %swap3A_477 {strides = array<i32>} : memref<2x64xi32, #tpu.memory_space<vmem>>, vector<1x16xi32>,
        %get3A_478 = arith.index_cast %sub3A_411 : i32 to index
        %get3A_479 = arith.constant 48 : index
        %get3A_480 = tpu.vector_load %arg6[%get3A_478, %get3A_479] {strides = array<i32>} : memref<159x64xi32, #tpu.memory_space<vmem>>, vector<1x16xi32>,
        %get3A_481 = vector.shape_cast %get3A_480 : vector<1x16xi32> to vector<16xi32>
        %and3A_482 = arith.constant 65535 : i32
        %and3A_483 = vector.broadcast %and3A_482 : i32 to vector<16xi32>
        %and3A_484 = arith.andi %get3A_481, %and3A_483 : vector<16xi32>
        %swap3A_485 = arith.constant 0 : i32
        %swap3A_486 = arith.index_cast %swap3A_485 : i32 to index
        %swap3A_487 = arith.constant 48 : index
        %swap3A_488 = tpu.vector_load %arg9[%swap3A_486, %swap3A_487] {strides = array<i32>} : memref<2x64xi32, #tpu.memory_space<vmem>>, vector<1x16xi32>,
        %swap3A_489 = vector.shape_cast %swap3A_488 : vector<1x16xi32> to vector<16xi32>
        %swap3A_490 = vector.shape_cast %and3A_484 : vector<16xi32> to vector<1x16xi32>
        tpu.vector_store %arg9[%swap3A_486, %swap3A_487], %swap3A_490 {strides = array<i32>} : memref<2x64xi32, #tpu.memory_space<vmem>>, vector<1x16xi32>,
        %shift_right_logical3A_491 = arith.constant 16 : i32
        %shift_right_logical3A_492 = vector.broadcast %shift_right_logical3A_491 : i32 to vector<16xi32>
        %shift_right_logical3A_493 = arith.shrui %get3A_481, %shift_right_logical3A_492 : vector<16xi32>
        %swap3A_494 = arith.constant 1 : i32
        %swap3A_495 = arith.index_cast %swap3A_494 : i32 to index
        %swap3A_496 = arith.constant 48 : index
        %swap3A_497 = tpu.vector_load %arg9[%swap3A_495, %swap3A_496] {strides = array<i32>} : memref<2x64xi32, #tpu.memory_space<vmem>>, vector<1x16xi32>,
        %swap3A_498 = vector.shape_cast %swap3A_497 : vector<1x16xi32> to vector<16xi32>
        %swap3A_499 = vector.shape_cast %shift_right_logical3A_493 : vector<16xi32> to vector<1x16xi32>
        tpu.vector_store %arg9[%swap3A_495, %swap3A_496], %swap3A_499 {strides = array<i32>} : memref<2x64xi32, #tpu.memory_space<vmem>>, vector<1x16xi32>,
        %dma_start3A_500 = arith.constant 0 : i32
        %dma_start3A_501 = arith.constant 0 : i32
        %dma_start3A_502 = tpu.memref_slice %arg9[%dma_start3A_500, %dma_start3A_501] : memref<2x64xi32, #tpu.memory_space<vmem>> -> memref<1x64xi32, #tpu.memory_space<vmem>>
        %dma_start3A_503 = tpu.memref_squeeze %dma_start3A_502 : memref<1x64xi32, #tpu.memory_space<vmem>> -> memref<64xi32, #tpu.memory_space<vmem>>
        %dma_start3A_504 = arith.constant 0 : i32
        %dma_start3A_505 = arith.constant 0 : i32
        %dma_start3A_506 = tpu.memref_slice %arg2[%dma_start3A_504, %dma_start3A_505] : memref<10000x128xf32, #tpu.memory_space<hbm>> -> memref<10000x128xf32, #tpu.memory_space<hbm>>
        tpu.enqueue_indirect_dma source(%dma_start3A_506 : memref<10000x128xf32, #tpu.memory_space<hbm>>) target(%arg12 : memref<64x128xf32, #tpu.memory_space<vmem>>) offsets(%dma_start3A_503 : memref<64xi32, #tpu.memory_space<vmem>>) semaphore(%arg17 : memref<!tpu.dma_semaphore, #tpu.memory_space<semaphore_mem>>)
      } else {
      }
      %scan3A_408 = arith.constant 0 : i32
      scf.yield %scan3A_408 : i32
    }
    %scan3A_319 = arith.constant 53 : i32
    %barrier3A_320 = arith.constant 0 : index
    tpu.barrier barrier_id(%barrier3A_320)
    %eq3A = arith.constant 0 : i32
    %eq3A_321 = arith.cmpi eq, %arg0, %eq3A : i32
    %convert_element_type3A = arith.extui %eq3A_321 : i1 to i32
    %cond3A = arith.constant 0 : i32
    %cond3A_322 = arith.cmpi ne, %convert_element_type3A, %cond3A : i32
    scf.if %cond3A_322 {
      %scan3A_328 = arith.constant 0 : i32
      %scan3A_329 = arith.constant 0 : i32
      %scan3A_330 = arith.constant 2 : i32
      %scan3A_331 = arith.addi %scan3A_329, %scan3A_330 : i32
      %scan3A_332 = arith.constant 1 : i32
      %scan3A_333 = scf.for %scan3A_342 = %scan3A_329 to %scan3A_331 step %scan3A_332 iter_args(%scan3A_343 = %scan3A_328) -> (i32)  : i32 {
        %mul3A_344 = arith.constant 16 : i32
        %mul3A_345 = arith.muli %scan3A_342, %mul3A_344 : i32
        %add3A_346 = arith.addi %arg1, %mul3A_345 : i32
        %lt3A = arith.constant 25 : i32
        %lt3A_347 = arith.cmpi slt, %add3A_346, %lt3A : i32
        %convert_element_type3A_348 = arith.extui %lt3A_347 : i1 to i32
        %cond3A_349 = arith.constant 0 : i32
        %cond3A_350 = arith.cmpi ne, %convert_element_type3A_348, %cond3A_349 : i32
        scf.if %cond3A_350 {
          %mul3A_352 = arith.constant 400 : i32
          %mul3A_353 = arith.muli %add3A_346, %mul3A_352 : i32
          %dma_start3A_354 = arith.constant 0 : i32
          %dma_start3A_355 = tpu.memref_slice %arg4[%mul3A_353, %dma_start3A_354] : memref<10000x128xf32, #tpu.memory_space<hbm>> -> memref<400x128xf32, #tpu.memory_space<hbm>>
          %dma_start3A_356 = arith.constant 0 : i32
          %dma_start3A_357 = tpu.memref_slice %arg14[%mul3A_353, %dma_start3A_356] : memref<10000x128xf32, #tpu.memory_space<vmem_shared>> -> memref<400x128xf32, #tpu.memory_space<vmem_shared>>
          tpu.enqueue_dma source(%dma_start3A_357 : memref<400x128xf32, #tpu.memory_space<vmem_shared>>) target(%dma_start3A_355 : memref<400x128xf32, #tpu.memory_space<hbm>>) target_semaphore(%arg21 : memref<!tpu.dma_semaphore, #tpu.memory_space<semaphore_mem>>)
        } else {
        }
        %scan3A_351 = arith.constant 0 : i32
        scf.yield %scan3A_351 : i32
      }
      %scan3A_334 = arith.constant 2 : i32
      %scan3A_335 = arith.constant 0 : i32
      %scan3A_336 = arith.constant 0 : i32
      %scan3A_337 = arith.constant 2 : i32
      %scan3A_338 = arith.addi %scan3A_336, %scan3A_337 : i32
      %scan3A_339 = arith.constant 1 : i32
      %scan3A_340 = scf.for %scan3A_342 = %scan3A_336 to %scan3A_338 step %scan3A_339 iter_args(%scan3A_343 = %scan3A_335) -> (i32)  : i32 {
        %mul3A_344 = arith.constant 16 : i32
        %mul3A_345 = arith.muli %scan3A_342, %mul3A_344 : i32
        %add3A_346 = arith.addi %arg1, %mul3A_345 : i32
        %lt3A = arith.constant 25 : i32
        %lt3A_347 = arith.cmpi slt, %add3A_346, %lt3A : i32
        %convert_element_type3A_348 = arith.extui %lt3A_347 : i1 to i32
        %cond3A_349 = arith.constant 0 : i32
        %cond3A_350 = arith.cmpi ne, %convert_element_type3A_348, %cond3A_349 : i32
        scf.if %cond3A_350 {
          %dma_wait3A = arith.constant 0 : i32
          %dma_wait3A_352 = arith.constant 0 : i32
          %dma_wait3A_353 = tpu.memref_slice %arg4[%dma_wait3A, %dma_wait3A_352] : memref<10000x128xf32, #tpu.memory_space<hbm>> -> memref<400x128xf32, #tpu.memory_space<hbm>>
          %dma_wait3A_354 = arith.constant 0 : i32
          %dma_wait3A_355 = arith.constant 0 : i32
          %dma_wait3A_356 = tpu.memref_slice %arg14[%dma_wait3A_354, %dma_wait3A_355] : memref<10000x128xf32, #tpu.memory_space<vmem_shared>> -> memref<400x128xf32, #tpu.memory_space<vmem_shared>>
          tpu.wait_dma2 semaphore(%arg21 : memref<!tpu.dma_semaphore, #tpu.memory_space<semaphore_mem>>) src(%dma_wait3A_356 : memref<400x128xf32, #tpu.memory_space<vmem_shared>>) dst(%dma_wait3A_353 : memref<400x128xf32, #tpu.memory_space<hbm>>)
        } else {
        }
        %scan3A_351 = arith.constant 0 : i32
        scf.yield %scan3A_351 : i32
      }
      %scan3A_341 = arith.constant 2 : i32
    } else {
    }
    %eq3A_323 = arith.constant 1 : i32
    %eq3A_324 = arith.cmpi eq, %arg0, %eq3A_323 : i32
    %convert_element_type3A_325 = arith.extui %eq3A_324 : i1 to i32
    %cond3A_326 = arith.constant 0 : i32
    %cond3A_327 = arith.cmpi ne, %convert_element_type3A_325, %cond3A_326 : i32
    scf.if %cond3A_327 {
      %scan3A_328 = arith.constant 0 : i32
      %scan3A_329 = arith.constant 0 : i32
      %scan3A_330 = arith.constant 2 : i32
      %scan3A_331 = arith.addi %scan3A_329, %scan3A_330 : i32
      %scan3A_332 = arith.constant 1 : i32
      %scan3A_333 = scf.for %scan3A_342 = %scan3A_329 to %scan3A_331 step %scan3A_332 iter_args(%scan3A_343 = %scan3A_328) -> (i32)  : i32 {
        %mul3A_344 = arith.constant 16 : i32
        %mul3A_345 = arith.muli %scan3A_342, %mul3A_344 : i32
        %add3A_346 = arith.addi %arg1, %mul3A_345 : i32
        %lt3A = arith.constant 25 : i32
        %lt3A_347 = arith.cmpi slt, %add3A_346, %lt3A : i32
        %convert_element_type3A_348 = arith.extui %lt3A_347 : i1 to i32
        %cond3A_349 = arith.constant 0 : i32
        %cond3A_350 = arith.cmpi ne, %convert_element_type3A_348, %cond3A_349 : i32
        scf.if %cond3A_350 {
          %mul3A_352 = arith.constant 400 : i32
          %mul3A_353 = arith.muli %add3A_346, %mul3A_352 : i32
          %dma_start3A_354 = arith.constant 0 : i32
          %dma_start3A_355 = tpu.memref_slice %arg5[%mul3A_353, %dma_start3A_354] : memref<10000x128xf32, #tpu.memory_space<hbm>> -> memref<400x128xf32, #tpu.memory_space<hbm>>
          %dma_start3A_356 = arith.constant 0 : i32
          %dma_start3A_357 = tpu.memref_slice %arg14[%mul3A_353, %dma_start3A_356] : memref<10000x128xf32, #tpu.memory_space<vmem_shared>> -> memref<400x128xf32, #tpu.memory_space<vmem_shared>>
          tpu.enqueue_dma source(%dma_start3A_357 : memref<400x128xf32, #tpu.memory_space<vmem_shared>>) target(%dma_start3A_355 : memref<400x128xf32, #tpu.memory_space<hbm>>) target_semaphore(%arg21 : memref<!tpu.dma_semaphore, #tpu.memory_space<semaphore_mem>>)
        } else {
        }
        %scan3A_351 = arith.constant 0 : i32
        scf.yield %scan3A_351 : i32
      }
      %scan3A_334 = arith.constant 2 : i32
      %scan3A_335 = arith.constant 0 : i32
      %scan3A_336 = arith.constant 0 : i32
      %scan3A_337 = arith.constant 2 : i32
      %scan3A_338 = arith.addi %scan3A_336, %scan3A_337 : i32
      %scan3A_339 = arith.constant 1 : i32
      %scan3A_340 = scf.for %scan3A_342 = %scan3A_336 to %scan3A_338 step %scan3A_339 iter_args(%scan3A_343 = %scan3A_335) -> (i32)  : i32 {
        %mul3A_344 = arith.constant 16 : i32
        %mul3A_345 = arith.muli %scan3A_342, %mul3A_344 : i32
        %add3A_346 = arith.addi %arg1, %mul3A_345 : i32
        %lt3A = arith.constant 25 : i32
        %lt3A_347 = arith.cmpi slt, %add3A_346, %lt3A : i32
        %convert_element_type3A_348 = arith.extui %lt3A_347 : i1 to i32
        %cond3A_349 = arith.constant 0 : i32
        %cond3A_350 = arith.cmpi ne, %convert_element_type3A_348, %cond3A_349 : i32
        scf.if %cond3A_350 {
          %dma_wait3A = arith.constant 0 : i32
          %dma_wait3A_352 = arith.constant 0 : i32
          %dma_wait3A_353 = tpu.memref_slice %arg5[%dma_wait3A, %dma_wait3A_352] : memref<10000x128xf32, #tpu.memory_space<hbm>> -> memref<400x128xf32, #tpu.memory_space<hbm>>
          %dma_wait3A_354 = arith.constant 0 : i32
          %dma_wait3A_355 = arith.constant 0 : i32
          %dma_wait3A_356 = tpu.memref_slice %arg14[%dma_wait3A_354, %dma_wait3A_355] : memref<10000x128xf32, #tpu.memory_space<vmem_shared>> -> memref<400x128xf32, #tpu.memory_space<vmem_shared>>
          tpu.wait_dma2 semaphore(%arg21 : memref<!tpu.dma_semaphore, #tpu.memory_space<semaphore_mem>>) src(%dma_wait3A_356 : memref<400x128xf32, #tpu.memory_space<vmem_shared>>) dst(%dma_wait3A_353 : memref<400x128xf32, #tpu.memory_space<hbm>>)
        } else {
        }
        %scan3A_351 = arith.constant 0 : i32
        scf.yield %scan3A_351 : i32
      }
      %scan3A_341 = arith.constant 2 : i32
    } else {
    }
    return
  }
}

#map = affine_map<(d0, d1) -> (0, 0)>
#map1 = affine_map<(d0, d1) -> (0, 0, 0)>
module attributes {stable_mosaic.version = 14 : i64} {
  func.func @segsum(%arg0: i32, %arg1: i32, %arg2: memref<10000x128xf32, #tpu.memory_space<hbm>>, %arg3: memref<32x159x64xi32, #tpu.memory_space<hbm>>, %arg4: memref<10000x128xf32, #tpu.memory_space<hbm>>, %arg5: memref<10000x128xf32, #tpu.memory_space<hbm>>, %arg6: memref<159x64xi32, #tpu.memory_space<vmem>>, %arg7: memref<2x64xi32, #tpu.memory_space<vmem>>, %arg8: memref<2x64xi32, #tpu.memory_space<vmem>>, %arg9: memref<2x64xi32, #tpu.memory_space<vmem>>, %arg10: memref<64x128xf32, #tpu.memory_space<vmem>>, %arg11: memref<64x128xf32, #tpu.memory_space<vmem>>, %arg12: memref<64x128xf32, #tpu.memory_space<vmem>>, %arg13: memref<8x128xf32, #tpu.memory_space<vmem>>, %arg14: memref<10000x128xf32, #tpu.memory_space<vmem_shared>>, %arg15: memref<!tpu.dma_semaphore, #tpu.memory_space<semaphore_mem>>, %arg16: memref<!tpu.dma_semaphore, #tpu.memory_space<semaphore_mem>>, %arg17: memref<!tpu.dma_semaphore, #tpu.memory_space<semaphore_mem>>, %arg18: memref<!tpu.dma_semaphore, #tpu.memory_space<semaphore_mem>>, %arg19: memref<!tpu.dma_semaphore, #tpu.memory_space<semaphore_mem>>, %arg20: memref<!tpu.dma_semaphore, #tpu.memory_space<semaphore_mem>>, %arg21: memref<!tpu.dma_semaphore, #tpu.memory_space<semaphore_mem>>) attributes {dimension_semantics = [#tpu.dimension_semantics<core_parallel>, #tpu.dimension_semantics<subcore_parallel>], iteration_bounds = array<i64: 2, 16>, scalar_prefetch = 0 : i64, scratch_operands = 16 : i64, tpu.core_type = #tpu.core_type<sc_vector_subcore>, window_params = [{transform_indices = #map}, {transform_indices = #map1}, {transform_indices = #map}, {transform_indices = #map}]} {
    %mul3A = arith.constant 16 : i32
    %mul3A_0 = arith.muli %arg0, %mul3A : i32
    %add3A = arith.addi %mul3A_0, %arg1 : i32
    "tpu.region"() ({
      %run_scoped3A = tpu.sem_alloc : memref<!tpu.dma_semaphore, #tpu.memory_space<semaphore_mem>>
      %dma_start3A_328 = arith.constant 0 : i32
      %dma_start3A_329 = arith.constant 0 : i32
      %dma_start3A_330 = tpu.memref_slice %arg3[%add3A, %dma_start3A_328, %dma_start3A_329] : memref<32x159x64xi32, #tpu.memory_space<hbm>> -> memref<1x159x64xi32, #tpu.memory_space<hbm>>
      %dma_start3A_331 = tpu.memref_squeeze %dma_start3A_330 : memref<1x159x64xi32, #tpu.memory_space<hbm>> -> memref<159x64xi32, #tpu.memory_space<hbm>>
      %dma_start3A_332 = arith.constant 0 : i32
      %dma_start3A_333 = arith.constant 0 : i32
      %dma_start3A_334 = tpu.memref_slice %arg3[%add3A, %dma_start3A_332, %dma_start3A_333] : memref<32x159x64xi32, #tpu.memory_space<hbm>> -> memref<1x159x64xi32, #tpu.memory_space<hbm>>
      %dma_start3A_335 = tpu.memref_squeeze %dma_start3A_334 : memref<1x159x64xi32, #tpu.memory_space<hbm>> -> memref<159x64xi32, #tpu.memory_space<hbm>>
      tpu.enqueue_dma source(%dma_start3A_335 : memref<159x64xi32, #tpu.memory_space<hbm>>) target(%arg6 : memref<159x64xi32, #tpu.memory_space<vmem>>) target_semaphore(%run_scoped3A : memref<!tpu.dma_semaphore, #tpu.memory_space<semaphore_mem>>)
      %dma_wait3A = arith.constant 0 : i32
      %dma_wait3A_336 = arith.constant 0 : i32
      %dma_wait3A_337 = tpu.memref_slice %arg3[%add3A, %dma_wait3A, %dma_wait3A_336] : memref<32x159x64xi32, #tpu.memory_space<hbm>> -> memref<1x159x64xi32, #tpu.memory_space<hbm>>
      %dma_wait3A_338 = tpu.memref_squeeze %dma_wait3A_337 : memref<1x159x64xi32, #tpu.memory_space<hbm>> -> memref<159x64xi32, #tpu.memory_space<hbm>>
      %dma_wait3A_339 = arith.constant 0 : i32
      %dma_wait3A_340 = arith.constant 0 : i32
      %dma_wait3A_341 = tpu.memref_slice %arg3[%add3A, %dma_wait3A_339, %dma_wait3A_340] : memref<32x159x64xi32, #tpu.memory_space<hbm>> -> memref<1x159x64xi32, #tpu.memory_space<hbm>>
      %dma_wait3A_342 = tpu.memref_squeeze %dma_wait3A_341 : memref<1x159x64xi32, #tpu.memory_space<hbm>> -> memref<159x64xi32, #tpu.memory_space<hbm>>
      tpu.wait_dma2 semaphore(%run_scoped3A : memref<!tpu.dma_semaphore, #tpu.memory_space<semaphore_mem>>) src(%dma_wait3A_342 : memref<159x64xi32, #tpu.memory_space<hbm>>) dst(%arg6 : memref<159x64xi32, #tpu.memory_space<vmem>>)
      tpu.yield
    }) : () -> ()
    %get3A = arith.constant 0 : i32
    %get3A_1 = arith.index_cast %get3A : i32 to index
    %get3A_2 = arith.constant 0 : index
    %get3A_3 = tpu.vector_load %arg6[%get3A_1, %get3A_2] {strides = array<i32>} : memref<159x64xi32, #tpu.memory_space<vmem>>, vector<1x16xi32>,
    %get3A_4 = vector.shape_cast %get3A_3 : vector<1x16xi32> to vector<16xi32>
    %and3A = arith.constant 65535 : i32
    %and3A_5 = vector.broadcast %and3A : i32 to vector<16xi32>
    %and3A_6 = arith.andi %get3A_4, %and3A_5 : vector<16xi32>
    %swap3A = arith.constant 0 : i32
    %swap3A_7 = arith.index_cast %swap3A : i32 to index
    %swap3A_8 = arith.constant 0 : index
    %swap3A_9 = tpu.vector_load %arg7[%swap3A_7, %swap3A_8] {strides = array<i32>} : memref<2x64xi32, #tpu.memory_space<vmem>>, vector<1x16xi32>,
    %swap3A_10 = vector.shape_cast %swap3A_9 : vector<1x16xi32> to vector<16xi32>
    %swap3A_11 = vector.shape_cast %and3A_6 : vector<16xi32> to vector<1x16xi32>
    tpu.vector_store %arg7[%swap3A_7, %swap3A_8], %swap3A_11 {strides = array<i32>} : memref<2x64xi32, #tpu.memory_space<vmem>>, vector<1x16xi32>,
    %shift_right_logical3A = arith.constant 16 : i32
    %shift_right_logical3A_12 = vector.broadcast %shift_right_logical3A : i32 to vector<16xi32>
    %shift_right_logical3A_13 = arith.shrui %get3A_4, %shift_right_logical3A_12 : vector<16xi32>
    %swap3A_14 = arith.constant 1 : i32
    %swap3A_15 = arith.index_cast %swap3A_14 : i32 to index
    %swap3A_16 = arith.constant 0 : index
    %swap3A_17 = tpu.vector_load %arg7[%swap3A_15, %swap3A_16] {strides = array<i32>} : memref<2x64xi32, #tpu.memory_space<vmem>>, vector<1x16xi32>,
    %swap3A_18 = vector.shape_cast %swap3A_17 : vector<1x16xi32> to vector<16xi32>
    %swap3A_19 = vector.shape_cast %shift_right_logical3A_13 : vector<16xi32> to vector<1x16xi32>
    tpu.vector_store %arg7[%swap3A_15, %swap3A_16], %swap3A_19 {strides = array<i32>} : memref<2x64xi32, #tpu.memory_space<vmem>>, vector<1x16xi32>,
    %get3A_20 = arith.constant 0 : i32
    %get3A_21 = arith.index_cast %get3A_20 : i32 to index
    %get3A_22 = arith.constant 16 : index
    %get3A_23 = tpu.vector_load %arg6[%get3A_21, %get3A_22] {strides = array<i32>} : memref<159x64xi32, #tpu.memory_space<vmem>>, vector<1x16xi32>,
    %get3A_24 = vector.shape_cast %get3A_23 : vector<1x16xi32> to vector<16xi32>
    %and3A_25 = arith.constant 65535 : i32
    %and3A_26 = vector.broadcast %and3A_25 : i32 to vector<16xi32>
    %and3A_27 = arith.andi %get3A_24, %and3A_26 : vector<16xi32>
    %swap3A_28 = arith.constant 0 : i32
    %swap3A_29 = arith.index_cast %swap3A_28 : i32 to index
    %swap3A_30 = arith.constant 16 : index
    %swap3A_31 = tpu.vector_load %arg7[%swap3A_29, %swap3A_30] {strides = array<i32>} : memref<2x64xi32, #tpu.memory_space<vmem>>, vector<1x16xi32>,
    %swap3A_32 = vector.shape_cast %swap3A_31 : vector<1x16xi32> to vector<16xi32>
    %swap3A_33 = vector.shape_cast %and3A_27 : vector<16xi32> to vector<1x16xi32>
    tpu.vector_store %arg7[%swap3A_29, %swap3A_30], %swap3A_33 {strides = array<i32>} : memref<2x64xi32, #tpu.memory_space<vmem>>, vector<1x16xi32>,
    %shift_right_logical3A_34 = arith.constant 16 : i32
    %shift_right_logical3A_35 = vector.broadcast %shift_right_logical3A_34 : i32 to vector<16xi32>
    %shift_right_logical3A_36 = arith.shrui %get3A_24, %shift_right_logical3A_35 : vector<16xi32>
    %swap3A_37 = arith.constant 1 : i32
    %swap3A_38 = arith.index_cast %swap3A_37 : i32 to index
    %swap3A_39 = arith.constant 16 : index
    %swap3A_40 = tpu.vector_load %arg7[%swap3A_38, %swap3A_39] {strides = array<i32>} : memref<2x64xi32, #tpu.memory_space<vmem>>, vector<1x16xi32>,
    %swap3A_41 = vector.shape_cast %swap3A_40 : vector<1x16xi32> to vector<16xi32>
    %swap3A_42 = vector.shape_cast %shift_right_logical3A_36 : vector<16xi32> to vector<1x16xi32>
    tpu.vector_store %arg7[%swap3A_38, %swap3A_39], %swap3A_42 {strides = array<i32>} : memref<2x64xi32, #tpu.memory_space<vmem>>, vector<1x16xi32>,
    %get3A_43 = arith.constant 0 : i32
    %get3A_44 = arith.index_cast %get3A_43 : i32 to index
    %get3A_45 = arith.constant 32 : index
    %get3A_46 = tpu.vector_load %arg6[%get3A_44, %get3A_45] {strides = array<i32>} : memref<159x64xi32, #tpu.memory_space<vmem>>, vector<1x16xi32>,
    %get3A_47 = vector.shape_cast %get3A_46 : vector<1x16xi32> to vector<16xi32>
    %and3A_48 = arith.constant 65535 : i32
    %and3A_49 = vector.broadcast %and3A_48 : i32 to vector<16xi32>
    %and3A_50 = arith.andi %get3A_47, %and3A_49 : vector<16xi32>
    %swap3A_51 = arith.constant 0 : i32
    %swap3A_52 = arith.index_cast %swap3A_51 : i32 to index
    %swap3A_53 = arith.constant 32 : index
    %swap3A_54 = tpu.vector_load %arg7[%swap3A_52, %swap3A_53] {strides = array<i32>} : memref<2x64xi32, #tpu.memory_space<vmem>>, vector<1x16xi32>,
    %swap3A_55 = vector.shape_cast %swap3A_54 : vector<1x16xi32> to vector<16xi32>
    %swap3A_56 = vector.shape_cast %and3A_50 : vector<16xi32> to vector<1x16xi32>
    tpu.vector_store %arg7[%swap3A_52, %swap3A_53], %swap3A_56 {strides = array<i32>} : memref<2x64xi32, #tpu.memory_space<vmem>>, vector<1x16xi32>,
    %shift_right_logical3A_57 = arith.constant 16 : i32
    %shift_right_logical3A_58 = vector.broadcast %shift_right_logical3A_57 : i32 to vector<16xi32>
    %shift_right_logical3A_59 = arith.shrui %get3A_47, %shift_right_logical3A_58 : vector<16xi32>
    %swap3A_60 = arith.constant 1 : i32
    %swap3A_61 = arith.index_cast %swap3A_60 : i32 to index
    %swap3A_62 = arith.constant 32 : index
    %swap3A_63 = tpu.vector_load %arg7[%swap3A_61, %swap3A_62] {strides = array<i32>} : memref<2x64xi32, #tpu.memory_space<vmem>>, vector<1x16xi32>,
    %swap3A_64 = vector.shape_cast %swap3A_63 : vector<1x16xi32> to vector<16xi32>
    %swap3A_65 = vector.shape_cast %shift_right_logical3A_59 : vector<16xi32> to vector<1x16xi32>
    tpu.vector_store %arg7[%swap3A_61, %swap3A_62], %swap3A_65 {strides = array<i32>} : memref<2x64xi32, #tpu.memory_space<vmem>>, vector<1x16xi32>,
    %get3A_66 = arith.constant 0 : i32
    %get3A_67 = arith.index_cast %get3A_66 : i32 to index
    %get3A_68 = arith.constant 48 : index
    %get3A_69 = tpu.vector_load %arg6[%get3A_67, %get3A_68] {strides = array<i32>} : memref<159x64xi32, #tpu.memory_space<vmem>>, vector<1x16xi32>,
    %get3A_70 = vector.shape_cast %get3A_69 : vector<1x16xi32> to vector<16xi32>
    %and3A_71 = arith.constant 65535 : i32
    %and3A_72 = vector.broadcast %and3A_71 : i32 to vector<16xi32>
    %and3A_73 = arith.andi %get3A_70, %and3A_72 : vector<16xi32>
    %swap3A_74 = arith.constant 0 : i32
    %swap3A_75 = arith.index_cast %swap3A_74 : i32 to index
    %swap3A_76 = arith.constant 48 : index
    %swap3A_77 = tpu.vector_load %arg7[%swap3A_75, %swap3A_76] {strides = array<i32>} : memref<2x64xi32, #tpu.memory_space<vmem>>, vector<1x16xi32>,
    %swap3A_78 = vector.shape_cast %swap3A_77 : vector<1x16xi32> to vector<16xi32>
    %swap3A_79 = vector.shape_cast %and3A_73 : vector<16xi32> to vector<1x16xi32>
    tpu.vector_store %arg7[%swap3A_75, %swap3A_76], %swap3A_79 {strides = array<i32>} : memref<2x64xi32, #tpu.memory_space<vmem>>, vector<1x16xi32>,
    %shift_right_logical3A_80 = arith.constant 16 : i32
    %shift_right_logical3A_81 = vector.broadcast %shift_right_logical3A_80 : i32 to vector<16xi32>
    %shift_right_logical3A_82 = arith.shrui %get3A_70, %shift_right_logical3A_81 : vector<16xi32>
    %swap3A_83 = arith.constant 1 : i32
    %swap3A_84 = arith.index_cast %swap3A_83 : i32 to index
    %swap3A_85 = arith.constant 48 : index
    %swap3A_86 = tpu.vector_load %arg7[%swap3A_84, %swap3A_85] {strides = array<i32>} : memref<2x64xi32, #tpu.memory_space<vmem>>, vector<1x16xi32>,
    %swap3A_87 = vector.shape_cast %swap3A_86 : vector<1x16xi32> to vector<16xi32>
    %swap3A_88 = vector.shape_cast %shift_right_logical3A_82 : vector<16xi32> to vector<1x16xi32>
    tpu.vector_store %arg7[%swap3A_84, %swap3A_85], %swap3A_88 {strides = array<i32>} : memref<2x64xi32, #tpu.memory_space<vmem>>, vector<1x16xi32>,
    %dma_start3A = arith.constant 0 : i32
    %dma_start3A_89 = arith.constant 0 : i32
    %dma_start3A_90 = tpu.memref_slice %arg7[%dma_start3A, %dma_start3A_89] : memref<2x64xi32, #tpu.memory_space<vmem>> -> memref<1x64xi32, #tpu.memory_space<vmem>>
    %dma_start3A_91 = tpu.memref_squeeze %dma_start3A_90 : memref<1x64xi32, #tpu.memory_space<vmem>> -> memref<64xi32, #tpu.memory_space<vmem>>
    %dma_start3A_92 = arith.constant 0 : i32
    %dma_start3A_93 = arith.constant 0 : i32
    %dma_start3A_94 = tpu.memref_slice %arg2[%dma_start3A_92, %dma_start3A_93] : memref<10000x128xf32, #tpu.memory_space<hbm>> -> memref<10000x128xf32, #tpu.memory_space<hbm>>
    tpu.enqueue_indirect_dma source(%dma_start3A_94 : memref<10000x128xf32, #tpu.memory_space<hbm>>) target(%arg10 : memref<64x128xf32, #tpu.memory_space<vmem>>) offsets(%dma_start3A_91 : memref<64xi32, #tpu.memory_space<vmem>>) semaphore(%arg15 : memref<!tpu.dma_semaphore, #tpu.memory_space<semaphore_mem>>)
    %get3A_95 = arith.constant 1 : i32
    %get3A_96 = arith.index_cast %get3A_95 : i32 to index
    %get3A_97 = arith.constant 0 : index
    %get3A_98 = tpu.vector_load %arg6[%get3A_96, %get3A_97] {strides = array<i32>} : memref<159x64xi32, #tpu.memory_space<vmem>>, vector<1x16xi32>,
    %get3A_99 = vector.shape_cast %get3A_98 : vector<1x16xi32> to vector<16xi32>
    %and3A_100 = arith.constant 65535 : i32
    %and3A_101 = vector.broadcast %and3A_100 : i32 to vector<16xi32>
    %and3A_102 = arith.andi %get3A_99, %and3A_101 : vector<16xi32>
    %swap3A_103 = arith.constant 0 : i32
    %swap3A_104 = arith.index_cast %swap3A_103 : i32 to index
    %swap3A_105 = arith.constant 0 : index
    %swap3A_106 = tpu.vector_load %arg8[%swap3A_104, %swap3A_105] {strides = array<i32>} : memref<2x64xi32, #tpu.memory_space<vmem>>, vector<1x16xi32>,
    %swap3A_107 = vector.shape_cast %swap3A_106 : vector<1x16xi32> to vector<16xi32>
    %swap3A_108 = vector.shape_cast %and3A_102 : vector<16xi32> to vector<1x16xi32>
    tpu.vector_store %arg8[%swap3A_104, %swap3A_105], %swap3A_108 {strides = array<i32>} : memref<2x64xi32, #tpu.memory_space<vmem>>, vector<1x16xi32>,
    %shift_right_logical3A_109 = arith.constant 16 : i32
    %shift_right_logical3A_110 = vector.broadcast %shift_right_logical3A_109 : i32 to vector<16xi32>
    %shift_right_logical3A_111 = arith.shrui %get3A_99, %shift_right_logical3A_110 : vector<16xi32>
    %swap3A_112 = arith.constant 1 : i32
    %swap3A_113 = arith.index_cast %swap3A_112 : i32 to index
    %swap3A_114 = arith.constant 0 : index
    %swap3A_115 = tpu.vector_load %arg8[%swap3A_113, %swap3A_114] {strides = array<i32>} : memref<2x64xi32, #tpu.memory_space<vmem>>, vector<1x16xi32>,
    %swap3A_116 = vector.shape_cast %swap3A_115 : vector<1x16xi32> to vector<16xi32>
    %swap3A_117 = vector.shape_cast %shift_right_logical3A_111 : vector<16xi32> to vector<1x16xi32>
    tpu.vector_store %arg8[%swap3A_113, %swap3A_114], %swap3A_117 {strides = array<i32>} : memref<2x64xi32, #tpu.memory_space<vmem>>, vector<1x16xi32>,
    %get3A_118 = arith.constant 1 : i32
    %get3A_119 = arith.index_cast %get3A_118 : i32 to index
    %get3A_120 = arith.constant 16 : index
    %get3A_121 = tpu.vector_load %arg6[%get3A_119, %get3A_120] {strides = array<i32>} : memref<159x64xi32, #tpu.memory_space<vmem>>, vector<1x16xi32>,
    %get3A_122 = vector.shape_cast %get3A_121 : vector<1x16xi32> to vector<16xi32>
    %and3A_123 = arith.constant 65535 : i32
    %and3A_124 = vector.broadcast %and3A_123 : i32 to vector<16xi32>
    %and3A_125 = arith.andi %get3A_122, %and3A_124 : vector<16xi32>
    %swap3A_126 = arith.constant 0 : i32
    %swap3A_127 = arith.index_cast %swap3A_126 : i32 to index
    %swap3A_128 = arith.constant 16 : index
    %swap3A_129 = tpu.vector_load %arg8[%swap3A_127, %swap3A_128] {strides = array<i32>} : memref<2x64xi32, #tpu.memory_space<vmem>>, vector<1x16xi32>,
    %swap3A_130 = vector.shape_cast %swap3A_129 : vector<1x16xi32> to vector<16xi32>
    %swap3A_131 = vector.shape_cast %and3A_125 : vector<16xi32> to vector<1x16xi32>
    tpu.vector_store %arg8[%swap3A_127, %swap3A_128], %swap3A_131 {strides = array<i32>} : memref<2x64xi32, #tpu.memory_space<vmem>>, vector<1x16xi32>,
    %shift_right_logical3A_132 = arith.constant 16 : i32
    %shift_right_logical3A_133 = vector.broadcast %shift_right_logical3A_132 : i32 to vector<16xi32>
    %shift_right_logical3A_134 = arith.shrui %get3A_122, %shift_right_logical3A_133 : vector<16xi32>
    %swap3A_135 = arith.constant 1 : i32
    %swap3A_136 = arith.index_cast %swap3A_135 : i32 to index
    %swap3A_137 = arith.constant 16 : index
    %swap3A_138 = tpu.vector_load %arg8[%swap3A_136, %swap3A_137] {strides = array<i32>} : memref<2x64xi32, #tpu.memory_space<vmem>>, vector<1x16xi32>,
    %swap3A_139 = vector.shape_cast %swap3A_138 : vector<1x16xi32> to vector<16xi32>
    %swap3A_140 = vector.shape_cast %shift_right_logical3A_134 : vector<16xi32> to vector<1x16xi32>
    tpu.vector_store %arg8[%swap3A_136, %swap3A_137], %swap3A_140 {strides = array<i32>} : memref<2x64xi32, #tpu.memory_space<vmem>>, vector<1x16xi32>,
    %get3A_141 = arith.constant 1 : i32
    %get3A_142 = arith.index_cast %get3A_141 : i32 to index
    %get3A_143 = arith.constant 32 : index
    %get3A_144 = tpu.vector_load %arg6[%get3A_142, %get3A_143] {strides = array<i32>} : memref<159x64xi32, #tpu.memory_space<vmem>>, vector<1x16xi32>,
    %get3A_145 = vector.shape_cast %get3A_144 : vector<1x16xi32> to vector<16xi32>
    %and3A_146 = arith.constant 65535 : i32
    %and3A_147 = vector.broadcast %and3A_146 : i32 to vector<16xi32>
    %and3A_148 = arith.andi %get3A_145, %and3A_147 : vector<16xi32>
    %swap3A_149 = arith.constant 0 : i32
    %swap3A_150 = arith.index_cast %swap3A_149 : i32 to index
    %swap3A_151 = arith.constant 32 : index
    %swap3A_152 = tpu.vector_load %arg8[%swap3A_150, %swap3A_151] {strides = array<i32>} : memref<2x64xi32, #tpu.memory_space<vmem>>, vector<1x16xi32>,
    %swap3A_153 = vector.shape_cast %swap3A_152 : vector<1x16xi32> to vector<16xi32>
    %swap3A_154 = vector.shape_cast %and3A_148 : vector<16xi32> to vector<1x16xi32>
    tpu.vector_store %arg8[%swap3A_150, %swap3A_151], %swap3A_154 {strides = array<i32>} : memref<2x64xi32, #tpu.memory_space<vmem>>, vector<1x16xi32>,
    %shift_right_logical3A_155 = arith.constant 16 : i32
    %shift_right_logical3A_156 = vector.broadcast %shift_right_logical3A_155 : i32 to vector<16xi32>
    %shift_right_logical3A_157 = arith.shrui %get3A_145, %shift_right_logical3A_156 : vector<16xi32>
    %swap3A_158 = arith.constant 1 : i32
    %swap3A_159 = arith.index_cast %swap3A_158 : i32 to index
    %swap3A_160 = arith.constant 32 : index
    %swap3A_161 = tpu.vector_load %arg8[%swap3A_159, %swap3A_160] {strides = array<i32>} : memref<2x64xi32, #tpu.memory_space<vmem>>, vector<1x16xi32>,
    %swap3A_162 = vector.shape_cast %swap3A_161 : vector<1x16xi32> to vector<16xi32>
    %swap3A_163 = vector.shape_cast %shift_right_logical3A_157 : vector<16xi32> to vector<1x16xi32>
    tpu.vector_store %arg8[%swap3A_159, %swap3A_160], %swap3A_163 {strides = array<i32>} : memref<2x64xi32, #tpu.memory_space<vmem>>, vector<1x16xi32>,
    %get3A_164 = arith.constant 1 : i32
    %get3A_165 = arith.index_cast %get3A_164 : i32 to index
    %get3A_166 = arith.constant 48 : index
    %get3A_167 = tpu.vector_load %arg6[%get3A_165, %get3A_166] {strides = array<i32>} : memref<159x64xi32, #tpu.memory_space<vmem>>, vector<1x16xi32>,
    %get3A_168 = vector.shape_cast %get3A_167 : vector<1x16xi32> to vector<16xi32>
    %and3A_169 = arith.constant 65535 : i32
    %and3A_170 = vector.broadcast %and3A_169 : i32 to vector<16xi32>
    %and3A_171 = arith.andi %get3A_168, %and3A_170 : vector<16xi32>
    %swap3A_172 = arith.constant 0 : i32
    %swap3A_173 = arith.index_cast %swap3A_172 : i32 to index
    %swap3A_174 = arith.constant 48 : index
    %swap3A_175 = tpu.vector_load %arg8[%swap3A_173, %swap3A_174] {strides = array<i32>} : memref<2x64xi32, #tpu.memory_space<vmem>>, vector<1x16xi32>,
    %swap3A_176 = vector.shape_cast %swap3A_175 : vector<1x16xi32> to vector<16xi32>
    %swap3A_177 = vector.shape_cast %and3A_171 : vector<16xi32> to vector<1x16xi32>
    tpu.vector_store %arg8[%swap3A_173, %swap3A_174], %swap3A_177 {strides = array<i32>} : memref<2x64xi32, #tpu.memory_space<vmem>>, vector<1x16xi32>,
    %shift_right_logical3A_178 = arith.constant 16 : i32
    %shift_right_logical3A_179 = vector.broadcast %shift_right_logical3A_178 : i32 to vector<16xi32>
    %shift_right_logical3A_180 = arith.shrui %get3A_168, %shift_right_logical3A_179 : vector<16xi32>
    %swap3A_181 = arith.constant 1 : i32
    %swap3A_182 = arith.index_cast %swap3A_181 : i32 to index
    %swap3A_183 = arith.constant 48 : index
    %swap3A_184 = tpu.vector_load %arg8[%swap3A_182, %swap3A_183] {strides = array<i32>} : memref<2x64xi32, #tpu.memory_space<vmem>>, vector<1x16xi32>,
    %swap3A_185 = vector.shape_cast %swap3A_184 : vector<1x16xi32> to vector<16xi32>
    %swap3A_186 = vector.shape_cast %shift_right_logical3A_180 : vector<16xi32> to vector<1x16xi32>
    tpu.vector_store %arg8[%swap3A_182, %swap3A_183], %swap3A_186 {strides = array<i32>} : memref<2x64xi32, #tpu.memory_space<vmem>>, vector<1x16xi32>,
    %dma_start3A_187 = arith.constant 0 : i32
    %dma_start3A_188 = arith.constant 0 : i32
    %dma_start3A_189 = tpu.memref_slice %arg8[%dma_start3A_187, %dma_start3A_188] : memref<2x64xi32, #tpu.memory_space<vmem>> -> memref<1x64xi32, #tpu.memory_space<vmem>>
    %dma_start3A_190 = tpu.memref_squeeze %dma_start3A_189 : memref<1x64xi32, #tpu.memory_space<vmem>> -> memref<64xi32, #tpu.memory_space<vmem>>
    %dma_start3A_191 = arith.constant 0 : i32
    %dma_start3A_192 = arith.constant 0 : i32
    %dma_start3A_193 = tpu.memref_slice %arg2[%dma_start3A_191, %dma_start3A_192] : memref<10000x128xf32, #tpu.memory_space<hbm>> -> memref<10000x128xf32, #tpu.memory_space<hbm>>
    tpu.enqueue_indirect_dma source(%dma_start3A_193 : memref<10000x128xf32, #tpu.memory_space<hbm>>) target(%arg11 : memref<64x128xf32, #tpu.memory_space<vmem>>) offsets(%dma_start3A_190 : memref<64xi32, #tpu.memory_space<vmem>>) semaphore(%arg16 : memref<!tpu.dma_semaphore, #tpu.memory_space<semaphore_mem>>)
    %get3A_194 = arith.constant 2 : i32
    %get3A_195 = arith.index_cast %get3A_194 : i32 to index
    %get3A_196 = arith.constant 0 : index
    %get3A_197 = tpu.vector_load %arg6[%get3A_195, %get3A_196] {strides = array<i32>} : memref<159x64xi32, #tpu.memory_space<vmem>>, vector<1x16xi32>,
    %get3A_198 = vector.shape_cast %get3A_197 : vector<1x16xi32> to vector<16xi32>
    %and3A_199 = arith.constant 65535 : i32
    %and3A_200 = vector.broadcast %and3A_199 : i32 to vector<16xi32>
    %and3A_201 = arith.andi %get3A_198, %and3A_200 : vector<16xi32>
    %swap3A_202 = arith.constant 0 : i32
    %swap3A_203 = arith.index_cast %swap3A_202 : i32 to index
    %swap3A_204 = arith.constant 0 : index
    %swap3A_205 = tpu.vector_load %arg9[%swap3A_203, %swap3A_204] {strides = array<i32>} : memref<2x64xi32, #tpu.memory_space<vmem>>, vector<1x16xi32>,
    %swap3A_206 = vector.shape_cast %swap3A_205 : vector<1x16xi32> to vector<16xi32>
    %swap3A_207 = vector.shape_cast %and3A_201 : vector<16xi32> to vector<1x16xi32>
    tpu.vector_store %arg9[%swap3A_203, %swap3A_204], %swap3A_207 {strides = array<i32>} : memref<2x64xi32, #tpu.memory_space<vmem>>, vector<1x16xi32>,
    %shift_right_logical3A_208 = arith.constant 16 : i32
    %shift_right_logical3A_209 = vector.broadcast %shift_right_logical3A_208 : i32 to vector<16xi32>
    %shift_right_logical3A_210 = arith.shrui %get3A_198, %shift_right_logical3A_209 : vector<16xi32>
    %swap3A_211 = arith.constant 1 : i32
    %swap3A_212 = arith.index_cast %swap3A_211 : i32 to index
    %swap3A_213 = arith.constant 0 : index
    %swap3A_214 = tpu.vector_load %arg9[%swap3A_212, %swap3A_213] {strides = array<i32>} : memref<2x64xi32, #tpu.memory_space<vmem>>, vector<1x16xi32>,
    %swap3A_215 = vector.shape_cast %swap3A_214 : vector<1x16xi32> to vector<16xi32>
    %swap3A_216 = vector.shape_cast %shift_right_logical3A_210 : vector<16xi32> to vector<1x16xi32>
    tpu.vector_store %arg9[%swap3A_212, %swap3A_213], %swap3A_216 {strides = array<i32>} : memref<2x64xi32, #tpu.memory_space<vmem>>, vector<1x16xi32>,
    %get3A_217 = arith.constant 2 : i32
    %get3A_218 = arith.index_cast %get3A_217 : i32 to index
    %get3A_219 = arith.constant 16 : index
    %get3A_220 = tpu.vector_load %arg6[%get3A_218, %get3A_219] {strides = array<i32>} : memref<159x64xi32, #tpu.memory_space<vmem>>, vector<1x16xi32>,
    %get3A_221 = vector.shape_cast %get3A_220 : vector<1x16xi32> to vector<16xi32>
    %and3A_222 = arith.constant 65535 : i32
    %and3A_223 = vector.broadcast %and3A_222 : i32 to vector<16xi32>
    %and3A_224 = arith.andi %get3A_221, %and3A_223 : vector<16xi32>
    %swap3A_225 = arith.constant 0 : i32
    %swap3A_226 = arith.index_cast %swap3A_225 : i32 to index
    %swap3A_227 = arith.constant 16 : index
    %swap3A_228 = tpu.vector_load %arg9[%swap3A_226, %swap3A_227] {strides = array<i32>} : memref<2x64xi32, #tpu.memory_space<vmem>>, vector<1x16xi32>,
    %swap3A_229 = vector.shape_cast %swap3A_228 : vector<1x16xi32> to vector<16xi32>
    %swap3A_230 = vector.shape_cast %and3A_224 : vector<16xi32> to vector<1x16xi32>
    tpu.vector_store %arg9[%swap3A_226, %swap3A_227], %swap3A_230 {strides = array<i32>} : memref<2x64xi32, #tpu.memory_space<vmem>>, vector<1x16xi32>,
    %shift_right_logical3A_231 = arith.constant 16 : i32
    %shift_right_logical3A_232 = vector.broadcast %shift_right_logical3A_231 : i32 to vector<16xi32>
    %shift_right_logical3A_233 = arith.shrui %get3A_221, %shift_right_logical3A_232 : vector<16xi32>
    %swap3A_234 = arith.constant 1 : i32
    %swap3A_235 = arith.index_cast %swap3A_234 : i32 to index
    %swap3A_236 = arith.constant 16 : index
    %swap3A_237 = tpu.vector_load %arg9[%swap3A_235, %swap3A_236] {strides = array<i32>} : memref<2x64xi32, #tpu.memory_space<vmem>>, vector<1x16xi32>,
    %swap3A_238 = vector.shape_cast %swap3A_237 : vector<1x16xi32> to vector<16xi32>
    %swap3A_239 = vector.shape_cast %shift_right_logical3A_233 : vector<16xi32> to vector<1x16xi32>
    tpu.vector_store %arg9[%swap3A_235, %swap3A_236], %swap3A_239 {strides = array<i32>} : memref<2x64xi32, #tpu.memory_space<vmem>>, vector<1x16xi32>,
    %get3A_240 = arith.constant 2 : i32
    %get3A_241 = arith.index_cast %get3A_240 : i32 to index
    %get3A_242 = arith.constant 32 : index
    %get3A_243 = tpu.vector_load %arg6[%get3A_241, %get3A_242] {strides = array<i32>} : memref<159x64xi32, #tpu.memory_space<vmem>>, vector<1x16xi32>,
    %get3A_244 = vector.shape_cast %get3A_243 : vector<1x16xi32> to vector<16xi32>
    %and3A_245 = arith.constant 65535 : i32
    %and3A_246 = vector.broadcast %and3A_245 : i32 to vector<16xi32>
    %and3A_247 = arith.andi %get3A_244, %and3A_246 : vector<16xi32>
    %swap3A_248 = arith.constant 0 : i32
    %swap3A_249 = arith.index_cast %swap3A_248 : i32 to index
    %swap3A_250 = arith.constant 32 : index
    %swap3A_251 = tpu.vector_load %arg9[%swap3A_249, %swap3A_250] {strides = array<i32>} : memref<2x64xi32, #tpu.memory_space<vmem>>, vector<1x16xi32>,
    %swap3A_252 = vector.shape_cast %swap3A_251 : vector<1x16xi32> to vector<16xi32>
    %swap3A_253 = vector.shape_cast %and3A_247 : vector<16xi32> to vector<1x16xi32>
    tpu.vector_store %arg9[%swap3A_249, %swap3A_250], %swap3A_253 {strides = array<i32>} : memref<2x64xi32, #tpu.memory_space<vmem>>, vector<1x16xi32>,
    %shift_right_logical3A_254 = arith.constant 16 : i32
    %shift_right_logical3A_255 = vector.broadcast %shift_right_logical3A_254 : i32 to vector<16xi32>
    %shift_right_logical3A_256 = arith.shrui %get3A_244, %shift_right_logical3A_255 : vector<16xi32>
    %swap3A_257 = arith.constant 1 : i32
    %swap3A_258 = arith.index_cast %swap3A_257 : i32 to index
    %swap3A_259 = arith.constant 32 : index
    %swap3A_260 = tpu.vector_load %arg9[%swap3A_258, %swap3A_259] {strides = array<i32>} : memref<2x64xi32, #tpu.memory_space<vmem>>, vector<1x16xi32>,
    %swap3A_261 = vector.shape_cast %swap3A_260 : vector<1x16xi32> to vector<16xi32>
    %swap3A_262 = vector.shape_cast %shift_right_logical3A_256 : vector<16xi32> to vector<1x16xi32>
    tpu.vector_store %arg9[%swap3A_258, %swap3A_259], %swap3A_262 {strides = array<i32>} : memref<2x64xi32, #tpu.memory_space<vmem>>, vector<1x16xi32>,
    %get3A_263 = arith.constant 2 : i32
    %get3A_264 = arith.index_cast %get3A_263 : i32 to index
    %get3A_265 = arith.constant 48 : index
    %get3A_266 = tpu.vector_load %arg6[%get3A_264, %get3A_265] {strides = array<i32>} : memref<159x64xi32, #tpu.memory_space<vmem>>, vector<1x16xi32>,
    %get3A_267 = vector.shape_cast %get3A_266 : vector<1x16xi32> to vector<16xi32>
    %and3A_268 = arith.constant 65535 : i32
    %and3A_269 = vector.broadcast %and3A_268 : i32 to vector<16xi32>
    %and3A_270 = arith.andi %get3A_267, %and3A_269 : vector<16xi32>
    %swap3A_271 = arith.constant 0 : i32
    %swap3A_272 = arith.index_cast %swap3A_271 : i32 to index
    %swap3A_273 = arith.constant 48 : index
    %swap3A_274 = tpu.vector_load %arg9[%swap3A_272, %swap3A_273] {strides = array<i32>} : memref<2x64xi32, #tpu.memory_space<vmem>>, vector<1x16xi32>,
    %swap3A_275 = vector.shape_cast %swap3A_274 : vector<1x16xi32> to vector<16xi32>
    %swap3A_276 = vector.shape_cast %and3A_270 : vector<16xi32> to vector<1x16xi32>
    tpu.vector_store %arg9[%swap3A_272, %swap3A_273], %swap3A_276 {strides = array<i32>} : memref<2x64xi32, #tpu.memory_space<vmem>>, vector<1x16xi32>,
    %shift_right_logical3A_277 = arith.constant 16 : i32
    %shift_right_logical3A_278 = vector.broadcast %shift_right_logical3A_277 : i32 to vector<16xi32>
    %shift_right_logical3A_279 = arith.shrui %get3A_267, %shift_right_logical3A_278 : vector<16xi32>
    %swap3A_280 = arith.constant 1 : i32
    %swap3A_281 = arith.index_cast %swap3A_280 : i32 to index
    %swap3A_282 = arith.constant 48 : index
    %swap3A_283 = tpu.vector_load %arg9[%swap3A_281, %swap3A_282] {strides = array<i32>} : memref<2x64xi32, #tpu.memory_space<vmem>>, vector<1x16xi32>,
    %swap3A_284 = vector.shape_cast %swap3A_283 : vector<1x16xi32> to vector<16xi32>
    %swap3A_285 = vector.shape_cast %shift_right_logical3A_279 : vector<16xi32> to vector<1x16xi32>
    tpu.vector_store %arg9[%swap3A_281, %swap3A_282], %swap3A_285 {strides = array<i32>} : memref<2x64xi32, #tpu.memory_space<vmem>>, vector<1x16xi32>,
    %dma_start3A_286 = arith.constant 0 : i32
    %dma_start3A_287 = arith.constant 0 : i32
    %dma_start3A_288 = tpu.memref_slice %arg9[%dma_start3A_286, %dma_start3A_287] : memref<2x64xi32, #tpu.memory_space<vmem>> -> memref<1x64xi32, #tpu.memory_space<vmem>>
    %dma_start3A_289 = tpu.memref_squeeze %dma_start3A_288 : memref<1x64xi32, #tpu.memory_space<vmem>> -> memref<64xi32, #tpu.memory_space<vmem>>
    %dma_start3A_290 = arith.constant 0 : i32
    %dma_start3A_291 = arith.constant 0 : i32
    %dma_start3A_292 = tpu.memref_slice %arg2[%dma_start3A_290, %dma_start3A_291] : memref<10000x128xf32, #tpu.memory_space<hbm>> -> memref<10000x128xf32, #tpu.memory_space<hbm>>
    tpu.enqueue_indirect_dma source(%dma_start3A_292 : memref<10000x128xf32, #tpu.memory_space<hbm>>) target(%arg12 : memref<64x128xf32, #tpu.memory_space<vmem>>) offsets(%dma_start3A_289 : memref<64xi32, #tpu.memory_space<vmem>>) semaphore(%arg17 : memref<!tpu.dma_semaphore, #tpu.memory_space<semaphore_mem>>)
    %scan3A = arith.constant 0 : i32
    %scan3A_293 = arith.constant 0 : i32
    %scan3A_294 = arith.constant 8 : i32
    %scan3A_295 = arith.addi %scan3A_293, %scan3A_294 : i32
    %scan3A_296 = arith.constant 1 : i32
    %scan3A_297 = scf.for %scan3A_328 = %scan3A_293 to %scan3A_295 step %scan3A_296 iter_args(%scan3A_329 = %scan3A) -> (i32)  : i32 {
      %scan3A_330 = arith.constant 0 : i32
      %scan3A_331 = arith.constant 0 : i32
      %scan3A_332 = arith.constant 8 : i32
      %scan3A_333 = arith.addi %scan3A_331, %scan3A_332 : i32
      %scan3A_334 = arith.constant 1 : i32
      %scan3A_335 = scf.for %scan3A_338 = %scan3A_331 to %scan3A_333 step %scan3A_334 iter_args(%scan3A_339 = %scan3A_330) -> (i32)  : i32 {
        %broadcast_in_dim3A = arith.constant 0.000000e+00 : f32
        %broadcast_in_dim3A_340 = vector.broadcast %broadcast_in_dim3A : f32 to vector<16xf32>
        %mul3A_341 = arith.constant 16 : i32
        %mul3A_342 = arith.muli %scan3A_338, %mul3A_341 : i32
        %swap3A_343 = arith.index_cast %scan3A_328 : i32 to index
        %swap3A_344 = arith.index_cast %mul3A_342 : i32 to index
        %swap3A_345 = tpu.vector_load %arg13[%swap3A_343, %swap3A_344] {strides = array<i32>} : memref<8x128xf32, #tpu.memory_space<vmem>>, vector<1x16xf32>,
        %swap3A_346 = vector.shape_cast %swap3A_345 : vector<1x16xf32> to vector<16xf32>
        %swap3A_347 = vector.shape_cast %broadcast_in_dim3A_340 : vector<16xf32> to vector<1x16xf32>
        tpu.vector_store %arg13[%swap3A_343, %swap3A_344], %swap3A_347 {strides = array<i32>} : memref<8x128xf32, #tpu.memory_space<vmem>>, vector<1x16xf32>,
        %scan3A_348 = arith.constant 0 : i32
        scf.yield %scan3A_348 : i32
      }
      %scan3A_336 = arith.constant 8 : i32
      %scan3A_337 = arith.constant 0 : i32
      scf.yield %scan3A_337 : i32
    }
    %scan3A_298 = arith.constant 8 : i32
    %scan3A_299 = arith.constant 0 : i32
    %scan3A_300 = arith.constant 0 : i32
    %scan3A_301 = arith.constant 79 : i32
    %scan3A_302 = arith.addi %scan3A_300, %scan3A_301 : i32
    %scan3A_303 = arith.constant 1 : i32
    %scan3A_304 = scf.for %scan3A_328 = %scan3A_300 to %scan3A_302 step %scan3A_303 iter_args(%scan3A_329 = %scan3A_299) -> (i32)  : i32 {
      %mul3A_330 = arith.constant 16 : i32
      %mul3A_331 = arith.muli %scan3A_328, %mul3A_330 : i32
      %add3A_332 = arith.addi %arg1, %mul3A_331 : i32
      %lt3A = arith.constant 1250 : i32
      %lt3A_333 = arith.cmpi slt, %add3A_332, %lt3A : i32
      %convert_element_type3A_334 = arith.extui %lt3A_333 : i1 to i32
      %cond3A_335 = arith.constant 0 : i32
      %cond3A_336 = arith.cmpi ne, %convert_element_type3A_334, %cond3A_335 : i32
      scf.if %cond3A_336 {
        %mul3A_338 = arith.constant 8 : i32
        %mul3A_339 = arith.muli %add3A_332, %mul3A_338 : i32
        %dma_start3A_340 = arith.constant 0 : i32
        %dma_start3A_341 = tpu.memref_slice %arg14[%mul3A_339, %dma_start3A_340] : memref<10000x128xf32, #tpu.memory_space<vmem_shared>> -> memref<8x128xf32, #tpu.memory_space<vmem_shared>>
        %dma_start3A_342 = arith.constant 0 : i32
        %dma_start3A_343 = tpu.memref_slice %arg14[%mul3A_339, %dma_start3A_342] : memref<10000x128xf32, #tpu.memory_space<vmem_shared>> -> memref<8x128xf32, #tpu.memory_space<vmem_shared>>
        tpu.enqueue_dma source(%arg13 : memref<8x128xf32, #tpu.memory_space<vmem>>) target(%dma_start3A_343 : memref<8x128xf32, #tpu.memory_space<vmem_shared>>) target_semaphore(%arg21 : memref<!tpu.dma_semaphore, #tpu.memory_space<semaphore_mem>>)
      } else {
      }
      %scan3A_337 = arith.constant 0 : i32
      scf.yield %scan3A_337 : i32
    }
    %scan3A_305 = arith.constant 79 : i32
    %scan3A_306 = arith.constant 0 : i32
    %scan3A_307 = arith.constant 0 : i32
    %scan3A_308 = arith.constant 79 : i32
    %scan3A_309 = arith.addi %scan3A_307, %scan3A_308 : i32
    %scan3A_310 = arith.constant 1 : i32
    %scan3A_311 = scf.for %scan3A_328 = %scan3A_307 to %scan3A_309 step %scan3A_310 iter_args(%scan3A_329 = %scan3A_306) -> (i32)  : i32 {
      %mul3A_330 = arith.constant 16 : i32
      %mul3A_331 = arith.muli %scan3A_328, %mul3A_330 : i32
      %add3A_332 = arith.addi %arg1, %mul3A_331 : i32
      %lt3A = arith.constant 1250 : i32
      %lt3A_333 = arith.cmpi slt, %add3A_332, %lt3A : i32
      %convert_element_type3A_334 = arith.extui %lt3A_333 : i1 to i32
      %cond3A_335 = arith.constant 0 : i32
      %cond3A_336 = arith.cmpi ne, %convert_element_type3A_334, %cond3A_335 : i32
      scf.if %cond3A_336 {
        %dma_wait3A = arith.constant 0 : i32
        %dma_wait3A_338 = arith.constant 0 : i32
        %dma_wait3A_339 = tpu.memref_slice %arg14[%dma_wait3A, %dma_wait3A_338] : memref<10000x128xf32, #tpu.memory_space<vmem_shared>> -> memref<8x128xf32, #tpu.memory_space<vmem_shared>>
        %dma_wait3A_340 = arith.constant 0 : i32
        %dma_wait3A_341 = arith.constant 0 : i32
        %dma_wait3A_342 = tpu.memref_slice %arg14[%dma_wait3A_340, %dma_wait3A_341] : memref<10000x128xf32, #tpu.memory_space<vmem_shared>> -> memref<8x128xf32, #tpu.memory_space<vmem_shared>>
        tpu.wait_dma2 semaphore(%arg21 : memref<!tpu.dma_semaphore, #tpu.memory_space<semaphore_mem>>) src(%arg13 : memref<8x128xf32, #tpu.memory_space<vmem>>) dst(%dma_wait3A_342 : memref<8x128xf32, #tpu.memory_space<vmem_shared>>)
      } else {
      }
      %scan3A_337 = arith.constant 0 : i32
      scf.yield %scan3A_337 : i32
    }
    %scan3A_312 = arith.constant 79 : i32
    %barrier3A = arith.constant 0 : index
    tpu.barrier barrier_id(%barrier3A)
    %scan3A_313 = arith.constant 0 : i32
    %scan3A_314 = arith.constant 0 : i32
    %scan3A_315 = arith.constant 53 : i32
    %scan3A_316 = arith.addi %scan3A_314, %scan3A_315 : i32
    %scan3A_317 = arith.constant 1 : i32
    %scan3A_318 = scf.for %scan3A_328 = %scan3A_314 to %scan3A_316 step %scan3A_317 iter_args(%scan3A_329 = %scan3A_313) -> (i32)  : i32 {
      %mul3A_330 = arith.constant 3 : i32
      %mul3A_331 = arith.muli %mul3A_330, %scan3A_328 : i32
      %dma_wait3A = arith.constant 0 : i32
      %dma_wait3A_332 = arith.constant 0 : i32
      %dma_wait3A_333 = tpu.memref_slice %arg7[%dma_wait3A, %dma_wait3A_332] : memref<2x64xi32, #tpu.memory_space<vmem>> -> memref<1x64xi32, #tpu.memory_space<vmem>>
      %dma_wait3A_334 = tpu.memref_squeeze %dma_wait3A_333 : memref<1x64xi32, #tpu.memory_space<vmem>> -> memref<64xi32, #tpu.memory_space<vmem>>
      %dma_wait3A_335 = arith.constant 0 : i32
      %dma_wait3A_336 = arith.constant 0 : i32
      %dma_wait3A_337 = tpu.memref_slice %arg2[%dma_wait3A_335, %dma_wait3A_336] : memref<10000x128xf32, #tpu.memory_space<hbm>> -> memref<10000x128xf32, #tpu.memory_space<hbm>>
      tpu.wait_indirect_dma semaphore(%arg15 : memref<!tpu.dma_semaphore, #tpu.memory_space<semaphore_mem>>) src(%dma_wait3A_337 : memref<10000x128xf32, #tpu.memory_space<hbm>>) dst(%arg10 : memref<64x128xf32, #tpu.memory_space<vmem>>)
      %dma_start3A_338 = arith.constant 1 : i32
      %dma_start3A_339 = arith.constant 0 : i32
      %dma_start3A_340 = tpu.memref_slice %arg7[%dma_start3A_338, %dma_start3A_339] : memref<2x64xi32, #tpu.memory_space<vmem>> -> memref<1x64xi32, #tpu.memory_space<vmem>>
      %dma_start3A_341 = tpu.memref_squeeze %dma_start3A_340 : memref<1x64xi32, #tpu.memory_space<vmem>> -> memref<64xi32, #tpu.memory_space<vmem>>
      %dma_start3A_342 = arith.constant 0 : i32
      %dma_start3A_343 = arith.constant 0 : i32
      %dma_start3A_344 = tpu.memref_slice %arg14[%dma_start3A_342, %dma_start3A_343] : memref<10000x128xf32, #tpu.memory_space<vmem_shared>> -> memref<10000x128xf32, #tpu.memory_space<vmem_shared>>
      tpu.enqueue_indirect_dma source(%arg10 : memref<64x128xf32, #tpu.memory_space<vmem>>) target(%dma_start3A_344 : memref<10000x128xf32, #tpu.memory_space<vmem_shared>>) offsets(%dma_start3A_341 : memref<64xi32, #tpu.memory_space<vmem>>) semaphore(%arg18 : memref<!tpu.dma_semaphore, #tpu.memory_space<semaphore_mem>>) {add = true}
      %dma_wait3A_345 = arith.constant 0 : i32
      %dma_wait3A_346 = arith.constant 0 : i32
      %dma_wait3A_347 = tpu.memref_slice %arg8[%dma_wait3A_345, %dma_wait3A_346] : memref<2x64xi32, #tpu.memory_space<vmem>> -> memref<1x64xi32, #tpu.memory_space<vmem>>
      %dma_wait3A_348 = tpu.memref_squeeze %dma_wait3A_347 : memref<1x64xi32, #tpu.memory_space<vmem>> -> memref<64xi32, #tpu.memory_space<vmem>>
      %dma_wait3A_349 = arith.constant 0 : i32
      %dma_wait3A_350 = arith.constant 0 : i32
      %dma_wait3A_351 = tpu.memref_slice %arg2[%dma_wait3A_349, %dma_wait3A_350] : memref<10000x128xf32, #tpu.memory_space<hbm>> -> memref<10000x128xf32, #tpu.memory_space<hbm>>
      tpu.wait_indirect_dma semaphore(%arg16 : memref<!tpu.dma_semaphore, #tpu.memory_space<semaphore_mem>>) src(%dma_wait3A_351 : memref<10000x128xf32, #tpu.memory_space<hbm>>) dst(%arg11 : memref<64x128xf32, #tpu.memory_space<vmem>>)
      %dma_start3A_352 = arith.constant 1 : i32
      %dma_start3A_353 = arith.constant 0 : i32
      %dma_start3A_354 = tpu.memref_slice %arg8[%dma_start3A_352, %dma_start3A_353] : memref<2x64xi32, #tpu.memory_space<vmem>> -> memref<1x64xi32, #tpu.memory_space<vmem>>
      %dma_start3A_355 = tpu.memref_squeeze %dma_start3A_354 : memref<1x64xi32, #tpu.memory_space<vmem>> -> memref<64xi32, #tpu.memory_space<vmem>>
      %dma_start3A_356 = arith.constant 0 : i32
      %dma_start3A_357 = arith.constant 0 : i32
      %dma_start3A_358 = tpu.memref_slice %arg14[%dma_start3A_356, %dma_start3A_357] : memref<10000x128xf32, #tpu.memory_space<vmem_shared>> -> memref<10000x128xf32, #tpu.memory_space<vmem_shared>>
      tpu.enqueue_indirect_dma source(%arg11 : memref<64x128xf32, #tpu.memory_space<vmem>>) target(%dma_start3A_358 : memref<10000x128xf32, #tpu.memory_space<vmem_shared>>) offsets(%dma_start3A_355 : memref<64xi32, #tpu.memory_space<vmem>>) semaphore(%arg19 : memref<!tpu.dma_semaphore, #tpu.memory_space<semaphore_mem>>) {add = true}
      %dma_wait3A_359 = arith.constant 1 : i32
      %dma_wait3A_360 = arith.constant 0 : i32
      %dma_wait3A_361 = tpu.memref_slice %arg7[%dma_wait3A_359, %dma_wait3A_360] : memref<2x64xi32, #tpu.memory_space<vmem>> -> memref<1x64xi32, #tpu.memory_space<vmem>>
      %dma_wait3A_362 = tpu.memref_squeeze %dma_wait3A_361 : memref<1x64xi32, #tpu.memory_space<vmem>> -> memref<64xi32, #tpu.memory_space<vmem>>
      %dma_wait3A_363 = arith.constant 0 : i32
      %dma_wait3A_364 = arith.constant 0 : i32
      %dma_wait3A_365 = tpu.memref_slice %arg14[%dma_wait3A_363, %dma_wait3A_364] : memref<10000x128xf32, #tpu.memory_space<vmem_shared>> -> memref<10000x128xf32, #tpu.memory_space<vmem_shared>>
      tpu.wait_indirect_dma semaphore(%arg18 : memref<!tpu.dma_semaphore, #tpu.memory_space<semaphore_mem>>) src(%arg10 : memref<64x128xf32, #tpu.memory_space<vmem>>) dst(%dma_wait3A_365 : memref<10000x128xf32, #tpu.memory_space<vmem_shared>>)
      %lt3A = arith.constant 52 : i32
      %lt3A_366 = arith.cmpi slt, %scan3A_328, %lt3A : i32
      %convert_element_type3A_367 = arith.extui %lt3A_366 : i1 to i32
      %cond3A_368 = arith.constant 0 : i32
      %cond3A_369 = arith.cmpi ne, %convert_element_type3A_367, %cond3A_368 : i32
      scf.if %cond3A_369 {
        %add3A_409 = arith.constant 3 : i32
        %add3A_410 = arith.addi %mul3A_331, %add3A_409 : i32
        %add3A_411 = arith.constant 1 : i32
        %add3A_412 = arith.addi %add3A_410, %add3A_411 : i32
        %sub3A = arith.constant 1 : i32
        %sub3A_413 = arith.subi %add3A_412, %sub3A : i32
        %get3A_414 = arith.index_cast %sub3A_413 : i32 to index
        %get3A_415 = arith.constant 0 : index
        %get3A_416 = tpu.vector_load %arg6[%get3A_414, %get3A_415] {strides = array<i32>} : memref<159x64xi32, #tpu.memory_space<vmem>>, vector<1x16xi32>,
        %get3A_417 = vector.shape_cast %get3A_416 : vector<1x16xi32> to vector<16xi32>
        %and3A_418 = arith.constant 65535 : i32
        %and3A_419 = vector.broadcast %and3A_418 : i32 to vector<16xi32>
        %and3A_420 = arith.andi %get3A_417, %and3A_419 : vector<16xi32>
        %swap3A_421 = arith.constant 0 : i32
        %swap3A_422 = arith.index_cast %swap3A_421 : i32 to index
        %swap3A_423 = arith.constant 0 : index
        %swap3A_424 = tpu.vector_load %arg7[%swap3A_422, %swap3A_423] {strides = array<i32>} : memref<2x64xi32, #tpu.memory_space<vmem>>, vector<1x16xi32>,
        %swap3A_425 = vector.shape_cast %swap3A_424 : vector<1x16xi32> to vector<16xi32>
        %swap3A_426 = vector.shape_cast %and3A_420 : vector<16xi32> to vector<1x16xi32>
        tpu.vector_store %arg7[%swap3A_422, %swap3A_423], %swap3A_426 {strides = array<i32>} : memref<2x64xi32, #tpu.memory_space<vmem>>, vector<1x16xi32>,
        %shift_right_logical3A_427 = arith.constant 16 : i32
        %shift_right_logical3A_428 = vector.broadcast %shift_right_logical3A_427 : i32 to vector<16xi32>
        %shift_right_logical3A_429 = arith.shrui %get3A_417, %shift_right_logical3A_428 : vector<16xi32>
        %swap3A_430 = arith.constant 1 : i32
        %swap3A_431 = arith.index_cast %swap3A_430 : i32 to index
        %swap3A_432 = arith.constant 0 : index
        %swap3A_433 = tpu.vector_load %arg7[%swap3A_431, %swap3A_432] {strides = array<i32>} : memref<2x64xi32, #tpu.memory_space<vmem>>, vector<1x16xi32>,
        %swap3A_434 = vector.shape_cast %swap3A_433 : vector<1x16xi32> to vector<16xi32>
        %swap3A_435 = vector.shape_cast %shift_right_logical3A_429 : vector<16xi32> to vector<1x16xi32>
        tpu.vector_store %arg7[%swap3A_431, %swap3A_432], %swap3A_435 {strides = array<i32>} : memref<2x64xi32, #tpu.memory_space<vmem>>, vector<1x16xi32>,
        %get3A_436 = arith.index_cast %sub3A_413 : i32 to index
        %get3A_437 = arith.constant 16 : index
        %get3A_438 = tpu.vector_load %arg6[%get3A_436, %get3A_437] {strides = array<i32>} : memref<159x64xi32, #tpu.memory_space<vmem>>, vector<1x16xi32>,
        %get3A_439 = vector.shape_cast %get3A_438 : vector<1x16xi32> to vector<16xi32>
        %and3A_440 = arith.constant 65535 : i32
        %and3A_441 = vector.broadcast %and3A_440 : i32 to vector<16xi32>
        %and3A_442 = arith.andi %get3A_439, %and3A_441 : vector<16xi32>
        %swap3A_443 = arith.constant 0 : i32
        %swap3A_444 = arith.index_cast %swap3A_443 : i32 to index
        %swap3A_445 = arith.constant 16 : index
        %swap3A_446 = tpu.vector_load %arg7[%swap3A_444, %swap3A_445] {strides = array<i32>} : memref<2x64xi32, #tpu.memory_space<vmem>>, vector<1x16xi32>,
        %swap3A_447 = vector.shape_cast %swap3A_446 : vector<1x16xi32> to vector<16xi32>
        %swap3A_448 = vector.shape_cast %and3A_442 : vector<16xi32> to vector<1x16xi32>
        tpu.vector_store %arg7[%swap3A_444, %swap3A_445], %swap3A_448 {strides = array<i32>} : memref<2x64xi32, #tpu.memory_space<vmem>>, vector<1x16xi32>,
        %shift_right_logical3A_449 = arith.constant 16 : i32
        %shift_right_logical3A_450 = vector.broadcast %shift_right_logical3A_449 : i32 to vector<16xi32>
        %shift_right_logical3A_451 = arith.shrui %get3A_439, %shift_right_logical3A_450 : vector<16xi32>
        %swap3A_452 = arith.constant 1 : i32
        %swap3A_453 = arith.index_cast %swap3A_452 : i32 to index
        %swap3A_454 = arith.constant 16 : index
        %swap3A_455 = tpu.vector_load %arg7[%swap3A_453, %swap3A_454] {strides = array<i32>} : memref<2x64xi32, #tpu.memory_space<vmem>>, vector<1x16xi32>,
        %swap3A_456 = vector.shape_cast %swap3A_455 : vector<1x16xi32> to vector<16xi32>
        %swap3A_457 = vector.shape_cast %shift_right_logical3A_451 : vector<16xi32> to vector<1x16xi32>
        tpu.vector_store %arg7[%swap3A_453, %swap3A_454], %swap3A_457 {strides = array<i32>} : memref<2x64xi32, #tpu.memory_space<vmem>>, vector<1x16xi32>,
        %get3A_458 = arith.index_cast %sub3A_413 : i32 to index
        %get3A_459 = arith.constant 32 : index
        %get3A_460 = tpu.vector_load %arg6[%get3A_458, %get3A_459] {strides = array<i32>} : memref<159x64xi32, #tpu.memory_space<vmem>>, vector<1x16xi32>,
        %get3A_461 = vector.shape_cast %get3A_460 : vector<1x16xi32> to vector<16xi32>
        %and3A_462 = arith.constant 65535 : i32
        %and3A_463 = vector.broadcast %and3A_462 : i32 to vector<16xi32>
        %and3A_464 = arith.andi %get3A_461, %and3A_463 : vector<16xi32>
        %swap3A_465 = arith.constant 0 : i32
        %swap3A_466 = arith.index_cast %swap3A_465 : i32 to index
        %swap3A_467 = arith.constant 32 : index
        %swap3A_468 = tpu.vector_load %arg7[%swap3A_466, %swap3A_467] {strides = array<i32>} : memref<2x64xi32, #tpu.memory_space<vmem>>, vector<1x16xi32>,
        %swap3A_469 = vector.shape_cast %swap3A_468 : vector<1x16xi32> to vector<16xi32>
        %swap3A_470 = vector.shape_cast %and3A_464 : vector<16xi32> to vector<1x16xi32>
        tpu.vector_store %arg7[%swap3A_466, %swap3A_467], %swap3A_470 {strides = array<i32>} : memref<2x64xi32, #tpu.memory_space<vmem>>, vector<1x16xi32>,
        %shift_right_logical3A_471 = arith.constant 16 : i32
        %shift_right_logical3A_472 = vector.broadcast %shift_right_logical3A_471 : i32 to vector<16xi32>
        %shift_right_logical3A_473 = arith.shrui %get3A_461, %shift_right_logical3A_472 : vector<16xi32>
        %swap3A_474 = arith.constant 1 : i32
        %swap3A_475 = arith.index_cast %swap3A_474 : i32 to index
        %swap3A_476 = arith.constant 32 : index
        %swap3A_477 = tpu.vector_load %arg7[%swap3A_475, %swap3A_476] {strides = array<i32>} : memref<2x64xi32, #tpu.memory_space<vmem>>, vector<1x16xi32>,
        %swap3A_478 = vector.shape_cast %swap3A_477 : vector<1x16xi32> to vector<16xi32>
        %swap3A_479 = vector.shape_cast %shift_right_logical3A_473 : vector<16xi32> to vector<1x16xi32>
        tpu.vector_store %arg7[%swap3A_475, %swap3A_476], %swap3A_479 {strides = array<i32>} : memref<2x64xi32, #tpu.memory_space<vmem>>, vector<1x16xi32>,
        %get3A_480 = arith.index_cast %sub3A_413 : i32 to index
        %get3A_481 = arith.constant 48 : index
        %get3A_482 = tpu.vector_load %arg6[%get3A_480, %get3A_481] {strides = array<i32>} : memref<159x64xi32, #tpu.memory_space<vmem>>, vector<1x16xi32>,
        %get3A_483 = vector.shape_cast %get3A_482 : vector<1x16xi32> to vector<16xi32>
        %and3A_484 = arith.constant 65535 : i32
        %and3A_485 = vector.broadcast %and3A_484 : i32 to vector<16xi32>
        %and3A_486 = arith.andi %get3A_483, %and3A_485 : vector<16xi32>
        %swap3A_487 = arith.constant 0 : i32
        %swap3A_488 = arith.index_cast %swap3A_487 : i32 to index
        %swap3A_489 = arith.constant 48 : index
        %swap3A_490 = tpu.vector_load %arg7[%swap3A_488, %swap3A_489] {strides = array<i32>} : memref<2x64xi32, #tpu.memory_space<vmem>>, vector<1x16xi32>,
        %swap3A_491 = vector.shape_cast %swap3A_490 : vector<1x16xi32> to vector<16xi32>
        %swap3A_492 = vector.shape_cast %and3A_486 : vector<16xi32> to vector<1x16xi32>
        tpu.vector_store %arg7[%swap3A_488, %swap3A_489], %swap3A_492 {strides = array<i32>} : memref<2x64xi32, #tpu.memory_space<vmem>>, vector<1x16xi32>,
        %shift_right_logical3A_493 = arith.constant 16 : i32
        %shift_right_logical3A_494 = vector.broadcast %shift_right_logical3A_493 : i32 to vector<16xi32>
        %shift_right_logical3A_495 = arith.shrui %get3A_483, %shift_right_logical3A_494 : vector<16xi32>
        %swap3A_496 = arith.constant 1 : i32
        %swap3A_497 = arith.index_cast %swap3A_496 : i32 to index
        %swap3A_498 = arith.constant 48 : index
        %swap3A_499 = tpu.vector_load %arg7[%swap3A_497, %swap3A_498] {strides = array<i32>} : memref<2x64xi32, #tpu.memory_space<vmem>>, vector<1x16xi32>,
        %swap3A_500 = vector.shape_cast %swap3A_499 : vector<1x16xi32> to vector<16xi32>
        %swap3A_501 = vector.shape_cast %shift_right_logical3A_495 : vector<16xi32> to vector<1x16xi32>
        tpu.vector_store %arg7[%swap3A_497, %swap3A_498], %swap3A_501 {strides = array<i32>} : memref<2x64xi32, #tpu.memory_space<vmem>>, vector<1x16xi32>,
        %dma_start3A_502 = arith.constant 0 : i32
        %dma_start3A_503 = arith.constant 0 : i32
        %dma_start3A_504 = tpu.memref_slice %arg7[%dma_start3A_502, %dma_start3A_503] : memref<2x64xi32, #tpu.memory_space<vmem>> -> memref<1x64xi32, #tpu.memory_space<vmem>>
        %dma_start3A_505 = tpu.memref_squeeze %dma_start3A_504 : memref<1x64xi32, #tpu.memory_space<vmem>> -> memref<64xi32, #tpu.memory_space<vmem>>
        %dma_start3A_506 = arith.constant 0 : i32
        %dma_start3A_507 = arith.constant 0 : i32
        %dma_start3A_508 = tpu.memref_slice %arg2[%dma_start3A_506, %dma_start3A_507] : memref<10000x128xf32, #tpu.memory_space<hbm>> -> memref<10000x128xf32, #tpu.memory_space<hbm>>
        tpu.enqueue_indirect_dma source(%dma_start3A_508 : memref<10000x128xf32, #tpu.memory_space<hbm>>) target(%arg10 : memref<64x128xf32, #tpu.memory_space<vmem>>) offsets(%dma_start3A_505 : memref<64xi32, #tpu.memory_space<vmem>>) semaphore(%arg15 : memref<!tpu.dma_semaphore, #tpu.memory_space<semaphore_mem>>)
      } else {
      }
      %dma_wait3A_370 = arith.constant 0 : i32
      %dma_wait3A_371 = arith.constant 0 : i32
      %dma_wait3A_372 = tpu.memref_slice %arg9[%dma_wait3A_370, %dma_wait3A_371] : memref<2x64xi32, #tpu.memory_space<vmem>> -> memref<1x64xi32, #tpu.memory_space<vmem>>
      %dma_wait3A_373 = tpu.memref_squeeze %dma_wait3A_372 : memref<1x64xi32, #tpu.memory_space<vmem>> -> memref<64xi32, #tpu.memory_space<vmem>>
      %dma_wait3A_374 = arith.constant 0 : i32
      %dma_wait3A_375 = arith.constant 0 : i32
      %dma_wait3A_376 = tpu.memref_slice %arg2[%dma_wait3A_374, %dma_wait3A_375] : memref<10000x128xf32, #tpu.memory_space<hbm>> -> memref<10000x128xf32, #tpu.memory_space<hbm>>
      tpu.wait_indirect_dma semaphore(%arg17 : memref<!tpu.dma_semaphore, #tpu.memory_space<semaphore_mem>>) src(%dma_wait3A_376 : memref<10000x128xf32, #tpu.memory_space<hbm>>) dst(%arg12 : memref<64x128xf32, #tpu.memory_space<vmem>>)
      %dma_start3A_377 = arith.constant 1 : i32
      %dma_start3A_378 = arith.constant 0 : i32
      %dma_start3A_379 = tpu.memref_slice %arg9[%dma_start3A_377, %dma_start3A_378] : memref<2x64xi32, #tpu.memory_space<vmem>> -> memref<1x64xi32, #tpu.memory_space<vmem>>
      %dma_start3A_380 = tpu.memref_squeeze %dma_start3A_379 : memref<1x64xi32, #tpu.memory_space<vmem>> -> memref<64xi32, #tpu.memory_space<vmem>>
      %dma_start3A_381 = arith.constant 0 : i32
      %dma_start3A_382 = arith.constant 0 : i32
      %dma_start3A_383 = tpu.memref_slice %arg14[%dma_start3A_381, %dma_start3A_382] : memref<10000x128xf32, #tpu.memory_space<vmem_shared>> -> memref<10000x128xf32, #tpu.memory_space<vmem_shared>>
      tpu.enqueue_indirect_dma source(%arg12 : memref<64x128xf32, #tpu.memory_space<vmem>>) target(%dma_start3A_383 : memref<10000x128xf32, #tpu.memory_space<vmem_shared>>) offsets(%dma_start3A_380 : memref<64xi32, #tpu.memory_space<vmem>>) semaphore(%arg20 : memref<!tpu.dma_semaphore, #tpu.memory_space<semaphore_mem>>) {add = true}
      %dma_wait3A_384 = arith.constant 1 : i32
      %dma_wait3A_385 = arith.constant 0 : i32
      %dma_wait3A_386 = tpu.memref_slice %arg8[%dma_wait3A_384, %dma_wait3A_385] : memref<2x64xi32, #tpu.memory_space<vmem>> -> memref<1x64xi32, #tpu.memory_space<vmem>>
      %dma_wait3A_387 = tpu.memref_squeeze %dma_wait3A_386 : memref<1x64xi32, #tpu.memory_space<vmem>> -> memref<64xi32, #tpu.memory_space<vmem>>
      %dma_wait3A_388 = arith.constant 0 : i32
      %dma_wait3A_389 = arith.constant 0 : i32
      %dma_wait3A_390 = tpu.memref_slice %arg14[%dma_wait3A_388, %dma_wait3A_389] : memref<10000x128xf32, #tpu.memory_space<vmem_shared>> -> memref<10000x128xf32, #tpu.memory_space<vmem_shared>>
      tpu.wait_indirect_dma semaphore(%arg19 : memref<!tpu.dma_semaphore, #tpu.memory_space<semaphore_mem>>) src(%arg11 : memref<64x128xf32, #tpu.memory_space<vmem>>) dst(%dma_wait3A_390 : memref<10000x128xf32, #tpu.memory_space<vmem_shared>>)
      %lt3A_391 = arith.constant 52 : i32
      %lt3A_392 = arith.cmpi slt, %scan3A_328, %lt3A_391 : i32
      %convert_element_type3A_393 = arith.extui %lt3A_392 : i1 to i32
      %cond3A_394 = arith.constant 0 : i32
      %cond3A_395 = arith.cmpi ne, %convert_element_type3A_393, %cond3A_394 : i32
      scf.if %cond3A_395 {
        %add3A_409 = arith.constant 3 : i32
        %add3A_410 = arith.addi %mul3A_331, %add3A_409 : i32
        %add3A_411 = arith.constant 2 : i32
        %add3A_412 = arith.addi %add3A_410, %add3A_411 : i32
        %sub3A = arith.constant 1 : i32
        %sub3A_413 = arith.subi %add3A_412, %sub3A : i32
        %get3A_414 = arith.index_cast %sub3A_413 : i32 to index
        %get3A_415 = arith.constant 0 : index
        %get3A_416 = tpu.vector_load %arg6[%get3A_414, %get3A_415] {strides = array<i32>} : memref<159x64xi32, #tpu.memory_space<vmem>>, vector<1x16xi32>,
        %get3A_417 = vector.shape_cast %get3A_416 : vector<1x16xi32> to vector<16xi32>
        %and3A_418 = arith.constant 65535 : i32
        %and3A_419 = vector.broadcast %and3A_418 : i32 to vector<16xi32>
        %and3A_420 = arith.andi %get3A_417, %and3A_419 : vector<16xi32>
        %swap3A_421 = arith.constant 0 : i32
        %swap3A_422 = arith.index_cast %swap3A_421 : i32 to index
        %swap3A_423 = arith.constant 0 : index
        %swap3A_424 = tpu.vector_load %arg8[%swap3A_422, %swap3A_423] {strides = array<i32>} : memref<2x64xi32, #tpu.memory_space<vmem>>, vector<1x16xi32>,
        %swap3A_425 = vector.shape_cast %swap3A_424 : vector<1x16xi32> to vector<16xi32>
        %swap3A_426 = vector.shape_cast %and3A_420 : vector<16xi32> to vector<1x16xi32>
        tpu.vector_store %arg8[%swap3A_422, %swap3A_423], %swap3A_426 {strides = array<i32>} : memref<2x64xi32, #tpu.memory_space<vmem>>, vector<1x16xi32>,
        %shift_right_logical3A_427 = arith.constant 16 : i32
        %shift_right_logical3A_428 = vector.broadcast %shift_right_logical3A_427 : i32 to vector<16xi32>
        %shift_right_logical3A_429 = arith.shrui %get3A_417, %shift_right_logical3A_428 : vector<16xi32>
        %swap3A_430 = arith.constant 1 : i32
        %swap3A_431 = arith.index_cast %swap3A_430 : i32 to index
        %swap3A_432 = arith.constant 0 : index
        %swap3A_433 = tpu.vector_load %arg8[%swap3A_431, %swap3A_432] {strides = array<i32>} : memref<2x64xi32, #tpu.memory_space<vmem>>, vector<1x16xi32>,
        %swap3A_434 = vector.shape_cast %swap3A_433 : vector<1x16xi32> to vector<16xi32>
        %swap3A_435 = vector.shape_cast %shift_right_logical3A_429 : vector<16xi32> to vector<1x16xi32>
        tpu.vector_store %arg8[%swap3A_431, %swap3A_432], %swap3A_435 {strides = array<i32>} : memref<2x64xi32, #tpu.memory_space<vmem>>, vector<1x16xi32>,
        %get3A_436 = arith.index_cast %sub3A_413 : i32 to index
        %get3A_437 = arith.constant 16 : index
        %get3A_438 = tpu.vector_load %arg6[%get3A_436, %get3A_437] {strides = array<i32>} : memref<159x64xi32, #tpu.memory_space<vmem>>, vector<1x16xi32>,
        %get3A_439 = vector.shape_cast %get3A_438 : vector<1x16xi32> to vector<16xi32>
        %and3A_440 = arith.constant 65535 : i32
        %and3A_441 = vector.broadcast %and3A_440 : i32 to vector<16xi32>
        %and3A_442 = arith.andi %get3A_439, %and3A_441 : vector<16xi32>
        %swap3A_443 = arith.constant 0 : i32
        %swap3A_444 = arith.index_cast %swap3A_443 : i32 to index
        %swap3A_445 = arith.constant 16 : index
        %swap3A_446 = tpu.vector_load %arg8[%swap3A_444, %swap3A_445] {strides = array<i32>} : memref<2x64xi32, #tpu.memory_space<vmem>>, vector<1x16xi32>,
        %swap3A_447 = vector.shape_cast %swap3A_446 : vector<1x16xi32> to vector<16xi32>
        %swap3A_448 = vector.shape_cast %and3A_442 : vector<16xi32> to vector<1x16xi32>
        tpu.vector_store %arg8[%swap3A_444, %swap3A_445], %swap3A_448 {strides = array<i32>} : memref<2x64xi32, #tpu.memory_space<vmem>>, vector<1x16xi32>,
        %shift_right_logical3A_449 = arith.constant 16 : i32
        %shift_right_logical3A_450 = vector.broadcast %shift_right_logical3A_449 : i32 to vector<16xi32>
        %shift_right_logical3A_451 = arith.shrui %get3A_439, %shift_right_logical3A_450 : vector<16xi32>
        %swap3A_452 = arith.constant 1 : i32
        %swap3A_453 = arith.index_cast %swap3A_452 : i32 to index
        %swap3A_454 = arith.constant 16 : index
        %swap3A_455 = tpu.vector_load %arg8[%swap3A_453, %swap3A_454] {strides = array<i32>} : memref<2x64xi32, #tpu.memory_space<vmem>>, vector<1x16xi32>,
        %swap3A_456 = vector.shape_cast %swap3A_455 : vector<1x16xi32> to vector<16xi32>
        %swap3A_457 = vector.shape_cast %shift_right_logical3A_451 : vector<16xi32> to vector<1x16xi32>
        tpu.vector_store %arg8[%swap3A_453, %swap3A_454], %swap3A_457 {strides = array<i32>} : memref<2x64xi32, #tpu.memory_space<vmem>>, vector<1x16xi32>,
        %get3A_458 = arith.index_cast %sub3A_413 : i32 to index
        %get3A_459 = arith.constant 32 : index
        %get3A_460 = tpu.vector_load %arg6[%get3A_458, %get3A_459] {strides = array<i32>} : memref<159x64xi32, #tpu.memory_space<vmem>>, vector<1x16xi32>,
        %get3A_461 = vector.shape_cast %get3A_460 : vector<1x16xi32> to vector<16xi32>
        %and3A_462 = arith.constant 65535 : i32
        %and3A_463 = vector.broadcast %and3A_462 : i32 to vector<16xi32>
        %and3A_464 = arith.andi %get3A_461, %and3A_463 : vector<16xi32>
        %swap3A_465 = arith.constant 0 : i32
        %swap3A_466 = arith.index_cast %swap3A_465 : i32 to index
        %swap3A_467 = arith.constant 32 : index
        %swap3A_468 = tpu.vector_load %arg8[%swap3A_466, %swap3A_467] {strides = array<i32>} : memref<2x64xi32, #tpu.memory_space<vmem>>, vector<1x16xi32>,
        %swap3A_469 = vector.shape_cast %swap3A_468 : vector<1x16xi32> to vector<16xi32>
        %swap3A_470 = vector.shape_cast %and3A_464 : vector<16xi32> to vector<1x16xi32>
        tpu.vector_store %arg8[%swap3A_466, %swap3A_467], %swap3A_470 {strides = array<i32>} : memref<2x64xi32, #tpu.memory_space<vmem>>, vector<1x16xi32>,
        %shift_right_logical3A_471 = arith.constant 16 : i32
        %shift_right_logical3A_472 = vector.broadcast %shift_right_logical3A_471 : i32 to vector<16xi32>
        %shift_right_logical3A_473 = arith.shrui %get3A_461, %shift_right_logical3A_472 : vector<16xi32>
        %swap3A_474 = arith.constant 1 : i32
        %swap3A_475 = arith.index_cast %swap3A_474 : i32 to index
        %swap3A_476 = arith.constant 32 : index
        %swap3A_477 = tpu.vector_load %arg8[%swap3A_475, %swap3A_476] {strides = array<i32>} : memref<2x64xi32, #tpu.memory_space<vmem>>, vector<1x16xi32>,
        %swap3A_478 = vector.shape_cast %swap3A_477 : vector<1x16xi32> to vector<16xi32>
        %swap3A_479 = vector.shape_cast %shift_right_logical3A_473 : vector<16xi32> to vector<1x16xi32>
        tpu.vector_store %arg8[%swap3A_475, %swap3A_476], %swap3A_479 {strides = array<i32>} : memref<2x64xi32, #tpu.memory_space<vmem>>, vector<1x16xi32>,
        %get3A_480 = arith.index_cast %sub3A_413 : i32 to index
        %get3A_481 = arith.constant 48 : index
        %get3A_482 = tpu.vector_load %arg6[%get3A_480, %get3A_481] {strides = array<i32>} : memref<159x64xi32, #tpu.memory_space<vmem>>, vector<1x16xi32>,
        %get3A_483 = vector.shape_cast %get3A_482 : vector<1x16xi32> to vector<16xi32>
        %and3A_484 = arith.constant 65535 : i32
        %and3A_485 = vector.broadcast %and3A_484 : i32 to vector<16xi32>
        %and3A_486 = arith.andi %get3A_483, %and3A_485 : vector<16xi32>
        %swap3A_487 = arith.constant 0 : i32
        %swap3A_488 = arith.index_cast %swap3A_487 : i32 to index
        %swap3A_489 = arith.constant 48 : index
        %swap3A_490 = tpu.vector_load %arg8[%swap3A_488, %swap3A_489] {strides = array<i32>} : memref<2x64xi32, #tpu.memory_space<vmem>>, vector<1x16xi32>,
        %swap3A_491 = vector.shape_cast %swap3A_490 : vector<1x16xi32> to vector<16xi32>
        %swap3A_492 = vector.shape_cast %and3A_486 : vector<16xi32> to vector<1x16xi32>
        tpu.vector_store %arg8[%swap3A_488, %swap3A_489], %swap3A_492 {strides = array<i32>} : memref<2x64xi32, #tpu.memory_space<vmem>>, vector<1x16xi32>,
        %shift_right_logical3A_493 = arith.constant 16 : i32
        %shift_right_logical3A_494 = vector.broadcast %shift_right_logical3A_493 : i32 to vector<16xi32>
        %shift_right_logical3A_495 = arith.shrui %get3A_483, %shift_right_logical3A_494 : vector<16xi32>
        %swap3A_496 = arith.constant 1 : i32
        %swap3A_497 = arith.index_cast %swap3A_496 : i32 to index
        %swap3A_498 = arith.constant 48 : index
        %swap3A_499 = tpu.vector_load %arg8[%swap3A_497, %swap3A_498] {strides = array<i32>} : memref<2x64xi32, #tpu.memory_space<vmem>>, vector<1x16xi32>,
        %swap3A_500 = vector.shape_cast %swap3A_499 : vector<1x16xi32> to vector<16xi32>
        %swap3A_501 = vector.shape_cast %shift_right_logical3A_495 : vector<16xi32> to vector<1x16xi32>
        tpu.vector_store %arg8[%swap3A_497, %swap3A_498], %swap3A_501 {strides = array<i32>} : memref<2x64xi32, #tpu.memory_space<vmem>>, vector<1x16xi32>,
        %dma_start3A_502 = arith.constant 0 : i32
        %dma_start3A_503 = arith.constant 0 : i32
        %dma_start3A_504 = tpu.memref_slice %arg8[%dma_start3A_502, %dma_start3A_503] : memref<2x64xi32, #tpu.memory_space<vmem>> -> memref<1x64xi32, #tpu.memory_space<vmem>>
        %dma_start3A_505 = tpu.memref_squeeze %dma_start3A_504 : memref<1x64xi32, #tpu.memory_space<vmem>> -> memref<64xi32, #tpu.memory_space<vmem>>
        %dma_start3A_506 = arith.constant 0 : i32
        %dma_start3A_507 = arith.constant 0 : i32
        %dma_start3A_508 = tpu.memref_slice %arg2[%dma_start3A_506, %dma_start3A_507] : memref<10000x128xf32, #tpu.memory_space<hbm>> -> memref<10000x128xf32, #tpu.memory_space<hbm>>
        tpu.enqueue_indirect_dma source(%dma_start3A_508 : memref<10000x128xf32, #tpu.memory_space<hbm>>) target(%arg11 : memref<64x128xf32, #tpu.memory_space<vmem>>) offsets(%dma_start3A_505 : memref<64xi32, #tpu.memory_space<vmem>>) semaphore(%arg16 : memref<!tpu.dma_semaphore, #tpu.memory_space<semaphore_mem>>)
      } else {
      }
      %dma_wait3A_396 = arith.constant 1 : i32
      %dma_wait3A_397 = arith.constant 0 : i32
      %dma_wait3A_398 = tpu.memref_slice %arg9[%dma_wait3A_396, %dma_wait3A_397] : memref<2x64xi32, #tpu.memory_space<vmem>> -> memref<1x64xi32, #tpu.memory_space<vmem>>
      %dma_wait3A_399 = tpu.memref_squeeze %dma_wait3A_398 : memref<1x64xi32, #tpu.memory_space<vmem>> -> memref<64xi32, #tpu.memory_space<vmem>>
      %dma_wait3A_400 = arith.constant 0 : i32
      %dma_wait3A_401 = arith.constant 0 : i32
      %dma_wait3A_402 = tpu.memref_slice %arg14[%dma_wait3A_400, %dma_wait3A_401] : memref<10000x128xf32, #tpu.memory_space<vmem_shared>> -> memref<10000x128xf32, #tpu.memory_space<vmem_shared>>
      tpu.wait_indirect_dma semaphore(%arg20 : memref<!tpu.dma_semaphore, #tpu.memory_space<semaphore_mem>>) src(%arg12 : memref<64x128xf32, #tpu.memory_space<vmem>>) dst(%dma_wait3A_402 : memref<10000x128xf32, #tpu.memory_space<vmem_shared>>)
      %lt3A_403 = arith.constant 52 : i32
      %lt3A_404 = arith.cmpi slt, %scan3A_328, %lt3A_403 : i32
      %convert_element_type3A_405 = arith.extui %lt3A_404 : i1 to i32
      %cond3A_406 = arith.constant 0 : i32
      %cond3A_407 = arith.cmpi ne, %convert_element_type3A_405, %cond3A_406 : i32
      scf.if %cond3A_407 {
        %add3A_409 = arith.constant 6 : i32
        %add3A_410 = arith.addi %mul3A_331, %add3A_409 : i32
        %sub3A = arith.constant 1 : i32
        %sub3A_411 = arith.subi %add3A_410, %sub3A : i32
        %get3A_412 = arith.index_cast %sub3A_411 : i32 to index
        %get3A_413 = arith.constant 0 : index
        %get3A_414 = tpu.vector_load %arg6[%get3A_412, %get3A_413] {strides = array<i32>} : memref<159x64xi32, #tpu.memory_space<vmem>>, vector<1x16xi32>,
        %get3A_415 = vector.shape_cast %get3A_414 : vector<1x16xi32> to vector<16xi32>
        %and3A_416 = arith.constant 65535 : i32
        %and3A_417 = vector.broadcast %and3A_416 : i32 to vector<16xi32>
        %and3A_418 = arith.andi %get3A_415, %and3A_417 : vector<16xi32>
        %swap3A_419 = arith.constant 0 : i32
        %swap3A_420 = arith.index_cast %swap3A_419 : i32 to index
        %swap3A_421 = arith.constant 0 : index
        %swap3A_422 = tpu.vector_load %arg9[%swap3A_420, %swap3A_421] {strides = array<i32>} : memref<2x64xi32, #tpu.memory_space<vmem>>, vector<1x16xi32>,
        %swap3A_423 = vector.shape_cast %swap3A_422 : vector<1x16xi32> to vector<16xi32>
        %swap3A_424 = vector.shape_cast %and3A_418 : vector<16xi32> to vector<1x16xi32>
        tpu.vector_store %arg9[%swap3A_420, %swap3A_421], %swap3A_424 {strides = array<i32>} : memref<2x64xi32, #tpu.memory_space<vmem>>, vector<1x16xi32>,
        %shift_right_logical3A_425 = arith.constant 16 : i32
        %shift_right_logical3A_426 = vector.broadcast %shift_right_logical3A_425 : i32 to vector<16xi32>
        %shift_right_logical3A_427 = arith.shrui %get3A_415, %shift_right_logical3A_426 : vector<16xi32>
        %swap3A_428 = arith.constant 1 : i32
        %swap3A_429 = arith.index_cast %swap3A_428 : i32 to index
        %swap3A_430 = arith.constant 0 : index
        %swap3A_431 = tpu.vector_load %arg9[%swap3A_429, %swap3A_430] {strides = array<i32>} : memref<2x64xi32, #tpu.memory_space<vmem>>, vector<1x16xi32>,
        %swap3A_432 = vector.shape_cast %swap3A_431 : vector<1x16xi32> to vector<16xi32>
        %swap3A_433 = vector.shape_cast %shift_right_logical3A_427 : vector<16xi32> to vector<1x16xi32>
        tpu.vector_store %arg9[%swap3A_429, %swap3A_430], %swap3A_433 {strides = array<i32>} : memref<2x64xi32, #tpu.memory_space<vmem>>, vector<1x16xi32>,
        %get3A_434 = arith.index_cast %sub3A_411 : i32 to index
        %get3A_435 = arith.constant 16 : index
        %get3A_436 = tpu.vector_load %arg6[%get3A_434, %get3A_435] {strides = array<i32>} : memref<159x64xi32, #tpu.memory_space<vmem>>, vector<1x16xi32>,
        %get3A_437 = vector.shape_cast %get3A_436 : vector<1x16xi32> to vector<16xi32>
        %and3A_438 = arith.constant 65535 : i32
        %and3A_439 = vector.broadcast %and3A_438 : i32 to vector<16xi32>
        %and3A_440 = arith.andi %get3A_437, %and3A_439 : vector<16xi32>
        %swap3A_441 = arith.constant 0 : i32
        %swap3A_442 = arith.index_cast %swap3A_441 : i32 to index
        %swap3A_443 = arith.constant 16 : index
        %swap3A_444 = tpu.vector_load %arg9[%swap3A_442, %swap3A_443] {strides = array<i32>} : memref<2x64xi32, #tpu.memory_space<vmem>>, vector<1x16xi32>,
        %swap3A_445 = vector.shape_cast %swap3A_444 : vector<1x16xi32> to vector<16xi32>
        %swap3A_446 = vector.shape_cast %and3A_440 : vector<16xi32> to vector<1x16xi32>
        tpu.vector_store %arg9[%swap3A_442, %swap3A_443], %swap3A_446 {strides = array<i32>} : memref<2x64xi32, #tpu.memory_space<vmem>>, vector<1x16xi32>,
        %shift_right_logical3A_447 = arith.constant 16 : i32
        %shift_right_logical3A_448 = vector.broadcast %shift_right_logical3A_447 : i32 to vector<16xi32>
        %shift_right_logical3A_449 = arith.shrui %get3A_437, %shift_right_logical3A_448 : vector<16xi32>
        %swap3A_450 = arith.constant 1 : i32
        %swap3A_451 = arith.index_cast %swap3A_450 : i32 to index
        %swap3A_452 = arith.constant 16 : index
        %swap3A_453 = tpu.vector_load %arg9[%swap3A_451, %swap3A_452] {strides = array<i32>} : memref<2x64xi32, #tpu.memory_space<vmem>>, vector<1x16xi32>,
        %swap3A_454 = vector.shape_cast %swap3A_453 : vector<1x16xi32> to vector<16xi32>
        %swap3A_455 = vector.shape_cast %shift_right_logical3A_449 : vector<16xi32> to vector<1x16xi32>
        tpu.vector_store %arg9[%swap3A_451, %swap3A_452], %swap3A_455 {strides = array<i32>} : memref<2x64xi32, #tpu.memory_space<vmem>>, vector<1x16xi32>,
        %get3A_456 = arith.index_cast %sub3A_411 : i32 to index
        %get3A_457 = arith.constant 32 : index
        %get3A_458 = tpu.vector_load %arg6[%get3A_456, %get3A_457] {strides = array<i32>} : memref<159x64xi32, #tpu.memory_space<vmem>>, vector<1x16xi32>,
        %get3A_459 = vector.shape_cast %get3A_458 : vector<1x16xi32> to vector<16xi32>
        %and3A_460 = arith.constant 65535 : i32
        %and3A_461 = vector.broadcast %and3A_460 : i32 to vector<16xi32>
        %and3A_462 = arith.andi %get3A_459, %and3A_461 : vector<16xi32>
        %swap3A_463 = arith.constant 0 : i32
        %swap3A_464 = arith.index_cast %swap3A_463 : i32 to index
        %swap3A_465 = arith.constant 32 : index
        %swap3A_466 = tpu.vector_load %arg9[%swap3A_464, %swap3A_465] {strides = array<i32>} : memref<2x64xi32, #tpu.memory_space<vmem>>, vector<1x16xi32>,
        %swap3A_467 = vector.shape_cast %swap3A_466 : vector<1x16xi32> to vector<16xi32>
        %swap3A_468 = vector.shape_cast %and3A_462 : vector<16xi32> to vector<1x16xi32>
        tpu.vector_store %arg9[%swap3A_464, %swap3A_465], %swap3A_468 {strides = array<i32>} : memref<2x64xi32, #tpu.memory_space<vmem>>, vector<1x16xi32>,
        %shift_right_logical3A_469 = arith.constant 16 : i32
        %shift_right_logical3A_470 = vector.broadcast %shift_right_logical3A_469 : i32 to vector<16xi32>
        %shift_right_logical3A_471 = arith.shrui %get3A_459, %shift_right_logical3A_470 : vector<16xi32>
        %swap3A_472 = arith.constant 1 : i32
        %swap3A_473 = arith.index_cast %swap3A_472 : i32 to index
        %swap3A_474 = arith.constant 32 : index
        %swap3A_475 = tpu.vector_load %arg9[%swap3A_473, %swap3A_474] {strides = array<i32>} : memref<2x64xi32, #tpu.memory_space<vmem>>, vector<1x16xi32>,
        %swap3A_476 = vector.shape_cast %swap3A_475 : vector<1x16xi32> to vector<16xi32>
        %swap3A_477 = vector.shape_cast %shift_right_logical3A_471 : vector<16xi32> to vector<1x16xi32>
        tpu.vector_store %arg9[%swap3A_473, %swap3A_474], %swap3A_477 {strides = array<i32>} : memref<2x64xi32, #tpu.memory_space<vmem>>, vector<1x16xi32>,
        %get3A_478 = arith.index_cast %sub3A_411 : i32 to index
        %get3A_479 = arith.constant 48 : index
        %get3A_480 = tpu.vector_load %arg6[%get3A_478, %get3A_479] {strides = array<i32>} : memref<159x64xi32, #tpu.memory_space<vmem>>, vector<1x16xi32>,
        %get3A_481 = vector.shape_cast %get3A_480 : vector<1x16xi32> to vector<16xi32>
        %and3A_482 = arith.constant 65535 : i32
        %and3A_483 = vector.broadcast %and3A_482 : i32 to vector<16xi32>
        %and3A_484 = arith.andi %get3A_481, %and3A_483 : vector<16xi32>
        %swap3A_485 = arith.constant 0 : i32
        %swap3A_486 = arith.index_cast %swap3A_485 : i32 to index
        %swap3A_487 = arith.constant 48 : index
        %swap3A_488 = tpu.vector_load %arg9[%swap3A_486, %swap3A_487] {strides = array<i32>} : memref<2x64xi32, #tpu.memory_space<vmem>>, vector<1x16xi32>,
        %swap3A_489 = vector.shape_cast %swap3A_488 : vector<1x16xi32> to vector<16xi32>
        %swap3A_490 = vector.shape_cast %and3A_484 : vector<16xi32> to vector<1x16xi32>
        tpu.vector_store %arg9[%swap3A_486, %swap3A_487], %swap3A_490 {strides = array<i32>} : memref<2x64xi32, #tpu.memory_space<vmem>>, vector<1x16xi32>,
        %shift_right_logical3A_491 = arith.constant 16 : i32
        %shift_right_logical3A_492 = vector.broadcast %shift_right_logical3A_491 : i32 to vector<16xi32>
        %shift_right_logical3A_493 = arith.shrui %get3A_481, %shift_right_logical3A_492 : vector<16xi32>
        %swap3A_494 = arith.constant 1 : i32
        %swap3A_495 = arith.index_cast %swap3A_494 : i32 to index
        %swap3A_496 = arith.constant 48 : index
        %swap3A_497 = tpu.vector_load %arg9[%swap3A_495, %swap3A_496] {strides = array<i32>} : memref<2x64xi32, #tpu.memory_space<vmem>>, vector<1x16xi32>,
        %swap3A_498 = vector.shape_cast %swap3A_497 : vector<1x16xi32> to vector<16xi32>
        %swap3A_499 = vector.shape_cast %shift_right_logical3A_493 : vector<16xi32> to vector<1x16xi32>
        tpu.vector_store %arg9[%swap3A_495, %swap3A_496], %swap3A_499 {strides = array<i32>} : memref<2x64xi32, #tpu.memory_space<vmem>>, vector<1x16xi32>,
        %dma_start3A_500 = arith.constant 0 : i32
        %dma_start3A_501 = arith.constant 0 : i32
        %dma_start3A_502 = tpu.memref_slice %arg9[%dma_start3A_500, %dma_start3A_501] : memref<2x64xi32, #tpu.memory_space<vmem>> -> memref<1x64xi32, #tpu.memory_space<vmem>>
        %dma_start3A_503 = tpu.memref_squeeze %dma_start3A_502 : memref<1x64xi32, #tpu.memory_space<vmem>> -> memref<64xi32, #tpu.memory_space<vmem>>
        %dma_start3A_504 = arith.constant 0 : i32
        %dma_start3A_505 = arith.constant 0 : i32
        %dma_start3A_506 = tpu.memref_slice %arg2[%dma_start3A_504, %dma_start3A_505] : memref<10000x128xf32, #tpu.memory_space<hbm>> -> memref<10000x128xf32, #tpu.memory_space<hbm>>
        tpu.enqueue_indirect_dma source(%dma_start3A_506 : memref<10000x128xf32, #tpu.memory_space<hbm>>) target(%arg12 : memref<64x128xf32, #tpu.memory_space<vmem>>) offsets(%dma_start3A_503 : memref<64xi32, #tpu.memory_space<vmem>>) semaphore(%arg17 : memref<!tpu.dma_semaphore, #tpu.memory_space<semaphore_mem>>)
      } else {
      }
      %scan3A_408 = arith.constant 0 : i32
      scf.yield %scan3A_408 : i32
    }
    %scan3A_319 = arith.constant 53 : i32
    %barrier3A_320 = arith.constant 0 : index
    tpu.barrier barrier_id(%barrier3A_320)
    %eq3A = arith.constant 0 : i32
    %eq3A_321 = arith.cmpi eq, %arg0, %eq3A : i32
    %convert_element_type3A = arith.extui %eq3A_321 : i1 to i32
    %cond3A = arith.constant 0 : i32
    %cond3A_322 = arith.cmpi ne, %convert_element_type3A, %cond3A : i32
    scf.if %cond3A_322 {
      %scan3A_328 = arith.constant 0 : i32
      %scan3A_329 = arith.constant 0 : i32
      %scan3A_330 = arith.constant 2 : i32
      %scan3A_331 = arith.addi %scan3A_329, %scan3A_330 : i32
      %scan3A_332 = arith.constant 1 : i32
      %scan3A_333 = scf.for %scan3A_342 = %scan3A_329 to %scan3A_331 step %scan3A_332 iter_args(%scan3A_343 = %scan3A_328) -> (i32)  : i32 {
        %mul3A_344 = arith.constant 16 : i32
        %mul3A_345 = arith.muli %scan3A_342, %mul3A_344 : i32
        %add3A_346 = arith.addi %arg1, %mul3A_345 : i32
        %lt3A = arith.constant 25 : i32
        %lt3A_347 = arith.cmpi slt, %add3A_346, %lt3A : i32
        %convert_element_type3A_348 = arith.extui %lt3A_347 : i1 to i32
        %cond3A_349 = arith.constant 0 : i32
        %cond3A_350 = arith.cmpi ne, %convert_element_type3A_348, %cond3A_349 : i32
        scf.if %cond3A_350 {
          %mul3A_352 = arith.constant 400 : i32
          %mul3A_353 = arith.muli %add3A_346, %mul3A_352 : i32
          %dma_start3A_354 = arith.constant 0 : i32
          %dma_start3A_355 = tpu.memref_slice %arg4[%mul3A_353, %dma_start3A_354] : memref<10000x128xf32, #tpu.memory_space<hbm>> -> memref<400x128xf32, #tpu.memory_space<hbm>>
          %dma_start3A_356 = arith.constant 0 : i32
          %dma_start3A_357 = tpu.memref_slice %arg14[%mul3A_353, %dma_start3A_356] : memref<10000x128xf32, #tpu.memory_space<vmem_shared>> -> memref<400x128xf32, #tpu.memory_space<vmem_shared>>
          tpu.enqueue_dma source(%dma_start3A_357 : memref<400x128xf32, #tpu.memory_space<vmem_shared>>) target(%dma_start3A_355 : memref<400x128xf32, #tpu.memory_space<hbm>>) target_semaphore(%arg21 : memref<!tpu.dma_semaphore, #tpu.memory_space<semaphore_mem>>)
        } else {
        }
        %scan3A_351 = arith.constant 0 : i32
        scf.yield %scan3A_351 : i32
      }
      %scan3A_334 = arith.constant 2 : i32
      %scan3A_335 = arith.constant 0 : i32
      %scan3A_336 = arith.constant 0 : i32
      %scan3A_337 = arith.constant 2 : i32
      %scan3A_338 = arith.addi %scan3A_336, %scan3A_337 : i32
      %scan3A_339 = arith.constant 1 : i32
      %scan3A_340 = scf.for %scan3A_342 = %scan3A_336 to %scan3A_338 step %scan3A_339 iter_args(%scan3A_343 = %scan3A_335) -> (i32)  : i32 {
        %mul3A_344 = arith.constant 16 : i32
        %mul3A_345 = arith.muli %scan3A_342, %mul3A_344 : i32
        %add3A_346 = arith.addi %arg1, %mul3A_345 : i32
        %lt3A = arith.constant 25 : i32
        %lt3A_347 = arith.cmpi slt, %add3A_346, %lt3A : i32
        %convert_element_type3A_348 = arith.extui %lt3A_347 : i1 to i32
        %cond3A_349 = arith.constant 0 : i32
        %cond3A_350 = arith.cmpi ne, %convert_element_type3A_348, %cond3A_349 : i32
        scf.if %cond3A_350 {
          %dma_wait3A = arith.constant 0 : i32
          %dma_wait3A_352 = arith.constant 0 : i32
          %dma_wait3A_353 = tpu.memref_slice %arg4[%dma_wait3A, %dma_wait3A_352] : memref<10000x128xf32, #tpu.memory_space<hbm>> -> memref<400x128xf32, #tpu.memory_space<hbm>>
          %dma_wait3A_354 = arith.constant 0 : i32
          %dma_wait3A_355 = arith.constant 0 : i32
          %dma_wait3A_356 = tpu.memref_slice %arg14[%dma_wait3A_354, %dma_wait3A_355] : memref<10000x128xf32, #tpu.memory_space<vmem_shared>> -> memref<400x128xf32, #tpu.memory_space<vmem_shared>>
          tpu.wait_dma2 semaphore(%arg21 : memref<!tpu.dma_semaphore, #tpu.memory_space<semaphore_mem>>) src(%dma_wait3A_356 : memref<400x128xf32, #tpu.memory_space<vmem_shared>>) dst(%dma_wait3A_353 : memref<400x128xf32, #tpu.memory_space<hbm>>)
        } else {
        }
        %scan3A_351 = arith.constant 0 : i32
        scf.yield %scan3A_351 : i32
      }
      %scan3A_341 = arith.constant 2 : i32
    } else {
    }
    %eq3A_323 = arith.constant 1 : i32
    %eq3A_324 = arith.cmpi eq, %arg0, %eq3A_323 : i32
    %convert_element_type3A_325 = arith.extui %eq3A_324 : i1 to i32
    %cond3A_326 = arith.constant 0 : i32
    %cond3A_327 = arith.cmpi ne, %convert_element_type3A_325, %cond3A_326 : i32
    scf.if %cond3A_327 {
      %scan3A_328 = arith.constant 0 : i32
      %scan3A_329 = arith.constant 0 : i32
      %scan3A_330 = arith.constant 2 : i32
      %scan3A_331 = arith.addi %scan3A_329, %scan3A_330 : i32
      %scan3A_332 = arith.constant 1 : i32
      %scan3A_333 = scf.for %scan3A_342 = %scan3A_329 to %scan3A_331 step %scan3A_332 iter_args(%scan3A_343 = %scan3A_328) -> (i32)  : i32 {
        %mul3A_344 = arith.constant 16 : i32
        %mul3A_345 = arith.muli %scan3A_342, %mul3A_344 : i32
        %add3A_346 = arith.addi %arg1, %mul3A_345 : i32
        %lt3A = arith.constant 25 : i32
        %lt3A_347 = arith.cmpi slt, %add3A_346, %lt3A : i32
        %convert_element_type3A_348 = arith.extui %lt3A_347 : i1 to i32
        %cond3A_349 = arith.constant 0 : i32
        %cond3A_350 = arith.cmpi ne, %convert_element_type3A_348, %cond3A_349 : i32
        scf.if %cond3A_350 {
          %mul3A_352 = arith.constant 400 : i32
          %mul3A_353 = arith.muli %add3A_346, %mul3A_352 : i32
          %dma_start3A_354 = arith.constant 0 : i32
          %dma_start3A_355 = tpu.memref_slice %arg5[%mul3A_353, %dma_start3A_354] : memref<10000x128xf32, #tpu.memory_space<hbm>> -> memref<400x128xf32, #tpu.memory_space<hbm>>
          %dma_start3A_356 = arith.constant 0 : i32
          %dma_start3A_357 = tpu.memref_slice %arg14[%mul3A_353, %dma_start3A_356] : memref<10000x128xf32, #tpu.memory_space<vmem_shared>> -> memref<400x128xf32, #tpu.memory_space<vmem_shared>>
          tpu.enqueue_dma source(%dma_start3A_357 : memref<400x128xf32, #tpu.memory_space<vmem_shared>>) target(%dma_start3A_355 : memref<400x128xf32, #tpu.memory_space<hbm>>) target_semaphore(%arg21 : memref<!tpu.dma_semaphore, #tpu.memory_space<semaphore_mem>>)
        } else {
        }
        %scan3A_351 = arith.constant 0 : i32
        scf.yield %scan3A_351 : i32
      }
      %scan3A_334 = arith.constant 2 : i32
      %scan3A_335 = arith.constant 0 : i32
      %scan3A_336 = arith.constant 0 : i32
      %scan3A_337 = arith.constant 2 : i32
      %scan3A_338 = arith.addi %scan3A_336, %scan3A_337 : i32
      %scan3A_339 = arith.constant 1 : i32
      %scan3A_340 = scf.for %scan3A_342 = %scan3A_336 to %scan3A_338 step %scan3A_339 iter_args(%scan3A_343 = %scan3A_335) -> (i32)  : i32 {
        %mul3A_344 = arith.constant 16 : i32
        %mul3A_345 = arith.muli %scan3A_342, %mul3A_344 : i32
        %add3A_346 = arith.addi %arg1, %mul3A_345 : i32
        %lt3A = arith.constant 25 : i32
        %lt3A_347 = arith.cmpi slt, %add3A_346, %lt3A : i32
        %convert_element_type3A_348 = arith.extui %lt3A_347 : i1 to i32
        %cond3A_349 = arith.constant 0 : i32
        %cond3A_350 = arith.cmpi ne, %convert_element_type3A_348, %cond3A_349 : i32
        scf.if %cond3A_350 {
          %dma_wait3A = arith.constant 0 : i32
          %dma_wait3A_352 = arith.constant 0 : i32
          %dma_wait3A_353 = tpu.memref_slice %arg5[%dma_wait3A, %dma_wait3A_352] : memref<10000x128xf32, #tpu.memory_space<hbm>> -> memref<400x128xf32, #tpu.memory_space<hbm>>
          %dma_wait3A_354 = arith.constant 0 : i32
          %dma_wait3A_355 = arith.constant 0 : i32
          %dma_wait3A_356 = tpu.memref_slice %arg14[%dma_wait3A_354, %dma_wait3A_355] : memref<10000x128xf32, #tpu.memory_space<vmem_shared>> -> memref<400x128xf32, #tpu.memory_space<vmem_shared>>
          tpu.wait_dma2 semaphore(%arg21 : memref<!tpu.dma_semaphore, #tpu.memory_space<semaphore_mem>>) src(%dma_wait3A_356 : memref<400x128xf32, #tpu.memory_space<vmem_shared>>) dst(%dma_wait3A_353 : memref<400x128xf32, #tpu.memory_space<hbm>>)
        } else {
        }
        %scan3A_351 = arith.constant 0 : i32
        scf.yield %scan3A_351 : i32
      }
      %scan3A_341 = arith.constant 2 : i32
    } else {
    }
    return
  }
}

#map = affine_map<(d0, d1) -> (0, 0)>
#map1 = affine_map<(d0, d1) -> (0, 0, 0)>
module attributes {stable_mosaic.version = 14 : i64} {
  func.func @segsum(%arg0: i32, %arg1: i32, %arg2: memref<10000x128xf32, #tpu.memory_space<hbm>>, %arg3: memref<32x159x64xi32, #tpu.memory_space<hbm>>, %arg4: memref<10000x128xf32, #tpu.memory_space<hbm>>, %arg5: memref<10000x128xf32, #tpu.memory_space<hbm>>, %arg6: memref<159x64xi32, #tpu.memory_space<vmem>>, %arg7: memref<2x64xi32, #tpu.memory_space<vmem>>, %arg8: memref<2x64xi32, #tpu.memory_space<vmem>>, %arg9: memref<2x64xi32, #tpu.memory_space<vmem>>, %arg10: memref<64x128xf32, #tpu.memory_space<vmem>>, %arg11: memref<64x128xf32, #tpu.memory_space<vmem>>, %arg12: memref<64x128xf32, #tpu.memory_space<vmem>>, %arg13: memref<8x128xf32, #tpu.memory_space<vmem>>, %arg14: memref<10000x128xf32, #tpu.memory_space<vmem_shared>>, %arg15: memref<!tpu.dma_semaphore, #tpu.memory_space<semaphore_mem>>, %arg16: memref<!tpu.dma_semaphore, #tpu.memory_space<semaphore_mem>>, %arg17: memref<!tpu.dma_semaphore, #tpu.memory_space<semaphore_mem>>, %arg18: memref<!tpu.dma_semaphore, #tpu.memory_space<semaphore_mem>>, %arg19: memref<!tpu.dma_semaphore, #tpu.memory_space<semaphore_mem>>, %arg20: memref<!tpu.dma_semaphore, #tpu.memory_space<semaphore_mem>>, %arg21: memref<!tpu.dma_semaphore, #tpu.memory_space<semaphore_mem>>) attributes {dimension_semantics = [#tpu.dimension_semantics<core_parallel>, #tpu.dimension_semantics<subcore_parallel>], iteration_bounds = array<i64: 2, 16>, scalar_prefetch = 0 : i64, scratch_operands = 16 : i64, tpu.core_type = #tpu.core_type<sc_vector_subcore>, window_params = [{transform_indices = #map}, {transform_indices = #map1}, {transform_indices = #map}, {transform_indices = #map}]} {
    %mul3A = arith.constant 16 : i32
    %mul3A_0 = arith.muli %arg0, %mul3A : i32
    %add3A = arith.addi %mul3A_0, %arg1 : i32
    "tpu.region"() ({
      %run_scoped3A = tpu.sem_alloc : memref<!tpu.dma_semaphore, #tpu.memory_space<semaphore_mem>>
      %dma_start3A_328 = arith.constant 0 : i32
      %dma_start3A_329 = arith.constant 0 : i32
      %dma_start3A_330 = tpu.memref_slice %arg3[%add3A, %dma_start3A_328, %dma_start3A_329] : memref<32x159x64xi32, #tpu.memory_space<hbm>> -> memref<1x159x64xi32, #tpu.memory_space<hbm>>
      %dma_start3A_331 = tpu.memref_squeeze %dma_start3A_330 : memref<1x159x64xi32, #tpu.memory_space<hbm>> -> memref<159x64xi32, #tpu.memory_space<hbm>>
      %dma_start3A_332 = arith.constant 0 : i32
      %dma_start3A_333 = arith.constant 0 : i32
      %dma_start3A_334 = tpu.memref_slice %arg3[%add3A, %dma_start3A_332, %dma_start3A_333] : memref<32x159x64xi32, #tpu.memory_space<hbm>> -> memref<1x159x64xi32, #tpu.memory_space<hbm>>
      %dma_start3A_335 = tpu.memref_squeeze %dma_start3A_334 : memref<1x159x64xi32, #tpu.memory_space<hbm>> -> memref<159x64xi32, #tpu.memory_space<hbm>>
      tpu.enqueue_dma source(%dma_start3A_335 : memref<159x64xi32, #tpu.memory_space<hbm>>) target(%arg6 : memref<159x64xi32, #tpu.memory_space<vmem>>) target_semaphore(%run_scoped3A : memref<!tpu.dma_semaphore, #tpu.memory_space<semaphore_mem>>)
      %dma_wait3A = arith.constant 0 : i32
      %dma_wait3A_336 = arith.constant 0 : i32
      %dma_wait3A_337 = tpu.memref_slice %arg3[%add3A, %dma_wait3A, %dma_wait3A_336] : memref<32x159x64xi32, #tpu.memory_space<hbm>> -> memref<1x159x64xi32, #tpu.memory_space<hbm>>
      %dma_wait3A_338 = tpu.memref_squeeze %dma_wait3A_337 : memref<1x159x64xi32, #tpu.memory_space<hbm>> -> memref<159x64xi32, #tpu.memory_space<hbm>>
      %dma_wait3A_339 = arith.constant 0 : i32
      %dma_wait3A_340 = arith.constant 0 : i32
      %dma_wait3A_341 = tpu.memref_slice %arg3[%add3A, %dma_wait3A_339, %dma_wait3A_340] : memref<32x159x64xi32, #tpu.memory_space<hbm>> -> memref<1x159x64xi32, #tpu.memory_space<hbm>>
      %dma_wait3A_342 = tpu.memref_squeeze %dma_wait3A_341 : memref<1x159x64xi32, #tpu.memory_space<hbm>> -> memref<159x64xi32, #tpu.memory_space<hbm>>
      tpu.wait_dma2 semaphore(%run_scoped3A : memref<!tpu.dma_semaphore, #tpu.memory_space<semaphore_mem>>) src(%dma_wait3A_342 : memref<159x64xi32, #tpu.memory_space<hbm>>) dst(%arg6 : memref<159x64xi32, #tpu.memory_space<vmem>>)
      tpu.yield
    }) : () -> ()
    %get3A = arith.constant 0 : i32
    %get3A_1 = arith.index_cast %get3A : i32 to index
    %get3A_2 = arith.constant 0 : index
    %get3A_3 = tpu.vector_load %arg6[%get3A_1, %get3A_2] {strides = array<i32>} : memref<159x64xi32, #tpu.memory_space<vmem>>, vector<1x16xi32>,
    %get3A_4 = vector.shape_cast %get3A_3 : vector<1x16xi32> to vector<16xi32>
    %and3A = arith.constant 65535 : i32
    %and3A_5 = vector.broadcast %and3A : i32 to vector<16xi32>
    %and3A_6 = arith.andi %get3A_4, %and3A_5 : vector<16xi32>
    %swap3A = arith.constant 0 : i32
    %swap3A_7 = arith.index_cast %swap3A : i32 to index
    %swap3A_8 = arith.constant 0 : index
    %swap3A_9 = tpu.vector_load %arg7[%swap3A_7, %swap3A_8] {strides = array<i32>} : memref<2x64xi32, #tpu.memory_space<vmem>>, vector<1x16xi32>,
    %swap3A_10 = vector.shape_cast %swap3A_9 : vector<1x16xi32> to vector<16xi32>
    %swap3A_11 = vector.shape_cast %and3A_6 : vector<16xi32> to vector<1x16xi32>
    tpu.vector_store %arg7[%swap3A_7, %swap3A_8], %swap3A_11 {strides = array<i32>} : memref<2x64xi32, #tpu.memory_space<vmem>>, vector<1x16xi32>,
    %shift_right_logical3A = arith.constant 16 : i32
    %shift_right_logical3A_12 = vector.broadcast %shift_right_logical3A : i32 to vector<16xi32>
    %shift_right_logical3A_13 = arith.shrui %get3A_4, %shift_right_logical3A_12 : vector<16xi32>
    %swap3A_14 = arith.constant 1 : i32
    %swap3A_15 = arith.index_cast %swap3A_14 : i32 to index
    %swap3A_16 = arith.constant 0 : index
    %swap3A_17 = tpu.vector_load %arg7[%swap3A_15, %swap3A_16] {strides = array<i32>} : memref<2x64xi32, #tpu.memory_space<vmem>>, vector<1x16xi32>,
    %swap3A_18 = vector.shape_cast %swap3A_17 : vector<1x16xi32> to vector<16xi32>
    %swap3A_19 = vector.shape_cast %shift_right_logical3A_13 : vector<16xi32> to vector<1x16xi32>
    tpu.vector_store %arg7[%swap3A_15, %swap3A_16], %swap3A_19 {strides = array<i32>} : memref<2x64xi32, #tpu.memory_space<vmem>>, vector<1x16xi32>,
    %get3A_20 = arith.constant 0 : i32
    %get3A_21 = arith.index_cast %get3A_20 : i32 to index
    %get3A_22 = arith.constant 16 : index
    %get3A_23 = tpu.vector_load %arg6[%get3A_21, %get3A_22] {strides = array<i32>} : memref<159x64xi32, #tpu.memory_space<vmem>>, vector<1x16xi32>,
    %get3A_24 = vector.shape_cast %get3A_23 : vector<1x16xi32> to vector<16xi32>
    %and3A_25 = arith.constant 65535 : i32
    %and3A_26 = vector.broadcast %and3A_25 : i32 to vector<16xi32>
    %and3A_27 = arith.andi %get3A_24, %and3A_26 : vector<16xi32>
    %swap3A_28 = arith.constant 0 : i32
    %swap3A_29 = arith.index_cast %swap3A_28 : i32 to index
    %swap3A_30 = arith.constant 16 : index
    %swap3A_31 = tpu.vector_load %arg7[%swap3A_29, %swap3A_30] {strides = array<i32>} : memref<2x64xi32, #tpu.memory_space<vmem>>, vector<1x16xi32>,
    %swap3A_32 = vector.shape_cast %swap3A_31 : vector<1x16xi32> to vector<16xi32>
    %swap3A_33 = vector.shape_cast %and3A_27 : vector<16xi32> to vector<1x16xi32>
    tpu.vector_store %arg7[%swap3A_29, %swap3A_30], %swap3A_33 {strides = array<i32>} : memref<2x64xi32, #tpu.memory_space<vmem>>, vector<1x16xi32>,
    %shift_right_logical3A_34 = arith.constant 16 : i32
    %shift_right_logical3A_35 = vector.broadcast %shift_right_logical3A_34 : i32 to vector<16xi32>
    %shift_right_logical3A_36 = arith.shrui %get3A_24, %shift_right_logical3A_35 : vector<16xi32>
    %swap3A_37 = arith.constant 1 : i32
    %swap3A_38 = arith.index_cast %swap3A_37 : i32 to index
    %swap3A_39 = arith.constant 16 : index
    %swap3A_40 = tpu.vector_load %arg7[%swap3A_38, %swap3A_39] {strides = array<i32>} : memref<2x64xi32, #tpu.memory_space<vmem>>, vector<1x16xi32>,
    %swap3A_41 = vector.shape_cast %swap3A_40 : vector<1x16xi32> to vector<16xi32>
    %swap3A_42 = vector.shape_cast %shift_right_logical3A_36 : vector<16xi32> to vector<1x16xi32>
    tpu.vector_store %arg7[%swap3A_38, %swap3A_39], %swap3A_42 {strides = array<i32>} : memref<2x64xi32, #tpu.memory_space<vmem>>, vector<1x16xi32>,
    %get3A_43 = arith.constant 0 : i32
    %get3A_44 = arith.index_cast %get3A_43 : i32 to index
    %get3A_45 = arith.constant 32 : index
    %get3A_46 = tpu.vector_load %arg6[%get3A_44, %get3A_45] {strides = array<i32>} : memref<159x64xi32, #tpu.memory_space<vmem>>, vector<1x16xi32>,
    %get3A_47 = vector.shape_cast %get3A_46 : vector<1x16xi32> to vector<16xi32>
    %and3A_48 = arith.constant 65535 : i32
    %and3A_49 = vector.broadcast %and3A_48 : i32 to vector<16xi32>
    %and3A_50 = arith.andi %get3A_47, %and3A_49 : vector<16xi32>
    %swap3A_51 = arith.constant 0 : i32
    %swap3A_52 = arith.index_cast %swap3A_51 : i32 to index
    %swap3A_53 = arith.constant 32 : index
    %swap3A_54 = tpu.vector_load %arg7[%swap3A_52, %swap3A_53] {strides = array<i32>} : memref<2x64xi32, #tpu.memory_space<vmem>>, vector<1x16xi32>,
    %swap3A_55 = vector.shape_cast %swap3A_54 : vector<1x16xi32> to vector<16xi32>
    %swap3A_56 = vector.shape_cast %and3A_50 : vector<16xi32> to vector<1x16xi32>
    tpu.vector_store %arg7[%swap3A_52, %swap3A_53], %swap3A_56 {strides = array<i32>} : memref<2x64xi32, #tpu.memory_space<vmem>>, vector<1x16xi32>,
    %shift_right_logical3A_57 = arith.constant 16 : i32
    %shift_right_logical3A_58 = vector.broadcast %shift_right_logical3A_57 : i32 to vector<16xi32>
    %shift_right_logical3A_59 = arith.shrui %get3A_47, %shift_right_logical3A_58 : vector<16xi32>
    %swap3A_60 = arith.constant 1 : i32
    %swap3A_61 = arith.index_cast %swap3A_60 : i32 to index
    %swap3A_62 = arith.constant 32 : index
    %swap3A_63 = tpu.vector_load %arg7[%swap3A_61, %swap3A_62] {strides = array<i32>} : memref<2x64xi32, #tpu.memory_space<vmem>>, vector<1x16xi32>,
    %swap3A_64 = vector.shape_cast %swap3A_63 : vector<1x16xi32> to vector<16xi32>
    %swap3A_65 = vector.shape_cast %shift_right_logical3A_59 : vector<16xi32> to vector<1x16xi32>
    tpu.vector_store %arg7[%swap3A_61, %swap3A_62], %swap3A_65 {strides = array<i32>} : memref<2x64xi32, #tpu.memory_space<vmem>>, vector<1x16xi32>,
    %get3A_66 = arith.constant 0 : i32
    %get3A_67 = arith.index_cast %get3A_66 : i32 to index
    %get3A_68 = arith.constant 48 : index
    %get3A_69 = tpu.vector_load %arg6[%get3A_67, %get3A_68] {strides = array<i32>} : memref<159x64xi32, #tpu.memory_space<vmem>>, vector<1x16xi32>,
    %get3A_70 = vector.shape_cast %get3A_69 : vector<1x16xi32> to vector<16xi32>
    %and3A_71 = arith.constant 65535 : i32
    %and3A_72 = vector.broadcast %and3A_71 : i32 to vector<16xi32>
    %and3A_73 = arith.andi %get3A_70, %and3A_72 : vector<16xi32>
    %swap3A_74 = arith.constant 0 : i32
    %swap3A_75 = arith.index_cast %swap3A_74 : i32 to index
    %swap3A_76 = arith.constant 48 : index
    %swap3A_77 = tpu.vector_load %arg7[%swap3A_75, %swap3A_76] {strides = array<i32>} : memref<2x64xi32, #tpu.memory_space<vmem>>, vector<1x16xi32>,
    %swap3A_78 = vector.shape_cast %swap3A_77 : vector<1x16xi32> to vector<16xi32>
    %swap3A_79 = vector.shape_cast %and3A_73 : vector<16xi32> to vector<1x16xi32>
    tpu.vector_store %arg7[%swap3A_75, %swap3A_76], %swap3A_79 {strides = array<i32>} : memref<2x64xi32, #tpu.memory_space<vmem>>, vector<1x16xi32>,
    %shift_right_logical3A_80 = arith.constant 16 : i32
    %shift_right_logical3A_81 = vector.broadcast %shift_right_logical3A_80 : i32 to vector<16xi32>
    %shift_right_logical3A_82 = arith.shrui %get3A_70, %shift_right_logical3A_81 : vector<16xi32>
    %swap3A_83 = arith.constant 1 : i32
    %swap3A_84 = arith.index_cast %swap3A_83 : i32 to index
    %swap3A_85 = arith.constant 48 : index
    %swap3A_86 = tpu.vector_load %arg7[%swap3A_84, %swap3A_85] {strides = array<i32>} : memref<2x64xi32, #tpu.memory_space<vmem>>, vector<1x16xi32>,
    %swap3A_87 = vector.shape_cast %swap3A_86 : vector<1x16xi32> to vector<16xi32>
    %swap3A_88 = vector.shape_cast %shift_right_logical3A_82 : vector<16xi32> to vector<1x16xi32>
    tpu.vector_store %arg7[%swap3A_84, %swap3A_85], %swap3A_88 {strides = array<i32>} : memref<2x64xi32, #tpu.memory_space<vmem>>, vector<1x16xi32>,
    %dma_start3A = arith.constant 0 : i32
    %dma_start3A_89 = arith.constant 0 : i32
    %dma_start3A_90 = tpu.memref_slice %arg7[%dma_start3A, %dma_start3A_89] : memref<2x64xi32, #tpu.memory_space<vmem>> -> memref<1x64xi32, #tpu.memory_space<vmem>>
    %dma_start3A_91 = tpu.memref_squeeze %dma_start3A_90 : memref<1x64xi32, #tpu.memory_space<vmem>> -> memref<64xi32, #tpu.memory_space<vmem>>
    %dma_start3A_92 = arith.constant 0 : i32
    %dma_start3A_93 = arith.constant 0 : i32
    %dma_start3A_94 = tpu.memref_slice %arg2[%dma_start3A_92, %dma_start3A_93] : memref<10000x128xf32, #tpu.memory_space<hbm>> -> memref<10000x128xf32, #tpu.memory_space<hbm>>
    tpu.enqueue_indirect_dma source(%dma_start3A_94 : memref<10000x128xf32, #tpu.memory_space<hbm>>) target(%arg10 : memref<64x128xf32, #tpu.memory_space<vmem>>) offsets(%dma_start3A_91 : memref<64xi32, #tpu.memory_space<vmem>>) semaphore(%arg15 : memref<!tpu.dma_semaphore, #tpu.memory_space<semaphore_mem>>)
    %get3A_95 = arith.constant 1 : i32
    %get3A_96 = arith.index_cast %get3A_95 : i32 to index
    %get3A_97 = arith.constant 0 : index
    %get3A_98 = tpu.vector_load %arg6[%get3A_96, %get3A_97] {strides = array<i32>} : memref<159x64xi32, #tpu.memory_space<vmem>>, vector<1x16xi32>,
    %get3A_99 = vector.shape_cast %get3A_98 : vector<1x16xi32> to vector<16xi32>
    %and3A_100 = arith.constant 65535 : i32
    %and3A_101 = vector.broadcast %and3A_100 : i32 to vector<16xi32>
    %and3A_102 = arith.andi %get3A_99, %and3A_101 : vector<16xi32>
    %swap3A_103 = arith.constant 0 : i32
    %swap3A_104 = arith.index_cast %swap3A_103 : i32 to index
    %swap3A_105 = arith.constant 0 : index
    %swap3A_106 = tpu.vector_load %arg8[%swap3A_104, %swap3A_105] {strides = array<i32>} : memref<2x64xi32, #tpu.memory_space<vmem>>, vector<1x16xi32>,
    %swap3A_107 = vector.shape_cast %swap3A_106 : vector<1x16xi32> to vector<16xi32>
    %swap3A_108 = vector.shape_cast %and3A_102 : vector<16xi32> to vector<1x16xi32>
    tpu.vector_store %arg8[%swap3A_104, %swap3A_105], %swap3A_108 {strides = array<i32>} : memref<2x64xi32, #tpu.memory_space<vmem>>, vector<1x16xi32>,
    %shift_right_logical3A_109 = arith.constant 16 : i32
    %shift_right_logical3A_110 = vector.broadcast %shift_right_logical3A_109 : i32 to vector<16xi32>
    %shift_right_logical3A_111 = arith.shrui %get3A_99, %shift_right_logical3A_110 : vector<16xi32>
    %swap3A_112 = arith.constant 1 : i32
    %swap3A_113 = arith.index_cast %swap3A_112 : i32 to index
    %swap3A_114 = arith.constant 0 : index
    %swap3A_115 = tpu.vector_load %arg8[%swap3A_113, %swap3A_114] {strides = array<i32>} : memref<2x64xi32, #tpu.memory_space<vmem>>, vector<1x16xi32>,
    %swap3A_116 = vector.shape_cast %swap3A_115 : vector<1x16xi32> to vector<16xi32>
    %swap3A_117 = vector.shape_cast %shift_right_logical3A_111 : vector<16xi32> to vector<1x16xi32>
    tpu.vector_store %arg8[%swap3A_113, %swap3A_114], %swap3A_117 {strides = array<i32>} : memref<2x64xi32, #tpu.memory_space<vmem>>, vector<1x16xi32>,
    %get3A_118 = arith.constant 1 : i32
    %get3A_119 = arith.index_cast %get3A_118 : i32 to index
    %get3A_120 = arith.constant 16 : index
    %get3A_121 = tpu.vector_load %arg6[%get3A_119, %get3A_120] {strides = array<i32>} : memref<159x64xi32, #tpu.memory_space<vmem>>, vector<1x16xi32>,
    %get3A_122 = vector.shape_cast %get3A_121 : vector<1x16xi32> to vector<16xi32>
    %and3A_123 = arith.constant 65535 : i32
    %and3A_124 = vector.broadcast %and3A_123 : i32 to vector<16xi32>
    %and3A_125 = arith.andi %get3A_122, %and3A_124 : vector<16xi32>
    %swap3A_126 = arith.constant 0 : i32
    %swap3A_127 = arith.index_cast %swap3A_126 : i32 to index
    %swap3A_128 = arith.constant 16 : index
    %swap3A_129 = tpu.vector_load %arg8[%swap3A_127, %swap3A_128] {strides = array<i32>} : memref<2x64xi32, #tpu.memory_space<vmem>>, vector<1x16xi32>,
    %swap3A_130 = vector.shape_cast %swap3A_129 : vector<1x16xi32> to vector<16xi32>
    %swap3A_131 = vector.shape_cast %and3A_125 : vector<16xi32> to vector<1x16xi32>
    tpu.vector_store %arg8[%swap3A_127, %swap3A_128], %swap3A_131 {strides = array<i32>} : memref<2x64xi32, #tpu.memory_space<vmem>>, vector<1x16xi32>,
    %shift_right_logical3A_132 = arith.constant 16 : i32
    %shift_right_logical3A_133 = vector.broadcast %shift_right_logical3A_132 : i32 to vector<16xi32>
    %shift_right_logical3A_134 = arith.shrui %get3A_122, %shift_right_logical3A_133 : vector<16xi32>
    %swap3A_135 = arith.constant 1 : i32
    %swap3A_136 = arith.index_cast %swap3A_135 : i32 to index
    %swap3A_137 = arith.constant 16 : index
    %swap3A_138 = tpu.vector_load %arg8[%swap3A_136, %swap3A_137] {strides = array<i32>} : memref<2x64xi32, #tpu.memory_space<vmem>>, vector<1x16xi32>,
    %swap3A_139 = vector.shape_cast %swap3A_138 : vector<1x16xi32> to vector<16xi32>
    %swap3A_140 = vector.shape_cast %shift_right_logical3A_134 : vector<16xi32> to vector<1x16xi32>
    tpu.vector_store %arg8[%swap3A_136, %swap3A_137], %swap3A_140 {strides = array<i32>} : memref<2x64xi32, #tpu.memory_space<vmem>>, vector<1x16xi32>,
    %get3A_141 = arith.constant 1 : i32
    %get3A_142 = arith.index_cast %get3A_141 : i32 to index
    %get3A_143 = arith.constant 32 : index
    %get3A_144 = tpu.vector_load %arg6[%get3A_142, %get3A_143] {strides = array<i32>} : memref<159x64xi32, #tpu.memory_space<vmem>>, vector<1x16xi32>,
    %get3A_145 = vector.shape_cast %get3A_144 : vector<1x16xi32> to vector<16xi32>
    %and3A_146 = arith.constant 65535 : i32
    %and3A_147 = vector.broadcast %and3A_146 : i32 to vector<16xi32>
    %and3A_148 = arith.andi %get3A_145, %and3A_147 : vector<16xi32>
    %swap3A_149 = arith.constant 0 : i32
    %swap3A_150 = arith.index_cast %swap3A_149 : i32 to index
    %swap3A_151 = arith.constant 32 : index
    %swap3A_152 = tpu.vector_load %arg8[%swap3A_150, %swap3A_151] {strides = array<i32>} : memref<2x64xi32, #tpu.memory_space<vmem>>, vector<1x16xi32>,
    %swap3A_153 = vector.shape_cast %swap3A_152 : vector<1x16xi32> to vector<16xi32>
    %swap3A_154 = vector.shape_cast %and3A_148 : vector<16xi32> to vector<1x16xi32>
    tpu.vector_store %arg8[%swap3A_150, %swap3A_151], %swap3A_154 {strides = array<i32>} : memref<2x64xi32, #tpu.memory_space<vmem>>, vector<1x16xi32>,
    %shift_right_logical3A_155 = arith.constant 16 : i32
    %shift_right_logical3A_156 = vector.broadcast %shift_right_logical3A_155 : i32 to vector<16xi32>
    %shift_right_logical3A_157 = arith.shrui %get3A_145, %shift_right_logical3A_156 : vector<16xi32>
    %swap3A_158 = arith.constant 1 : i32
    %swap3A_159 = arith.index_cast %swap3A_158 : i32 to index
    %swap3A_160 = arith.constant 32 : index
    %swap3A_161 = tpu.vector_load %arg8[%swap3A_159, %swap3A_160] {strides = array<i32>} : memref<2x64xi32, #tpu.memory_space<vmem>>, vector<1x16xi32>,
    %swap3A_162 = vector.shape_cast %swap3A_161 : vector<1x16xi32> to vector<16xi32>
    %swap3A_163 = vector.shape_cast %shift_right_logical3A_157 : vector<16xi32> to vector<1x16xi32>
    tpu.vector_store %arg8[%swap3A_159, %swap3A_160], %swap3A_163 {strides = array<i32>} : memref<2x64xi32, #tpu.memory_space<vmem>>, vector<1x16xi32>,
    %get3A_164 = arith.constant 1 : i32
    %get3A_165 = arith.index_cast %get3A_164 : i32 to index
    %get3A_166 = arith.constant 48 : index
    %get3A_167 = tpu.vector_load %arg6[%get3A_165, %get3A_166] {strides = array<i32>} : memref<159x64xi32, #tpu.memory_space<vmem>>, vector<1x16xi32>,
    %get3A_168 = vector.shape_cast %get3A_167 : vector<1x16xi32> to vector<16xi32>
    %and3A_169 = arith.constant 65535 : i32
    %and3A_170 = vector.broadcast %and3A_169 : i32 to vector<16xi32>
    %and3A_171 = arith.andi %get3A_168, %and3A_170 : vector<16xi32>
    %swap3A_172 = arith.constant 0 : i32
    %swap3A_173 = arith.index_cast %swap3A_172 : i32 to index
    %swap3A_174 = arith.constant 48 : index
    %swap3A_175 = tpu.vector_load %arg8[%swap3A_173, %swap3A_174] {strides = array<i32>} : memref<2x64xi32, #tpu.memory_space<vmem>>, vector<1x16xi32>,
    %swap3A_176 = vector.shape_cast %swap3A_175 : vector<1x16xi32> to vector<16xi32>
    %swap3A_177 = vector.shape_cast %and3A_171 : vector<16xi32> to vector<1x16xi32>
    tpu.vector_store %arg8[%swap3A_173, %swap3A_174], %swap3A_177 {strides = array<i32>} : memref<2x64xi32, #tpu.memory_space<vmem>>, vector<1x16xi32>,
    %shift_right_logical3A_178 = arith.constant 16 : i32
    %shift_right_logical3A_179 = vector.broadcast %shift_right_logical3A_178 : i32 to vector<16xi32>
    %shift_right_logical3A_180 = arith.shrui %get3A_168, %shift_right_logical3A_179 : vector<16xi32>
    %swap3A_181 = arith.constant 1 : i32
    %swap3A_182 = arith.index_cast %swap3A_181 : i32 to index
    %swap3A_183 = arith.constant 48 : index
    %swap3A_184 = tpu.vector_load %arg8[%swap3A_182, %swap3A_183] {strides = array<i32>} : memref<2x64xi32, #tpu.memory_space<vmem>>, vector<1x16xi32>,
    %swap3A_185 = vector.shape_cast %swap3A_184 : vector<1x16xi32> to vector<16xi32>
    %swap3A_186 = vector.shape_cast %shift_right_logical3A_180 : vector<16xi32> to vector<1x16xi32>
    tpu.vector_store %arg8[%swap3A_182, %swap3A_183], %swap3A_186 {strides = array<i32>} : memref<2x64xi32, #tpu.memory_space<vmem>>, vector<1x16xi32>,
    %dma_start3A_187 = arith.constant 0 : i32
    %dma_start3A_188 = arith.constant 0 : i32
    %dma_start3A_189 = tpu.memref_slice %arg8[%dma_start3A_187, %dma_start3A_188] : memref<2x64xi32, #tpu.memory_space<vmem>> -> memref<1x64xi32, #tpu.memory_space<vmem>>
    %dma_start3A_190 = tpu.memref_squeeze %dma_start3A_189 : memref<1x64xi32, #tpu.memory_space<vmem>> -> memref<64xi32, #tpu.memory_space<vmem>>
    %dma_start3A_191 = arith.constant 0 : i32
    %dma_start3A_192 = arith.constant 0 : i32
    %dma_start3A_193 = tpu.memref_slice %arg2[%dma_start3A_191, %dma_start3A_192] : memref<10000x128xf32, #tpu.memory_space<hbm>> -> memref<10000x128xf32, #tpu.memory_space<hbm>>
    tpu.enqueue_indirect_dma source(%dma_start3A_193 : memref<10000x128xf32, #tpu.memory_space<hbm>>) target(%arg11 : memref<64x128xf32, #tpu.memory_space<vmem>>) offsets(%dma_start3A_190 : memref<64xi32, #tpu.memory_space<vmem>>) semaphore(%arg16 : memref<!tpu.dma_semaphore, #tpu.memory_space<semaphore_mem>>)
    %get3A_194 = arith.constant 2 : i32
    %get3A_195 = arith.index_cast %get3A_194 : i32 to index
    %get3A_196 = arith.constant 0 : index
    %get3A_197 = tpu.vector_load %arg6[%get3A_195, %get3A_196] {strides = array<i32>} : memref<159x64xi32, #tpu.memory_space<vmem>>, vector<1x16xi32>,
    %get3A_198 = vector.shape_cast %get3A_197 : vector<1x16xi32> to vector<16xi32>
    %and3A_199 = arith.constant 65535 : i32
    %and3A_200 = vector.broadcast %and3A_199 : i32 to vector<16xi32>
    %and3A_201 = arith.andi %get3A_198, %and3A_200 : vector<16xi32>
    %swap3A_202 = arith.constant 0 : i32
    %swap3A_203 = arith.index_cast %swap3A_202 : i32 to index
    %swap3A_204 = arith.constant 0 : index
    %swap3A_205 = tpu.vector_load %arg9[%swap3A_203, %swap3A_204] {strides = array<i32>} : memref<2x64xi32, #tpu.memory_space<vmem>>, vector<1x16xi32>,
    %swap3A_206 = vector.shape_cast %swap3A_205 : vector<1x16xi32> to vector<16xi32>
    %swap3A_207 = vector.shape_cast %and3A_201 : vector<16xi32> to vector<1x16xi32>
    tpu.vector_store %arg9[%swap3A_203, %swap3A_204], %swap3A_207 {strides = array<i32>} : memref<2x64xi32, #tpu.memory_space<vmem>>, vector<1x16xi32>,
    %shift_right_logical3A_208 = arith.constant 16 : i32
    %shift_right_logical3A_209 = vector.broadcast %shift_right_logical3A_208 : i32 to vector<16xi32>
    %shift_right_logical3A_210 = arith.shrui %get3A_198, %shift_right_logical3A_209 : vector<16xi32>
    %swap3A_211 = arith.constant 1 : i32
    %swap3A_212 = arith.index_cast %swap3A_211 : i32 to index
    %swap3A_213 = arith.constant 0 : index
    %swap3A_214 = tpu.vector_load %arg9[%swap3A_212, %swap3A_213] {strides = array<i32>} : memref<2x64xi32, #tpu.memory_space<vmem>>, vector<1x16xi32>,
    %swap3A_215 = vector.shape_cast %swap3A_214 : vector<1x16xi32> to vector<16xi32>
    %swap3A_216 = vector.shape_cast %shift_right_logical3A_210 : vector<16xi32> to vector<1x16xi32>
    tpu.vector_store %arg9[%swap3A_212, %swap3A_213], %swap3A_216 {strides = array<i32>} : memref<2x64xi32, #tpu.memory_space<vmem>>, vector<1x16xi32>,
    %get3A_217 = arith.constant 2 : i32
    %get3A_218 = arith.index_cast %get3A_217 : i32 to index
    %get3A_219 = arith.constant 16 : index
    %get3A_220 = tpu.vector_load %arg6[%get3A_218, %get3A_219] {strides = array<i32>} : memref<159x64xi32, #tpu.memory_space<vmem>>, vector<1x16xi32>,
    %get3A_221 = vector.shape_cast %get3A_220 : vector<1x16xi32> to vector<16xi32>
    %and3A_222 = arith.constant 65535 : i32
    %and3A_223 = vector.broadcast %and3A_222 : i32 to vector<16xi32>
    %and3A_224 = arith.andi %get3A_221, %and3A_223 : vector<16xi32>
    %swap3A_225 = arith.constant 0 : i32
    %swap3A_226 = arith.index_cast %swap3A_225 : i32 to index
    %swap3A_227 = arith.constant 16 : index
    %swap3A_228 = tpu.vector_load %arg9[%swap3A_226, %swap3A_227] {strides = array<i32>} : memref<2x64xi32, #tpu.memory_space<vmem>>, vector<1x16xi32>,
    %swap3A_229 = vector.shape_cast %swap3A_228 : vector<1x16xi32> to vector<16xi32>
    %swap3A_230 = vector.shape_cast %and3A_224 : vector<16xi32> to vector<1x16xi32>
    tpu.vector_store %arg9[%swap3A_226, %swap3A_227], %swap3A_230 {strides = array<i32>} : memref<2x64xi32, #tpu.memory_space<vmem>>, vector<1x16xi32>,
    %shift_right_logical3A_231 = arith.constant 16 : i32
    %shift_right_logical3A_232 = vector.broadcast %shift_right_logical3A_231 : i32 to vector<16xi32>
    %shift_right_logical3A_233 = arith.shrui %get3A_221, %shift_right_logical3A_232 : vector<16xi32>
    %swap3A_234 = arith.constant 1 : i32
    %swap3A_235 = arith.index_cast %swap3A_234 : i32 to index
    %swap3A_236 = arith.constant 16 : index
    %swap3A_237 = tpu.vector_load %arg9[%swap3A_235, %swap3A_236] {strides = array<i32>} : memref<2x64xi32, #tpu.memory_space<vmem>>, vector<1x16xi32>,
    %swap3A_238 = vector.shape_cast %swap3A_237 : vector<1x16xi32> to vector<16xi32>
    %swap3A_239 = vector.shape_cast %shift_right_logical3A_233 : vector<16xi32> to vector<1x16xi32>
    tpu.vector_store %arg9[%swap3A_235, %swap3A_236], %swap3A_239 {strides = array<i32>} : memref<2x64xi32, #tpu.memory_space<vmem>>, vector<1x16xi32>,
    %get3A_240 = arith.constant 2 : i32
    %get3A_241 = arith.index_cast %get3A_240 : i32 to index
    %get3A_242 = arith.constant 32 : index
    %get3A_243 = tpu.vector_load %arg6[%get3A_241, %get3A_242] {strides = array<i32>} : memref<159x64xi32, #tpu.memory_space<vmem>>, vector<1x16xi32>,
    %get3A_244 = vector.shape_cast %get3A_243 : vector<1x16xi32> to vector<16xi32>
    %and3A_245 = arith.constant 65535 : i32
    %and3A_246 = vector.broadcast %and3A_245 : i32 to vector<16xi32>
    %and3A_247 = arith.andi %get3A_244, %and3A_246 : vector<16xi32>
    %swap3A_248 = arith.constant 0 : i32
    %swap3A_249 = arith.index_cast %swap3A_248 : i32 to index
    %swap3A_250 = arith.constant 32 : index
    %swap3A_251 = tpu.vector_load %arg9[%swap3A_249, %swap3A_250] {strides = array<i32>} : memref<2x64xi32, #tpu.memory_space<vmem>>, vector<1x16xi32>,
    %swap3A_252 = vector.shape_cast %swap3A_251 : vector<1x16xi32> to vector<16xi32>
    %swap3A_253 = vector.shape_cast %and3A_247 : vector<16xi32> to vector<1x16xi32>
    tpu.vector_store %arg9[%swap3A_249, %swap3A_250], %swap3A_253 {strides = array<i32>} : memref<2x64xi32, #tpu.memory_space<vmem>>, vector<1x16xi32>,
    %shift_right_logical3A_254 = arith.constant 16 : i32
    %shift_right_logical3A_255 = vector.broadcast %shift_right_logical3A_254 : i32 to vector<16xi32>
    %shift_right_logical3A_256 = arith.shrui %get3A_244, %shift_right_logical3A_255 : vector<16xi32>
    %swap3A_257 = arith.constant 1 : i32
    %swap3A_258 = arith.index_cast %swap3A_257 : i32 to index
    %swap3A_259 = arith.constant 32 : index
    %swap3A_260 = tpu.vector_load %arg9[%swap3A_258, %swap3A_259] {strides = array<i32>} : memref<2x64xi32, #tpu.memory_space<vmem>>, vector<1x16xi32>,
    %swap3A_261 = vector.shape_cast %swap3A_260 : vector<1x16xi32> to vector<16xi32>
    %swap3A_262 = vector.shape_cast %shift_right_logical3A_256 : vector<16xi32> to vector<1x16xi32>
    tpu.vector_store %arg9[%swap3A_258, %swap3A_259], %swap3A_262 {strides = array<i32>} : memref<2x64xi32, #tpu.memory_space<vmem>>, vector<1x16xi32>,
    %get3A_263 = arith.constant 2 : i32
    %get3A_264 = arith.index_cast %get3A_263 : i32 to index
    %get3A_265 = arith.constant 48 : index
    %get3A_266 = tpu.vector_load %arg6[%get3A_264, %get3A_265] {strides = array<i32>} : memref<159x64xi32, #tpu.memory_space<vmem>>, vector<1x16xi32>,
    %get3A_267 = vector.shape_cast %get3A_266 : vector<1x16xi32> to vector<16xi32>
    %and3A_268 = arith.constant 65535 : i32
    %and3A_269 = vector.broadcast %and3A_268 : i32 to vector<16xi32>
    %and3A_270 = arith.andi %get3A_267, %and3A_269 : vector<16xi32>
    %swap3A_271 = arith.constant 0 : i32
    %swap3A_272 = arith.index_cast %swap3A_271 : i32 to index
    %swap3A_273 = arith.constant 48 : index
    %swap3A_274 = tpu.vector_load %arg9[%swap3A_272, %swap3A_273] {strides = array<i32>} : memref<2x64xi32, #tpu.memory_space<vmem>>, vector<1x16xi32>,
    %swap3A_275 = vector.shape_cast %swap3A_274 : vector<1x16xi32> to vector<16xi32>
    %swap3A_276 = vector.shape_cast %and3A_270 : vector<16xi32> to vector<1x16xi32>
    tpu.vector_store %arg9[%swap3A_272, %swap3A_273], %swap3A_276 {strides = array<i32>} : memref<2x64xi32, #tpu.memory_space<vmem>>, vector<1x16xi32>,
    %shift_right_logical3A_277 = arith.constant 16 : i32
    %shift_right_logical3A_278 = vector.broadcast %shift_right_logical3A_277 : i32 to vector<16xi32>
    %shift_right_logical3A_279 = arith.shrui %get3A_267, %shift_right_logical3A_278 : vector<16xi32>
    %swap3A_280 = arith.constant 1 : i32
    %swap3A_281 = arith.index_cast %swap3A_280 : i32 to index
    %swap3A_282 = arith.constant 48 : index
    %swap3A_283 = tpu.vector_load %arg9[%swap3A_281, %swap3A_282] {strides = array<i32>} : memref<2x64xi32, #tpu.memory_space<vmem>>, vector<1x16xi32>,
    %swap3A_284 = vector.shape_cast %swap3A_283 : vector<1x16xi32> to vector<16xi32>
    %swap3A_285 = vector.shape_cast %shift_right_logical3A_279 : vector<16xi32> to vector<1x16xi32>
    tpu.vector_store %arg9[%swap3A_281, %swap3A_282], %swap3A_285 {strides = array<i32>} : memref<2x64xi32, #tpu.memory_space<vmem>>, vector<1x16xi32>,
    %dma_start3A_286 = arith.constant 0 : i32
    %dma_start3A_287 = arith.constant 0 : i32
    %dma_start3A_288 = tpu.memref_slice %arg9[%dma_start3A_286, %dma_start3A_287] : memref<2x64xi32, #tpu.memory_space<vmem>> -> memref<1x64xi32, #tpu.memory_space<vmem>>
    %dma_start3A_289 = tpu.memref_squeeze %dma_start3A_288 : memref<1x64xi32, #tpu.memory_space<vmem>> -> memref<64xi32, #tpu.memory_space<vmem>>
    %dma_start3A_290 = arith.constant 0 : i32
    %dma_start3A_291 = arith.constant 0 : i32
    %dma_start3A_292 = tpu.memref_slice %arg2[%dma_start3A_290, %dma_start3A_291] : memref<10000x128xf32, #tpu.memory_space<hbm>> -> memref<10000x128xf32, #tpu.memory_space<hbm>>
    tpu.enqueue_indirect_dma source(%dma_start3A_292 : memref<10000x128xf32, #tpu.memory_space<hbm>>) target(%arg12 : memref<64x128xf32, #tpu.memory_space<vmem>>) offsets(%dma_start3A_289 : memref<64xi32, #tpu.memory_space<vmem>>) semaphore(%arg17 : memref<!tpu.dma_semaphore, #tpu.memory_space<semaphore_mem>>)
    %scan3A = arith.constant 0 : i32
    %scan3A_293 = arith.constant 0 : i32
    %scan3A_294 = arith.constant 8 : i32
    %scan3A_295 = arith.addi %scan3A_293, %scan3A_294 : i32
    %scan3A_296 = arith.constant 1 : i32
    %scan3A_297 = scf.for %scan3A_328 = %scan3A_293 to %scan3A_295 step %scan3A_296 iter_args(%scan3A_329 = %scan3A) -> (i32)  : i32 {
      %scan3A_330 = arith.constant 0 : i32
      %scan3A_331 = arith.constant 0 : i32
      %scan3A_332 = arith.constant 8 : i32
      %scan3A_333 = arith.addi %scan3A_331, %scan3A_332 : i32
      %scan3A_334 = arith.constant 1 : i32
      %scan3A_335 = scf.for %scan3A_338 = %scan3A_331 to %scan3A_333 step %scan3A_334 iter_args(%scan3A_339 = %scan3A_330) -> (i32)  : i32 {
        %broadcast_in_dim3A = arith.constant 0.000000e+00 : f32
        %broadcast_in_dim3A_340 = vector.broadcast %broadcast_in_dim3A : f32 to vector<16xf32>
        %mul3A_341 = arith.constant 16 : i32
        %mul3A_342 = arith.muli %scan3A_338, %mul3A_341 : i32
        %swap3A_343 = arith.index_cast %scan3A_328 : i32 to index
        %swap3A_344 = arith.index_cast %mul3A_342 : i32 to index
        %swap3A_345 = tpu.vector_load %arg13[%swap3A_343, %swap3A_344] {strides = array<i32>} : memref<8x128xf32, #tpu.memory_space<vmem>>, vector<1x16xf32>,
        %swap3A_346 = vector.shape_cast %swap3A_345 : vector<1x16xf32> to vector<16xf32>
        %swap3A_347 = vector.shape_cast %broadcast_in_dim3A_340 : vector<16xf32> to vector<1x16xf32>
        tpu.vector_store %arg13[%swap3A_343, %swap3A_344], %swap3A_347 {strides = array<i32>} : memref<8x128xf32, #tpu.memory_space<vmem>>, vector<1x16xf32>,
        %scan3A_348 = arith.constant 0 : i32
        scf.yield %scan3A_348 : i32
      }
      %scan3A_336 = arith.constant 8 : i32
      %scan3A_337 = arith.constant 0 : i32
      scf.yield %scan3A_337 : i32
    }
    %scan3A_298 = arith.constant 8 : i32
    %scan3A_299 = arith.constant 0 : i32
    %scan3A_300 = arith.constant 0 : i32
    %scan3A_301 = arith.constant 79 : i32
    %scan3A_302 = arith.addi %scan3A_300, %scan3A_301 : i32
    %scan3A_303 = arith.constant 1 : i32
    %scan3A_304 = scf.for %scan3A_328 = %scan3A_300 to %scan3A_302 step %scan3A_303 iter_args(%scan3A_329 = %scan3A_299) -> (i32)  : i32 {
      %mul3A_330 = arith.constant 16 : i32
      %mul3A_331 = arith.muli %scan3A_328, %mul3A_330 : i32
      %add3A_332 = arith.addi %arg1, %mul3A_331 : i32
      %lt3A = arith.constant 1250 : i32
      %lt3A_333 = arith.cmpi slt, %add3A_332, %lt3A : i32
      %convert_element_type3A_334 = arith.extui %lt3A_333 : i1 to i32
      %cond3A_335 = arith.constant 0 : i32
      %cond3A_336 = arith.cmpi ne, %convert_element_type3A_334, %cond3A_335 : i32
      scf.if %cond3A_336 {
        %mul3A_338 = arith.constant 8 : i32
        %mul3A_339 = arith.muli %add3A_332, %mul3A_338 : i32
        %dma_start3A_340 = arith.constant 0 : i32
        %dma_start3A_341 = tpu.memref_slice %arg14[%mul3A_339, %dma_start3A_340] : memref<10000x128xf32, #tpu.memory_space<vmem_shared>> -> memref<8x128xf32, #tpu.memory_space<vmem_shared>>
        %dma_start3A_342 = arith.constant 0 : i32
        %dma_start3A_343 = tpu.memref_slice %arg14[%mul3A_339, %dma_start3A_342] : memref<10000x128xf32, #tpu.memory_space<vmem_shared>> -> memref<8x128xf32, #tpu.memory_space<vmem_shared>>
        tpu.enqueue_dma source(%arg13 : memref<8x128xf32, #tpu.memory_space<vmem>>) target(%dma_start3A_343 : memref<8x128xf32, #tpu.memory_space<vmem_shared>>) target_semaphore(%arg21 : memref<!tpu.dma_semaphore, #tpu.memory_space<semaphore_mem>>)
      } else {
      }
      %scan3A_337 = arith.constant 0 : i32
      scf.yield %scan3A_337 : i32
    }
    %scan3A_305 = arith.constant 79 : i32
    %scan3A_306 = arith.constant 0 : i32
    %scan3A_307 = arith.constant 0 : i32
    %scan3A_308 = arith.constant 79 : i32
    %scan3A_309 = arith.addi %scan3A_307, %scan3A_308 : i32
    %scan3A_310 = arith.constant 1 : i32
    %scan3A_311 = scf.for %scan3A_328 = %scan3A_307 to %scan3A_309 step %scan3A_310 iter_args(%scan3A_329 = %scan3A_306) -> (i32)  : i32 {
      %mul3A_330 = arith.constant 16 : i32
      %mul3A_331 = arith.muli %scan3A_328, %mul3A_330 : i32
      %add3A_332 = arith.addi %arg1, %mul3A_331 : i32
      %lt3A = arith.constant 1250 : i32
      %lt3A_333 = arith.cmpi slt, %add3A_332, %lt3A : i32
      %convert_element_type3A_334 = arith.extui %lt3A_333 : i1 to i32
      %cond3A_335 = arith.constant 0 : i32
      %cond3A_336 = arith.cmpi ne, %convert_element_type3A_334, %cond3A_335 : i32
      scf.if %cond3A_336 {
        %dma_wait3A = arith.constant 0 : i32
        %dma_wait3A_338 = arith.constant 0 : i32
        %dma_wait3A_339 = tpu.memref_slice %arg14[%dma_wait3A, %dma_wait3A_338] : memref<10000x128xf32, #tpu.memory_space<vmem_shared>> -> memref<8x128xf32, #tpu.memory_space<vmem_shared>>
        %dma_wait3A_340 = arith.constant 0 : i32
        %dma_wait3A_341 = arith.constant 0 : i32
        %dma_wait3A_342 = tpu.memref_slice %arg14[%dma_wait3A_340, %dma_wait3A_341] : memref<10000x128xf32, #tpu.memory_space<vmem_shared>> -> memref<8x128xf32, #tpu.memory_space<vmem_shared>>
        tpu.wait_dma2 semaphore(%arg21 : memref<!tpu.dma_semaphore, #tpu.memory_space<semaphore_mem>>) src(%arg13 : memref<8x128xf32, #tpu.memory_space<vmem>>) dst(%dma_wait3A_342 : memref<8x128xf32, #tpu.memory_space<vmem_shared>>)
      } else {
      }
      %scan3A_337 = arith.constant 0 : i32
      scf.yield %scan3A_337 : i32
    }
    %scan3A_312 = arith.constant 79 : i32
    %barrier3A = arith.constant 0 : index
    tpu.barrier barrier_id(%barrier3A)
    %scan3A_313 = arith.constant 0 : i32
    %scan3A_314 = arith.constant 0 : i32
    %scan3A_315 = arith.constant 53 : i32
    %scan3A_316 = arith.addi %scan3A_314, %scan3A_315 : i32
    %scan3A_317 = arith.constant 1 : i32
    %scan3A_318 = scf.for %scan3A_328 = %scan3A_314 to %scan3A_316 step %scan3A_317 iter_args(%scan3A_329 = %scan3A_313) -> (i32)  : i32 {
      %mul3A_330 = arith.constant 3 : i32
      %mul3A_331 = arith.muli %mul3A_330, %scan3A_328 : i32
      %dma_wait3A = arith.constant 0 : i32
      %dma_wait3A_332 = arith.constant 0 : i32
      %dma_wait3A_333 = tpu.memref_slice %arg7[%dma_wait3A, %dma_wait3A_332] : memref<2x64xi32, #tpu.memory_space<vmem>> -> memref<1x64xi32, #tpu.memory_space<vmem>>
      %dma_wait3A_334 = tpu.memref_squeeze %dma_wait3A_333 : memref<1x64xi32, #tpu.memory_space<vmem>> -> memref<64xi32, #tpu.memory_space<vmem>>
      %dma_wait3A_335 = arith.constant 0 : i32
      %dma_wait3A_336 = arith.constant 0 : i32
      %dma_wait3A_337 = tpu.memref_slice %arg2[%dma_wait3A_335, %dma_wait3A_336] : memref<10000x128xf32, #tpu.memory_space<hbm>> -> memref<10000x128xf32, #tpu.memory_space<hbm>>
      tpu.wait_indirect_dma semaphore(%arg15 : memref<!tpu.dma_semaphore, #tpu.memory_space<semaphore_mem>>) src(%dma_wait3A_337 : memref<10000x128xf32, #tpu.memory_space<hbm>>) dst(%arg10 : memref<64x128xf32, #tpu.memory_space<vmem>>)
      %dma_start3A_338 = arith.constant 1 : i32
      %dma_start3A_339 = arith.constant 0 : i32
      %dma_start3A_340 = tpu.memref_slice %arg7[%dma_start3A_338, %dma_start3A_339] : memref<2x64xi32, #tpu.memory_space<vmem>> -> memref<1x64xi32, #tpu.memory_space<vmem>>
      %dma_start3A_341 = tpu.memref_squeeze %dma_start3A_340 : memref<1x64xi32, #tpu.memory_space<vmem>> -> memref<64xi32, #tpu.memory_space<vmem>>
      %dma_start3A_342 = arith.constant 0 : i32
      %dma_start3A_343 = arith.constant 0 : i32
      %dma_start3A_344 = tpu.memref_slice %arg14[%dma_start3A_342, %dma_start3A_343] : memref<10000x128xf32, #tpu.memory_space<vmem_shared>> -> memref<10000x128xf32, #tpu.memory_space<vmem_shared>>
      tpu.enqueue_indirect_dma source(%arg10 : memref<64x128xf32, #tpu.memory_space<vmem>>) target(%dma_start3A_344 : memref<10000x128xf32, #tpu.memory_space<vmem_shared>>) offsets(%dma_start3A_341 : memref<64xi32, #tpu.memory_space<vmem>>) semaphore(%arg18 : memref<!tpu.dma_semaphore, #tpu.memory_space<semaphore_mem>>) {add = true}
      %dma_wait3A_345 = arith.constant 0 : i32
      %dma_wait3A_346 = arith.constant 0 : i32
      %dma_wait3A_347 = tpu.memref_slice %arg8[%dma_wait3A_345, %dma_wait3A_346] : memref<2x64xi32, #tpu.memory_space<vmem>> -> memref<1x64xi32, #tpu.memory_space<vmem>>
      %dma_wait3A_348 = tpu.memref_squeeze %dma_wait3A_347 : memref<1x64xi32, #tpu.memory_space<vmem>> -> memref<64xi32, #tpu.memory_space<vmem>>
      %dma_wait3A_349 = arith.constant 0 : i32
      %dma_wait3A_350 = arith.constant 0 : i32
      %dma_wait3A_351 = tpu.memref_slice %arg2[%dma_wait3A_349, %dma_wait3A_350] : memref<10000x128xf32, #tpu.memory_space<hbm>> -> memref<10000x128xf32, #tpu.memory_space<hbm>>
      tpu.wait_indirect_dma semaphore(%arg16 : memref<!tpu.dma_semaphore, #tpu.memory_space<semaphore_mem>>) src(%dma_wait3A_351 : memref<10000x128xf32, #tpu.memory_space<hbm>>) dst(%arg11 : memref<64x128xf32, #tpu.memory_space<vmem>>)
      %dma_start3A_352 = arith.constant 1 : i32
      %dma_start3A_353 = arith.constant 0 : i32
      %dma_start3A_354 = tpu.memref_slice %arg8[%dma_start3A_352, %dma_start3A_353] : memref<2x64xi32, #tpu.memory_space<vmem>> -> memref<1x64xi32, #tpu.memory_space<vmem>>
      %dma_start3A_355 = tpu.memref_squeeze %dma_start3A_354 : memref<1x64xi32, #tpu.memory_space<vmem>> -> memref<64xi32, #tpu.memory_space<vmem>>
      %dma_start3A_356 = arith.constant 0 : i32
      %dma_start3A_357 = arith.constant 0 : i32
      %dma_start3A_358 = tpu.memref_slice %arg14[%dma_start3A_356, %dma_start3A_357] : memref<10000x128xf32, #tpu.memory_space<vmem_shared>> -> memref<10000x128xf32, #tpu.memory_space<vmem_shared>>
      tpu.enqueue_indirect_dma source(%arg11 : memref<64x128xf32, #tpu.memory_space<vmem>>) target(%dma_start3A_358 : memref<10000x128xf32, #tpu.memory_space<vmem_shared>>) offsets(%dma_start3A_355 : memref<64xi32, #tpu.memory_space<vmem>>) semaphore(%arg19 : memref<!tpu.dma_semaphore, #tpu.memory_space<semaphore_mem>>) {add = true}
      %dma_wait3A_359 = arith.constant 1 : i32
      %dma_wait3A_360 = arith.constant 0 : i32
      %dma_wait3A_361 = tpu.memref_slice %arg7[%dma_wait3A_359, %dma_wait3A_360] : memref<2x64xi32, #tpu.memory_space<vmem>> -> memref<1x64xi32, #tpu.memory_space<vmem>>
      %dma_wait3A_362 = tpu.memref_squeeze %dma_wait3A_361 : memref<1x64xi32, #tpu.memory_space<vmem>> -> memref<64xi32, #tpu.memory_space<vmem>>
      %dma_wait3A_363 = arith.constant 0 : i32
      %dma_wait3A_364 = arith.constant 0 : i32
      %dma_wait3A_365 = tpu.memref_slice %arg14[%dma_wait3A_363, %dma_wait3A_364] : memref<10000x128xf32, #tpu.memory_space<vmem_shared>> -> memref<10000x128xf32, #tpu.memory_space<vmem_shared>>
      tpu.wait_indirect_dma semaphore(%arg18 : memref<!tpu.dma_semaphore, #tpu.memory_space<semaphore_mem>>) src(%arg10 : memref<64x128xf32, #tpu.memory_space<vmem>>) dst(%dma_wait3A_365 : memref<10000x128xf32, #tpu.memory_space<vmem_shared>>)
      %lt3A = arith.constant 52 : i32
      %lt3A_366 = arith.cmpi slt, %scan3A_328, %lt3A : i32
      %convert_element_type3A_367 = arith.extui %lt3A_366 : i1 to i32
      %cond3A_368 = arith.constant 0 : i32
      %cond3A_369 = arith.cmpi ne, %convert_element_type3A_367, %cond3A_368 : i32
      scf.if %cond3A_369 {
        %add3A_409 = arith.constant 3 : i32
        %add3A_410 = arith.addi %mul3A_331, %add3A_409 : i32
        %add3A_411 = arith.constant 1 : i32
        %add3A_412 = arith.addi %add3A_410, %add3A_411 : i32
        %sub3A = arith.constant 1 : i32
        %sub3A_413 = arith.subi %add3A_412, %sub3A : i32
        %get3A_414 = arith.index_cast %sub3A_413 : i32 to index
        %get3A_415 = arith.constant 0 : index
        %get3A_416 = tpu.vector_load %arg6[%get3A_414, %get3A_415] {strides = array<i32>} : memref<159x64xi32, #tpu.memory_space<vmem>>, vector<1x16xi32>,
        %get3A_417 = vector.shape_cast %get3A_416 : vector<1x16xi32> to vector<16xi32>
        %and3A_418 = arith.constant 65535 : i32
        %and3A_419 = vector.broadcast %and3A_418 : i32 to vector<16xi32>
        %and3A_420 = arith.andi %get3A_417, %and3A_419 : vector<16xi32>
        %swap3A_421 = arith.constant 0 : i32
        %swap3A_422 = arith.index_cast %swap3A_421 : i32 to index
        %swap3A_423 = arith.constant 0 : index
        %swap3A_424 = tpu.vector_load %arg7[%swap3A_422, %swap3A_423] {strides = array<i32>} : memref<2x64xi32, #tpu.memory_space<vmem>>, vector<1x16xi32>,
        %swap3A_425 = vector.shape_cast %swap3A_424 : vector<1x16xi32> to vector<16xi32>
        %swap3A_426 = vector.shape_cast %and3A_420 : vector<16xi32> to vector<1x16xi32>
        tpu.vector_store %arg7[%swap3A_422, %swap3A_423], %swap3A_426 {strides = array<i32>} : memref<2x64xi32, #tpu.memory_space<vmem>>, vector<1x16xi32>,
        %shift_right_logical3A_427 = arith.constant 16 : i32
        %shift_right_logical3A_428 = vector.broadcast %shift_right_logical3A_427 : i32 to vector<16xi32>
        %shift_right_logical3A_429 = arith.shrui %get3A_417, %shift_right_logical3A_428 : vector<16xi32>
        %swap3A_430 = arith.constant 1 : i32
        %swap3A_431 = arith.index_cast %swap3A_430 : i32 to index
        %swap3A_432 = arith.constant 0 : index
        %swap3A_433 = tpu.vector_load %arg7[%swap3A_431, %swap3A_432] {strides = array<i32>} : memref<2x64xi32, #tpu.memory_space<vmem>>, vector<1x16xi32>,
        %swap3A_434 = vector.shape_cast %swap3A_433 : vector<1x16xi32> to vector<16xi32>
        %swap3A_435 = vector.shape_cast %shift_right_logical3A_429 : vector<16xi32> to vector<1x16xi32>
        tpu.vector_store %arg7[%swap3A_431, %swap3A_432], %swap3A_435 {strides = array<i32>} : memref<2x64xi32, #tpu.memory_space<vmem>>, vector<1x16xi32>,
        %get3A_436 = arith.index_cast %sub3A_413 : i32 to index
        %get3A_437 = arith.constant 16 : index
        %get3A_438 = tpu.vector_load %arg6[%get3A_436, %get3A_437] {strides = array<i32>} : memref<159x64xi32, #tpu.memory_space<vmem>>, vector<1x16xi32>,
        %get3A_439 = vector.shape_cast %get3A_438 : vector<1x16xi32> to vector<16xi32>
        %and3A_440 = arith.constant 65535 : i32
        %and3A_441 = vector.broadcast %and3A_440 : i32 to vector<16xi32>
        %and3A_442 = arith.andi %get3A_439, %and3A_441 : vector<16xi32>
        %swap3A_443 = arith.constant 0 : i32
        %swap3A_444 = arith.index_cast %swap3A_443 : i32 to index
        %swap3A_445 = arith.constant 16 : index
        %swap3A_446 = tpu.vector_load %arg7[%swap3A_444, %swap3A_445] {strides = array<i32>} : memref<2x64xi32, #tpu.memory_space<vmem>>, vector<1x16xi32>,
        %swap3A_447 = vector.shape_cast %swap3A_446 : vector<1x16xi32> to vector<16xi32>
        %swap3A_448 = vector.shape_cast %and3A_442 : vector<16xi32> to vector<1x16xi32>
        tpu.vector_store %arg7[%swap3A_444, %swap3A_445], %swap3A_448 {strides = array<i32>} : memref<2x64xi32, #tpu.memory_space<vmem>>, vector<1x16xi32>,
        %shift_right_logical3A_449 = arith.constant 16 : i32
        %shift_right_logical3A_450 = vector.broadcast %shift_right_logical3A_449 : i32 to vector<16xi32>
        %shift_right_logical3A_451 = arith.shrui %get3A_439, %shift_right_logical3A_450 : vector<16xi32>
        %swap3A_452 = arith.constant 1 : i32
        %swap3A_453 = arith.index_cast %swap3A_452 : i32 to index
        %swap3A_454 = arith.constant 16 : index
        %swap3A_455 = tpu.vector_load %arg7[%swap3A_453, %swap3A_454] {strides = array<i32>} : memref<2x64xi32, #tpu.memory_space<vmem>>, vector<1x16xi32>,
        %swap3A_456 = vector.shape_cast %swap3A_455 : vector<1x16xi32> to vector<16xi32>
        %swap3A_457 = vector.shape_cast %shift_right_logical3A_451 : vector<16xi32> to vector<1x16xi32>
        tpu.vector_store %arg7[%swap3A_453, %swap3A_454], %swap3A_457 {strides = array<i32>} : memref<2x64xi32, #tpu.memory_space<vmem>>, vector<1x16xi32>,
        %get3A_458 = arith.index_cast %sub3A_413 : i32 to index
        %get3A_459 = arith.constant 32 : index
        %get3A_460 = tpu.vector_load %arg6[%get3A_458, %get3A_459] {strides = array<i32>} : memref<159x64xi32, #tpu.memory_space<vmem>>, vector<1x16xi32>,
        %get3A_461 = vector.shape_cast %get3A_460 : vector<1x16xi32> to vector<16xi32>
        %and3A_462 = arith.constant 65535 : i32
        %and3A_463 = vector.broadcast %and3A_462 : i32 to vector<16xi32>
        %and3A_464 = arith.andi %get3A_461, %and3A_463 : vector<16xi32>
        %swap3A_465 = arith.constant 0 : i32
        %swap3A_466 = arith.index_cast %swap3A_465 : i32 to index
        %swap3A_467 = arith.constant 32 : index
        %swap3A_468 = tpu.vector_load %arg7[%swap3A_466, %swap3A_467] {strides = array<i32>} : memref<2x64xi32, #tpu.memory_space<vmem>>, vector<1x16xi32>,
        %swap3A_469 = vector.shape_cast %swap3A_468 : vector<1x16xi32> to vector<16xi32>
        %swap3A_470 = vector.shape_cast %and3A_464 : vector<16xi32> to vector<1x16xi32>
        tpu.vector_store %arg7[%swap3A_466, %swap3A_467], %swap3A_470 {strides = array<i32>} : memref<2x64xi32, #tpu.memory_space<vmem>>, vector<1x16xi32>,
        %shift_right_logical3A_471 = arith.constant 16 : i32
        %shift_right_logical3A_472 = vector.broadcast %shift_right_logical3A_471 : i32 to vector<16xi32>
        %shift_right_logical3A_473 = arith.shrui %get3A_461, %shift_right_logical3A_472 : vector<16xi32>
        %swap3A_474 = arith.constant 1 : i32
        %swap3A_475 = arith.index_cast %swap3A_474 : i32 to index
        %swap3A_476 = arith.constant 32 : index
        %swap3A_477 = tpu.vector_load %arg7[%swap3A_475, %swap3A_476] {strides = array<i32>} : memref<2x64xi32, #tpu.memory_space<vmem>>, vector<1x16xi32>,
        %swap3A_478 = vector.shape_cast %swap3A_477 : vector<1x16xi32> to vector<16xi32>
        %swap3A_479 = vector.shape_cast %shift_right_logical3A_473 : vector<16xi32> to vector<1x16xi32>
        tpu.vector_store %arg7[%swap3A_475, %swap3A_476], %swap3A_479 {strides = array<i32>} : memref<2x64xi32, #tpu.memory_space<vmem>>, vector<1x16xi32>,
        %get3A_480 = arith.index_cast %sub3A_413 : i32 to index
        %get3A_481 = arith.constant 48 : index
        %get3A_482 = tpu.vector_load %arg6[%get3A_480, %get3A_481] {strides = array<i32>} : memref<159x64xi32, #tpu.memory_space<vmem>>, vector<1x16xi32>,
        %get3A_483 = vector.shape_cast %get3A_482 : vector<1x16xi32> to vector<16xi32>
        %and3A_484 = arith.constant 65535 : i32
        %and3A_485 = vector.broadcast %and3A_484 : i32 to vector<16xi32>
        %and3A_486 = arith.andi %get3A_483, %and3A_485 : vector<16xi32>
        %swap3A_487 = arith.constant 0 : i32
        %swap3A_488 = arith.index_cast %swap3A_487 : i32 to index
        %swap3A_489 = arith.constant 48 : index
        %swap3A_490 = tpu.vector_load %arg7[%swap3A_488, %swap3A_489] {strides = array<i32>} : memref<2x64xi32, #tpu.memory_space<vmem>>, vector<1x16xi32>,
        %swap3A_491 = vector.shape_cast %swap3A_490 : vector<1x16xi32> to vector<16xi32>
        %swap3A_492 = vector.shape_cast %and3A_486 : vector<16xi32> to vector<1x16xi32>
        tpu.vector_store %arg7[%swap3A_488, %swap3A_489], %swap3A_492 {strides = array<i32>} : memref<2x64xi32, #tpu.memory_space<vmem>>, vector<1x16xi32>,
        %shift_right_logical3A_493 = arith.constant 16 : i32
        %shift_right_logical3A_494 = vector.broadcast %shift_right_logical3A_493 : i32 to vector<16xi32>
        %shift_right_logical3A_495 = arith.shrui %get3A_483, %shift_right_logical3A_494 : vector<16xi32>
        %swap3A_496 = arith.constant 1 : i32
        %swap3A_497 = arith.index_cast %swap3A_496 : i32 to index
        %swap3A_498 = arith.constant 48 : index
        %swap3A_499 = tpu.vector_load %arg7[%swap3A_497, %swap3A_498] {strides = array<i32>} : memref<2x64xi32, #tpu.memory_space<vmem>>, vector<1x16xi32>,
        %swap3A_500 = vector.shape_cast %swap3A_499 : vector<1x16xi32> to vector<16xi32>
        %swap3A_501 = vector.shape_cast %shift_right_logical3A_495 : vector<16xi32> to vector<1x16xi32>
        tpu.vector_store %arg7[%swap3A_497, %swap3A_498], %swap3A_501 {strides = array<i32>} : memref<2x64xi32, #tpu.memory_space<vmem>>, vector<1x16xi32>,
        %dma_start3A_502 = arith.constant 0 : i32
        %dma_start3A_503 = arith.constant 0 : i32
        %dma_start3A_504 = tpu.memref_slice %arg7[%dma_start3A_502, %dma_start3A_503] : memref<2x64xi32, #tpu.memory_space<vmem>> -> memref<1x64xi32, #tpu.memory_space<vmem>>
        %dma_start3A_505 = tpu.memref_squeeze %dma_start3A_504 : memref<1x64xi32, #tpu.memory_space<vmem>> -> memref<64xi32, #tpu.memory_space<vmem>>
        %dma_start3A_506 = arith.constant 0 : i32
        %dma_start3A_507 = arith.constant 0 : i32
        %dma_start3A_508 = tpu.memref_slice %arg2[%dma_start3A_506, %dma_start3A_507] : memref<10000x128xf32, #tpu.memory_space<hbm>> -> memref<10000x128xf32, #tpu.memory_space<hbm>>
        tpu.enqueue_indirect_dma source(%dma_start3A_508 : memref<10000x128xf32, #tpu.memory_space<hbm>>) target(%arg10 : memref<64x128xf32, #tpu.memory_space<vmem>>) offsets(%dma_start3A_505 : memref<64xi32, #tpu.memory_space<vmem>>) semaphore(%arg15 : memref<!tpu.dma_semaphore, #tpu.memory_space<semaphore_mem>>)
      } else {
      }
      %dma_wait3A_370 = arith.constant 0 : i32
      %dma_wait3A_371 = arith.constant 0 : i32
      %dma_wait3A_372 = tpu.memref_slice %arg9[%dma_wait3A_370, %dma_wait3A_371] : memref<2x64xi32, #tpu.memory_space<vmem>> -> memref<1x64xi32, #tpu.memory_space<vmem>>
      %dma_wait3A_373 = tpu.memref_squeeze %dma_wait3A_372 : memref<1x64xi32, #tpu.memory_space<vmem>> -> memref<64xi32, #tpu.memory_space<vmem>>
      %dma_wait3A_374 = arith.constant 0 : i32
      %dma_wait3A_375 = arith.constant 0 : i32
      %dma_wait3A_376 = tpu.memref_slice %arg2[%dma_wait3A_374, %dma_wait3A_375] : memref<10000x128xf32, #tpu.memory_space<hbm>> -> memref<10000x128xf32, #tpu.memory_space<hbm>>
      tpu.wait_indirect_dma semaphore(%arg17 : memref<!tpu.dma_semaphore, #tpu.memory_space<semaphore_mem>>) src(%dma_wait3A_376 : memref<10000x128xf32, #tpu.memory_space<hbm>>) dst(%arg12 : memref<64x128xf32, #tpu.memory_space<vmem>>)
      %dma_start3A_377 = arith.constant 1 : i32
      %dma_start3A_378 = arith.constant 0 : i32
      %dma_start3A_379 = tpu.memref_slice %arg9[%dma_start3A_377, %dma_start3A_378] : memref<2x64xi32, #tpu.memory_space<vmem>> -> memref<1x64xi32, #tpu.memory_space<vmem>>
      %dma_start3A_380 = tpu.memref_squeeze %dma_start3A_379 : memref<1x64xi32, #tpu.memory_space<vmem>> -> memref<64xi32, #tpu.memory_space<vmem>>
      %dma_start3A_381 = arith.constant 0 : i32
      %dma_start3A_382 = arith.constant 0 : i32
      %dma_start3A_383 = tpu.memref_slice %arg14[%dma_start3A_381, %dma_start3A_382] : memref<10000x128xf32, #tpu.memory_space<vmem_shared>> -> memref<10000x128xf32, #tpu.memory_space<vmem_shared>>
      tpu.enqueue_indirect_dma source(%arg12 : memref<64x128xf32, #tpu.memory_space<vmem>>) target(%dma_start3A_383 : memref<10000x128xf32, #tpu.memory_space<vmem_shared>>) offsets(%dma_start3A_380 : memref<64xi32, #tpu.memory_space<vmem>>) semaphore(%arg20 : memref<!tpu.dma_semaphore, #tpu.memory_space<semaphore_mem>>) {add = true}
      %dma_wait3A_384 = arith.constant 1 : i32
      %dma_wait3A_385 = arith.constant 0 : i32
      %dma_wait3A_386 = tpu.memref_slice %arg8[%dma_wait3A_384, %dma_wait3A_385] : memref<2x64xi32, #tpu.memory_space<vmem>> -> memref<1x64xi32, #tpu.memory_space<vmem>>
      %dma_wait3A_387 = tpu.memref_squeeze %dma_wait3A_386 : memref<1x64xi32, #tpu.memory_space<vmem>> -> memref<64xi32, #tpu.memory_space<vmem>>
      %dma_wait3A_388 = arith.constant 0 : i32
      %dma_wait3A_389 = arith.constant 0 : i32
      %dma_wait3A_390 = tpu.memref_slice %arg14[%dma_wait3A_388, %dma_wait3A_389] : memref<10000x128xf32, #tpu.memory_space<vmem_shared>> -> memref<10000x128xf32, #tpu.memory_space<vmem_shared>>
      tpu.wait_indirect_dma semaphore(%arg19 : memref<!tpu.dma_semaphore, #tpu.memory_space<semaphore_mem>>) src(%arg11 : memref<64x128xf32, #tpu.memory_space<vmem>>) dst(%dma_wait3A_390 : memref<10000x128xf32, #tpu.memory_space<vmem_shared>>)
      %lt3A_391 = arith.constant 52 : i32
      %lt3A_392 = arith.cmpi slt, %scan3A_328, %lt3A_391 : i32
      %convert_element_type3A_393 = arith.extui %lt3A_392 : i1 to i32
      %cond3A_394 = arith.constant 0 : i32
      %cond3A_395 = arith.cmpi ne, %convert_element_type3A_393, %cond3A_394 : i32
      scf.if %cond3A_395 {
        %add3A_409 = arith.constant 3 : i32
        %add3A_410 = arith.addi %mul3A_331, %add3A_409 : i32
        %add3A_411 = arith.constant 2 : i32
        %add3A_412 = arith.addi %add3A_410, %add3A_411 : i32
        %sub3A = arith.constant 1 : i32
        %sub3A_413 = arith.subi %add3A_412, %sub3A : i32
        %get3A_414 = arith.index_cast %sub3A_413 : i32 to index
        %get3A_415 = arith.constant 0 : index
        %get3A_416 = tpu.vector_load %arg6[%get3A_414, %get3A_415] {strides = array<i32>} : memref<159x64xi32, #tpu.memory_space<vmem>>, vector<1x16xi32>,
        %get3A_417 = vector.shape_cast %get3A_416 : vector<1x16xi32> to vector<16xi32>
        %and3A_418 = arith.constant 65535 : i32
        %and3A_419 = vector.broadcast %and3A_418 : i32 to vector<16xi32>
        %and3A_420 = arith.andi %get3A_417, %and3A_419 : vector<16xi32>
        %swap3A_421 = arith.constant 0 : i32
        %swap3A_422 = arith.index_cast %swap3A_421 : i32 to index
        %swap3A_423 = arith.constant 0 : index
        %swap3A_424 = tpu.vector_load %arg8[%swap3A_422, %swap3A_423] {strides = array<i32>} : memref<2x64xi32, #tpu.memory_space<vmem>>, vector<1x16xi32>,
        %swap3A_425 = vector.shape_cast %swap3A_424 : vector<1x16xi32> to vector<16xi32>
        %swap3A_426 = vector.shape_cast %and3A_420 : vector<16xi32> to vector<1x16xi32>
        tpu.vector_store %arg8[%swap3A_422, %swap3A_423], %swap3A_426 {strides = array<i32>} : memref<2x64xi32, #tpu.memory_space<vmem>>, vector<1x16xi32>,
        %shift_right_logical3A_427 = arith.constant 16 : i32
        %shift_right_logical3A_428 = vector.broadcast %shift_right_logical3A_427 : i32 to vector<16xi32>
        %shift_right_logical3A_429 = arith.shrui %get3A_417, %shift_right_logical3A_428 : vector<16xi32>
        %swap3A_430 = arith.constant 1 : i32
        %swap3A_431 = arith.index_cast %swap3A_430 : i32 to index
        %swap3A_432 = arith.constant 0 : index
        %swap3A_433 = tpu.vector_load %arg8[%swap3A_431, %swap3A_432] {strides = array<i32>} : memref<2x64xi32, #tpu.memory_space<vmem>>, vector<1x16xi32>,
        %swap3A_434 = vector.shape_cast %swap3A_433 : vector<1x16xi32> to vector<16xi32>
        %swap3A_435 = vector.shape_cast %shift_right_logical3A_429 : vector<16xi32> to vector<1x16xi32>
        tpu.vector_store %arg8[%swap3A_431, %swap3A_432], %swap3A_435 {strides = array<i32>} : memref<2x64xi32, #tpu.memory_space<vmem>>, vector<1x16xi32>,
        %get3A_436 = arith.index_cast %sub3A_413 : i32 to index
        %get3A_437 = arith.constant 16 : index
        %get3A_438 = tpu.vector_load %arg6[%get3A_436, %get3A_437] {strides = array<i32>} : memref<159x64xi32, #tpu.memory_space<vmem>>, vector<1x16xi32>,
        %get3A_439 = vector.shape_cast %get3A_438 : vector<1x16xi32> to vector<16xi32>
        %and3A_440 = arith.constant 65535 : i32
        %and3A_441 = vector.broadcast %and3A_440 : i32 to vector<16xi32>
        %and3A_442 = arith.andi %get3A_439, %and3A_441 : vector<16xi32>
        %swap3A_443 = arith.constant 0 : i32
        %swap3A_444 = arith.index_cast %swap3A_443 : i32 to index
        %swap3A_445 = arith.constant 16 : index
        %swap3A_446 = tpu.vector_load %arg8[%swap3A_444, %swap3A_445] {strides = array<i32>} : memref<2x64xi32, #tpu.memory_space<vmem>>, vector<1x16xi32>,
        %swap3A_447 = vector.shape_cast %swap3A_446 : vector<1x16xi32> to vector<16xi32>
        %swap3A_448 = vector.shape_cast %and3A_442 : vector<16xi32> to vector<1x16xi32>
        tpu.vector_store %arg8[%swap3A_444, %swap3A_445], %swap3A_448 {strides = array<i32>} : memref<2x64xi32, #tpu.memory_space<vmem>>, vector<1x16xi32>,
        %shift_right_logical3A_449 = arith.constant 16 : i32
        %shift_right_logical3A_450 = vector.broadcast %shift_right_logical3A_449 : i32 to vector<16xi32>
        %shift_right_logical3A_451 = arith.shrui %get3A_439, %shift_right_logical3A_450 : vector<16xi32>
        %swap3A_452 = arith.constant 1 : i32
        %swap3A_453 = arith.index_cast %swap3A_452 : i32 to index
        %swap3A_454 = arith.constant 16 : index
        %swap3A_455 = tpu.vector_load %arg8[%swap3A_453, %swap3A_454] {strides = array<i32>} : memref<2x64xi32, #tpu.memory_space<vmem>>, vector<1x16xi32>,
        %swap3A_456 = vector.shape_cast %swap3A_455 : vector<1x16xi32> to vector<16xi32>
        %swap3A_457 = vector.shape_cast %shift_right_logical3A_451 : vector<16xi32> to vector<1x16xi32>
        tpu.vector_store %arg8[%swap3A_453, %swap3A_454], %swap3A_457 {strides = array<i32>} : memref<2x64xi32, #tpu.memory_space<vmem>>, vector<1x16xi32>,
        %get3A_458 = arith.index_cast %sub3A_413 : i32 to index
        %get3A_459 = arith.constant 32 : index
        %get3A_460 = tpu.vector_load %arg6[%get3A_458, %get3A_459] {strides = array<i32>} : memref<159x64xi32, #tpu.memory_space<vmem>>, vector<1x16xi32>,
        %get3A_461 = vector.shape_cast %get3A_460 : vector<1x16xi32> to vector<16xi32>
        %and3A_462 = arith.constant 65535 : i32
        %and3A_463 = vector.broadcast %and3A_462 : i32 to vector<16xi32>
        %and3A_464 = arith.andi %get3A_461, %and3A_463 : vector<16xi32>
        %swap3A_465 = arith.constant 0 : i32
        %swap3A_466 = arith.index_cast %swap3A_465 : i32 to index
        %swap3A_467 = arith.constant 32 : index
        %swap3A_468 = tpu.vector_load %arg8[%swap3A_466, %swap3A_467] {strides = array<i32>} : memref<2x64xi32, #tpu.memory_space<vmem>>, vector<1x16xi32>,
        %swap3A_469 = vector.shape_cast %swap3A_468 : vector<1x16xi32> to vector<16xi32>
        %swap3A_470 = vector.shape_cast %and3A_464 : vector<16xi32> to vector<1x16xi32>
        tpu.vector_store %arg8[%swap3A_466, %swap3A_467], %swap3A_470 {strides = array<i32>} : memref<2x64xi32, #tpu.memory_space<vmem>>, vector<1x16xi32>,
        %shift_right_logical3A_471 = arith.constant 16 : i32
        %shift_right_logical3A_472 = vector.broadcast %shift_right_logical3A_471 : i32 to vector<16xi32>
        %shift_right_logical3A_473 = arith.shrui %get3A_461, %shift_right_logical3A_472 : vector<16xi32>
        %swap3A_474 = arith.constant 1 : i32
        %swap3A_475 = arith.index_cast %swap3A_474 : i32 to index
        %swap3A_476 = arith.constant 32 : index
        %swap3A_477 = tpu.vector_load %arg8[%swap3A_475, %swap3A_476] {strides = array<i32>} : memref<2x64xi32, #tpu.memory_space<vmem>>, vector<1x16xi32>,
        %swap3A_478 = vector.shape_cast %swap3A_477 : vector<1x16xi32> to vector<16xi32>
        %swap3A_479 = vector.shape_cast %shift_right_logical3A_473 : vector<16xi32> to vector<1x16xi32>
        tpu.vector_store %arg8[%swap3A_475, %swap3A_476], %swap3A_479 {strides = array<i32>} : memref<2x64xi32, #tpu.memory_space<vmem>>, vector<1x16xi32>,
        %get3A_480 = arith.index_cast %sub3A_413 : i32 to index
        %get3A_481 = arith.constant 48 : index
        %get3A_482 = tpu.vector_load %arg6[%get3A_480, %get3A_481] {strides = array<i32>} : memref<159x64xi32, #tpu.memory_space<vmem>>, vector<1x16xi32>,
        %get3A_483 = vector.shape_cast %get3A_482 : vector<1x16xi32> to vector<16xi32>
        %and3A_484 = arith.constant 65535 : i32
        %and3A_485 = vector.broadcast %and3A_484 : i32 to vector<16xi32>
        %and3A_486 = arith.andi %get3A_483, %and3A_485 : vector<16xi32>
        %swap3A_487 = arith.constant 0 : i32
        %swap3A_488 = arith.index_cast %swap3A_487 : i32 to index
        %swap3A_489 = arith.constant 48 : index
        %swap3A_490 = tpu.vector_load %arg8[%swap3A_488, %swap3A_489] {strides = array<i32>} : memref<2x64xi32, #tpu.memory_space<vmem>>, vector<1x16xi32>,
        %swap3A_491 = vector.shape_cast %swap3A_490 : vector<1x16xi32> to vector<16xi32>
        %swap3A_492 = vector.shape_cast %and3A_486 : vector<16xi32> to vector<1x16xi32>
        tpu.vector_store %arg8[%swap3A_488, %swap3A_489], %swap3A_492 {strides = array<i32>} : memref<2x64xi32, #tpu.memory_space<vmem>>, vector<1x16xi32>,
        %shift_right_logical3A_493 = arith.constant 16 : i32
        %shift_right_logical3A_494 = vector.broadcast %shift_right_logical3A_493 : i32 to vector<16xi32>
        %shift_right_logical3A_495 = arith.shrui %get3A_483, %shift_right_logical3A_494 : vector<16xi32>
        %swap3A_496 = arith.constant 1 : i32
        %swap3A_497 = arith.index_cast %swap3A_496 : i32 to index
        %swap3A_498 = arith.constant 48 : index
        %swap3A_499 = tpu.vector_load %arg8[%swap3A_497, %swap3A_498] {strides = array<i32>} : memref<2x64xi32, #tpu.memory_space<vmem>>, vector<1x16xi32>,
        %swap3A_500 = vector.shape_cast %swap3A_499 : vector<1x16xi32> to vector<16xi32>
        %swap3A_501 = vector.shape_cast %shift_right_logical3A_495 : vector<16xi32> to vector<1x16xi32>
        tpu.vector_store %arg8[%swap3A_497, %swap3A_498], %swap3A_501 {strides = array<i32>} : memref<2x64xi32, #tpu.memory_space<vmem>>, vector<1x16xi32>,
        %dma_start3A_502 = arith.constant 0 : i32
        %dma_start3A_503 = arith.constant 0 : i32
        %dma_start3A_504 = tpu.memref_slice %arg8[%dma_start3A_502, %dma_start3A_503] : memref<2x64xi32, #tpu.memory_space<vmem>> -> memref<1x64xi32, #tpu.memory_space<vmem>>
        %dma_start3A_505 = tpu.memref_squeeze %dma_start3A_504 : memref<1x64xi32, #tpu.memory_space<vmem>> -> memref<64xi32, #tpu.memory_space<vmem>>
        %dma_start3A_506 = arith.constant 0 : i32
        %dma_start3A_507 = arith.constant 0 : i32
        %dma_start3A_508 = tpu.memref_slice %arg2[%dma_start3A_506, %dma_start3A_507] : memref<10000x128xf32, #tpu.memory_space<hbm>> -> memref<10000x128xf32, #tpu.memory_space<hbm>>
        tpu.enqueue_indirect_dma source(%dma_start3A_508 : memref<10000x128xf32, #tpu.memory_space<hbm>>) target(%arg11 : memref<64x128xf32, #tpu.memory_space<vmem>>) offsets(%dma_start3A_505 : memref<64xi32, #tpu.memory_space<vmem>>) semaphore(%arg16 : memref<!tpu.dma_semaphore, #tpu.memory_space<semaphore_mem>>)
      } else {
      }
      %dma_wait3A_396 = arith.constant 1 : i32
      %dma_wait3A_397 = arith.constant 0 : i32
      %dma_wait3A_398 = tpu.memref_slice %arg9[%dma_wait3A_396, %dma_wait3A_397] : memref<2x64xi32, #tpu.memory_space<vmem>> -> memref<1x64xi32, #tpu.memory_space<vmem>>
      %dma_wait3A_399 = tpu.memref_squeeze %dma_wait3A_398 : memref<1x64xi32, #tpu.memory_space<vmem>> -> memref<64xi32, #tpu.memory_space<vmem>>
      %dma_wait3A_400 = arith.constant 0 : i32
      %dma_wait3A_401 = arith.constant 0 : i32
      %dma_wait3A_402 = tpu.memref_slice %arg14[%dma_wait3A_400, %dma_wait3A_401] : memref<10000x128xf32, #tpu.memory_space<vmem_shared>> -> memref<10000x128xf32, #tpu.memory_space<vmem_shared>>
      tpu.wait_indirect_dma semaphore(%arg20 : memref<!tpu.dma_semaphore, #tpu.memory_space<semaphore_mem>>) src(%arg12 : memref<64x128xf32, #tpu.memory_space<vmem>>) dst(%dma_wait3A_402 : memref<10000x128xf32, #tpu.memory_space<vmem_shared>>)
      %lt3A_403 = arith.constant 52 : i32
      %lt3A_404 = arith.cmpi slt, %scan3A_328, %lt3A_403 : i32
      %convert_element_type3A_405 = arith.extui %lt3A_404 : i1 to i32
      %cond3A_406 = arith.constant 0 : i32
      %cond3A_407 = arith.cmpi ne, %convert_element_type3A_405, %cond3A_406 : i32
      scf.if %cond3A_407 {
        %add3A_409 = arith.constant 6 : i32
        %add3A_410 = arith.addi %mul3A_331, %add3A_409 : i32
        %sub3A = arith.constant 1 : i32
        %sub3A_411 = arith.subi %add3A_410, %sub3A : i32
        %get3A_412 = arith.index_cast %sub3A_411 : i32 to index
        %get3A_413 = arith.constant 0 : index
        %get3A_414 = tpu.vector_load %arg6[%get3A_412, %get3A_413] {strides = array<i32>} : memref<159x64xi32, #tpu.memory_space<vmem>>, vector<1x16xi32>,
        %get3A_415 = vector.shape_cast %get3A_414 : vector<1x16xi32> to vector<16xi32>
        %and3A_416 = arith.constant 65535 : i32
        %and3A_417 = vector.broadcast %and3A_416 : i32 to vector<16xi32>
        %and3A_418 = arith.andi %get3A_415, %and3A_417 : vector<16xi32>
        %swap3A_419 = arith.constant 0 : i32
        %swap3A_420 = arith.index_cast %swap3A_419 : i32 to index
        %swap3A_421 = arith.constant 0 : index
        %swap3A_422 = tpu.vector_load %arg9[%swap3A_420, %swap3A_421] {strides = array<i32>} : memref<2x64xi32, #tpu.memory_space<vmem>>, vector<1x16xi32>,
        %swap3A_423 = vector.shape_cast %swap3A_422 : vector<1x16xi32> to vector<16xi32>
        %swap3A_424 = vector.shape_cast %and3A_418 : vector<16xi32> to vector<1x16xi32>
        tpu.vector_store %arg9[%swap3A_420, %swap3A_421], %swap3A_424 {strides = array<i32>} : memref<2x64xi32, #tpu.memory_space<vmem>>, vector<1x16xi32>,
        %shift_right_logical3A_425 = arith.constant 16 : i32
        %shift_right_logical3A_426 = vector.broadcast %shift_right_logical3A_425 : i32 to vector<16xi32>
        %shift_right_logical3A_427 = arith.shrui %get3A_415, %shift_right_logical3A_426 : vector<16xi32>
        %swap3A_428 = arith.constant 1 : i32
        %swap3A_429 = arith.index_cast %swap3A_428 : i32 to index
        %swap3A_430 = arith.constant 0 : index
        %swap3A_431 = tpu.vector_load %arg9[%swap3A_429, %swap3A_430] {strides = array<i32>} : memref<2x64xi32, #tpu.memory_space<vmem>>, vector<1x16xi32>,
        %swap3A_432 = vector.shape_cast %swap3A_431 : vector<1x16xi32> to vector<16xi32>
        %swap3A_433 = vector.shape_cast %shift_right_logical3A_427 : vector<16xi32> to vector<1x16xi32>
        tpu.vector_store %arg9[%swap3A_429, %swap3A_430], %swap3A_433 {strides = array<i32>} : memref<2x64xi32, #tpu.memory_space<vmem>>, vector<1x16xi32>,
        %get3A_434 = arith.index_cast %sub3A_411 : i32 to index
        %get3A_435 = arith.constant 16 : index
        %get3A_436 = tpu.vector_load %arg6[%get3A_434, %get3A_435] {strides = array<i32>} : memref<159x64xi32, #tpu.memory_space<vmem>>, vector<1x16xi32>,
        %get3A_437 = vector.shape_cast %get3A_436 : vector<1x16xi32> to vector<16xi32>
        %and3A_438 = arith.constant 65535 : i32
        %and3A_439 = vector.broadcast %and3A_438 : i32 to vector<16xi32>
        %and3A_440 = arith.andi %get3A_437, %and3A_439 : vector<16xi32>
        %swap3A_441 = arith.constant 0 : i32
        %swap3A_442 = arith.index_cast %swap3A_441 : i32 to index
        %swap3A_443 = arith.constant 16 : index
        %swap3A_444 = tpu.vector_load %arg9[%swap3A_442, %swap3A_443] {strides = array<i32>} : memref<2x64xi32, #tpu.memory_space<vmem>>, vector<1x16xi32>,
        %swap3A_445 = vector.shape_cast %swap3A_444 : vector<1x16xi32> to vector<16xi32>
        %swap3A_446 = vector.shape_cast %and3A_440 : vector<16xi32> to vector<1x16xi32>
        tpu.vector_store %arg9[%swap3A_442, %swap3A_443], %swap3A_446 {strides = array<i32>} : memref<2x64xi32, #tpu.memory_space<vmem>>, vector<1x16xi32>,
        %shift_right_logical3A_447 = arith.constant 16 : i32
        %shift_right_logical3A_448 = vector.broadcast %shift_right_logical3A_447 : i32 to vector<16xi32>
        %shift_right_logical3A_449 = arith.shrui %get3A_437, %shift_right_logical3A_448 : vector<16xi32>
        %swap3A_450 = arith.constant 1 : i32
        %swap3A_451 = arith.index_cast %swap3A_450 : i32 to index
        %swap3A_452 = arith.constant 16 : index
        %swap3A_453 = tpu.vector_load %arg9[%swap3A_451, %swap3A_452] {strides = array<i32>} : memref<2x64xi32, #tpu.memory_space<vmem>>, vector<1x16xi32>,
        %swap3A_454 = vector.shape_cast %swap3A_453 : vector<1x16xi32> to vector<16xi32>
        %swap3A_455 = vector.shape_cast %shift_right_logical3A_449 : vector<16xi32> to vector<1x16xi32>
        tpu.vector_store %arg9[%swap3A_451, %swap3A_452], %swap3A_455 {strides = array<i32>} : memref<2x64xi32, #tpu.memory_space<vmem>>, vector<1x16xi32>,
        %get3A_456 = arith.index_cast %sub3A_411 : i32 to index
        %get3A_457 = arith.constant 32 : index
        %get3A_458 = tpu.vector_load %arg6[%get3A_456, %get3A_457] {strides = array<i32>} : memref<159x64xi32, #tpu.memory_space<vmem>>, vector<1x16xi32>,
        %get3A_459 = vector.shape_cast %get3A_458 : vector<1x16xi32> to vector<16xi32>
        %and3A_460 = arith.constant 65535 : i32
        %and3A_461 = vector.broadcast %and3A_460 : i32 to vector<16xi32>
        %and3A_462 = arith.andi %get3A_459, %and3A_461 : vector<16xi32>
        %swap3A_463 = arith.constant 0 : i32
        %swap3A_464 = arith.index_cast %swap3A_463 : i32 to index
        %swap3A_465 = arith.constant 32 : index
        %swap3A_466 = tpu.vector_load %arg9[%swap3A_464, %swap3A_465] {strides = array<i32>} : memref<2x64xi32, #tpu.memory_space<vmem>>, vector<1x16xi32>,
        %swap3A_467 = vector.shape_cast %swap3A_466 : vector<1x16xi32> to vector<16xi32>
        %swap3A_468 = vector.shape_cast %and3A_462 : vector<16xi32> to vector<1x16xi32>
        tpu.vector_store %arg9[%swap3A_464, %swap3A_465], %swap3A_468 {strides = array<i32>} : memref<2x64xi32, #tpu.memory_space<vmem>>, vector<1x16xi32>,
        %shift_right_logical3A_469 = arith.constant 16 : i32
        %shift_right_logical3A_470 = vector.broadcast %shift_right_logical3A_469 : i32 to vector<16xi32>
        %shift_right_logical3A_471 = arith.shrui %get3A_459, %shift_right_logical3A_470 : vector<16xi32>
        %swap3A_472 = arith.constant 1 : i32
        %swap3A_473 = arith.index_cast %swap3A_472 : i32 to index
        %swap3A_474 = arith.constant 32 : index
        %swap3A_475 = tpu.vector_load %arg9[%swap3A_473, %swap3A_474] {strides = array<i32>} : memref<2x64xi32, #tpu.memory_space<vmem>>, vector<1x16xi32>,
        %swap3A_476 = vector.shape_cast %swap3A_475 : vector<1x16xi32> to vector<16xi32>
        %swap3A_477 = vector.shape_cast %shift_right_logical3A_471 : vector<16xi32> to vector<1x16xi32>
        tpu.vector_store %arg9[%swap3A_473, %swap3A_474], %swap3A_477 {strides = array<i32>} : memref<2x64xi32, #tpu.memory_space<vmem>>, vector<1x16xi32>,
        %get3A_478 = arith.index_cast %sub3A_411 : i32 to index
        %get3A_479 = arith.constant 48 : index
        %get3A_480 = tpu.vector_load %arg6[%get3A_478, %get3A_479] {strides = array<i32>} : memref<159x64xi32, #tpu.memory_space<vmem>>, vector<1x16xi32>,
        %get3A_481 = vector.shape_cast %get3A_480 : vector<1x16xi32> to vector<16xi32>
        %and3A_482 = arith.constant 65535 : i32
        %and3A_483 = vector.broadcast %and3A_482 : i32 to vector<16xi32>
        %and3A_484 = arith.andi %get3A_481, %and3A_483 : vector<16xi32>
        %swap3A_485 = arith.constant 0 : i32
        %swap3A_486 = arith.index_cast %swap3A_485 : i32 to index
        %swap3A_487 = arith.constant 48 : index
        %swap3A_488 = tpu.vector_load %arg9[%swap3A_486, %swap3A_487] {strides = array<i32>} : memref<2x64xi32, #tpu.memory_space<vmem>>, vector<1x16xi32>,
        %swap3A_489 = vector.shape_cast %swap3A_488 : vector<1x16xi32> to vector<16xi32>
        %swap3A_490 = vector.shape_cast %and3A_484 : vector<16xi32> to vector<1x16xi32>
        tpu.vector_store %arg9[%swap3A_486, %swap3A_487], %swap3A_490 {strides = array<i32>} : memref<2x64xi32, #tpu.memory_space<vmem>>, vector<1x16xi32>,
        %shift_right_logical3A_491 = arith.constant 16 : i32
        %shift_right_logical3A_492 = vector.broadcast %shift_right_logical3A_491 : i32 to vector<16xi32>
        %shift_right_logical3A_493 = arith.shrui %get3A_481, %shift_right_logical3A_492 : vector<16xi32>
        %swap3A_494 = arith.constant 1 : i32
        %swap3A_495 = arith.index_cast %swap3A_494 : i32 to index
        %swap3A_496 = arith.constant 48 : index
        %swap3A_497 = tpu.vector_load %arg9[%swap3A_495, %swap3A_496] {strides = array<i32>} : memref<2x64xi32, #tpu.memory_space<vmem>>, vector<1x16xi32>,
        %swap3A_498 = vector.shape_cast %swap3A_497 : vector<1x16xi32> to vector<16xi32>
        %swap3A_499 = vector.shape_cast %shift_right_logical3A_493 : vector<16xi32> to vector<1x16xi32>
        tpu.vector_store %arg9[%swap3A_495, %swap3A_496], %swap3A_499 {strides = array<i32>} : memref<2x64xi32, #tpu.memory_space<vmem>>, vector<1x16xi32>,
        %dma_start3A_500 = arith.constant 0 : i32
        %dma_start3A_501 = arith.constant 0 : i32
        %dma_start3A_502 = tpu.memref_slice %arg9[%dma_start3A_500, %dma_start3A_501] : memref<2x64xi32, #tpu.memory_space<vmem>> -> memref<1x64xi32, #tpu.memory_space<vmem>>
        %dma_start3A_503 = tpu.memref_squeeze %dma_start3A_502 : memref<1x64xi32, #tpu.memory_space<vmem>> -> memref<64xi32, #tpu.memory_space<vmem>>
        %dma_start3A_504 = arith.constant 0 : i32
        %dma_start3A_505 = arith.constant 0 : i32
        %dma_start3A_506 = tpu.memref_slice %arg2[%dma_start3A_504, %dma_start3A_505] : memref<10000x128xf32, #tpu.memory_space<hbm>> -> memref<10000x128xf32, #tpu.memory_space<hbm>>
        tpu.enqueue_indirect_dma source(%dma_start3A_506 : memref<10000x128xf32, #tpu.memory_space<hbm>>) target(%arg12 : memref<64x128xf32, #tpu.memory_space<vmem>>) offsets(%dma_start3A_503 : memref<64xi32, #tpu.memory_space<vmem>>) semaphore(%arg17 : memref<!tpu.dma_semaphore, #tpu.memory_space<semaphore_mem>>)
      } else {
      }
      %scan3A_408 = arith.constant 0 : i32
      scf.yield %scan3A_408 : i32
    }
    %scan3A_319 = arith.constant 53 : i32
    %barrier3A_320 = arith.constant 0 : index
    tpu.barrier barrier_id(%barrier3A_320)
    %eq3A = arith.constant 0 : i32
    %eq3A_321 = arith.cmpi eq, %arg0, %eq3A : i32
    %convert_element_type3A = arith.extui %eq3A_321 : i1 to i32
    %cond3A = arith.constant 0 : i32
    %cond3A_322 = arith.cmpi ne, %convert_element_type3A, %cond3A : i32
    scf.if %cond3A_322 {
      %scan3A_328 = arith.constant 0 : i32
      %scan3A_329 = arith.constant 0 : i32
      %scan3A_330 = arith.constant 2 : i32
      %scan3A_331 = arith.addi %scan3A_329, %scan3A_330 : i32
      %scan3A_332 = arith.constant 1 : i32
      %scan3A_333 = scf.for %scan3A_342 = %scan3A_329 to %scan3A_331 step %scan3A_332 iter_args(%scan3A_343 = %scan3A_328) -> (i32)  : i32 {
        %mul3A_344 = arith.constant 16 : i32
        %mul3A_345 = arith.muli %scan3A_342, %mul3A_344 : i32
        %add3A_346 = arith.addi %arg1, %mul3A_345 : i32
        %lt3A = arith.constant 25 : i32
        %lt3A_347 = arith.cmpi slt, %add3A_346, %lt3A : i32
        %convert_element_type3A_348 = arith.extui %lt3A_347 : i1 to i32
        %cond3A_349 = arith.constant 0 : i32
        %cond3A_350 = arith.cmpi ne, %convert_element_type3A_348, %cond3A_349 : i32
        scf.if %cond3A_350 {
          %mul3A_352 = arith.constant 400 : i32
          %mul3A_353 = arith.muli %add3A_346, %mul3A_352 : i32
          %dma_start3A_354 = arith.constant 0 : i32
          %dma_start3A_355 = tpu.memref_slice %arg4[%mul3A_353, %dma_start3A_354] : memref<10000x128xf32, #tpu.memory_space<hbm>> -> memref<400x128xf32, #tpu.memory_space<hbm>>
          %dma_start3A_356 = arith.constant 0 : i32
          %dma_start3A_357 = tpu.memref_slice %arg14[%mul3A_353, %dma_start3A_356] : memref<10000x128xf32, #tpu.memory_space<vmem_shared>> -> memref<400x128xf32, #tpu.memory_space<vmem_shared>>
          tpu.enqueue_dma source(%dma_start3A_357 : memref<400x128xf32, #tpu.memory_space<vmem_shared>>) target(%dma_start3A_355 : memref<400x128xf32, #tpu.memory_space<hbm>>) target_semaphore(%arg21 : memref<!tpu.dma_semaphore, #tpu.memory_space<semaphore_mem>>)
        } else {
        }
        %scan3A_351 = arith.constant 0 : i32
        scf.yield %scan3A_351 : i32
      }
      %scan3A_334 = arith.constant 2 : i32
      %scan3A_335 = arith.constant 0 : i32
      %scan3A_336 = arith.constant 0 : i32
      %scan3A_337 = arith.constant 2 : i32
      %scan3A_338 = arith.addi %scan3A_336, %scan3A_337 : i32
      %scan3A_339 = arith.constant 1 : i32
      %scan3A_340 = scf.for %scan3A_342 = %scan3A_336 to %scan3A_338 step %scan3A_339 iter_args(%scan3A_343 = %scan3A_335) -> (i32)  : i32 {
        %mul3A_344 = arith.constant 16 : i32
        %mul3A_345 = arith.muli %scan3A_342, %mul3A_344 : i32
        %add3A_346 = arith.addi %arg1, %mul3A_345 : i32
        %lt3A = arith.constant 25 : i32
        %lt3A_347 = arith.cmpi slt, %add3A_346, %lt3A : i32
        %convert_element_type3A_348 = arith.extui %lt3A_347 : i1 to i32
        %cond3A_349 = arith.constant 0 : i32
        %cond3A_350 = arith.cmpi ne, %convert_element_type3A_348, %cond3A_349 : i32
        scf.if %cond3A_350 {
          %dma_wait3A = arith.constant 0 : i32
          %dma_wait3A_352 = arith.constant 0 : i32
          %dma_wait3A_353 = tpu.memref_slice %arg4[%dma_wait3A, %dma_wait3A_352] : memref<10000x128xf32, #tpu.memory_space<hbm>> -> memref<400x128xf32, #tpu.memory_space<hbm>>
          %dma_wait3A_354 = arith.constant 0 : i32
          %dma_wait3A_355 = arith.constant 0 : i32
          %dma_wait3A_356 = tpu.memref_slice %arg14[%dma_wait3A_354, %dma_wait3A_355] : memref<10000x128xf32, #tpu.memory_space<vmem_shared>> -> memref<400x128xf32, #tpu.memory_space<vmem_shared>>
          tpu.wait_dma2 semaphore(%arg21 : memref<!tpu.dma_semaphore, #tpu.memory_space<semaphore_mem>>) src(%dma_wait3A_356 : memref<400x128xf32, #tpu.memory_space<vmem_shared>>) dst(%dma_wait3A_353 : memref<400x128xf32, #tpu.memory_space<hbm>>)
        } else {
        }
        %scan3A_351 = arith.constant 0 : i32
        scf.yield %scan3A_351 : i32
      }
      %scan3A_341 = arith.constant 2 : i32
    } else {
    }
    %eq3A_323 = arith.constant 1 : i32
    %eq3A_324 = arith.cmpi eq, %arg0, %eq3A_323 : i32
    %convert_element_type3A_325 = arith.extui %eq3A_324 : i1 to i32
    %cond3A_326 = arith.constant 0 : i32
    %cond3A_327 = arith.cmpi ne, %convert_element_type3A_325, %cond3A_326 : i32
    scf.if %cond3A_327 {
      %scan3A_328 = arith.constant 0 : i32
      %scan3A_329 = arith.constant 0 : i32
      %scan3A_330 = arith.constant 2 : i32
      %scan3A_331 = arith.addi %scan3A_329, %scan3A_330 : i32
      %scan3A_332 = arith.constant 1 : i32
      %scan3A_333 = scf.for %scan3A_342 = %scan3A_329 to %scan3A_331 step %scan3A_332 iter_args(%scan3A_343 = %scan3A_328) -> (i32)  : i32 {
        %mul3A_344 = arith.constant 16 : i32
        %mul3A_345 = arith.muli %scan3A_342, %mul3A_344 : i32
        %add3A_346 = arith.addi %arg1, %mul3A_345 : i32
        %lt3A = arith.constant 25 : i32
        %lt3A_347 = arith.cmpi slt, %add3A_346, %lt3A : i32
        %convert_element_type3A_348 = arith.extui %lt3A_347 : i1 to i32
        %cond3A_349 = arith.constant 0 : i32
        %cond3A_350 = arith.cmpi ne, %convert_element_type3A_348, %cond3A_349 : i32
        scf.if %cond3A_350 {
          %mul3A_352 = arith.constant 400 : i32
          %mul3A_353 = arith.muli %add3A_346, %mul3A_352 : i32
          %dma_start3A_354 = arith.constant 0 : i32
          %dma_start3A_355 = tpu.memref_slice %arg5[%mul3A_353, %dma_start3A_354] : memref<10000x128xf32, #tpu.memory_space<hbm>> -> memref<400x128xf32, #tpu.memory_space<hbm>>
          %dma_start3A_356 = arith.constant 0 : i32
          %dma_start3A_357 = tpu.memref_slice %arg14[%mul3A_353, %dma_start3A_356] : memref<10000x128xf32, #tpu.memory_space<vmem_shared>> -> memref<400x128xf32, #tpu.memory_space<vmem_shared>>
          tpu.enqueue_dma source(%dma_start3A_357 : memref<400x128xf32, #tpu.memory_space<vmem_shared>>) target(%dma_start3A_355 : memref<400x128xf32, #tpu.memory_space<hbm>>) target_semaphore(%arg21 : memref<!tpu.dma_semaphore, #tpu.memory_space<semaphore_mem>>)
        } else {
        }
        %scan3A_351 = arith.constant 0 : i32
        scf.yield %scan3A_351 : i32
      }
      %scan3A_334 = arith.constant 2 : i32
      %scan3A_335 = arith.constant 0 : i32
      %scan3A_336 = arith.constant 0 : i32
      %scan3A_337 = arith.constant 2 : i32
      %scan3A_338 = arith.addi %scan3A_336, %scan3A_337 : i32
      %scan3A_339 = arith.constant 1 : i32
      %scan3A_340 = scf.for %scan3A_342 = %scan3A_336 to %scan3A_338 step %scan3A_339 iter_args(%scan3A_343 = %scan3A_335) -> (i32)  : i32 {
        %mul3A_344 = arith.constant 16 : i32
        %mul3A_345 = arith.muli %scan3A_342, %mul3A_344 : i32
        %add3A_346 = arith.addi %arg1, %mul3A_345 : i32
        %lt3A = arith.constant 25 : i32
        %lt3A_347 = arith.cmpi slt, %add3A_346, %lt3A : i32
        %convert_element_type3A_348 = arith.extui %lt3A_347 : i1 to i32
        %cond3A_349 = arith.constant 0 : i32
        %cond3A_350 = arith.cmpi ne, %convert_element_type3A_348, %cond3A_349 : i32
        scf.if %cond3A_350 {
          %dma_wait3A = arith.constant 0 : i32
          %dma_wait3A_352 = arith.constant 0 : i32
          %dma_wait3A_353 = tpu.memref_slice %arg5[%dma_wait3A, %dma_wait3A_352] : memref<10000x128xf32, #tpu.memory_space<hbm>> -> memref<400x128xf32, #tpu.memory_space<hbm>>
          %dma_wait3A_354 = arith.constant 0 : i32
          %dma_wait3A_355 = arith.constant 0 : i32
          %dma_wait3A_356 = tpu.memref_slice %arg14[%dma_wait3A_354, %dma_wait3A_355] : memref<10000x128xf32, #tpu.memory_space<vmem_shared>> -> memref<400x128xf32, #tpu.memory_space<vmem_shared>>
          tpu.wait_dma2 semaphore(%arg21 : memref<!tpu.dma_semaphore, #tpu.memory_space<semaphore_mem>>) src(%dma_wait3A_356 : memref<400x128xf32, #tpu.memory_space<vmem_shared>>) dst(%dma_wait3A_353 : memref<400x128xf32, #tpu.memory_space<hbm>>)
        } else {
        }
        %scan3A_351 = arith.constant 0 : i32
        scf.yield %scan3A_351 : i32
      }
      %scan3A_341 = arith.constant 2 : i32
    } else {
    }
    return
  }
}

module attributes {stable_mosaic.version = 14 : i64} {
  func.func @_enc_body(%arg0: memref<10000x1xi32, #tpu.memory_space<vmem>>, %arg1: memref<10000x16xf32, #tpu.memory_space<vmem>>, %arg2: memref<1x1xf32, #tpu.memory_space<vmem>>, %arg3: memref<121x128xf32, #tpu.memory_space<vmem>>, %arg4: memref<16x16xf32, #tpu.memory_space<vmem>>, %arg5: memref<1x16xf32, #tpu.memory_space<vmem>>, %arg6: memref<16x16xf32, #tpu.memory_space<vmem>>, %arg7: memref<1x16xf32, #tpu.memory_space<vmem>>, %arg8: memref<144x128xf32, #tpu.memory_space<vmem>>, %arg9: memref<2x2500x128xi32, #tpu.memory_space<vmem>>, %arg10: memref<10000x128xf32, #tpu.memory_space<vmem>>, %arg11: memref<2544x128xi32, #tpu.memory_space<vmem>>) attributes {dimension_semantics = [], scalar_prefetch = 0 : i64, scratch_operands = 0 : i64, tpu.core_type = #tpu.core_type<tc>} {
    %get3A = arith.constant 0 : index
    %get3A_0 = arith.constant 0 : index
    %get3A_1 = vector.load %arg0[%get3A, %get3A_0] : memref<10000x1xi32, #tpu.memory_space<vmem>>, vector<10000x1xi32>
    %iota3A = tpu.iota {dimensions = array<i32: 1>} : vector<10000x121xi32>
    %eq3A = vector.broadcast %get3A_1 : vector<10000x1xi32> to vector<10000x121xi32>
    %eq3A_2 = arith.cmpi eq, %iota3A, %eq3A : vector<10000x121xi32>
    %convert_element_type3A = arith.extui %eq3A_2 : vector<10000x121xi1> to vector<10000x121xi32>
    %convert_element_type3A_3 = arith.sitofp %convert_element_type3A : vector<10000x121xi32> to vector<10000x121xf32>
    %get3A_4 = arith.constant 0 : index
    %get3A_5 = arith.constant 0 : index
    %get3A_6 = vector.load %arg3[%get3A_4, %get3A_5] : memref<121x128xf32, #tpu.memory_space<vmem>>, vector<121x128xf32>
    %dot_general3A = arith.constant dense<0.000000e+00> : vector<10000x128xf32>
    %dot_general3A_7 = tpu.matmul %convert_element_type3A_3, %get3A_6, %dot_general3A {dimension_numbers = #tpu.dot_dimension_numbers<[1], [0], [0], [1], [0, 0, 1, 1], [], []>, transpose_lhs_hint = false} : vector<10000x121xf32>, vector<121x128xf32>, vector<10000x128xf32> -> vector<10000x128xf32>
    %get3A_8 = arith.constant 0 : index
    %get3A_9 = arith.constant 0 : index
    %get3A_10 = vector.load %arg1[%get3A_8, %get3A_9] : memref<10000x16xf32, #tpu.memory_space<vmem>>, vector<10000x16xf32>
    %get3A_11 = arith.constant 0 : index
    %get3A_12 = arith.constant 0 : index
    %get3A_13 = vector.load %arg4[%get3A_11, %get3A_12] : memref<16x16xf32, #tpu.memory_space<vmem>>, vector<16x16xf32>
    %dot_general3A_14 = arith.constant dense<0.000000e+00> : vector<10000x16xf32>
    %dot_general3A_15 = tpu.matmul %get3A_10, %get3A_13, %dot_general3A_14 {dimension_numbers = #tpu.dot_dimension_numbers<[1], [0], [0], [1], [0, 0, 1, 1], [], []>, transpose_lhs_hint = false} : vector<10000x16xf32>, vector<16x16xf32>, vector<10000x16xf32> -> vector<10000x16xf32>
    %get3A_16 = arith.constant 0 : index
    %get3A_17 = arith.constant 0 : index
    %get3A_18 = vector.load %arg5[%get3A_16, %get3A_17] : memref<1x16xf32, #tpu.memory_space<vmem>>, vector<1x16xf32>
    %add3A = vector.broadcast %get3A_18 : vector<1x16xf32> to vector<10000x16xf32>
    %add3A_19 = arith.addf %dot_general3A_15, %add3A : vector<10000x16xf32>
    %max3A = arith.constant 0.000000e+00 : f32
    %max3A_20 = vector.broadcast %max3A : f32 to vector<10000x16xf32>
    %max3A_21 = arith.maximumf %add3A_19, %max3A_20 : vector<10000x16xf32>
    %get3A_22 = arith.constant 0 : index
    %get3A_23 = arith.constant 0 : index
    %get3A_24 = vector.load %arg6[%get3A_22, %get3A_23] : memref<16x16xf32, #tpu.memory_space<vmem>>, vector<16x16xf32>
    %dot_general3A_25 = arith.constant dense<0.000000e+00> : vector<10000x16xf32>
    %dot_general3A_26 = tpu.matmul %max3A_21, %get3A_24, %dot_general3A_25 {dimension_numbers = #tpu.dot_dimension_numbers<[1], [0], [0], [1], [0, 0, 1, 1], [], []>, transpose_lhs_hint = false} : vector<10000x16xf32>, vector<16x16xf32>, vector<10000x16xf32> -> vector<10000x16xf32>
    %get3A_27 = arith.constant 0 : index
    %get3A_28 = arith.constant 0 : index
    %get3A_29 = vector.load %arg7[%get3A_27, %get3A_28] : memref<1x16xf32, #tpu.memory_space<vmem>>, vector<1x16xf32>
    %add3A_30 = vector.broadcast %get3A_29 : vector<1x16xf32> to vector<10000x16xf32>
    %add3A_31 = arith.addf %dot_general3A_26, %add3A_30 : vector<10000x16xf32>
    %get3A_32 = arith.constant 0 : index
    %get3A_33 = arith.constant 0 : index
    %get3A_34 = vector.load %arg2[%get3A_32, %get3A_33] : memref<1x1xf32, #tpu.memory_space<vmem>>, vector<1x1xf32>
    %get3A_35 = vector.extract %get3A_34[0, 0] : f32 from vector<1x1xf32>
    %mul3A = vector.broadcast %get3A_35 : f32 to vector<10000x16xf32>
    %mul3A_36 = arith.mulf %add3A_31, %mul3A : vector<10000x16xf32>
    %get3A_37 = arith.constant 0 : index
    %get3A_38 = arith.constant 0 : index
    %get3A_39 = vector.load %arg8[%get3A_37, %get3A_38] : memref<144x128xf32, #tpu.memory_space<vmem>>, vector<144x128xf32>
    %slice3A = vector.extract_strided_slice %get3A_39 {offsets = [0, 0], sizes = [128, 128], strides = [1, 1]} : vector<144x128xf32> to vector<128x128xf32>
    %dot_general3A_40 = arith.constant dense<0.000000e+00> : vector<10000x128xf32>
    %dot_general3A_41 = tpu.matmul %dot_general3A_7, %slice3A, %dot_general3A_40 {dimension_numbers = #tpu.dot_dimension_numbers<[1], [0], [0], [1], [0, 0, 1, 1], [], []>, transpose_lhs_hint = false} : vector<10000x128xf32>, vector<128x128xf32>, vector<10000x128xf32> -> vector<10000x128xf32>
    %slice3A_42 = vector.extract_strided_slice %get3A_39 {offsets = [128, 0], sizes = [16, 128], strides = [1, 1]} : vector<144x128xf32> to vector<16x128xf32>
    %dot_general3A_43 = arith.constant dense<0.000000e+00> : vector<10000x128xf32>
    %dot_general3A_44 = tpu.matmul %mul3A_36, %slice3A_42, %dot_general3A_43 {dimension_numbers = #tpu.dot_dimension_numbers<[1], [0], [0], [1], [0, 0, 1, 1], [], []>, transpose_lhs_hint = false} : vector<10000x16xf32>, vector<16x128xf32>, vector<10000x128xf32> -> vector<10000x128xf32>
    %add3A_45 = arith.addf %dot_general3A_41, %dot_general3A_44 : vector<10000x128xf32>
    %swap3A = arith.constant 0 : index
    %swap3A_46 = arith.constant 0 : index
    %swap3A_47 = vector.load %arg10[%swap3A, %swap3A_46] : memref<10000x128xf32, #tpu.memory_space<vmem>>, vector<10000x128xf32>
    tpu.vector_store %arg10[%swap3A, %swap3A_46], %add3A_45 {strides = array<i32>} : memref<10000x128xf32, #tpu.memory_space<vmem>>, vector<10000x128xf32>,
    %get3A_48 = arith.constant 0 : index
    %get3A_49 = arith.constant 0 : index
    %get3A_50 = arith.constant 0 : index
    %get3A_51 = vector.load %arg9[%get3A_48, %get3A_49, %get3A_50] : memref<2x2500x128xi32, #tpu.memory_space<vmem>>, vector<2x2500x128xi32>
    %slice3A_52 = vector.extract_strided_slice %get3A_51 {offsets = [0, 0, 0], sizes = [1, 2500, 128], strides = [1, 1, 1]} : vector<2x2500x128xi32> to vector<1x2500x128xi32>
    %squeeze3A = vector.shape_cast %slice3A_52 : vector<1x2500x128xi32> to vector<2500x128xi32>
    %slice3A_53 = vector.extract_strided_slice %get3A_51 {offsets = [1, 0, 0], sizes = [1, 2500, 128], strides = [1, 1, 1]} : vector<2x2500x128xi32> to vector<1x2500x128xi32>
    %squeeze3A_54 = vector.shape_cast %slice3A_53 : vector<1x2500x128xi32> to vector<2500x128xi32>
    %shift_left3A = arith.constant 16 : i32
    %shift_left3A_55 = vector.broadcast %shift_left3A : i32 to vector<2500x128xi32>
    %shift_left3A_56 = arith.shli %squeeze3A_54, %shift_left3A_55 : vector<2500x128xi32>
    %or3A = arith.ori %squeeze3A, %shift_left3A_56 : vector<2500x128xi32>
    %swap3A_57 = arith.constant 0 : index
    %swap3A_58 = arith.constant 0 : index
    %swap3A_59 = vector.load %arg11[%swap3A_57, %swap3A_58] : memref<2544x128xi32, #tpu.memory_space<vmem>>, vector<2500x128xi32>
    tpu.vector_store %arg11[%swap3A_57, %swap3A_58], %or3A {strides = array<i32>} : memref<2544x128xi32, #tpu.memory_space<vmem>>, vector<2500x128xi32>,
    %iota3A_60 = tpu.iota {dimensions = array<i32: 0>} : vector<44x128xi32>
    %mul3A_61 = arith.constant 128 : i32
    %mul3A_62 = vector.broadcast %mul3A_61 : i32 to vector<44x128xi32>
    %mul3A_63 = arith.muli %iota3A_60, %mul3A_62 : vector<44x128xi32>
    %iota3A_64 = tpu.iota {dimensions = array<i32: 1>} : vector<44x128xi32>
    %add3A_65 = arith.addi %mul3A_63, %iota3A_64 : vector<44x128xi32>
    %shift_left3A_66 = arith.constant 16 : i32
    %shift_left3A_67 = vector.broadcast %shift_left3A_66 : i32 to vector<44x128xi32>
    %shift_left3A_68 = arith.shli %add3A_65, %shift_left3A_67 : vector<44x128xi32>
    %or3A_69 = arith.ori %add3A_65, %shift_left3A_68 : vector<44x128xi32>
    %swap3A_70 = arith.constant 2500 : index
    %swap3A_71 = arith.constant 0 : index
    %swap3A_72 = vector.load %arg11[%swap3A_70, %swap3A_71] : memref<2544x128xi32, #tpu.memory_space<vmem>>, vector<44x128xi32>
    tpu.vector_store %arg11[%swap3A_70, %swap3A_71], %or3A_69 {strides = array<i32>} : memref<2544x128xi32, #tpu.memory_space<vmem>>, vector<44x128xi32>,
    return
  }
}

module attributes {stable_mosaic.version = 14 : i64} {
  func.func @_layer_body(%arg0: memref<10000x128xf32, #tpu.memory_space<vmem>>, %arg1: memref<10000x128xf32, #tpu.memory_space<vmem>>, %arg2: memref<10000x128xf32, #tpu.memory_space<vmem>>, %arg3: memref<1x128xf32, #tpu.memory_space<vmem>>, %arg4: memref<128x128xf32, #tpu.memory_space<vmem>>, %arg5: memref<1x128xf32, #tpu.memory_space<vmem>>, %arg6: memref<1x128xf32, #tpu.memory_space<vmem>>, %arg7: memref<1x128xf32, #tpu.memory_space<vmem>>, %arg8: memref<128x128xf32, #tpu.memory_space<vmem>>, %arg9: memref<10000x128xf32, #tpu.memory_space<vmem>>, %arg10: memref<10000x128xf32, #tpu.memory_space<vmem>>) attributes {dimension_semantics = [], scalar_prefetch = 0 : i64, scratch_operands = 0 : i64, tpu.core_type = #tpu.core_type<tc>} {
    %get3A = arith.constant 0 : index
    %get3A_0 = arith.constant 0 : index
    %get3A_1 = vector.load %arg0[%get3A, %get3A_0] : memref<10000x128xf32, #tpu.memory_space<vmem>>, vector<10000x128xf32>
    %iota3A = tpu.iota {dimensions = array<i32: 0>} : vector<10000x1xi32>
    %lt3A = arith.constant 5632 : i32
    %lt3A_2 = vector.broadcast %lt3A : i32 to vector<10000x1xi32>
    %lt3A_3 = arith.cmpi slt, %iota3A, %lt3A_2 : vector<10000x1xi32>
    %convert_element_type3A = arith.extui %lt3A_3 : vector<10000x1xi1> to vector<10000x1xi32>
    %convert_element_type3A_4 = arith.sitofp %convert_element_type3A : vector<10000x1xi32> to vector<10000x1xf32>
    %get3A_5 = arith.constant 0 : index
    %get3A_6 = arith.constant 0 : index
    %get3A_7 = vector.load %arg2[%get3A_5, %get3A_6] : memref<10000x128xf32, #tpu.memory_space<vmem>>, vector<10000x128xf32>
    %mul3A = vector.broadcast %convert_element_type3A_4 : vector<10000x1xf32> to vector<10000x128xf32>
    %mul3A_8 = arith.mulf %mul3A, %get3A_1 : vector<10000x128xf32>
    %sub3A = arith.subf %get3A_7, %mul3A_8 : vector<10000x128xf32>
    %get3A_9 = arith.constant 0 : index
    %get3A_10 = arith.constant 0 : index
    %get3A_11 = vector.load %arg1[%get3A_9, %get3A_10] : memref<10000x128xf32, #tpu.memory_space<vmem>>, vector<10000x128xf32>
    %add3A = arith.addf %get3A_1, %get3A_11 : vector<10000x128xf32>
    %add3A_12 = arith.addf %add3A, %sub3A : vector<10000x128xf32>
    %get3A_13 = arith.constant 0 : index
    %get3A_14 = arith.constant 0 : index
    %get3A_15 = vector.load %arg3[%get3A_13, %get3A_14] : memref<1x128xf32, #tpu.memory_space<vmem>>, vector<1x128xf32>
    %add3A_16 = vector.broadcast %get3A_15 : vector<1x128xf32> to vector<10000x128xf32>
    %add3A_17 = arith.addf %add3A_12, %add3A_16 : vector<10000x128xf32>
    %max3A = arith.constant 0.000000e+00 : f32
    %max3A_18 = vector.broadcast %max3A : f32 to vector<10000x128xf32>
    %max3A_19 = arith.maximumf %add3A_17, %max3A_18 : vector<10000x128xf32>
    %get3A_20 = arith.constant 0 : index
    %get3A_21 = arith.constant 0 : index
    %get3A_22 = vector.load %arg4[%get3A_20, %get3A_21] : memref<128x128xf32, #tpu.memory_space<vmem>>, vector<128x128xf32>
    %dot_general3A = arith.constant dense<0.000000e+00> : vector<10000x128xf32>
    %dot_general3A_23 = tpu.matmul %max3A_19, %get3A_22, %dot_general3A {dimension_numbers = #tpu.dot_dimension_numbers<[1], [0], [0], [1], [0, 0, 1, 1], [], []>, transpose_lhs_hint = false} : vector<10000x128xf32>, vector<128x128xf32>, vector<10000x128xf32> -> vector<10000x128xf32>
    %get3A_24 = arith.constant 0 : index
    %get3A_25 = arith.constant 0 : index
    %get3A_26 = vector.load %arg5[%get3A_24, %get3A_25] : memref<1x128xf32, #tpu.memory_space<vmem>>, vector<1x128xf32>
    %add3A_27 = vector.broadcast %get3A_26 : vector<1x128xf32> to vector<10000x128xf32>
    %add3A_28 = arith.addf %dot_general3A_23, %add3A_27 : vector<10000x128xf32>
    %reduce_sum3A = arith.constant dense<0.000000e+00> : vector<128xf32>
    %reduce_sum3A_29 = vector.multi_reduction <add>, %add3A_28, %reduce_sum3A [0] : vector<10000x128xf32> to vector<128xf32>
    %broadcast_in_dim3A = vector.shape_cast %reduce_sum3A_29 : vector<128xf32> to vector<1x128xf32>
    %div3A = arith.constant 1.000000e+04 : f32
    %div3A_30 = vector.broadcast %div3A : f32 to vector<1x128xf32>
    %div3A_31 = arith.divf %broadcast_in_dim3A, %div3A_30 : vector<1x128xf32>
    %sub3A_32 = vector.broadcast %div3A_31 : vector<1x128xf32> to vector<10000x128xf32>
    %sub3A_33 = arith.subf %add3A_28, %sub3A_32 : vector<10000x128xf32>
    %square3A = arith.mulf %sub3A_33, %sub3A_33 : vector<10000x128xf32>
    %reduce_sum3A_34 = arith.constant dense<0.000000e+00> : vector<128xf32>
    %reduce_sum3A_35 = vector.multi_reduction <add>, %square3A, %reduce_sum3A_34 [0] : vector<10000x128xf32> to vector<128xf32>
    %broadcast_in_dim3A_36 = vector.shape_cast %reduce_sum3A_35 : vector<128xf32> to vector<1x128xf32>
    %div3A_37 = arith.constant 1.000000e+04 : f32
    %div3A_38 = vector.broadcast %div3A_37 : f32 to vector<1x128xf32>
    %div3A_39 = arith.divf %broadcast_in_dim3A_36, %div3A_38 : vector<1x128xf32>
    %get3A_40 = arith.constant 0 : index
    %get3A_41 = arith.constant 0 : index
    %get3A_42 = vector.load %arg6[%get3A_40, %get3A_41] : memref<1x128xf32, #tpu.memory_space<vmem>>, vector<1x128xf32>
    %sub3A_43 = vector.broadcast %div3A_31 : vector<1x128xf32> to vector<10000x128xf32>
    %sub3A_44 = arith.subf %add3A_28, %sub3A_43 : vector<10000x128xf32>
    %mul3A_45 = vector.broadcast %get3A_42 : vector<1x128xf32> to vector<10000x128xf32>
    %mul3A_46 = arith.mulf %mul3A_45, %sub3A_44 : vector<10000x128xf32>
    %add3A_47 = arith.constant 9.99999974E-6 : f32
    %add3A_48 = vector.broadcast %add3A_47 : f32 to vector<1x128xf32>
    %add3A_49 = arith.addf %div3A_39, %add3A_48 : vector<1x128xf32>
    %rsqrt3A = math.rsqrt %add3A_49 : vector<1x128xf32>
    %mul3A_50 = vector.broadcast %rsqrt3A : vector<1x128xf32> to vector<10000x128xf32>
    %mul3A_51 = arith.mulf %mul3A_46, %mul3A_50 : vector<10000x128xf32>
    %get3A_52 = arith.constant 0 : index
    %get3A_53 = arith.constant 0 : index
    %get3A_54 = vector.load %arg7[%get3A_52, %get3A_53] : memref<1x128xf32, #tpu.memory_space<vmem>>, vector<1x128xf32>
    %add3A_55 = vector.broadcast %get3A_54 : vector<1x128xf32> to vector<10000x128xf32>
    %add3A_56 = arith.addf %mul3A_51, %add3A_55 : vector<10000x128xf32>
    %max3A_57 = arith.constant 0.000000e+00 : f32
    %max3A_58 = vector.broadcast %max3A_57 : f32 to vector<10000x128xf32>
    %max3A_59 = arith.maximumf %add3A_56, %max3A_58 : vector<10000x128xf32>
    %swap3A = arith.constant 0 : index
    %swap3A_60 = arith.constant 0 : index
    %swap3A_61 = vector.load %arg9[%swap3A, %swap3A_60] : memref<10000x128xf32, #tpu.memory_space<vmem>>, vector<10000x128xf32>
    tpu.vector_store %arg9[%swap3A, %swap3A_60], %max3A_59 {strides = array<i32>} : memref<10000x128xf32, #tpu.memory_space<vmem>>, vector<10000x128xf32>,
    %get3A_62 = arith.constant 0 : index
    %get3A_63 = arith.constant 0 : index
    %get3A_64 = vector.load %arg8[%get3A_62, %get3A_63] : memref<128x128xf32, #tpu.memory_space<vmem>>, vector<128x128xf32>
    %dot_general3A_65 = arith.constant dense<0.000000e+00> : vector<10000x128xf32>
    %dot_general3A_66 = tpu.matmul %max3A_59, %get3A_64, %dot_general3A_65 {dimension_numbers = #tpu.dot_dimension_numbers<[1], [0], [0], [1], [0, 0, 1, 1], [], []>, transpose_lhs_hint = false} : vector<10000x128xf32>, vector<128x128xf32>, vector<10000x128xf32> -> vector<10000x128xf32>
    %swap3A_67 = arith.constant 0 : index
    %swap3A_68 = arith.constant 0 : index
    %swap3A_69 = vector.load %arg10[%swap3A_67, %swap3A_68] : memref<10000x128xf32, #tpu.memory_space<vmem>>, vector<10000x128xf32>
    tpu.vector_store %arg10[%swap3A_67, %swap3A_68], %dot_general3A_66 {strides = array<i32>} : memref<10000x128xf32, #tpu.memory_space<vmem>>, vector<10000x128xf32>,
    return
  }
}

module attributes {stable_mosaic.version = 14 : i64} {
  func.func @_layer_body(%arg0: memref<10000x128xf32, #tpu.memory_space<vmem>>, %arg1: memref<10000x128xf32, #tpu.memory_space<vmem>>, %arg2: memref<10000x128xf32, #tpu.memory_space<vmem>>, %arg3: memref<10000x128xf32, #tpu.memory_space<vmem>>, %arg4: memref<1x128xf32, #tpu.memory_space<vmem>>, %arg5: memref<128x128xf32, #tpu.memory_space<vmem>>, %arg6: memref<1x128xf32, #tpu.memory_space<vmem>>, %arg7: memref<1x128xf32, #tpu.memory_space<vmem>>, %arg8: memref<1x128xf32, #tpu.memory_space<vmem>>, %arg9: memref<128x128xf32, #tpu.memory_space<vmem>>, %arg10: memref<10000x128xf32, #tpu.memory_space<vmem>>, %arg11: memref<10000x128xf32, #tpu.memory_space<vmem>>) attributes {dimension_semantics = [], scalar_prefetch = 0 : i64, scratch_operands = 0 : i64, tpu.core_type = #tpu.core_type<tc>} {
    %get3A = arith.constant 0 : index
    %get3A_0 = arith.constant 0 : index
    %get3A_1 = vector.load %arg1[%get3A, %get3A_0] : memref<10000x128xf32, #tpu.memory_space<vmem>>, vector<10000x128xf32>
    %iota3A = tpu.iota {dimensions = array<i32: 0>} : vector<10000x1xi32>
    %lt3A = arith.constant 5632 : i32
    %lt3A_2 = vector.broadcast %lt3A : i32 to vector<10000x1xi32>
    %lt3A_3 = arith.cmpi slt, %iota3A, %lt3A_2 : vector<10000x1xi32>
    %convert_element_type3A = arith.extui %lt3A_3 : vector<10000x1xi1> to vector<10000x1xi32>
    %convert_element_type3A_4 = arith.sitofp %convert_element_type3A : vector<10000x1xi32> to vector<10000x1xf32>
    %get3A_5 = arith.constant 0 : index
    %get3A_6 = arith.constant 0 : index
    %get3A_7 = vector.load %arg3[%get3A_5, %get3A_6] : memref<10000x128xf32, #tpu.memory_space<vmem>>, vector<10000x128xf32>
    %mul3A = vector.broadcast %convert_element_type3A_4 : vector<10000x1xf32> to vector<10000x128xf32>
    %mul3A_8 = arith.mulf %mul3A, %get3A_1 : vector<10000x128xf32>
    %sub3A = arith.subf %get3A_7, %mul3A_8 : vector<10000x128xf32>
    %get3A_9 = arith.constant 0 : index
    %get3A_10 = arith.constant 0 : index
    %get3A_11 = vector.load %arg2[%get3A_9, %get3A_10] : memref<10000x128xf32, #tpu.memory_space<vmem>>, vector<10000x128xf32>
    %add3A = arith.addf %get3A_1, %get3A_11 : vector<10000x128xf32>
    %add3A_12 = arith.addf %add3A, %sub3A : vector<10000x128xf32>
    %get3A_13 = arith.constant 0 : index
    %get3A_14 = arith.constant 0 : index
    %get3A_15 = vector.load %arg4[%get3A_13, %get3A_14] : memref<1x128xf32, #tpu.memory_space<vmem>>, vector<1x128xf32>
    %add3A_16 = vector.broadcast %get3A_15 : vector<1x128xf32> to vector<10000x128xf32>
    %add3A_17 = arith.addf %add3A_12, %add3A_16 : vector<10000x128xf32>
    %max3A = arith.constant 0.000000e+00 : f32
    %max3A_18 = vector.broadcast %max3A : f32 to vector<10000x128xf32>
    %max3A_19 = arith.maximumf %add3A_17, %max3A_18 : vector<10000x128xf32>
    %get3A_20 = arith.constant 0 : index
    %get3A_21 = arith.constant 0 : index
    %get3A_22 = vector.load %arg5[%get3A_20, %get3A_21] : memref<128x128xf32, #tpu.memory_space<vmem>>, vector<128x128xf32>
    %dot_general3A = arith.constant dense<0.000000e+00> : vector<10000x128xf32>
    %dot_general3A_23 = tpu.matmul %max3A_19, %get3A_22, %dot_general3A {dimension_numbers = #tpu.dot_dimension_numbers<[1], [0], [0], [1], [0, 0, 1, 1], [], []>, transpose_lhs_hint = false} : vector<10000x128xf32>, vector<128x128xf32>, vector<10000x128xf32> -> vector<10000x128xf32>
    %get3A_24 = arith.constant 0 : index
    %get3A_25 = arith.constant 0 : index
    %get3A_26 = vector.load %arg6[%get3A_24, %get3A_25] : memref<1x128xf32, #tpu.memory_space<vmem>>, vector<1x128xf32>
    %add3A_27 = vector.broadcast %get3A_26 : vector<1x128xf32> to vector<10000x128xf32>
    %add3A_28 = arith.addf %dot_general3A_23, %add3A_27 : vector<10000x128xf32>
    %reduce_sum3A = arith.constant dense<0.000000e+00> : vector<128xf32>
    %reduce_sum3A_29 = vector.multi_reduction <add>, %add3A_28, %reduce_sum3A [0] : vector<10000x128xf32> to vector<128xf32>
    %broadcast_in_dim3A = vector.shape_cast %reduce_sum3A_29 : vector<128xf32> to vector<1x128xf32>
    %div3A = arith.constant 1.000000e+04 : f32
    %div3A_30 = vector.broadcast %div3A : f32 to vector<1x128xf32>
    %div3A_31 = arith.divf %broadcast_in_dim3A, %div3A_30 : vector<1x128xf32>
    %sub3A_32 = vector.broadcast %div3A_31 : vector<1x128xf32> to vector<10000x128xf32>
    %sub3A_33 = arith.subf %add3A_28, %sub3A_32 : vector<10000x128xf32>
    %square3A = arith.mulf %sub3A_33, %sub3A_33 : vector<10000x128xf32>
    %reduce_sum3A_34 = arith.constant dense<0.000000e+00> : vector<128xf32>
    %reduce_sum3A_35 = vector.multi_reduction <add>, %square3A, %reduce_sum3A_34 [0] : vector<10000x128xf32> to vector<128xf32>
    %broadcast_in_dim3A_36 = vector.shape_cast %reduce_sum3A_35 : vector<128xf32> to vector<1x128xf32>
    %div3A_37 = arith.constant 1.000000e+04 : f32
    %div3A_38 = vector.broadcast %div3A_37 : f32 to vector<1x128xf32>
    %div3A_39 = arith.divf %broadcast_in_dim3A_36, %div3A_38 : vector<1x128xf32>
    %get3A_40 = arith.constant 0 : index
    %get3A_41 = arith.constant 0 : index
    %get3A_42 = vector.load %arg7[%get3A_40, %get3A_41] : memref<1x128xf32, #tpu.memory_space<vmem>>, vector<1x128xf32>
    %sub3A_43 = vector.broadcast %div3A_31 : vector<1x128xf32> to vector<10000x128xf32>
    %sub3A_44 = arith.subf %add3A_28, %sub3A_43 : vector<10000x128xf32>
    %mul3A_45 = vector.broadcast %get3A_42 : vector<1x128xf32> to vector<10000x128xf32>
    %mul3A_46 = arith.mulf %mul3A_45, %sub3A_44 : vector<10000x128xf32>
    %add3A_47 = arith.constant 9.99999974E-6 : f32
    %add3A_48 = vector.broadcast %add3A_47 : f32 to vector<1x128xf32>
    %add3A_49 = arith.addf %div3A_39, %add3A_48 : vector<1x128xf32>
    %rsqrt3A = math.rsqrt %add3A_49 : vector<1x128xf32>
    %mul3A_50 = vector.broadcast %rsqrt3A : vector<1x128xf32> to vector<10000x128xf32>
    %mul3A_51 = arith.mulf %mul3A_46, %mul3A_50 : vector<10000x128xf32>
    %get3A_52 = arith.constant 0 : index
    %get3A_53 = arith.constant 0 : index
    %get3A_54 = vector.load %arg8[%get3A_52, %get3A_53] : memref<1x128xf32, #tpu.memory_space<vmem>>, vector<1x128xf32>
    %add3A_55 = vector.broadcast %get3A_54 : vector<1x128xf32> to vector<10000x128xf32>
    %add3A_56 = arith.addf %mul3A_51, %add3A_55 : vector<10000x128xf32>
    %max3A_57 = arith.constant 0.000000e+00 : f32
    %max3A_58 = vector.broadcast %max3A_57 : f32 to vector<10000x128xf32>
    %max3A_59 = arith.maximumf %add3A_56, %max3A_58 : vector<10000x128xf32>
    %get3A_60 = arith.constant 0 : index
    %get3A_61 = arith.constant 0 : index
    %get3A_62 = vector.load %arg0[%get3A_60, %get3A_61] : memref<10000x128xf32, #tpu.memory_space<vmem>>, vector<10000x128xf32>
    %add3A_63 = arith.addf %max3A_59, %get3A_62 : vector<10000x128xf32>
    %swap3A = arith.constant 0 : index
    %swap3A_64 = arith.constant 0 : index
    %swap3A_65 = vector.load %arg10[%swap3A, %swap3A_64] : memref<10000x128xf32, #tpu.memory_space<vmem>>, vector<10000x128xf32>
    tpu.vector_store %arg10[%swap3A, %swap3A_64], %add3A_63 {strides = array<i32>} : memref<10000x128xf32, #tpu.memory_space<vmem>>, vector<10000x128xf32>,
    %get3A_66 = arith.constant 0 : index
    %get3A_67 = arith.constant 0 : index
    %get3A_68 = vector.load %arg9[%get3A_66, %get3A_67] : memref<128x128xf32, #tpu.memory_space<vmem>>, vector<128x128xf32>
    %dot_general3A_69 = arith.constant dense<0.000000e+00> : vector<10000x128xf32>
    %dot_general3A_70 = tpu.matmul %add3A_63, %get3A_68, %dot_general3A_69 {dimension_numbers = #tpu.dot_dimension_numbers<[1], [0], [0], [1], [0, 0, 1, 1], [], []>, transpose_lhs_hint = false} : vector<10000x128xf32>, vector<128x128xf32>, vector<10000x128xf32> -> vector<10000x128xf32>
    %swap3A_71 = arith.constant 0 : index
    %swap3A_72 = arith.constant 0 : index
    %swap3A_73 = vector.load %arg11[%swap3A_71, %swap3A_72] : memref<10000x128xf32, #tpu.memory_space<vmem>>, vector<10000x128xf32>
    tpu.vector_store %arg11[%swap3A_71, %swap3A_72], %dot_general3A_70 {strides = array<i32>} : memref<10000x128xf32, #tpu.memory_space<vmem>>, vector<10000x128xf32>,
    return
  }
}

module attributes {stable_mosaic.version = 14 : i64} {
  func.func @_last_body(%arg0: memref<10000x128xf32, #tpu.memory_space<vmem>>, %arg1: memref<10000x128xf32, #tpu.memory_space<vmem>>, %arg2: memref<10000x128xf32, #tpu.memory_space<vmem>>, %arg3: memref<10000x128xf32, #tpu.memory_space<vmem>>, %arg4: memref<1x128xf32, #tpu.memory_space<vmem>>, %arg5: memref<128x128xf32, #tpu.memory_space<vmem>>, %arg6: memref<1x128xf32, #tpu.memory_space<vmem>>, %arg7: memref<1x128xf32, #tpu.memory_space<vmem>>, %arg8: memref<1x128xf32, #tpu.memory_space<vmem>>, %arg9: memref<10000x1xi32, #tpu.memory_space<vmem>>, %arg10: memref<128x128xf32, #tpu.memory_space<vmem>>, %arg11: memref<1x128xf32, #tpu.memory_space<vmem>>, %arg12: memref<128x1xf32, #tpu.memory_space<vmem>>, %arg13: memref<1x1xf32, #tpu.memory_space<vmem>>, %arg14: memref<100x121xf32, #tpu.memory_space<vmem>>) attributes {dimension_semantics = [], scalar_prefetch = 0 : i64, scratch_operands = 0 : i64, tpu.core_type = #tpu.core_type<tc>} {
    %get3A = arith.constant 0 : index
    %get3A_0 = arith.constant 0 : index
    %get3A_1 = vector.load %arg1[%get3A, %get3A_0] : memref<10000x128xf32, #tpu.memory_space<vmem>>, vector<10000x128xf32>
    %iota3A = tpu.iota {dimensions = array<i32: 0>} : vector<10000x1xi32>
    %lt3A = arith.constant 5632 : i32
    %lt3A_2 = vector.broadcast %lt3A : i32 to vector<10000x1xi32>
    %lt3A_3 = arith.cmpi slt, %iota3A, %lt3A_2 : vector<10000x1xi32>
    %convert_element_type3A = arith.extui %lt3A_3 : vector<10000x1xi1> to vector<10000x1xi32>
    %convert_element_type3A_4 = arith.sitofp %convert_element_type3A : vector<10000x1xi32> to vector<10000x1xf32>
    %get3A_5 = arith.constant 0 : index
    %get3A_6 = arith.constant 0 : index
    %get3A_7 = vector.load %arg3[%get3A_5, %get3A_6] : memref<10000x128xf32, #tpu.memory_space<vmem>>, vector<10000x128xf32>
    %mul3A = vector.broadcast %convert_element_type3A_4 : vector<10000x1xf32> to vector<10000x128xf32>
    %mul3A_8 = arith.mulf %mul3A, %get3A_1 : vector<10000x128xf32>
    %sub3A = arith.subf %get3A_7, %mul3A_8 : vector<10000x128xf32>
    %get3A_9 = arith.constant 0 : index
    %get3A_10 = arith.constant 0 : index
    %get3A_11 = vector.load %arg2[%get3A_9, %get3A_10] : memref<10000x128xf32, #tpu.memory_space<vmem>>, vector<10000x128xf32>
    %add3A = arith.addf %get3A_1, %get3A_11 : vector<10000x128xf32>
    %add3A_12 = arith.addf %add3A, %sub3A : vector<10000x128xf32>
    %get3A_13 = arith.constant 0 : index
    %get3A_14 = arith.constant 0 : index
    %get3A_15 = vector.load %arg4[%get3A_13, %get3A_14] : memref<1x128xf32, #tpu.memory_space<vmem>>, vector<1x128xf32>
    %add3A_16 = vector.broadcast %get3A_15 : vector<1x128xf32> to vector<10000x128xf32>
    %add3A_17 = arith.addf %add3A_12, %add3A_16 : vector<10000x128xf32>
    %max3A = arith.constant 0.000000e+00 : f32
    %max3A_18 = vector.broadcast %max3A : f32 to vector<10000x128xf32>
    %max3A_19 = arith.maximumf %add3A_17, %max3A_18 : vector<10000x128xf32>
    %get3A_20 = arith.constant 0 : index
    %get3A_21 = arith.constant 0 : index
    %get3A_22 = vector.load %arg5[%get3A_20, %get3A_21] : memref<128x128xf32, #tpu.memory_space<vmem>>, vector<128x128xf32>
    %dot_general3A = arith.constant dense<0.000000e+00> : vector<10000x128xf32>
    %dot_general3A_23 = tpu.matmul %max3A_19, %get3A_22, %dot_general3A {dimension_numbers = #tpu.dot_dimension_numbers<[1], [0], [0], [1], [0, 0, 1, 1], [], []>, transpose_lhs_hint = false} : vector<10000x128xf32>, vector<128x128xf32>, vector<10000x128xf32> -> vector<10000x128xf32>
    %get3A_24 = arith.constant 0 : index
    %get3A_25 = arith.constant 0 : index
    %get3A_26 = vector.load %arg6[%get3A_24, %get3A_25] : memref<1x128xf32, #tpu.memory_space<vmem>>, vector<1x128xf32>
    %add3A_27 = vector.broadcast %get3A_26 : vector<1x128xf32> to vector<10000x128xf32>
    %add3A_28 = arith.addf %dot_general3A_23, %add3A_27 : vector<10000x128xf32>
    %reduce_sum3A = arith.constant dense<0.000000e+00> : vector<128xf32>
    %reduce_sum3A_29 = vector.multi_reduction <add>, %add3A_28, %reduce_sum3A [0] : vector<10000x128xf32> to vector<128xf32>
    %broadcast_in_dim3A = vector.shape_cast %reduce_sum3A_29 : vector<128xf32> to vector<1x128xf32>
    %div3A = arith.constant 1.000000e+04 : f32
    %div3A_30 = vector.broadcast %div3A : f32 to vector<1x128xf32>
    %div3A_31 = arith.divf %broadcast_in_dim3A, %div3A_30 : vector<1x128xf32>
    %sub3A_32 = vector.broadcast %div3A_31 : vector<1x128xf32> to vector<10000x128xf32>
    %sub3A_33 = arith.subf %add3A_28, %sub3A_32 : vector<10000x128xf32>
    %square3A = arith.mulf %sub3A_33, %sub3A_33 : vector<10000x128xf32>
    %reduce_sum3A_34 = arith.constant dense<0.000000e+00> : vector<128xf32>
    %reduce_sum3A_35 = vector.multi_reduction <add>, %square3A, %reduce_sum3A_34 [0] : vector<10000x128xf32> to vector<128xf32>
    %broadcast_in_dim3A_36 = vector.shape_cast %reduce_sum3A_35 : vector<128xf32> to vector<1x128xf32>
    %div3A_37 = arith.constant 1.000000e+04 : f32
    %div3A_38 = vector.broadcast %div3A_37 : f32 to vector<1x128xf32>
    %div3A_39 = arith.divf %broadcast_in_dim3A_36, %div3A_38 : vector<1x128xf32>
    %get3A_40 = arith.constant 0 : index
    %get3A_41 = arith.constant 0 : index
    %get3A_42 = vector.load %arg7[%get3A_40, %get3A_41] : memref<1x128xf32, #tpu.memory_space<vmem>>, vector<1x128xf32>
    %sub3A_43 = vector.broadcast %div3A_31 : vector<1x128xf32> to vector<10000x128xf32>
    %sub3A_44 = arith.subf %add3A_28, %sub3A_43 : vector<10000x128xf32>
    %mul3A_45 = vector.broadcast %get3A_42 : vector<1x128xf32> to vector<10000x128xf32>
    %mul3A_46 = arith.mulf %mul3A_45, %sub3A_44 : vector<10000x128xf32>
    %add3A_47 = arith.constant 9.99999974E-6 : f32
    %add3A_48 = vector.broadcast %add3A_47 : f32 to vector<1x128xf32>
    %add3A_49 = arith.addf %div3A_39, %add3A_48 : vector<1x128xf32>
    %rsqrt3A = math.rsqrt %add3A_49 : vector<1x128xf32>
    %mul3A_50 = vector.broadcast %rsqrt3A : vector<1x128xf32> to vector<10000x128xf32>
    %mul3A_51 = arith.mulf %mul3A_46, %mul3A_50 : vector<10000x128xf32>
    %get3A_52 = arith.constant 0 : index
    %get3A_53 = arith.constant 0 : index
    %get3A_54 = vector.load %arg8[%get3A_52, %get3A_53] : memref<1x128xf32, #tpu.memory_space<vmem>>, vector<1x128xf32>
    %add3A_55 = vector.broadcast %get3A_54 : vector<1x128xf32> to vector<10000x128xf32>
    %add3A_56 = arith.addf %mul3A_51, %add3A_55 : vector<10000x128xf32>
    %max3A_57 = arith.constant 0.000000e+00 : f32
    %max3A_58 = vector.broadcast %max3A_57 : f32 to vector<10000x128xf32>
    %max3A_59 = arith.maximumf %add3A_56, %max3A_58 : vector<10000x128xf32>
    %get3A_60 = arith.constant 0 : index
    %get3A_61 = arith.constant 0 : index
    %get3A_62 = vector.load %arg0[%get3A_60, %get3A_61] : memref<10000x128xf32, #tpu.memory_space<vmem>>, vector<10000x128xf32>
    %add3A_63 = arith.addf %max3A_59, %get3A_62 : vector<10000x128xf32>
    %get3A_64 = arith.constant 0 : index
    %get3A_65 = arith.constant 0 : index
    %get3A_66 = vector.load %arg10[%get3A_64, %get3A_65] : memref<128x128xf32, #tpu.memory_space<vmem>>, vector<128x128xf32>
    %dot_general3A_67 = arith.constant dense<0.000000e+00> : vector<10000x128xf32>
    %dot_general3A_68 = tpu.matmul %add3A_63, %get3A_66, %dot_general3A_67 {dimension_numbers = #tpu.dot_dimension_numbers<[1], [0], [0], [1], [0, 0, 1, 1], [], []>, transpose_lhs_hint = false} : vector<10000x128xf32>, vector<128x128xf32>, vector<10000x128xf32> -> vector<10000x128xf32>
    %get3A_69 = arith.constant 0 : index
    %get3A_70 = arith.constant 0 : index
    %get3A_71 = vector.load %arg11[%get3A_69, %get3A_70] : memref<1x128xf32, #tpu.memory_space<vmem>>, vector<1x128xf32>
    %add3A_72 = vector.broadcast %get3A_71 : vector<1x128xf32> to vector<10000x128xf32>
    %add3A_73 = arith.addf %dot_general3A_68, %add3A_72 : vector<10000x128xf32>
    %max3A_74 = arith.constant 0.000000e+00 : f32
    %max3A_75 = vector.broadcast %max3A_74 : f32 to vector<10000x128xf32>
    %max3A_76 = arith.maximumf %add3A_73, %max3A_75 : vector<10000x128xf32>
    %get3A_77 = arith.constant 0 : index
    %get3A_78 = arith.constant 0 : index
    %get3A_79 = vector.load %arg12[%get3A_77, %get3A_78] : memref<128x1xf32, #tpu.memory_space<vmem>>, vector<128x1xf32>
    %dot_general3A_80 = arith.constant dense<0.000000e+00> : vector<10000x1xf32>
    %dot_general3A_81 = tpu.matmul %max3A_76, %get3A_79, %dot_general3A_80 {dimension_numbers = #tpu.dot_dimension_numbers<[1], [0], [0], [1], [0, 0, 1, 1], [], []>, transpose_lhs_hint = false} : vector<10000x128xf32>, vector<128x1xf32>, vector<10000x1xf32> -> vector<10000x1xf32>
    %get3A_82 = arith.constant 0 : index
    %get3A_83 = arith.constant 0 : index
    %get3A_84 = vector.load %arg13[%get3A_82, %get3A_83] : memref<1x1xf32, #tpu.memory_space<vmem>>, vector<1x1xf32>
    %add3A_85 = vector.broadcast %get3A_84 : vector<1x1xf32> to vector<10000x1xf32>
    %add3A_86 = arith.addf %dot_general3A_81, %add3A_85 : vector<10000x1xf32>
    %neg3A = arith.constant 0.000000e+00 : f32
    %neg3A_87 = vector.broadcast %neg3A : f32 to vector<10000x1xf32>
    %neg3A_88 = arith.subf %neg3A_87, %add3A_86 : vector<10000x1xf32>
    %exp3A = math.exp %neg3A_88 : vector<10000x1xf32>
    %add3A_89 = arith.constant 1.000000e+00 : f32
    %add3A_90 = vector.broadcast %add3A_89 : f32 to vector<10000x1xf32>
    %add3A_91 = arith.addf %add3A_90, %exp3A : vector<10000x1xf32>
    %div3A_92 = arith.constant 1.000000e+00 : f32
    %div3A_93 = vector.broadcast %div3A_92 : f32 to vector<10000x1xf32>
    %div3A_94 = arith.divf %div3A_93, %add3A_91 : vector<10000x1xf32>
    %get3A_95 = arith.constant 0 : index
    %get3A_96 = arith.constant 0 : index
    %get3A_97 = vector.load %arg9[%get3A_95, %get3A_96] : memref<10000x1xi32, #tpu.memory_space<vmem>>, vector<10000x1xi32>
    %iota3A_98 = tpu.iota {dimensions = array<i32: 1>} : vector<10000x100xi32>
    %eq3A = vector.broadcast %get3A_97 : vector<10000x1xi32> to vector<10000x100xi32>
    %eq3A_99 = arith.cmpi eq, %iota3A_98, %eq3A : vector<10000x100xi32>
    %convert_element_type3A_100 = arith.extui %eq3A_99 : vector<10000x100xi1> to vector<10000x100xi32>
    %convert_element_type3A_101 = arith.sitofp %convert_element_type3A_100 : vector<10000x100xi32> to vector<10000x100xf32>
    %reduce_sum3A_102 = arith.constant dense<0.000000e+00> : vector<100xf32>
    %reduce_sum3A_103 = vector.multi_reduction <add>, %convert_element_type3A_101, %reduce_sum3A_102 [0] : vector<10000x100xf32> to vector<100xf32>
    %broadcast_in_dim3A_104 = vector.shape_cast %reduce_sum3A_103 : vector<100xf32> to vector<1x100xf32>
    %iota3A_105 = tpu.iota {dimensions = array<i32: 0>} : vector<100x100xi32>
    %iota3A_106 = tpu.iota {dimensions = array<i32: 1>} : vector<100x100xi32>
    %lt3A_107 = arith.cmpi slt, %iota3A_105, %iota3A_106 : vector<100x100xi32>
    %convert_element_type3A_108 = arith.extui %lt3A_107 : vector<100x100xi1> to vector<100x100xi32>
    %convert_element_type3A_109 = arith.sitofp %convert_element_type3A_108 : vector<100x100xi32> to vector<100x100xf32>
    %dot_general3A_110 = arith.constant dense<0.000000e+00> : vector<1x100xf32>
    %dot_general3A_111 = tpu.matmul %broadcast_in_dim3A_104, %convert_element_type3A_109, %dot_general3A_110 {dimension_numbers = #tpu.dot_dimension_numbers<[1], [0], [0], [1], [0, 0, 1, 1], [], []>, transpose_lhs_hint = false} : vector<1x100xf32>, vector<100x100xf32>, vector<1x100xf32> -> vector<1x100xf32>
    %dot_general3A_112 = arith.constant dense<0.000000e+00> : vector<10000x1xf32>
    %dot_general3A_113 = tpu.matmul %convert_element_type3A_101, %dot_general3A_111, %dot_general3A_112 {dimension_numbers = #tpu.dot_dimension_numbers<[1], [1], [0], [0], [0, 0, 1, 0], [], []>, transpose_lhs_hint = false} : vector<10000x100xf32>, vector<1x100xf32>, vector<10000x1xf32> -> vector<10000x1xf32>
    %iota3A_114 = tpu.iota {dimensions = array<i32: 0>} : vector<10000x1xi32>
    %convert_element_type3A_115 = arith.sitofp %iota3A_114 : vector<10000x1xi32> to vector<10000x1xf32>
    %sub3A_116 = arith.subf %convert_element_type3A_115, %dot_general3A_113 : vector<10000x1xf32>
    %lt3A_117 = arith.constant 1.210000e+02 : f32
    %lt3A_118 = vector.broadcast %lt3A_117 : f32 to vector<10000x1xf32>
    %lt3A_119 = arith.cmpf olt, %sub3A_116, %lt3A_118 : vector<10000x1xf32>
    %iota3A_120 = tpu.iota {dimensions = array<i32: 1>} : vector<10000x121xi32>
    %convert_element_type3A_121 = arith.sitofp %iota3A_120 : vector<10000x121xi32> to vector<10000x121xf32>
    %eq3A_122 = vector.broadcast %sub3A_116 : vector<10000x1xf32> to vector<10000x121xf32>
    %eq3A_123 = arith.cmpf oeq, %convert_element_type3A_121, %eq3A_122 : vector<10000x121xf32>
    %and3A = vector.broadcast %lt3A_119 : vector<10000x1xi1> to vector<10000x121xi1>
    %and3A_124 = arith.andi %eq3A_123, %and3A : vector<10000x121xi1>
    %convert_element_type3A_125 = arith.extui %and3A_124 : vector<10000x121xi1> to vector<10000x121xi32>
    %convert_element_type3A_126 = arith.sitofp %convert_element_type3A_125 : vector<10000x121xi32> to vector<10000x121xf32>
    %mul3A_127 = vector.broadcast %div3A_94 : vector<10000x1xf32> to vector<10000x121xf32>
    %mul3A_128 = arith.mulf %convert_element_type3A_126, %mul3A_127 : vector<10000x121xf32>
    %dot_general3A_129 = arith.constant dense<0.000000e+00> : vector<100x121xf32>
    %dot_general3A_130 = tpu.matmul %convert_element_type3A_101, %mul3A_128, %dot_general3A_129 {dimension_numbers = #tpu.dot_dimension_numbers<[0], [0], [1], [1], [0, 1, 1, 1], [], []>, transpose_lhs_hint = false} : vector<10000x100xf32>, vector<10000x121xf32>, vector<100x121xf32> -> vector<100x121xf32>
    %swap3A = arith.constant 0 : index
    %swap3A_131 = arith.constant 0 : index
    %swap3A_132 = vector.load %arg14[%swap3A, %swap3A_131] : memref<100x121xf32, #tpu.memory_space<vmem>>, vector<100x121xf32>
    tpu.vector_store %arg14[%swap3A, %swap3A_131], %dot_general3A_130 {strides = array<i32>} : memref<100x121xf32, #tpu.memory_space<vmem>>, vector<100x121xf32>,
    return
  }
}

</mosaic_0001>

<sc_bundles>
// kernel: kernel.11.cloned.1.call-start
scs
__scs_entry_jumppad:
0x0: {  	(pc) =	sbr.rel $0x88, $3  }
0x1: {  	(tag) =	ssettag $0x0;
	lr =	simm.s32 $0x1  }
0x2: {  	[smem:$0x3F7B] =	sst lr;
	_ =	strace $0xD0000000  }
0x3: {  	_ = 	snop  }
0x4: {  	_ = 	snop  }
0x5: {  	_ = 	snop  }
0x6: {  	_ = 	snop  }
0x7: {  	_ = 	snop  }
__scs_overlays_trampoline_lowered:
0x8: {  	[smem:$0x3F8A] =	sst s0  }
0x9: {  	[smem:$0x3F8B] =	sst s1  }
0xa: {  	[smem:$0x3F8C] =	sst s2  }
0xb: {  	[smem:$0x3F8D] =	sst s3  }
0xc: {  	[smem:$0x3F8E] =	sst s4  }
0xd: {  	[smem:$0x3F8F] =	sst s5  }
0xe: {  	[smem:$0x3F90] =	sst s6  }
0xf: {  	[smem:$0x3F91] =	sst s7  }
0x10: {  	[smem:$0x3F92] =	sst s8  }
0x11: {  	[smem:$0x3F93] =	sst s9;
	s0 =	simm.s32 @!p0 $0x0  }
0x12: {  	s1 =	sld [smem:$0x3F79];
	s0 =	simm.s32 @p0 $0x1  }
0x13: {  	[smem:$0x3F94] =	sst s0;
	s0 =	simm.s32 @!p1 $0x0  }
0x14: {  	s2 =	sld [smem:$0x3F78];
	s0 =	simm.s32 @p1 $0x1  }
0x15: {  	[smem:$0x3F95] =	sst s0;
	s0 =	simm.s32 @!p2 $0x0  }
0x16: {  	s3 =	sld [smem:$0x3FDB];
	s0 =	simm.s32 @p2 $0x1  }
0x17: {  	s4 =	simm.s32 $0x1BF5;
	[smem:$0x3F97] =	sst s0  }
0x18: {  	s0 =	sld [smem:$0x3F7A];
	_ =	swait.ge [sflag:s4], $0x0  }
0x19: {  	s7 =	sld [smem:$0x3F7B]  }
0x1a: {  	s8 =	sadd.s32 $0xFFFFE003, lr  }
0x1b: {  	s9 =	sadd.s32 $0xFFFFFEF7, lr;
	s5 =	simm.s32 $0xFFFFFFFF;
	p2 =	slt.u32 s8, $0xFFFFF086  }
0x1c: {  	p1 =	slt.u32 s9, $0xF7A;
	s5 =	simm.s32 @!p2 $0x0  }
0x1d: {  	s5 =	simm.s32 @p1 $0x1;
	p0 =	seq.s32 s7, s2  }
0x1e: {  	s7 =	smul.u32 @!p0 $0xF7A, s2;
	p2 =	seq.s32 @!p0 s5, $0x0  }
0x1f: {  	s9 =	smul.u32 $0xF7A, s1;
	s8 =	simm.s32 @!p0 $0x1BF5;
	p2 =	por !p2, p0  }
0x20: {  	[sflag:s8] =	ssyncset.s32 @!p0 $0xFFFFF086;
	s6 =	sadd.s32 @!p0 s3, s7;
	s7 =	simm.s32 @!p0 $0x108  }
0x21: {  	s3 =	sadd.s32 s3, s9;
	s6 =	sadd.s32 @!p0 $0x88, s6;
	s7 =	simm.s32 @p2 $0x1082  }
0x22: {  	[simem:s7], [sflag:s8] =	dma.local @!p0 [hbm:s6], $0xF7A  }
0x23: {  	s9 =	sor.u32 $0xD0000000, s2;
	s6 =	simm.s32 $0x108;
	_ =	swait.ge @!p0 [sflag:s8], $0x0  }
0x24: {  	s3 =	sadd.s32 $0x88, s3;
	s6 =	simm.s32 @!p1 $0x1082;
	[sflag:s4] =	ssyncset.s32 $0xFFFFF086  }
0x25: {  	[simem:s6], [sflag:s4] =	dma.local [hbm:s3], $0xF7A  }
0x26: {  	[smem:$0x3F7B] =	sst s1;
	(tag) =	ssettag s2;
	_ =	strace s9  }
0x27: {  	s1 =	sld [smem:$0x3F8B]  }
0x28: {  	s2 =	sld [smem:$0x3F8C]  }
0x29: {  	s4 =	sld [smem:$0x3F8E]  }
0x2a: {  	p0 =	seq.s32 s5, $0x0;
	s5 =	sld [smem:$0x3F8F]  }
0x2b: {  	s6 =	sld [smem:$0x3F90]  }
0x2c: {  	s7 =	sld [smem:$0x3F91]  }
0x2d: {  	s3 =	simm.s32 $0x108;
	s8 =	sld [smem:$0x3F92]  }
0x2e: {  	s3 =	simm.s32 @!p0 $0x1082;
	s9 =	sld [smem:$0x3F93]  }
0x2f: {  	lr =	sadd.s32 s0, s3;
	s0 =	sld [smem:$0x3F8A]  }
0x30: {  	s3 =	sld [smem:$0x3F8D]  }
0x31: {  	[smem:$0x3F96] =	sst s10  }
0x32: {  	s10 =	sld [smem:$0x3F94];
	_ =	sdelay $0x3  }
0x33: {  	p0 =	seq.s32 s10, $0x1;
	s10 =	sld [smem:$0x3F96];
	_ =	sdelay $0x3  }
0x34: {  	[smem:$0x3F96] =	sst s10  }
0x35: {  	s10 =	sld [smem:$0x3F95];
	_ =	sdelay $0x3  }
0x36: {  	p1 =	seq.s32 s10, $0x1;
	s10 =	sld [smem:$0x3F96];
	_ =	sdelay $0x3  }
0x37: {  	[smem:$0x3F96] =	sst s10  }
0x38: {  	s10 =	sld [smem:$0x3F97]  }
0x39: {  	_ = 	snop;
	(pc) =	sbr.ind lr, $3  }
0x3a: {  	_ = 	snop  }
0x3b: {  	_ = 	snop  }
0x3c: {  	p2 =	seq.s32 s10, $0x1;
	s10 =	sld [smem:$0x3F96]  }
0x3d: {  	_ =	shalt  }
0x3e: {  	_ =	shalt  }
0x3f: {  	_ =	shalt  }
0x40: {  	_ =	shalt  }
0x41: {  	_ =	shalt  }
0x42: {  	_ =	shalt  }
0x43: {  	_ =	shalt  }
0x44: {  	_ =	shalt  }
0x45: {  	_ =	shalt  }
0x46: {  	_ =	shalt  }
0x47: {  	_ =	shalt  }
0x48: {  	_ =	shalt  }
0x49: {  	_ =	shalt  }
0x4a: {  	_ =	shalt  }
0x4b: {  	_ =	shalt  }
0x4c: {  	_ =	shalt  }
0x4d: {  	_ =	shalt  }
0x4e: {  	_ =	shalt  }
0x4f: {  	_ =	shalt  }
0x50: {  	_ =	shalt  }
0x51: {  	_ =	shalt  }
0x52: {  	_ =	shalt  }
0x53: {  	_ =	shalt  }
0x54: {  	_ =	shalt  }
0x55: {  	_ =	shalt  }
0x56: {  	_ =	shalt  }
0x57: {  	_ =	shalt  }
0x58: {  	_ =	shalt  }
0x59: {  	_ =	shalt  }
0x5a: {  	_ =	shalt  }
0x5b: {  	_ =	shalt  }
0x5c: {  	_ =	shalt  }
0x5d: {  	_ =	shalt  }
0x5e: {  	_ =	shalt  }
0x5f: {  	_ =	shalt  }
0x60: {  	_ =	shalt  }
0x61: {  	_ =	shalt  }
0x62: {  	_ =	shalt  }
0x63: {  	_ =	shalt  }
0x64: {  	_ =	shalt  }
0x65: {  	_ =	shalt  }
0x66: {  	_ =	shalt  }
0x67: {  	_ =	shalt  }
0x68: {  	_ =	shalt  }
0x69: {  	_ =	shalt  }
0x6a: {  	_ =	shalt  }
0x6b: {  	_ =	shalt  }
0x6c: {  	_ =	shalt  }
0x6d: {  	_ =	shalt  }
0x6e: {  	_ =	shalt  }
0x6f: {  	_ =	shalt  }
0x70: {  	_ =	shalt  }
0x71: {  	_ =	shalt  }
0x72: {  	_ =	shalt  }
0x73: {  	_ =	shalt  }
0x74: {  	_ =	shalt  }
0x75: {  	_ =	shalt  }
0x76: {  	_ =	shalt  }
0x77: {  	_ =	shalt  }
0x78: {  	_ =	shalt  }
0x79: {  	_ =	shalt  }
0x7a: {  	_ =	shalt  }
0x7b: {  	_ =	shalt  }
0x7c: {  	_ =	shalt  }
0x7d: {  	_ =	shalt  }
0x7e: {  	_ =	shalt  }
0x7f: {  	_ =	shalt  }
0x80: {  	_ =	shalt  }
0x81: {  	_ =	shalt  }
0x82: {  	_ =	shalt  }
0x83: {  	_ =	shalt  }
0x84: {  	_ =	shalt  }
0x85: {  	_ =	shalt  }
0x86: {  	_ =	shalt  }
0x87: {  	_ =	shalt  }
.Lfunc_end0:
.L_simem_size_0:
called_computation_lowered:
.L_overlay_start_0:
0x88: {  	s2 =	sld [smem:$0x3FD9]  }
0x89: {  	s3 =	sld [smem:$0x3FFE];
	_ =	sdelay $0x1  }
0x8a: {  	s1 =	srdreg.scid  }
0x8b: {  	s0 =	sand.u32 $0x1, s1  }
0x8c: {  	s16 =	sshll.u32 s0, $0xA;
	s2 =	sadd.s32 s3, s2  }
0x8d: {  	s2 =	sadd.s32 s2, s16  }
0x8e: {  	[smem:$0x3FA2] =	sst s2  }
0x8f: {  	_ = 	snop  }
0x90: {  	(tm) =	ssettm $0x1  }
0x91: {  	s17 =	sld [smem:$0x3FFB];
	_ =	sdelay $0x3  }
0x92: {  	_ =	strace s17  }
0x93: {  	s2 =	sld [smem:$0x3FFC];
	_ =	sdelay $0x3  }
0x94: {  	_ =	strace s2  }
0x95: {  	s2 =	sld [smem:$0x3FFD];
	_ =	sdelay $0x3  }
0x96: {  	_ =	strace s2  }
0x97: {  	_ =	strace $0x8FFFFFFF  }
0x98: {  	s18 =	sld [smem:$0x3FDB];
	_ =	sdelay $0x1  }
0x99: {  	s19 =	simm.s32 $_scs_section_size  }
0x9a: {  	s4 =	simm.s32 $_size__tile_overlayer_lowered;
	s5 =	simm.s32 $_tile_overlayer_lowered  }
0x9b: {  	s22 =	simm.s32 $0x1BFF;
	s21 =	sshll.u32 s5, $0x1;
	s2 =	sadd.s32 s19, s18  }
0x9c: {  	s6 =	simm.s32 $0x0;
	s20 =	sshll.u32 s4, $0x1;
	s4 =	sadd.s32 s21, s2  }
0x9d: {  	[timem:s6], [sflag:s22] =	dma.local [hbm:s4], s20  }
0x9e: {  	_ =	swait.ge [sflag:s22], s20  }
0x9f: {  	s3 =	ssub.s32 $0x0, s20;
	[sflag:s22] =	ssyncset.done $0x0  }
0xa0: {  	[sflag:s22] =	ssyncadd.s32 s3;
	_ =	sdelay $0x1  }
0xa1: {  	s23 =	simm.s32 $0x1B8B  }
0xa2: {  	_ =	swait.ge [sflag:s23], $0x1  }
0xa3: {  	[sflag:s23] =	ssyncset.done $0x0  }
0xa4: {  	s25 =	simm.s32 $0x1B8E;
	s24 =	sld [smem:$0x3FFE];
	[sflag:s23] =	ssyncadd.s32 $0xFFFFFFFF  }
0xa5: {  	s26 =	simm.s32 $execute0_lowered;
	[smem:$0x3FD2] =	sst s25  }
0xa6: {  	s4 =	sshll.u32 s26, $0x1;
	_ =	strace $0x80000046;
	[dreg:$0x1] =	wrdreg $0xFFFFFFFF  }
0xa7: {  	s28 =	simm.s32 $_size_execute0_lowered;
	s2 =	sadd.s32 s2, s4;
	[dreg:$0x0] =	wrdreg $0x0  }
0xa8: {  	s4 =	sshll.u32 s28, $0x1;
	[dreg:$0x2] =	wrdreg s2  }
0xa9: {  	[dreg:$0x3] =	wrdreg s4  }
0xaa: {  	[dreg:$0x4] =	wrdreg $0xC0  }
0xab: {  	_ =	task [dreg:s6], $0x5FFFF  }
0xac: {  	[dreg:$0x1] =	wrdreg $0xFFFFFFFF  }
0xad: {  	[dreg:$0x0] =	wrdreg $0x60  }
0xae: {  	[dreg:$0x2] =	wrdreg s24  }
0xaf: {  	[dreg:$0x3] =	wrdreg $0xB7000  }
0xb0: {  	[dreg:$0x4] =	wrdreg $0x9  }
0xb1: {  	_ =	task.clear_ibuf [dreg:s6], $0x5FFFF;
	_ =	strace $0x90000046  }
0xb2: {  	s29 =	simm.s32 $0x9;
	_ =	strace $0x80000048  }
0xb3: {  	_ =	swait.ge [sflag:s29], $0x1  }
0xb4: {  	[sflag:s29] =	ssyncadd.s32 $0xFFFFFFFF  }
0xb5: {  	_ =	strace $0x90000048  }
0xb6: {  	_ =	sfence  }
0xb7: {  	s30 =	sld [smem:$0x0];
	_ =	sdelay $0x2  }
0xb8: {  	s31 =	sshll.u32 s1, $0xD;
	s1 =	sshrl.u32 s1, $0x2  }
0xb9: {  	s3 =	sand.u32 $0x4000, s31;
	s1 =	sadd.s32 s1, s30  }
0xba: {  	s0 =	sor.u32 s3, s0;
	s1 =	sshll.u32 s1, $0x11  }
0xbb: {  	s0 =	sor.u32 s1, s0  }
0xbc: {  	s0 =	sadd.s32 $0x8F2B, s0  }
0xbd: {  	[sflag:s0] =	ssyncadd.remote.s32 $0x1  }
0xbe: {  	_ =	sfence.sel $0xFFFF  }
0xbf: {  	[dreg:$0x0] =	wrdreg $0xFFFFFFFF;
	(pc) =	sbr.abs _section_cstart, $3  }
0xc0: {  	[dreg:$0x1] =	wrdreg $0xFFFFFFFF  }
0xc1: {  	_ =	task.clear_ibuf [dreg:s6], $0x2FFFF;
	_ =	strace $0x9FFFFFFF  }
0xc2: {  	(tm) =	ssettm $0x7FFFFFFF  }
0xc3: {  	_ =	shalt  }
tec
execute0_lowered:
.L_overlay_start_1:
0x0: {  	(tag) =	ssettag $0x1  }
0x1: {  	s0 =	srdreg.scid;
	s3 =	rddreg [dreg:$0x0]  }
0x2: {  	s2 =	rddreg [dreg:$0x1];
	s1 =	stileid.u32;
	s5 =	simm.s32 $0x0  }
0x3: {  	s15 =	simm.s32 $0x8;
	s16 =	simm.s32 $0x40;
	s17 =	simm.s32 $0x5000  }
0x4: {  	s18 =	simm.s32 $0x5300;
	s19 =	simm.s32 $0x5100;
	s20 =	simm.s32 $0x7300  }
0x5: {  	s21 =	simm.s32 $0x5200;
	s28 =	simm.s32 $0x4;
	s29 =	simm.s32 $0x3  }
0x6: {  	s30 =	simm.s32 $0x5280;
	s31 =	simm.s32 $0x5;
	s0 =	sand.u32 $0x1, s0  }
0x7: {  	[smem:$0x7FF] =	sst s5;
	s9 =	sadd.s32 $0x43C00, s3;
	s8 =	smul.u32 $0x32000, s1  }
0x8: {  	s11 =	sor.u32 $0x10, s1;
	s24 =	smul.u32 $0x1900, s1;
	s26 =	sshll.u32 s1, $0xA  }
0x9: {  	p2 =	sgt.u32 s1, $0x8;
	p3 =	slt.u32 s1, $0x9;
	s4 =	sshll.u32 s0, $0x4  }
0xa: {  	_ =	strace $0x80000047;
	s6 =	ssub.s32 $0x2, s0;
	s23 =	smul.u32 $0x32000, s11  }
0xb: {  	p0 =	seq.s32 s0, $0x1;
	s12 =	smul.u32 $0x1900, s11;
	s13 =	sadd.s32 s26, s2  }
0xc: {  	p1 =	sgt.u32 s11, $0x18;
	s26 =	simm.s32 $0x5180;
	s4 =	sor.u32 s1, s4  }
0xd: {  	s7 =	sshrl.u32 s6, $0x1;
	s8 =	sshrl.u32 s8, $0x2;
	s10 =	sadd.s32 s9, s24  }
0xe: {  	s22 =	smul.u32 $0xA00, s4;
	s4 =	sadd.s32 $0x8A00, s3;
	s7 =	ssub.s32 s6, s7  }
0xf: {  	s6 =	ssub.s32 $0x4E2, s1;
	s8 =	sadd.s32 s8, s2;
	[dreg:$0x4] =	wrdreg s10  }
0x10: {  	s25 =	sadd.s32 s9, s12;
	s9 =	simm.s32 $0x0;
	s7 =	smax.u32 s7, $0x1  }
0x11: {  	[dreg:$0x5] =	wrdreg s25;
	s25 =	simm.s32 $0x2;
	s5 =	sadd.s32 s22, s3  }
.Ltmp0:
0x12: {  	s3 =	sadd.s32 $0x6AE00, s3;
	s5 =	sadd.s32 $0x2FC00, s5;
	(pc) =	sbr.rel .LBB2_1-.Ltmp0, $4  }
0x13: {  	s22 =	simm.s32 $0x9300;
	s0 =	sadd.s32 s3, s24;
	[dreg:$0x3] =	wrdreg s5  }
0x14: {  	s3 =	sadd.s32 s3, s12;
	s24 =	simm.s32 $0x5080;
	[dreg:$0x6] =	wrdreg s0  }
0x15: {  	s5 =	sshrl.u32 s23, $0x2;
	[dreg:$0x7] =	wrdreg s3;
	s23 =	simm.s32 $0x1  }
0x16: {  	v0 =	vimm.f32 $0.0e+00;
	s0 =	simm.s32 $0x6;
	s3 =	simm.s32 $0x7;
	s10 =	sadd.s32 s5, s2  }
.LBB2_10:
0x17: {  	_ =	swait.ge [sflag:s3], $0x1900  }
0x18: {  	[sflag:s3] =	ssyncset.done $0x0  }
0x19: {  	[sflag:s3] =	ssyncadd.s32 $0xFFFFE700  }
.LBB2_11:
0x1a: {  	s9 =	sadd.s32 $0x1, s9  }
0x1b: {  	p4 =	sne.s32 s9, s7  }
.Ltmp1:
0x1c: {  	_ = 	snop;
	(pc) =	sbr.rel @!p4 .LBB2_12-.Ltmp1, $1  }
0x1d: {  	_ =	sdelay $0x3  }
.LBB2_1:
0x1e: {  	s5 =	simm.s32 $0x0;
	s11 =	rddreg [dreg:$0x3]  }
0x1f: {  	[tilespmem:s5], [sflag:$0x8] =	stream.linear.gather [hbm4b:s11+s5], $0x4F80, $0x38;
	[tilespmem:$0x1EF80] =	vst v63  }
0x20: {  	_ =	swait.ge [sflag:s15], $0x4F80  }
0x21: {  	[sflag:s15] =	ssyncset.done $0x0  }
0x22: {  	[sflag:s15] =	ssyncadd.s32 $0xFFFFB080  }
0x23: {  	v1 =	vld [tilespmem:$0x0];
	_ =	sdelay $0x1  }
0x24: {  	v2 =	vld [tilespmem:$0x10];
	_ =	sdelay $0x1  }
0x25: {  	v3 =	vld [tilespmem:$0x20]  }
0x26: {  	v4 =	vand.u32 $0xFFFF, v1  }
0x27: {  	v59 =	vld [tilespmem:$0x30];
	v1 =	vshrl.u32 v1, $0x10;
	[tilespmem:$0x5000] =	vst v4  }
0x28: {  	[tilespmem:$0x5080] =	vst v1;
	v1 =	vand.u32 $0xFFFF, v2  }
0x29: {  	[tilespmem:$0x5010] =	vst v1;
	v1 =	vshrl.u32 v2, $0x10  }
0x2a: {  	[tilespmem:$0x5090] =	vst v1;
	v1 =	vand.u32 $0xFFFF, v3  }
0x2b: {  	[tilespmem:$0x5020] =	vst v1;
	v1 =	vshrl.u32 v3, $0x10  }
0x2c: {  	[tilespmem:$0x50A0] =	vst v1;
	v1 =	vand.u32 $0xFFFF, v59  }
0x2d: {  	[tilespmem:$0x5030] =	vst v1;
	v1 =	vshrl.u32 v59, $0x10  }
0x2e: {  	[tilespmem:$0x50B0] =	vst v1  }
0x2f: {  	[tilespmem:s18], [sflag:$0x1] =	stream.indirect.gather [hbm4b:s4+s16], $0x80, s17, s16, $0xb8;
	[tilespmem:$0x1EF80] =	vst v63  }
0x30: {  	v1 =	vld [tilespmem:$0x80];
	_ =	sdelay $0x1  }
0x31: {  	v2 =	vld [tilespmem:$0x90];
	_ =	sdelay $0x1  }
0x32: {  	v3 =	vld [tilespmem:$0xA0]  }
0x33: {  	v60 =	vand.u32 $0xFFFF, v1  }
0x34: {  	v61 =	vld [tilespmem:$0xB0];
	v1 =	vshrl.u32 v1, $0x10;
	[tilespmem:$0x5100] =	vst v60  }
0x35: {  	[tilespmem:$0x5180] =	vst v1;
	v1 =	vand.u32 $0xFFFF, v2  }
0x36: {  	[tilespmem:$0x5110] =	vst v1;
	v1 =	vshrl.u32 v2, $0x10  }
0x37: {  	[tilespmem:$0x5190] =	vst v1;
	v1 =	vand.u32 $0xFFFF, v3  }
0x38: {  	[tilespmem:$0x5120] =	vst v1;
	v1 =	vshrl.u32 v3, $0x10  }
0x39: {  	[tilespmem:$0x51A0] =	vst v1;
	v1 =	vand.u32 $0xFFFF, v61  }
0x3a: {  	[tilespmem:$0x5130] =	vst v1;
	v1 =	vshrl.u32 v61, $0x10  }
0x3b: {  	[tilespmem:$0x51B0] =	vst v1  }
0x3c: {  	[tilespmem:s20], [sflag:$0x2] =	stream.indirect.gather [hbm4b:s4+s16], $0x80, s19, s16, $0xb8;
	[tilespmem:$0x1EF80] =	vst v63  }
0x3d: {  	v1 =	vld [tilespmem:$0x100];
	_ =	sdelay $0x1  }
0x3e: {  	v2 =	vld [tilespmem:$0x110];
	_ =	sdelay $0x1  }
0x3f: {  	v3 =	vld [tilespmem:$0x120]  }
0x40: {  	v62 =	vand.u32 $0xFFFF, v1  }
0x41: {  	v63 =	vld [tilespmem:$0x130];
	v1 =	vshrl.u32 v1, $0x10;
	[tilespmem:$0x5200] =	vst v62  }
0x42: {  	[tilespmem:$0x5280] =	vst v1;
	v1 =	vand.u32 $0xFFFF, v2  }
0x43: {  	[tilespmem:$0x5210] =	vst v1;
	v1 =	vshrl.u32 v2, $0x10  }
0x44: {  	[tilespmem:$0x5290] =	vst v1;
	v1 =	vand.u32 $0xFFFF, v3  }
0x45: {  	[tilespmem:$0x5220] =	vst v1;
	v1 =	vshrl.u32 v3, $0x10  }
0x46: {  	[tilespmem:$0x52A0] =	vst v1;
	v1 =	vand.u32 $0xFFFF, v63  }
0x47: {  	[tilespmem:$0x5230] =	vst v1;
	v1 =	vshrl.u32 v63, $0x10  }
0x48: {  	[tilespmem:$0x52B0] =	vst v1  }
0x49: {  	[tilespmem:s22], [sflag:$0x3] =	stream.indirect.gather [hbm4b:s4+s16], $0x80, s21, s16, $0xb8;
	[tilespmem:$0x1EF80] =	vst v63  }
0x4a: {  	[tilespmem:$0xB300] =	vst v0  }
0x4b: {  	[tilespmem:$0xB310] =	vst v0  }
0x4c: {  	[tilespmem:$0xB320] =	vst v0  }
0x4d: {  	[tilespmem:$0xB330] =	vst v0  }
0x4e: {  	[tilespmem:$0xB340] =	vst v0  }
0x4f: {  	[tilespmem:$0xB350] =	vst v0  }
0x50: {  	[tilespmem:$0xB360] =	vst v0  }
0x51: {  	[tilespmem:$0xB370] =	vst v0  }
0x52: {  	[tilespmem:$0xB380] =	vst v0  }
0x53: {  	[tilespmem:$0xB390] =	vst v0  }
0x54: {  	[tilespmem:$0xB3A0] =	vst v0  }
0x55: {  	[tilespmem:$0xB3B0] =	vst v0  }
0x56: {  	[tilespmem:$0xB3C0] =	vst v0  }
0x57: {  	[tilespmem:$0xB3D0] =	vst v0  }
0x58: {  	[tilespmem:$0xB3E0] =	vst v0  }
0x59: {  	[tilespmem:$0xB3F0] =	vst v0  }
0x5a: {  	[tilespmem:$0xB400] =	vst v0  }
0x5b: {  	[tilespmem:$0xB410] =	vst v0  }
0x5c: {  	[tilespmem:$0xB420] =	vst v0  }
0x5d: {  	[tilespmem:$0xB430] =	vst v0  }
0x5e: {  	[tilespmem:$0xB440] =	vst v0  }
0x5f: {  	[tilespmem:$0xB450] =	vst v0  }
0x60: {  	[tilespmem:$0xB460] =	vst v0  }
0x61: {  	[tilespmem:$0xB470] =	vst v0  }
0x62: {  	[tilespmem:$0xB480] =	vst v0  }
0x63: {  	[tilespmem:$0xB490] =	vst v0  }
0x64: {  	[tilespmem:$0xB4A0] =	vst v0  }
0x65: {  	[tilespmem:$0xB4B0] =	vst v0  }
0x66: {  	[tilespmem:$0xB4C0] =	vst v0  }
0x67: {  	[tilespmem:$0xB4D0] =	vst v0  }
0x68: {  	[tilespmem:$0xB4E0] =	vst v0  }
0x69: {  	[tilespmem:$0xB4F0] =	vst v0  }
0x6a: {  	[tilespmem:$0xB500] =	vst v0  }
0x6b: {  	[tilespmem:$0xB510] =	vst v0  }
0x6c: {  	[tilespmem:$0xB520] =	vst v0  }
0x6d: {  	[tilespmem:$0xB530] =	vst v0  }
0x6e: {  	[tilespmem:$0xB540] =	vst v0  }
0x6f: {  	[tilespmem:$0xB550] =	vst v0  }
0x70: {  	[tilespmem:$0xB560] =	vst v0  }
0x71: {  	[tilespmem:$0xB570] =	vst v0  }
0x72: {  	[tilespmem:$0xB580] =	vst v0  }
0x73: {  	[tilespmem:$0xB590] =	vst v0  }
0x74: {  	[tilespmem:$0xB5A0] =	vst v0  }
0x75: {  	[tilespmem:$0xB5B0] =	vst v0  }
0x76: {  	[tilespmem:$0xB5C0] =	vst v0  }
0x77: {  	[tilespmem:$0xB5D0] =	vst v0  }
0x78: {  	[tilespmem:$0xB5E0] =	vst v0  }
0x79: {  	[tilespmem:$0xB5F0] =	vst v0  }
0x7a: {  	[tilespmem:$0xB600] =	vst v0  }
0x7b: {  	[tilespmem:$0xB610] =	vst v0  }
0x7c: {  	[tilespmem:$0xB620] =	vst v0  }
0x7d: {  	[tilespmem:$0xB630] =	vst v0  }
0x7e: {  	[tilespmem:$0xB640] =	vst v0  }
0x7f: {  	[tilespmem:$0xB650] =	vst v0  }
0x80: {  	[tilespmem:$0xB660] =	vst v0  }
0x81: {  	[tilespmem:$0xB670] =	vst v0  }
0x82: {  	[tilespmem:$0xB680] =	vst v0  }
0x83: {  	[tilespmem:$0xB690] =	vst v0  }
0x84: {  	[tilespmem:$0xB6A0] =	vst v0  }
0x85: {  	[tilespmem:$0xB6B0] =	vst v0  }
0x86: {  	[tilespmem:$0xB6C0] =	vst v0  }
0x87: {  	s14 =	sadd.s32 $0x0, s1;
	[tilespmem:$0xB6D0] =	vst v0  }
0x88: {  	s12 =	sadd.s32 $0x4000, s13;
	p4 =	sgt.u32 s14, $0x4E1;
	[tilespmem:$0xB6E0] =	vst v0  }
0x89: {  	s11 =	simm.s32 $0x10;
	s14 =	smov.u32 s13;
	s5 =	simm.s32 @!p4 $0xB300;
	[tilespmem:$0xB6F0] =	vst v0  }
.LBB2_2:
0x8a: {  	[spmem:s14] =	stream.linear.scatter @!p4 [tilespmem:s5], [sflag:$0x7], $0x400, $0x38;
	[tilespmem:$0x1EF80] =	vst v63  }
0x8b: {  	s5 =	smov.u32 s11;
	s11 =	sadd.s32 $0x10, s11  }
0x8c: {  	p5 =	sne.s32 s11, $0x4F0  }
.Ltmp2:
0x8d: {  	(pc) =	sbr.rel @p5 .LBB2_2-.Ltmp2, $4  }
0x8e: {  	s14 =	smov.u32 s12  }
0x8f: {  	s5 =	sadd.s32 s5, s1  }
0x90: {  	p4 =	sgt.u32 s5, $0x4E1  }
0x91: {  	s12 =	sadd.s32 $0x4000, s12;
	s5 =	simm.s32 @!p4 $0xB300  }
0x92: {  	[spmem:s14] =	stream.linear.scatter @!p4 [tilespmem:s5], [sflag:$0x7], $0x400, $0x38;
	[tilespmem:$0x1EF80] =	vst v63  }
0x93: {  	p4 =	sle.u32 s6, $0x0  }
0x94: {  	s12 =	simm.s32 @!p4 $0x7  }
0x95: {  	_ =	swait.ge @!p4 [sflag:s12], $0x400  }
0x96: {  	s11 =	simm.s32 $0x10;
	[sflag:s12] =	ssyncset.done @!p4 $0x0  }
.LBB2_4:
0x97: {  	s5 =	smov.u32 s11;
	s11 =	sadd.s32 $0x10, s11  }
0x98: {  	[sflag:s12] =	ssyncadd.s32 @!p4 $0xFFFFFC00;
	p5 =	sne.s32 s11, $0x4F0  }
.Ltmp3:
0x99: {  	(pc) =	sbr.rel @p5 .LBB2_4-.Ltmp3, $4  }
0x9a: {  	p4 =	sge.u32 s5, s6  }
0x9b: {  	s12 =	simm.s32 @!p4 $0x7  }
0x9c: {  	_ =	swait.ge @!p4 [sflag:s12], $0x400  }
0x9d: {  	[sflag:s12] =	ssyncset.done @!p4 $0x0  }
0x9e: {  	[sflag:s12] =	ssyncadd.s32 @!p4 $0xFFFFFC00  }
0x9f: {  	[bflag:$0x0] =	sbarrier.arrive $0xFFFF  }
0xa0: {  	_ =	swait.ge [sflag:s23], $0x2000  }
0xa1: {  	[sflag:s23] =	ssyncset.done $0x0  }
0xa2: {  	[sflag:s23] =	ssyncadd.s32 $0xFFFFE000  }
0xa3: {  	[spmem:s2] =	stream.indirect.scatter.add.f32 [tilespmem:s18], [sflag:$0x4], $0x80, s24, s16, $0xb8;
	[tilespmem:$0x1EF80] =	vst v63  }
0xa4: {  	_ =	swait.ge [sflag:s25], $0x2000  }
0xa5: {  	[sflag:s25] =	ssyncset.done $0x0  }
0xa6: {  	[sflag:s25] =	ssyncadd.s32 $0xFFFFE000  }
0xa7: {  	[spmem:s2] =	stream.indirect.scatter.add.f32 [tilespmem:s20], [sflag:$0x5], $0x80, s26, s16, $0xb8;
	[tilespmem:$0x1EF80] =	vst v63  }
0xa8: {  	_ =	swait.ge [sflag:s28], $0x2000  }
0xa9: {  	[sflag:s28] =	ssyncset.done $0x0  }
0xaa: {  	s11 =	simm.s32 $0x2B0;
	[sflag:s28] =	ssyncadd.s32 $0xFFFFE000  }
0xab: {  	v1 =	vld [tilespmem:s11+$0xFFFFFED0];
	_ =	sdelay $0x4  }
0xac: {  	v2 =	vand.u32 $0xFFFF, v1  }
0xad: {  	v1 =	vshrl.u32 v1, $0x10;
	[tilespmem:$0x5000] =	vst v2  }
0xae: {  	[tilespmem:$0x5080] =	vst v1  }
0xaf: {  	v1 =	vld [tilespmem:s11+$0xFFFFFEE0];
	_ =	sdelay $0x4  }
0xb0: {  	v2 =	vand.u32 $0xFFFF, v1  }
0xb1: {  	v1 =	vshrl.u32 v1, $0x10;
	[tilespmem:$0x5010] =	vst v2  }
0xb2: {  	[tilespmem:$0x5090] =	vst v1  }
0xb3: {  	v1 =	vld [tilespmem:s11+$0xFFFFFEF0];
	_ =	sdelay $0x4  }
0xb4: {  	v2 =	vand.u32 $0xFFFF, v1  }
0xb5: {  	v1 =	vshrl.u32 v1, $0x10;
	[tilespmem:$0x5020] =	vst v2  }
0xb6: {  	[tilespmem:$0x50A0] =	vst v1  }
0xb7: {  	v1 =	vld [tilespmem:s11+$0xFFFFFF00];
	_ =	sdelay $0x4  }
0xb8: {  	v2 =	vand.u32 $0xFFFF, v1  }
0xb9: {  	v1 =	vshrl.u32 v1, $0x10;
	[tilespmem:$0x5030] =	vst v2  }
0xba: {  	[tilespmem:$0x50B0] =	vst v1  }
0xbb: {  	[tilespmem:s18], [sflag:$0x1] =	stream.indirect.gather [hbm4b:s4+s16], $0x80, s17, s16, $0xb8;
	[tilespmem:$0x1EF80] =	vst v63  }
0xbc: {  	_ =	swait.ge [sflag:s29], $0x2000  }
0xbd: {  	[sflag:s29] =	ssyncset.done $0x0  }
0xbe: {  	[sflag:s29] =	ssyncadd.s32 $0xFFFFE000  }
0xbf: {  	[spmem:s2] =	stream.indirect.scatter.add.f32 [tilespmem:s22], [sflag:$0x6], $0x80, s30, s16, $0xb8;
	[tilespmem:$0x1EF80] =	vst v63  }
0xc0: {  	_ =	swait.ge [sflag:s31], $0x2000  }
0xc1: {  	[sflag:s31] =	ssyncset.done $0x0  }
0xc2: {  	[sflag:s31] =	ssyncadd.s32 $0xFFFFE000  }
0xc3: {  	v1 =	vld [tilespmem:s11+$0xFFFFFF50];
	_ =	sdelay $0x4  }
0xc4: {  	v2 =	vand.u32 $0xFFFF, v1  }
0xc5: {  	v1 =	vshrl.u32 v1, $0x10;
	[tilespmem:$0x5100] =	vst v2  }
0xc6: {  	[tilespmem:$0x5180] =	vst v1  }
0xc7: {  	v1 =	vld [tilespmem:s11+$0xFFFFFF60];
	_ =	sdelay $0x4  }
0xc8: {  	v2 =	vand.u32 $0xFFFF, v1  }
0xc9: {  	v1 =	vshrl.u32 v1, $0x10;
	[tilespmem:$0x5110] =	vst v2  }
0xca: {  	[tilespmem:$0x5190] =	vst v1  }
0xcb: {  	v1 =	vld [tilespmem:s11+$0xFFFFFF70];
	_ =	sdelay $0x4  }
0xcc: {  	v2 =	vand.u32 $0xFFFF, v1  }
0xcd: {  	v1 =	vshrl.u32 v1, $0x10;
	[tilespmem:$0x5120] =	vst v2  }
0xce: {  	[tilespmem:$0x51A0] =	vst v1  }
0xcf: {  	v1 =	vld [tilespmem:s11+$0xFFFFFF80];
	_ =	sdelay $0x4  }
0xd0: {  	v2 =	vand.u32 $0xFFFF, v1  }
0xd1: {  	v1 =	vshrl.u32 v1, $0x10;
	[tilespmem:$0x5130] =	vst v2  }
0xd2: {  	[tilespmem:$0x51B0] =	vst v1  }
0xd3: {  	[tilespmem:s20], [sflag:$0x2] =	stream.indirect.gather [hbm4b:s4+s16], $0x80, s19, s16, $0xb8;
	[tilespmem:$0x1EF80] =	vst v63  }
0xd4: {  	_ =	swait.ge [sflag:s0], $0x2000  }
0xd5: {  	[sflag:s0] =	ssyncset.done $0x0  }
0xd6: {  	[sflag:s0] =	ssyncadd.s32 $0xFFFFE000  }
0xd7: {  	v1 =	vld [tilespmem:s11+$0xFFFFFFD0];
	_ =	sdelay $0x4  }
0xd8: {  	v2 =	vand.u32 $0xFFFF, v1  }
0xd9: {  	v1 =	vshrl.u32 v1, $0x10;
	[tilespmem:$0x5200] =	vst v2  }
0xda: {  	[tilespmem:$0x5280] =	vst v1  }
0xdb: {  	v1 =	vld [tilespmem:s11+$0xFFFFFFE0];
	_ =	sdelay $0x4  }
0xdc: {  	v2 =	vand.u32 $0xFFFF, v1  }
0xdd: {  	v1 =	vshrl.u32 v1, $0x10;
	[tilespmem:$0x5210] =	vst v2  }
0xde: {  	[tilespmem:$0x5290] =	vst v1  }
0xdf: {  	v1 =	vld [tilespmem:s11+$0xFFFFFFF0];
	_ =	sdelay $0x4  }
0xe0: {  	v2 =	vand.u32 $0xFFFF, v1  }
0xe1: {  	v1 =	vshrl.u32 v1, $0x10;
	[tilespmem:$0x5220] =	vst v2  }
0xe2: {  	[tilespmem:$0x52A0] =	vst v1  }
0xe3: {  	v1 =	vld [tilespmem:s11+$0x0];
	_ =	sdelay $0x4  }
0xe4: {  	v2 =	vand.u32 $0xFFFF, v1  }
0xe5: {  	s11 =	simm.s32 $0x10C0;
	v1 =	vshrl.u32 v1, $0x10;
	[tilespmem:$0x5230] =	vst v2  }
.LBB2_6:
0xe6: {  	p4 =	sne.s32 s11, $0x13CC0;
	[tilespmem:$0x52B0] =	vst v1;
	s5 =	smov.u32 s11;
	s11 =	sadd.s32 $0x600, s11  }
0xe7: {  	[tilespmem:s22], [sflag:$0x3] =	stream.indirect.gather [hbm4b:s4+s16], $0x80, s21, s16, $0xb8;
	[tilespmem:$0x1EF80] =	vst v63  }
0xe8: {  	_ =	swait.ge [sflag:s23], $0x2000  }
0xe9: {  	[sflag:s23] =	ssyncset.done $0x0  }
0xea: {  	[sflag:s23] =	ssyncadd.s32 $0xFFFFE000  }
0xeb: {  	[spmem:s2] =	stream.indirect.scatter.add.f32 [tilespmem:s18], [sflag:$0x4], $0x80, s24, s16, $0xb8;
	[tilespmem:$0x1EF80] =	vst v63  }
0xec: {  	_ =	swait.ge [sflag:s25], $0x2000  }
0xed: {  	[sflag:s25] =	ssyncset.done $0x0  }
0xee: {  	[sflag:s25] =	ssyncadd.s32 $0xFFFFE000  }
0xef: {  	[spmem:s2] =	stream.indirect.scatter.add.f32 [tilespmem:s20], [sflag:$0x5], $0x80, s26, s16, $0xb8;
	[tilespmem:$0x1EF80] =	vst v63  }
0xf0: {  	_ =	swait.ge [sflag:s28], $0x2000  }
0xf1: {  	[sflag:s28] =	ssyncset.done $0x0  }
0xf2: {  	s12 =	sshra.s32 s5, $0x2;
	[sflag:s28] =	ssyncadd.s32 $0xFFFFE000  }
0xf3: {  	v1 =	vld [tilespmem:s12+$0xFFFFFED0];
	_ =	sdelay $0x4  }
0xf4: {  	v2 =	vand.u32 $0xFFFF, v1;
	v1 =	vshrl.u32 v1, $0x10  }
0xf5: {  	[tilespmem:$0x5000] =	vst v2  }
0xf6: {  	[tilespmem:$0x5080] =	vst v1  }
0xf7: {  	v1 =	vld [tilespmem:s12+$0xFFFFFEE0];
	_ =	sdelay $0x4  }
0xf8: {  	v2 =	vand.u32 $0xFFFF, v1;
	v1 =	vshrl.u32 v1, $0x10  }
0xf9: {  	[tilespmem:$0x5010] =	vst v2  }
0xfa: {  	[tilespmem:$0x5090] =	vst v1  }
0xfb: {  	v1 =	vld [tilespmem:s12+$0xFFFFFEF0];
	_ =	sdelay $0x4  }
0xfc: {  	v2 =	vand.u32 $0xFFFF, v1;
	v1 =	vshrl.u32 v1, $0x10  }
0xfd: {  	[tilespmem:$0x5020] =	vst v2  }
0xfe: {  	[tilespmem:$0x50A0] =	vst v1  }
0xff: {  	v1 =	vld [tilespmem:s12+$0xFFFFFF00];
	_ =	sdelay $0x4  }
0x100: {  	v2 =	vand.u32 $0xFFFF, v1;
	v1 =	vshrl.u32 v1, $0x10  }
0x101: {  	[tilespmem:$0x5030] =	vst v2  }
0x102: {  	[tilespmem:$0x50B0] =	vst v1  }
0x103: {  	[tilespmem:s18], [sflag:$0x1] =	stream.indirect.gather [hbm4b:s4+s16], $0x80, s17, s16, $0xb8;
	[tilespmem:$0x1EF80] =	vst v63  }
0x104: {  	_ =	swait.ge [sflag:s29], $0x2000  }
0x105: {  	[sflag:s29] =	ssyncset.done $0x0  }
0x106: {  	[sflag:s29] =	ssyncadd.s32 $0xFFFFE000  }
0x107: {  	[spmem:s2] =	stream.indirect.scatter.add.f32 [tilespmem:s22], [sflag:$0x6], $0x80, s30, s16, $0xb8;
	[tilespmem:$0x1EF80] =	vst v63  }
0x108: {  	_ =	swait.ge [sflag:s31], $0x2000  }
0x109: {  	[sflag:s31] =	ssyncset.done $0x0  }
0x10a: {  	[sflag:s31] =	ssyncadd.s32 $0xFFFFE000  }
0x10b: {  	v1 =	vld [tilespmem:s12+$0xFFFFFF50];
	_ =	sdelay $0x4  }
0x10c: {  	v2 =	vand.u32 $0xFFFF, v1;
	v1 =	vshrl.u32 v1, $0x10  }
0x10d: {  	[tilespmem:$0x5100] =	vst v2  }
0x10e: {  	[tilespmem:$0x5180] =	vst v1  }
0x10f: {  	v1 =	vld [tilespmem:s12+$0xFFFFFF60];
	_ =	sdelay $0x4  }
0x110: {  	v2 =	vand.u32 $0xFFFF, v1;
	v1 =	vshrl.u32 v1, $0x10  }
0x111: {  	[tilespmem:$0x5110] =	vst v2  }
0x112: {  	[tilespmem:$0x5190] =	vst v1  }
0x113: {  	v1 =	vld [tilespmem:s12+$0xFFFFFF70];
	_ =	sdelay $0x4  }
0x114: {  	v2 =	vand.u32 $0xFFFF, v1;
	v1 =	vshrl.u32 v1, $0x10  }
0x115: {  	[tilespmem:$0x5120] =	vst v2  }
0x116: {  	[tilespmem:$0x51A0] =	vst v1  }
0x117: {  	v1 =	vld [tilespmem:s12+$0xFFFFFF80];
	_ =	sdelay $0x4  }
0x118: {  	v2 =	vand.u32 $0xFFFF, v1;
	v1 =	vshrl.u32 v1, $0x10  }
0x119: {  	[tilespmem:$0x5130] =	vst v2  }
0x11a: {  	[tilespmem:$0x51B0] =	vst v1  }
0x11b: {  	[tilespmem:s20], [sflag:$0x2] =	stream.indirect.gather [hbm4b:s4+s16], $0x80, s19, s16, $0xb8;
	[tilespmem:$0x1EF80] =	vst v63  }
0x11c: {  	_ =	swait.ge [sflag:s0], $0x2000  }
0x11d: {  	[sflag:s0] =	ssyncset.done $0x0  }
0x11e: {  	[sflag:s0] =	ssyncadd.s32 $0xFFFFE000  }
0x11f: {  	v1 =	vld [tilespmem:s12+$0xFFFFFFD0];
	_ =	sdelay $0x4  }
0x120: {  	v2 =	vand.u32 $0xFFFF, v1;
	v1 =	vshrl.u32 v1, $0x10  }
0x121: {  	[tilespmem:$0x5200] =	vst v2  }
0x122: {  	[tilespmem:$0x5280] =	vst v1  }
0x123: {  	v1 =	vld [tilespmem:s12+$0xFFFFFFE0];
	_ =	sdelay $0x4  }
0x124: {  	v2 =	vand.u32 $0xFFFF, v1;
	v1 =	vshrl.u32 v1, $0x10  }
0x125: {  	[tilespmem:$0x5210] =	vst v2  }
0x126: {  	[tilespmem:$0x5290] =	vst v1  }
0x127: {  	v1 =	vld [tilespmem:s12+$0xFFFFFFF0];
	_ =	sdelay $0x4  }
0x128: {  	v2 =	vand.u32 $0xFFFF, v1;
	v1 =	vshrl.u32 v1, $0x10  }
0x129: {  	[tilespmem:$0x5220] =	vst v2  }
0x12a: {  	[tilespmem:$0x52A0] =	vst v1  }
0x12b: {  	v1 =	vld [tilespmem:s12+$0x0];
	_ =	sdelay $0x1  }
.Ltmp4:
0x12c: {  	(pc) =	sbr.rel @p4 .LBB2_6-.Ltmp4, $3  }
0x12d: {  	_ =	sdelay $0x1  }
0x12e: {  	v2 =	vand.u32 $0xFFFF, v1;
	v1 =	vshrl.u32 v1, $0x10  }
0x12f: {  	[tilespmem:$0x5230] =	vst v2  }
0x130: {  	[tilespmem:$0x52B0] =	vst v1  }
0x131: {  	[tilespmem:s22], [sflag:$0x3] =	stream.indirect.gather [hbm4b:s4+s16], $0x80, s21, s16, $0xb8;
	[tilespmem:$0x1EF80] =	vst v63  }
0x132: {  	_ =	swait.ge [sflag:s23], $0x2000  }
0x133: {  	[sflag:s23] =	ssyncset.done $0x0  }
0x134: {  	[sflag:s23] =	ssyncadd.s32 $0xFFFFE000  }
0x135: {  	[spmem:s2] =	stream.indirect.scatter.add.f32 [tilespmem:s18], [sflag:$0x4], $0x80, s24, s16, $0xb8;
	[tilespmem:$0x1EF80] =	vst v63  }
0x136: {  	_ =	swait.ge [sflag:s25], $0x2000  }
0x137: {  	[sflag:s25] =	ssyncset.done $0x0  }
0x138: {  	[sflag:s25] =	ssyncadd.s32 $0xFFFFE000  }
0x139: {  	[spmem:s2] =	stream.indirect.scatter.add.f32 [tilespmem:s20], [sflag:$0x5], $0x80, s26, s16, $0xb8;
	[tilespmem:$0x1EF80] =	vst v63  }
0x13a: {  	_ =	swait.ge [sflag:s28], $0x2000  }
0x13b: {  	[sflag:s28] =	ssyncset.done $0x0  }
0x13c: {  	[sflag:s28] =	ssyncadd.s32 $0xFFFFE000  }
0x13d: {  	_ =	swait.ge [sflag:s29], $0x2000  }
0x13e: {  	[sflag:s29] =	ssyncset.done $0x0  }
0x13f: {  	[sflag:s29] =	ssyncadd.s32 $0xFFFFE000  }
0x140: {  	[spmem:s2] =	stream.indirect.scatter.add.f32 [tilespmem:s22], [sflag:$0x6], $0x80, s30, s16, $0xb8;
	[tilespmem:$0x1EF80] =	vst v63  }
0x141: {  	_ =	swait.ge [sflag:s31], $0x2000  }
0x142: {  	[sflag:s31] =	ssyncset.done $0x0  }
0x143: {  	[sflag:s31] =	ssyncadd.s32 $0xFFFFE000  }
.Ltmp5:
0x144: {  	_ =	swait.ge [sflag:s0], $0x2000;
	(pc) =	sbr.rel @!p0 .LBB2_8-.Ltmp5, $4  }
0x145: {  	[sflag:s0] =	ssyncset.done $0x0  }
0x146: {  	[sflag:s0] =	ssyncadd.s32 $0xFFFFE000  }
0x147: {  	s12 =	sshll.u32 s1, $0x6;
	[bflag:$0x0] =	sbarrier.arrive $0xFFFF  }
0x148: {  	s11 =	sshrl.u32 s8, $0x3;
	s5 =	sshrl.u32 @!p1 s10, $0x3;
	s12 =	sor.u32 $0x1C07, s12  }
0x149: {  	s14 =	rddreg [dreg:$0x6]  }
0x14a: {  	[hbm:s14], [sflag:s12] =	dma.local [spmem:s11], $0x1900  }
0x14b: {  	s11 =	rddreg [dreg:$0x7]  }
0x14c: {  	[hbm:s11], [sflag:s12] =	dma.local @!p1 [spmem:s5], $0x1900  }
.Ltmp6:
0x14d: {  	_ = 	snop;
	(pc) =	sbr.rel @p2 .LBB2_11-.Ltmp6, $4  }
.Ltmp7:
0x14e: {  	_ = 	snop;
	(pc) =	sbr.rel @!p2 .LBB2_10-.Ltmp7, $4  }
0x14f: {  	_ =	swait.ge [sflag:s3], $0x1900  }
0x150: {  	[sflag:s3] =	ssyncset.done $0x0  }
0x151: {  	[sflag:s3] =	ssyncadd.s32 $0xFFFFE700  }
0x152: {  	_ = 	snop  }
.LBB2_8:
0x153: {  	s14 =	rddreg [dreg:$0x4]  }
0x154: {  	[hbm:s14], [sflag:s12] =	dma.local [spmem:s11], $0x1900  }
0x155: {  	s11 =	rddreg [dreg:$0x5]  }
0x156: {  	[hbm:s11], [sflag:s12] =	dma.local @!p1 [spmem:s5], $0x1900  }
.Ltmp8:
0x157: {  	_ = 	snop;
	(pc) =	sbr.rel @p3 .LBB2_10-.Ltmp8, $4  }
.Ltmp9:
0x158: {  	_ = 	snop;
	(pc) =	sbr.rel @!p3 .LBB2_11-.Ltmp9, $4  }
0x159: {  	_ =	swait.ge [sflag:s3], $0x1900  }
0x15a: {  	[sflag:s3] =	ssyncset.done $0x0  }
0x15b: {  	[sflag:s3] =	ssyncadd.s32 $0xFFFFE700  }
0x15c: {  	_ = 	snop  }
.LBB2_12:
0x15d: {  	_ =	sfence.sel $0x180000  }
0x15e: {  	[bflag:$0x0] =	sbarrier.arrive $0xFFFF  }
0x15f: {  	_ =	strace $0x90000047  }
0x160: {  	[bflag:$0x2] =	sbarrier.arrive $0xFFFF  }
0x161: {  	p0 =	sne.s32 s1, $0x0;
	s0 =	rddreg [dreg:$0x2]  }
0x162: {  	s0 =	sadd.s32 @!p0 $0x100000, s0  }
0x163: {  	[sflag:s0] =	ssyncadd.tile.s32 @!p0 $0x1;
	_ =	shalt  }
.Lfunc_end2:
_tile_overlayer_lowered:
.L_overlay_start_2:
0x164: {  	(tag) =	ssettag $0x2  }
0x165: {  	s0 =	rddreg [dreg:$0x0];
	s2 =	stileid.u32  }
0x166: {  	s1 =	rddreg [dreg:$0x1];
	p0 =	sne.s32 s2, $0x0  }
0x167: {  	s3 =	rddreg [dreg:$0x2];
	[bflag:$0x3] =	sbarrier.arrive $0xFFFF;
	s2 =	simm.s32 @!p0 $0x1C08  }
0x168: {  	[timem:s3], [sflag:s2] =	dma.local @!p0 [hbm:s0], s1  }
0x169: {  	s0 =	simm.s32 @!p0 $0x8  }
0x16a: {  	_ =	swait.ge @!p0 [sflag:s0], s1  }
0x16b: {  	s1 =	ssub.s32 @!p0 $0x0, s1;
	[sflag:s0] =	ssyncset.done @!p0 $0x0  }
0x16c: {  	[sflag:s0] =	ssyncadd.s32 @!p0 s1  }
0x16d: {  	[bflag:$0x3] =	sbarrier.arrive $0xFFFF  }
0x16e: {  	_ =	shalt  }

// kernel: kernel.14.cloned.1.call-start
scs
__scs_entry_jumppad:
0x0: {  	(pc) =	sbr.rel $0x88, $3  }
0x1: {  	(tag) =	ssettag $0x0;
	lr =	simm.s32 $0x1  }
0x2: {  	[smem:$0x3F7B] =	sst lr;
	_ =	strace $0xD0000000  }
0x3: {  	_ = 	snop  }
0x4: {  	_ = 	snop  }
0x5: {  	_ = 	snop  }
0x6: {  	_ = 	snop  }
0x7: {  	_ = 	snop  }
__scs_overlays_trampoline_lowered:
0x8: {  	[smem:$0x3F8A] =	sst s0  }
0x9: {  	[smem:$0x3F8B] =	sst s1  }
0xa: {  	[smem:$0x3F8C] =	sst s2  }
0xb: {  	[smem:$0x3F8D] =	sst s3  }
0xc: {  	[smem:$0x3F8E] =	sst s4  }
0xd: {  	[smem:$0x3F8F] =	sst s5  }
0xe: {  	[smem:$0x3F90] =	sst s6  }
0xf: {  	[smem:$0x3F91] =	sst s7  }
0x10: {  	[smem:$0x3F92] =	sst s8  }
0x11: {  	[smem:$0x3F93] =	sst s9;
	s0 =	simm.s32 @!p0 $0x0  }
0x12: {  	s1 =	sld [smem:$0x3F79];
	s0 =	simm.s32 @p0 $0x1  }
0x13: {  	[smem:$0x3F94] =	sst s0;
	s0 =	simm.s32 @!p1 $0x0  }
0x14: {  	s2 =	sld [smem:$0x3F78];
	s0 =	simm.s32 @p1 $0x1  }
0x15: {  	[smem:$0x3F95] =	sst s0;
	s0 =	simm.s32 @!p2 $0x0  }
0x16: {  	s3 =	sld [smem:$0x3FDB];
	s0 =	simm.s32 @p2 $0x1  }
0x17: {  	s4 =	simm.s32 $0x1BF5;
	[smem:$0x3F97] =	sst s0  }
0x18: {  	s0 =	sld [smem:$0x3F7A];
	_ =	swait.ge [sflag:s4], $0x0  }
0x19: {  	s7 =	sld [smem:$0x3F7B]  }
0x1a: {  	s8 =	sadd.s32 $0xFFFFE003, lr  }
0x1b: {  	s9 =	sadd.s32 $0xFFFFFEF7, lr;
	s5 =	simm.s32 $0xFFFFFFFF;
	p2 =	slt.u32 s8, $0xFFFFF086  }
0x1c: {  	p1 =	slt.u32 s9, $0xF7A;
	s5 =	simm.s32 @!p2 $0x0  }
0x1d: {  	s5 =	simm.s32 @p1 $0x1;
	p0 =	seq.s32 s7, s2  }
0x1e: {  	s7 =	smul.u32 @!p0 $0xF7A, s2;
	p2 =	seq.s32 @!p0 s5, $0x0  }
0x1f: {  	s9 =	smul.u32 $0xF7A, s1;
	s8 =	simm.s32 @!p0 $0x1BF5;
	p2 =	por !p2, p0  }
0x20: {  	[sflag:s8] =	ssyncset.s32 @!p0 $0xFFFFF086;
	s6 =	sadd.s32 @!p0 s3, s7;
	s7 =	simm.s32 @!p0 $0x108  }
0x21: {  	s3 =	sadd.s32 s3, s9;
	s6 =	sadd.s32 @!p0 $0x88, s6;
	s7 =	simm.s32 @p2 $0x1082  }
0x22: {  	[simem:s7], [sflag:s8] =	dma.local @!p0 [hbm:s6], $0xF7A  }
0x23: {  	s9 =	sor.u32 $0xD0000000, s2;
	s6 =	simm.s32 $0x108;
	_ =	swait.ge @!p0 [sflag:s8], $0x0  }
0x24: {  	s3 =	sadd.s32 $0x88, s3;
	s6 =	simm.s32 @!p1 $0x1082;
	[sflag:s4] =	ssyncset.s32 $0xFFFFF086  }
0x25: {  	[simem:s6], [sflag:s4] =	dma.local [hbm:s3], $0xF7A  }
0x26: {  	[smem:$0x3F7B] =	sst s1;
	(tag) =	ssettag s2;
	_ =	strace s9  }
0x27: {  	s1 =	sld [smem:$0x3F8B]  }
0x28: {  	s2 =	sld [smem:$0x3F8C]  }
0x29: {  	s4 =	sld [smem:$0x3F8E]  }
0x2a: {  	p0 =	seq.s32 s5, $0x0;
	s5 =	sld [smem:$0x3F8F]  }
0x2b: {  	s6 =	sld [smem:$0x3F90]  }
0x2c: {  	s7 =	sld [smem:$0x3F91]  }
0x2d: {  	s3 =	simm.s32 $0x108;
	s8 =	sld [smem:$0x3F92]  }
0x2e: {  	s3 =	simm.s32 @!p0 $0x1082;
	s9 =	sld [smem:$0x3F93]  }
0x2f: {  	lr =	sadd.s32 s0, s3;
	s0 =	sld [smem:$0x3F8A]  }
0x30: {  	s3 =	sld [smem:$0x3F8D]  }
0x31: {  	[smem:$0x3F96] =	sst s10  }
0x32: {  	s10 =	sld [smem:$0x3F94];
	_ =	sdelay $0x3  }
0x33: {  	p0 =	seq.s32 s10, $0x1;
	s10 =	sld [smem:$0x3F96];
	_ =	sdelay $0x3  }
0x34: {  	[smem:$0x3F96] =	sst s10  }
0x35: {  	s10 =	sld [smem:$0x3F95];
	_ =	sdelay $0x3  }
0x36: {  	p1 =	seq.s32 s10, $0x1;
	s10 =	sld [smem:$0x3F96];
	_ =	sdelay $0x3  }
0x37: {  	[smem:$0x3F96] =	sst s10  }
0x38: {  	s10 =	sld [smem:$0x3F97]  }
0x39: {  	_ = 	snop;
	(pc) =	sbr.ind lr, $3  }
0x3a: {  	_ = 	snop  }
0x3b: {  	_ = 	snop  }
0x3c: {  	p2 =	seq.s32 s10, $0x1;
	s10 =	sld [smem:$0x3F96]  }
0x3d: {  	_ =	shalt  }
0x3e: {  	_ =	shalt  }
0x3f: {  	_ =	shalt  }
0x40: {  	_ =	shalt  }
0x41: {  	_ =	shalt  }
0x42: {  	_ =	shalt  }
0x43: {  	_ =	shalt  }
0x44: {  	_ =	shalt  }
0x45: {  	_ =	shalt  }
0x46: {  	_ =	shalt  }
0x47: {  	_ =	shalt  }
0x48: {  	_ =	shalt  }
0x49: {  	_ =	shalt  }
0x4a: {  	_ =	shalt  }
0x4b: {  	_ =	shalt  }
0x4c: {  	_ =	shalt  }
0x4d: {  	_ =	shalt  }
0x4e: {  	_ =	shalt  }
0x4f: {  	_ =	shalt  }
0x50: {  	_ =	shalt  }
0x51: {  	_ =	shalt  }
0x52: {  	_ =	shalt  }
0x53: {  	_ =	shalt  }
0x54: {  	_ =	shalt  }
0x55: {  	_ =	shalt  }
0x56: {  	_ =	shalt  }
0x57: {  	_ =	shalt  }
0x58: {  	_ =	shalt  }
0x59: {  	_ =	shalt  }
0x5a: {  	_ =	shalt  }
0x5b: {  	_ =	shalt  }
0x5c: {  	_ =	shalt  }
0x5d: {  	_ =	shalt  }
0x5e: {  	_ =	shalt  }
0x5f: {  	_ =	shalt  }
0x60: {  	_ =	shalt  }
0x61: {  	_ =	shalt  }
0x62: {  	_ =	shalt  }
0x63: {  	_ =	shalt  }
0x64: {  	_ =	shalt  }
0x65: {  	_ =	shalt  }
0x66: {  	_ =	shalt  }
0x67: {  	_ =	shalt  }
0x68: {  	_ =	shalt  }
0x69: {  	_ =	shalt  }
0x6a: {  	_ =	shalt  }
0x6b: {  	_ =	shalt  }
0x6c: {  	_ =	shalt  }
0x6d: {  	_ =	shalt  }
0x6e: {  	_ =	shalt  }
0x6f: {  	_ =	shalt  }
0x70: {  	_ =	shalt  }
0x71: {  	_ =	shalt  }
0x72: {  	_ =	shalt  }
0x73: {  	_ =	shalt  }
0x74: {  	_ =	shalt  }
0x75: {  	_ =	shalt  }
0x76: {  	_ =	shalt  }
0x77: {  	_ =	shalt  }
0x78: {  	_ =	shalt  }
0x79: {  	_ =	shalt  }
0x7a: {  	_ =	shalt  }
0x7b: {  	_ =	shalt  }
0x7c: {  	_ =	shalt  }
0x7d: {  	_ =	shalt  }
0x7e: {  	_ =	shalt  }
0x7f: {  	_ =	shalt  }
0x80: {  	_ =	shalt  }
0x81: {  	_ =	shalt  }
0x82: {  	_ =	shalt  }
0x83: {  	_ =	shalt  }
0x84: {  	_ =	shalt  }
0x85: {  	_ =	shalt  }
0x86: {  	_ =	shalt  }
0x87: {  	_ =	shalt  }
.Lfunc_end0:
.L_simem_size_0:
called_computation.1_lowered:
.L_overlay_start_0:
0x88: {  	s2 =	sld [smem:$0x3FD9]  }
0x89: {  	s3 =	sld [smem:$0x3FFE];
	_ =	sdelay $0x1  }
0x8a: {  	s1 =	srdreg.scid  }
0x8b: {  	s0 =	sand.u32 $0x1, s1  }
0x8c: {  	s16 =	sshll.u32 s0, $0xA;
	s2 =	sadd.s32 s3, s2  }
0x8d: {  	s2 =	sadd.s32 s2, s16  }
0x8e: {  	[smem:$0x3FA2] =	sst s2  }
0x8f: {  	_ = 	snop  }
0x90: {  	(tm) =	ssettm $0x1  }
0x91: {  	s17 =	sld [smem:$0x3FFB];
	_ =	sdelay $0x3  }
0x92: {  	_ =	strace s17  }
0x93: {  	s2 =	sld [smem:$0x3FFC];
	_ =	sdelay $0x3  }
0x94: {  	_ =	strace s2  }
0x95: {  	s2 =	sld [smem:$0x3FFD];
	_ =	sdelay $0x3  }
0x96: {  	_ =	strace s2  }
0x97: {  	_ =	strace $0x8FFFFFFF  }
0x98: {  	s18 =	sld [smem:$0x3FDB];
	_ =	sdelay $0x1  }
0x99: {  	s19 =	simm.s32 $_scs_section_size  }
0x9a: {  	s4 =	simm.s32 $_size__tile_overlayer_lowered;
	s5 =	simm.s32 $_tile_overlayer_lowered  }
0x9b: {  	s22 =	simm.s32 $0x1BFF;
	s21 =	sshll.u32 s5, $0x1;
	s2 =	sadd.s32 s19, s18  }
0x9c: {  	s6 =	simm.s32 $0x0;
	s20 =	sshll.u32 s4, $0x1;
	s4 =	sadd.s32 s21, s2  }
0x9d: {  	[timem:s6], [sflag:s22] =	dma.local [hbm:s4], s20  }
0x9e: {  	_ =	swait.ge [sflag:s22], s20  }
0x9f: {  	s3 =	ssub.s32 $0x0, s20;
	[sflag:s22] =	ssyncset.done $0x0  }
0xa0: {  	[sflag:s22] =	ssyncadd.s32 s3;
	_ =	sdelay $0x1  }
0xa1: {  	s23 =	simm.s32 $0x1B8B  }
0xa2: {  	_ =	swait.ge [sflag:s23], $0x1  }
0xa3: {  	[sflag:s23] =	ssyncset.done $0x0  }
0xa4: {  	s25 =	simm.s32 $0x1B8E;
	s24 =	sld [smem:$0x3FFE];
	[sflag:s23] =	ssyncadd.s32 $0xFFFFFFFF  }
0xa5: {  	s26 =	simm.s32 $execute0_lowered;
	[smem:$0x3FD2] =	sst s25  }
0xa6: {  	s4 =	sshll.u32 s26, $0x1;
	_ =	strace $0x80000049;
	[dreg:$0x1] =	wrdreg $0xFFFFFFFF  }
0xa7: {  	s28 =	simm.s32 $_size_execute0_lowered;
	s2 =	sadd.s32 s2, s4;
	[dreg:$0x0] =	wrdreg $0x0  }
0xa8: {  	s4 =	sshll.u32 s28, $0x1;
	[dreg:$0x2] =	wrdreg s2  }
0xa9: {  	[dreg:$0x3] =	wrdreg s4  }
0xaa: {  	[dreg:$0x4] =	wrdreg $0xC0  }
0xab: {  	_ =	task [dreg:s6], $0x5FFFF  }
0xac: {  	[dreg:$0x1] =	wrdreg $0xFFFFFFFF  }
0xad: {  	[dreg:$0x0] =	wrdreg $0x60  }
0xae: {  	[dreg:$0x2] =	wrdreg s24  }
0xaf: {  	[dreg:$0x3] =	wrdreg $0xB7000  }
0xb0: {  	[dreg:$0x4] =	wrdreg $0x9  }
0xb1: {  	_ =	task.clear_ibuf [dreg:s6], $0x5FFFF;
	_ =	strace $0x90000049  }
0xb2: {  	s29 =	simm.s32 $0x9;
	_ =	strace $0x8000004B  }
0xb3: {  	_ =	swait.ge [sflag:s29], $0x1  }
0xb4: {  	[sflag:s29] =	ssyncadd.s32 $0xFFFFFFFF  }
0xb5: {  	_ =	strace $0x9000004B  }
0xb6: {  	_ =	sfence  }
0xb7: {  	s30 =	sld [smem:$0x0];
	_ =	sdelay $0x2  }
0xb8: {  	s31 =	sshll.u32 s1, $0xD;
	s1 =	sshrl.u32 s1, $0x2  }
0xb9: {  	s3 =	sand.u32 $0x4000, s31;
	s1 =	sadd.s32 s1, s30  }
0xba: {  	s0 =	sor.u32 s3, s0;
	s1 =	sshll.u32 s1, $0x11  }
0xbb: {  	s0 =	sor.u32 s1, s0  }
0xbc: {  	s0 =	sadd.s32 $0x8F2B, s0  }
0xbd: {  	[sflag:s0] =	ssyncadd.remote.s32 $0x1  }
0xbe: {  	_ =	sfence.sel $0xFFFF  }
0xbf: {  	[dreg:$0x0] =	wrdreg $0xFFFFFFFF;
	(pc) =	sbr.abs _section_cstart, $3  }
0xc0: {  	[dreg:$0x1] =	wrdreg $0xFFFFFFFF  }
0xc1: {  	_ =	task.clear_ibuf [dreg:s6], $0x2FFFF;
	_ =	strace $0x9FFFFFFF  }
0xc2: {  	(tm) =	ssettm $0x7FFFFFFF  }
0xc3: {  	_ =	shalt  }
tec
execute0_lowered:
.L_overlay_start_1:
0x0: {  	(tag) =	ssettag $0x1  }
0x1: {  	s0 =	srdreg.scid;
	s3 =	rddreg [dreg:$0x0]  }
0x2: {  	s2 =	rddreg [dreg:$0x1];
	s1 =	stileid.u32;
	s5 =	simm.s32 $0x0  }
0x3: {  	s15 =	simm.s32 $0x8;
	s16 =	simm.s32 $0x40;
	s17 =	simm.s32 $0x5000  }
0x4: {  	s18 =	simm.s32 $0x5300;
	s19 =	simm.s32 $0x5100;
	s20 =	simm.s32 $0x7300  }
0x5: {  	s21 =	simm.s32 $0x5200;
	s28 =	simm.s32 $0x4;
	s29 =	simm.s32 $0x3  }
0x6: {  	s30 =	simm.s32 $0x5280;
	s31 =	simm.s32 $0x5;
	s0 =	sand.u32 $0x1, s0  }
0x7: {  	[smem:$0x7FF] =	sst s5;
	s9 =	sadd.s32 $0x43C00, s3;
	s8 =	smul.u32 $0x32000, s1  }
0x8: {  	s11 =	sor.u32 $0x10, s1;
	s24 =	smul.u32 $0x1900, s1;
	s26 =	sshll.u32 s1, $0xA  }
0x9: {  	p2 =	sgt.u32 s1, $0x8;
	p3 =	slt.u32 s1, $0x9;
	s4 =	sshll.u32 s0, $0x4  }
0xa: {  	_ =	strace $0x8000004A;
	s6 =	ssub.s32 $0x2, s0;
	s23 =	smul.u32 $0x32000, s11  }
0xb: {  	p0 =	seq.s32 s0, $0x1;
	s12 =	smul.u32 $0x1900, s11;
	s13 =	sadd.s32 s26, s2  }
0xc: {  	p1 =	sgt.u32 s11, $0x18;
	s26 =	simm.s32 $0x5180;
	s4 =	sor.u32 s1, s4  }
0xd: {  	s7 =	sshrl.u32 s6, $0x1;
	s8 =	sshrl.u32 s8, $0x2;
	s10 =	sadd.s32 s9, s24  }
0xe: {  	s22 =	smul.u32 $0xA00, s4;
	s4 =	sadd.s32 $0x8A00, s3;
	s7 =	ssub.s32 s6, s7  }
0xf: {  	s6 =	ssub.s32 $0x4E2, s1;
	s8 =	sadd.s32 s8, s2;
	[dreg:$0x4] =	wrdreg s10  }
0x10: {  	s25 =	sadd.s32 s9, s12;
	s9 =	simm.s32 $0x0;
	s7 =	smax.u32 s7, $0x1  }
0x11: {  	[dreg:$0x5] =	wrdreg s25;
	s25 =	simm.s32 $0x2;
	s5 =	sadd.s32 s22, s3  }
.Ltmp0:
0x12: {  	s3 =	sadd.s32 $0x6AE00, s3;
	s5 =	sadd.s32 $0x2FC00, s5;
	(pc) =	sbr.rel .LBB2_1-.Ltmp0, $4  }
0x13: {  	s22 =	simm.s32 $0x9300;
	s0 =	sadd.s32 s3, s24;
	[dreg:$0x3] =	wrdreg s5  }
0x14: {  	s3 =	sadd.s32 s3, s12;
	s24 =	simm.s32 $0x5080;
	[dreg:$0x6] =	wrdreg s0  }
0x15: {  	s5 =	sshrl.u32 s23, $0x2;
	[dreg:$0x7] =	wrdreg s3;
	s23 =	simm.s32 $0x1  }
0x16: {  	v0 =	vimm.f32 $0.0e+00;
	s0 =	simm.s32 $0x6;
	s3 =	simm.s32 $0x7;
	s10 =	sadd.s32 s5, s2  }
.LBB2_10:
0x17: {  	_ =	swait.ge [sflag:s3], $0x1900  }
0x18: {  	[sflag:s3] =	ssyncset.done $0x0  }
0x19: {  	[sflag:s3] =	ssyncadd.s32 $0xFFFFE700  }
.LBB2_11:
0x1a: {  	s9 =	sadd.s32 $0x1, s9  }
0x1b: {  	p4 =	sne.s32 s9, s7  }
.Ltmp1:
0x1c: {  	_ = 	snop;
	(pc) =	sbr.rel @!p4 .LBB2_12-.Ltmp1, $1  }
0x1d: {  	_ =	sdelay $0x3  }
.LBB2_1:
0x1e: {  	s5 =	simm.s32 $0x0;
	s11 =	rddreg [dreg:$0x3]  }
0x1f: {  	[tilespmem:s5], [sflag:$0x8] =	stream.linear.gather [hbm4b:s11+s5], $0x4F80, $0x38;
	[tilespmem:$0x1EF80] =	vst v63  }
0x20: {  	_ =	swait.ge [sflag:s15], $0x4F80  }
0x21: {  	[sflag:s15] =	ssyncset.done $0x0  }
0x22: {  	[sflag:s15] =	ssyncadd.s32 $0xFFFFB080  }
0x23: {  	v1 =	vld [tilespmem:$0x0];
	_ =	sdelay $0x1  }
0x24: {  	v2 =	vld [tilespmem:$0x10];
	_ =	sdelay $0x1  }
0x25: {  	v3 =	vld [tilespmem:$0x20]  }
0x26: {  	v4 =	vand.u32 $0xFFFF, v1  }
0x27: {  	v59 =	vld [tilespmem:$0x30];
	v1 =	vshrl.u32 v1, $0x10;
	[tilespmem:$0x5000] =	vst v4  }
0x28: {  	[tilespmem:$0x5080] =	vst v1;
	v1 =	vand.u32 $0xFFFF, v2  }
0x29: {  	[tilespmem:$0x5010] =	vst v1;
	v1 =	vshrl.u32 v2, $0x10  }
0x2a: {  	[tilespmem:$0x5090] =	vst v1;
	v1 =	vand.u32 $0xFFFF, v3  }
0x2b: {  	[tilespmem:$0x5020] =	vst v1;
	v1 =	vshrl.u32 v3, $0x10  }
0x2c: {  	[tilespmem:$0x50A0] =	vst v1;
	v1 =	vand.u32 $0xFFFF, v59  }
0x2d: {  	[tilespmem:$0x5030] =	vst v1;
	v1 =	vshrl.u32 v59, $0x10  }
0x2e: {  	[tilespmem:$0x50B0] =	vst v1  }
0x2f: {  	[tilespmem:s18], [sflag:$0x1] =	stream.indirect.gather [hbm4b:s4+s16], $0x80, s17, s16, $0xb8;
	[tilespmem:$0x1EF80] =	vst v63  }
0x30: {  	v1 =	vld [tilespmem:$0x80];
	_ =	sdelay $0x1  }
0x31: {  	v2 =	vld [tilespmem:$0x90];
	_ =	sdelay $0x1  }
0x32: {  	v3 =	vld [tilespmem:$0xA0]  }
0x33: {  	v60 =	vand.u32 $0xFFFF, v1  }
0x34: {  	v61 =	vld [tilespmem:$0xB0];
	v1 =	vshrl.u32 v1, $0x10;
	[tilespmem:$0x5100] =	vst v60  }
0x35: {  	[tilespmem:$0x5180] =	vst v1;
	v1 =	vand.u32 $0xFFFF, v2  }
0x36: {  	[tilespmem:$0x5110] =	vst v1;
	v1 =	vshrl.u32 v2, $0x10  }
0x37: {  	[tilespmem:$0x5190] =	vst v1;
	v1 =	vand.u32 $0xFFFF, v3  }
0x38: {  	[tilespmem:$0x5120] =	vst v1;
	v1 =	vshrl.u32 v3, $0x10  }
0x39: {  	[tilespmem:$0x51A0] =	vst v1;
	v1 =	vand.u32 $0xFFFF, v61  }
0x3a: {  	[tilespmem:$0x5130] =	vst v1;
	v1 =	vshrl.u32 v61, $0x10  }
0x3b: {  	[tilespmem:$0x51B0] =	vst v1  }
0x3c: {  	[tilespmem:s20], [sflag:$0x2] =	stream.indirect.gather [hbm4b:s4+s16], $0x80, s19, s16, $0xb8;
	[tilespmem:$0x1EF80] =	vst v63  }
0x3d: {  	v1 =	vld [tilespmem:$0x100];
	_ =	sdelay $0x1  }
0x3e: {  	v2 =	vld [tilespmem:$0x110];
	_ =	sdelay $0x1  }
0x3f: {  	v3 =	vld [tilespmem:$0x120]  }
0x40: {  	v62 =	vand.u32 $0xFFFF, v1  }
0x41: {  	v63 =	vld [tilespmem:$0x130];
	v1 =	vshrl.u32 v1, $0x10;
	[tilespmem:$0x5200] =	vst v62  }
0x42: {  	[tilespmem:$0x5280] =	vst v1;
	v1 =	vand.u32 $0xFFFF, v2  }
0x43: {  	[tilespmem:$0x5210] =	vst v1;
	v1 =	vshrl.u32 v2, $0x10  }
0x44: {  	[tilespmem:$0x5290] =	vst v1;
	v1 =	vand.u32 $0xFFFF, v3  }
0x45: {  	[tilespmem:$0x5220] =	vst v1;
	v1 =	vshrl.u32 v3, $0x10  }
0x46: {  	[tilespmem:$0x52A0] =	vst v1;
	v1 =	vand.u32 $0xFFFF, v63  }
0x47: {  	[tilespmem:$0x5230] =	vst v1;
	v1 =	vshrl.u32 v63, $0x10  }
0x48: {  	[tilespmem:$0x52B0] =	vst v1  }
0x49: {  	[tilespmem:s22], [sflag:$0x3] =	stream.indirect.gather [hbm4b:s4+s16], $0x80, s21, s16, $0xb8;
	[tilespmem:$0x1EF80] =	vst v63  }
0x4a: {  	[tilespmem:$0xB300] =	vst v0  }
0x4b: {  	[tilespmem:$0xB310] =	vst v0  }
0x4c: {  	[tilespmem:$0xB320] =	vst v0  }
0x4d: {  	[tilespmem:$0xB330] =	vst v0  }
0x4e: {  	[tilespmem:$0xB340] =	vst v0  }
0x4f: {  	[tilespmem:$0xB350] =	vst v0  }
0x50: {  	[tilespmem:$0xB360] =	vst v0  }
0x51: {  	[tilespmem:$0xB370] =	vst v0  }
0x52: {  	[tilespmem:$0xB380] =	vst v0  }
0x53: {  	[tilespmem:$0xB390] =	vst v0  }
0x54: {  	[tilespmem:$0xB3A0] =	vst v0  }
0x55: {  	[tilespmem:$0xB3B0] =	vst v0  }
0x56: {  	[tilespmem:$0xB3C0] =	vst v0  }
0x57: {  	[tilespmem:$0xB3D0] =	vst v0  }
0x58: {  	[tilespmem:$0xB3E0] =	vst v0  }
0x59: {  	[tilespmem:$0xB3F0] =	vst v0  }
0x5a: {  	[tilespmem:$0xB400] =	vst v0  }
0x5b: {  	[tilespmem:$0xB410] =	vst v0  }
0x5c: {  	[tilespmem:$0xB420] =	vst v0  }
0x5d: {  	[tilespmem:$0xB430] =	vst v0  }
0x5e: {  	[tilespmem:$0xB440] =	vst v0  }
0x5f: {  	[tilespmem:$0xB450] =	vst v0  }
0x60: {  	[tilespmem:$0xB460] =	vst v0  }
0x61: {  	[tilespmem:$0xB470] =	vst v0  }
0x62: {  	[tilespmem:$0xB480] =	vst v0  }
0x63: {  	[tilespmem:$0xB490] =	vst v0  }
0x64: {  	[tilespmem:$0xB4A0] =	vst v0  }
0x65: {  	[tilespmem:$0xB4B0] =	vst v0  }
0x66: {  	[tilespmem:$0xB4C0] =	vst v0  }
0x67: {  	[tilespmem:$0xB4D0] =	vst v0  }
0x68: {  	[tilespmem:$0xB4E0] =	vst v0  }
0x69: {  	[tilespmem:$0xB4F0] =	vst v0  }
0x6a: {  	[tilespmem:$0xB500] =	vst v0  }
0x6b: {  	[tilespmem:$0xB510] =	vst v0  }
0x6c: {  	[tilespmem:$0xB520] =	vst v0  }
0x6d: {  	[tilespmem:$0xB530] =	vst v0  }
0x6e: {  	[tilespmem:$0xB540] =	vst v0  }
0x6f: {  	[tilespmem:$0xB550] =	vst v0  }
0x70: {  	[tilespmem:$0xB560] =	vst v0  }
0x71: {  	[tilespmem:$0xB570] =	vst v0  }
0x72: {  	[tilespmem:$0xB580] =	vst v0  }
0x73: {  	[tilespmem:$0xB590] =	vst v0  }
0x74: {  	[tilespmem:$0xB5A0] =	vst v0  }
0x75: {  	[tilespmem:$0xB5B0] =	vst v0  }
0x76: {  	[tilespmem:$0xB5C0] =	vst v0  }
0x77: {  	[tilespmem:$0xB5D0] =	vst v0  }
0x78: {  	[tilespmem:$0xB5E0] =	vst v0  }
0x79: {  	[tilespmem:$0xB5F0] =	vst v0  }
0x7a: {  	[tilespmem:$0xB600] =	vst v0  }
0x7b: {  	[tilespmem:$0xB610] =	vst v0  }
0x7c: {  	[tilespmem:$0xB620] =	vst v0  }
0x7d: {  	[tilespmem:$0xB630] =	vst v0  }
0x7e: {  	[tilespmem:$0xB640] =	vst v0  }
0x7f: {  	[tilespmem:$0xB650] =	vst v0  }
0x80: {  	[tilespmem:$0xB660] =	vst v0  }
0x81: {  	[tilespmem:$0xB670] =	vst v0  }
0x82: {  	[tilespmem:$0xB680] =	vst v0  }
0x83: {  	[tilespmem:$0xB690] =	vst v0  }
0x84: {  	[tilespmem:$0xB6A0] =	vst v0  }
0x85: {  	[tilespmem:$0xB6B0] =	vst v0  }
0x86: {  	[tilespmem:$0xB6C0] =	vst v0  }
0x87: {  	s14 =	sadd.s32 $0x0, s1;
	[tilespmem:$0xB6D0] =	vst v0  }
0x88: {  	s12 =	sadd.s32 $0x4000, s13;
	p4 =	sgt.u32 s14, $0x4E1;
	[tilespmem:$0xB6E0] =	vst v0  }
0x89: {  	s11 =	simm.s32 $0x10;
	s14 =	smov.u32 s13;
	s5 =	simm.s32 @!p4 $0xB300;
	[tilespmem:$0xB6F0] =	vst v0  }
.LBB2_2:
0x8a: {  	[spmem:s14] =	stream.linear.scatter @!p4 [tilespmem:s5], [sflag:$0x7], $0x400, $0x38;
	[tilespmem:$0x1EF80] =	vst v63  }
0x8b: {  	s5 =	smov.u32 s11;
	s11 =	sadd.s32 $0x10, s11  }
0x8c: {  	p5 =	sne.s32 s11, $0x4F0  }
.Ltmp2:
0x8d: {  	(pc) =	sbr.rel @p5 .LBB2_2-.Ltmp2, $4  }
0x8e: {  	s14 =	smov.u32 s12  }
0x8f: {  	s5 =	sadd.s32 s5, s1  }
0x90: {  	p4 =	sgt.u32 s5, $0x4E1  }
0x91: {  	s12 =	sadd.s32 $0x4000, s12;
	s5 =	simm.s32 @!p4 $0xB300  }
0x92: {  	[spmem:s14] =	stream.linear.scatter @!p4 [tilespmem:s5], [sflag:$0x7], $0x400, $0x38;
	[tilespmem:$0x1EF80] =	vst v63  }
0x93: {  	p4 =	sle.u32 s6, $0x0  }
0x94: {  	s12 =	simm.s32 @!p4 $0x7  }
0x95: {  	_ =	swait.ge @!p4 [sflag:s12], $0x400  }
0x96: {  	s11 =	simm.s32 $0x10;
	[sflag:s12] =	ssyncset.done @!p4 $0x0  }
.LBB2_4:
0x97: {  	s5 =	smov.u32 s11;
	s11 =	sadd.s32 $0x10, s11  }
0x98: {  	[sflag:s12] =	ssyncadd.s32 @!p4 $0xFFFFFC00;
	p5 =	sne.s32 s11, $0x4F0  }
.Ltmp3:
0x99: {  	(pc) =	sbr.rel @p5 .LBB2_4-.Ltmp3, $4  }
0x9a: {  	p4 =	sge.u32 s5, s6  }
0x9b: {  	s12 =	simm.s32 @!p4 $0x7  }
0x9c: {  	_ =	swait.ge @!p4 [sflag:s12], $0x400  }
0x9d: {  	[sflag:s12] =	ssyncset.done @!p4 $0x0  }
0x9e: {  	[sflag:s12] =	ssyncadd.s32 @!p4 $0xFFFFFC00  }
0x9f: {  	[bflag:$0x0] =	sbarrier.arrive $0xFFFF  }
0xa0: {  	_ =	swait.ge [sflag:s23], $0x2000  }
0xa1: {  	[sflag:s23] =	ssyncset.done $0x0  }
0xa2: {  	[sflag:s23] =	ssyncadd.s32 $0xFFFFE000  }
0xa3: {  	[spmem:s2] =	stream.indirect.scatter.add.f32 [tilespmem:s18], [sflag:$0x4], $0x80, s24, s16, $0xb8;
	[tilespmem:$0x1EF80] =	vst v63  }
0xa4: {  	_ =	swait.ge [sflag:s25], $0x2000  }
0xa5: {  	[sflag:s25] =	ssyncset.done $0x0  }
0xa6: {  	[sflag:s25] =	ssyncadd.s32 $0xFFFFE000  }
0xa7: {  	[spmem:s2] =	stream.indirect.scatter.add.f32 [tilespmem:s20], [sflag:$0x5], $0x80, s26, s16, $0xb8;
	[tilespmem:$0x1EF80] =	vst v63  }
0xa8: {  	_ =	swait.ge [sflag:s28], $0x2000  }
0xa9: {  	[sflag:s28] =	ssyncset.done $0x0  }
0xaa: {  	s11 =	simm.s32 $0x2B0;
	[sflag:s28] =	ssyncadd.s32 $0xFFFFE000  }
0xab: {  	v1 =	vld [tilespmem:s11+$0xFFFFFED0];
	_ =	sdelay $0x4  }
0xac: {  	v2 =	vand.u32 $0xFFFF, v1  }
0xad: {  	v1 =	vshrl.u32 v1, $0x10;
	[tilespmem:$0x5000] =	vst v2  }
0xae: {  	[tilespmem:$0x5080] =	vst v1  }
0xaf: {  	v1 =	vld [tilespmem:s11+$0xFFFFFEE0];
	_ =	sdelay $0x4  }
0xb0: {  	v2 =	vand.u32 $0xFFFF, v1  }
0xb1: {  	v1 =	vshrl.u32 v1, $0x10;
	[tilespmem:$0x5010] =	vst v2  }
0xb2: {  	[tilespmem:$0x5090] =	vst v1  }
0xb3: {  	v1 =	vld [tilespmem:s11+$0xFFFFFEF0];
	_ =	sdelay $0x4  }
0xb4: {  	v2 =	vand.u32 $0xFFFF, v1  }
0xb5: {  	v1 =	vshrl.u32 v1, $0x10;
	[tilespmem:$0x5020] =	vst v2  }
0xb6: {  	[tilespmem:$0x50A0] =	vst v1  }
0xb7: {  	v1 =	vld [tilespmem:s11+$0xFFFFFF00];
	_ =	sdelay $0x4  }
0xb8: {  	v2 =	vand.u32 $0xFFFF, v1  }
0xb9: {  	v1 =	vshrl.u32 v1, $0x10;
	[tilespmem:$0x5030] =	vst v2  }
0xba: {  	[tilespmem:$0x50B0] =	vst v1  }
0xbb: {  	[tilespmem:s18], [sflag:$0x1] =	stream.indirect.gather [hbm4b:s4+s16], $0x80, s17, s16, $0xb8;
	[tilespmem:$0x1EF80] =	vst v63  }
0xbc: {  	_ =	swait.ge [sflag:s29], $0x2000  }
0xbd: {  	[sflag:s29] =	ssyncset.done $0x0  }
0xbe: {  	[sflag:s29] =	ssyncadd.s32 $0xFFFFE000  }
0xbf: {  	[spmem:s2] =	stream.indirect.scatter.add.f32 [tilespmem:s22], [sflag:$0x6], $0x80, s30, s16, $0xb8;
	[tilespmem:$0x1EF80] =	vst v63  }
0xc0: {  	_ =	swait.ge [sflag:s31], $0x2000  }
0xc1: {  	[sflag:s31] =	ssyncset.done $0x0  }
0xc2: {  	[sflag:s31] =	ssyncadd.s32 $0xFFFFE000  }
0xc3: {  	v1 =	vld [tilespmem:s11+$0xFFFFFF50];
	_ =	sdelay $0x4  }
0xc4: {  	v2 =	vand.u32 $0xFFFF, v1  }
0xc5: {  	v1 =	vshrl.u32 v1, $0x10;
	[tilespmem:$0x5100] =	vst v2  }
0xc6: {  	[tilespmem:$0x5180] =	vst v1  }
0xc7: {  	v1 =	vld [tilespmem:s11+$0xFFFFFF60];
	_ =	sdelay $0x4  }
0xc8: {  	v2 =	vand.u32 $0xFFFF, v1  }
0xc9: {  	v1 =	vshrl.u32 v1, $0x10;
	[tilespmem:$0x5110] =	vst v2  }
0xca: {  	[tilespmem:$0x5190] =	vst v1  }
0xcb: {  	v1 =	vld [tilespmem:s11+$0xFFFFFF70];
	_ =	sdelay $0x4  }
0xcc: {  	v2 =	vand.u32 $0xFFFF, v1  }
0xcd: {  	v1 =	vshrl.u32 v1, $0x10;
	[tilespmem:$0x5120] =	vst v2  }
0xce: {  	[tilespmem:$0x51A0] =	vst v1  }
0xcf: {  	v1 =	vld [tilespmem:s11+$0xFFFFFF80];
	_ =	sdelay $0x4  }
0xd0: {  	v2 =	vand.u32 $0xFFFF, v1  }
0xd1: {  	v1 =	vshrl.u32 v1, $0x10;
	[tilespmem:$0x5130] =	vst v2  }
0xd2: {  	[tilespmem:$0x51B0] =	vst v1  }
0xd3: {  	[tilespmem:s20], [sflag:$0x2] =	stream.indirect.gather [hbm4b:s4+s16], $0x80, s19, s16, $0xb8;
	[tilespmem:$0x1EF80] =	vst v63  }
0xd4: {  	_ =	swait.ge [sflag:s0], $0x2000  }
0xd5: {  	[sflag:s0] =	ssyncset.done $0x0  }
0xd6: {  	[sflag:s0] =	ssyncadd.s32 $0xFFFFE000  }
0xd7: {  	v1 =	vld [tilespmem:s11+$0xFFFFFFD0];
	_ =	sdelay $0x4  }
0xd8: {  	v2 =	vand.u32 $0xFFFF, v1  }
0xd9: {  	v1 =	vshrl.u32 v1, $0x10;
	[tilespmem:$0x5200] =	vst v2  }
0xda: {  	[tilespmem:$0x5280] =	vst v1  }
0xdb: {  	v1 =	vld [tilespmem:s11+$0xFFFFFFE0];
	_ =	sdelay $0x4  }
0xdc: {  	v2 =	vand.u32 $0xFFFF, v1  }
0xdd: {  	v1 =	vshrl.u32 v1, $0x10;
	[tilespmem:$0x5210] =	vst v2  }
0xde: {  	[tilespmem:$0x5290] =	vst v1  }
0xdf: {  	v1 =	vld [tilespmem:s11+$0xFFFFFFF0];
	_ =	sdelay $0x4  }
0xe0: {  	v2 =	vand.u32 $0xFFFF, v1  }
0xe1: {  	v1 =	vshrl.u32 v1, $0x10;
	[tilespmem:$0x5220] =	vst v2  }
0xe2: {  	[tilespmem:$0x52A0] =	vst v1  }
0xe3: {  	v1 =	vld [tilespmem:s11+$0x0];
	_ =	sdelay $0x4  }
0xe4: {  	v2 =	vand.u32 $0xFFFF, v1  }
0xe5: {  	s11 =	simm.s32 $0x10C0;
	v1 =	vshrl.u32 v1, $0x10;
	[tilespmem:$0x5230] =	vst v2  }
.LBB2_6:
0xe6: {  	p4 =	sne.s32 s11, $0x13CC0;
	[tilespmem:$0x52B0] =	vst v1;
	s5 =	smov.u32 s11;
	s11 =	sadd.s32 $0x600, s11  }
0xe7: {  	[tilespmem:s22], [sflag:$0x3] =	stream.indirect.gather [hbm4b:s4+s16], $0x80, s21, s16, $0xb8;
	[tilespmem:$0x1EF80] =	vst v63  }
0xe8: {  	_ =	swait.ge [sflag:s23], $0x2000  }
0xe9: {  	[sflag:s23] =	ssyncset.done $0x0  }
0xea: {  	[sflag:s23] =	ssyncadd.s32 $0xFFFFE000  }
0xeb: {  	[spmem:s2] =	stream.indirect.scatter.add.f32 [tilespmem:s18], [sflag:$0x4], $0x80, s24, s16, $0xb8;
	[tilespmem:$0x1EF80] =	vst v63  }
0xec: {  	_ =	swait.ge [sflag:s25], $0x2000  }
0xed: {  	[sflag:s25] =	ssyncset.done $0x0  }
0xee: {  	[sflag:s25] =	ssyncadd.s32 $0xFFFFE000  }
0xef: {  	[spmem:s2] =	stream.indirect.scatter.add.f32 [tilespmem:s20], [sflag:$0x5], $0x80, s26, s16, $0xb8;
	[tilespmem:$0x1EF80] =	vst v63  }
0xf0: {  	_ =	swait.ge [sflag:s28], $0x2000  }
0xf1: {  	[sflag:s28] =	ssyncset.done $0x0  }
0xf2: {  	s12 =	sshra.s32 s5, $0x2;
	[sflag:s28] =	ssyncadd.s32 $0xFFFFE000  }
0xf3: {  	v1 =	vld [tilespmem:s12+$0xFFFFFED0];
	_ =	sdelay $0x4  }
0xf4: {  	v2 =	vand.u32 $0xFFFF, v1;
	v1 =	vshrl.u32 v1, $0x10  }
0xf5: {  	[tilespmem:$0x5000] =	vst v2  }
0xf6: {  	[tilespmem:$0x5080] =	vst v1  }
0xf7: {  	v1 =	vld [tilespmem:s12+$0xFFFFFEE0];
	_ =	sdelay $0x4  }
0xf8: {  	v2 =	vand.u32 $0xFFFF, v1;
	v1 =	vshrl.u32 v1, $0x10  }
0xf9: {  	[tilespmem:$0x5010] =	vst v2  }
0xfa: {  	[tilespmem:$0x5090] =	vst v1  }
0xfb: {  	v1 =	vld [tilespmem:s12+$0xFFFFFEF0];
	_ =	sdelay $0x4  }
0xfc: {  	v2 =	vand.u32 $0xFFFF, v1;
	v1 =	vshrl.u32 v1, $0x10  }
0xfd: {  	[tilespmem:$0x5020] =	vst v2  }
0xfe: {  	[tilespmem:$0x50A0] =	vst v1  }
0xff: {  	v1 =	vld [tilespmem:s12+$0xFFFFFF00];
	_ =	sdelay $0x4  }
0x100: {  	v2 =	vand.u32 $0xFFFF, v1;
	v1 =	vshrl.u32 v1, $0x10  }
0x101: {  	[tilespmem:$0x5030] =	vst v2  }
0x102: {  	[tilespmem:$0x50B0] =	vst v1  }
0x103: {  	[tilespmem:s18], [sflag:$0x1] =	stream.indirect.gather [hbm4b:s4+s16], $0x80, s17, s16, $0xb8;
	[tilespmem:$0x1EF80] =	vst v63  }
0x104: {  	_ =	swait.ge [sflag:s29], $0x2000  }
0x105: {  	[sflag:s29] =	ssyncset.done $0x0  }
0x106: {  	[sflag:s29] =	ssyncadd.s32 $0xFFFFE000  }
0x107: {  	[spmem:s2] =	stream.indirect.scatter.add.f32 [tilespmem:s22], [sflag:$0x6], $0x80, s30, s16, $0xb8;
	[tilespmem:$0x1EF80] =	vst v63  }
0x108: {  	_ =	swait.ge [sflag:s31], $0x2000  }
0x109: {  	[sflag:s31] =	ssyncset.done $0x0  }
0x10a: {  	[sflag:s31] =	ssyncadd.s32 $0xFFFFE000  }
0x10b: {  	v1 =	vld [tilespmem:s12+$0xFFFFFF50];
	_ =	sdelay $0x4  }
0x10c: {  	v2 =	vand.u32 $0xFFFF, v1;
	v1 =	vshrl.u32 v1, $0x10  }
0x10d: {  	[tilespmem:$0x5100] =	vst v2  }
0x10e: {  	[tilespmem:$0x5180] =	vst v1  }
0x10f: {  	v1 =	vld [tilespmem:s12+$0xFFFFFF60];
	_ =	sdelay $0x4  }
0x110: {  	v2 =	vand.u32 $0xFFFF, v1;
	v1 =	vshrl.u32 v1, $0x10  }
0x111: {  	[tilespmem:$0x5110] =	vst v2  }
0x112: {  	[tilespmem:$0x5190] =	vst v1  }
0x113: {  	v1 =	vld [tilespmem:s12+$0xFFFFFF70];
	_ =	sdelay $0x4  }
0x114: {  	v2 =	vand.u32 $0xFFFF, v1;
	v1 =	vshrl.u32 v1, $0x10  }
0x115: {  	[tilespmem:$0x5120] =	vst v2  }
0x116: {  	[tilespmem:$0x51A0] =	vst v1  }
0x117: {  	v1 =	vld [tilespmem:s12+$0xFFFFFF80];
	_ =	sdelay $0x4  }
0x118: {  	v2 =	vand.u32 $0xFFFF, v1;
	v1 =	vshrl.u32 v1, $0x10  }
0x119: {  	[tilespmem:$0x5130] =	vst v2  }
0x11a: {  	[tilespmem:$0x51B0] =	vst v1  }
0x11b: {  	[tilespmem:s20], [sflag:$0x2] =	stream.indirect.gather [hbm4b:s4+s16], $0x80, s19, s16, $0xb8;
	[tilespmem:$0x1EF80] =	vst v63  }
0x11c: {  	_ =	swait.ge [sflag:s0], $0x2000  }
0x11d: {  	[sflag:s0] =	ssyncset.done $0x0  }
0x11e: {  	[sflag:s0] =	ssyncadd.s32 $0xFFFFE000  }
0x11f: {  	v1 =	vld [tilespmem:s12+$0xFFFFFFD0];
	_ =	sdelay $0x4  }
0x120: {  	v2 =	vand.u32 $0xFFFF, v1;
	v1 =	vshrl.u32 v1, $0x10  }
0x121: {  	[tilespmem:$0x5200] =	vst v2  }
0x122: {  	[tilespmem:$0x5280] =	vst v1  }
0x123: {  	v1 =	vld [tilespmem:s12+$0xFFFFFFE0];
	_ =	sdelay $0x4  }
0x124: {  	v2 =	vand.u32 $0xFFFF, v1;
	v1 =	vshrl.u32 v1, $0x10  }
0x125: {  	[tilespmem:$0x5210] =	vst v2  }
0x126: {  	[tilespmem:$0x5290] =	vst v1  }
0x127: {  	v1 =	vld [tilespmem:s12+$0xFFFFFFF0];
	_ =	sdelay $0x4  }
0x128: {  	v2 =	vand.u32 $0xFFFF, v1;
	v1 =	vshrl.u32 v1, $0x10  }
0x129: {  	[tilespmem:$0x5220] =	vst v2  }
0x12a: {  	[tilespmem:$0x52A0] =	vst v1  }
0x12b: {  	v1 =	vld [tilespmem:s12+$0x0];
	_ =	sdelay $0x1  }
.Ltmp4:
0x12c: {  	(pc) =	sbr.rel @p4 .LBB2_6-.Ltmp4, $3  }
0x12d: {  	_ =	sdelay $0x1  }
0x12e: {  	v2 =	vand.u32 $0xFFFF, v1;
	v1 =	vshrl.u32 v1, $0x10  }
0x12f: {  	[tilespmem:$0x5230] =	vst v2  }
0x130: {  	[tilespmem:$0x52B0] =	vst v1  }
0x131: {  	[tilespmem:s22], [sflag:$0x3] =	stream.indirect.gather [hbm4b:s4+s16], $0x80, s21, s16, $0xb8;
	[tilespmem:$0x1EF80] =	vst v63  }
0x132: {  	_ =	swait.ge [sflag:s23], $0x2000  }
0x133: {  	[sflag:s23] =	ssyncset.done $0x0  }
0x134: {  	[sflag:s23] =	ssyncadd.s32 $0xFFFFE000  }
0x135: {  	[spmem:s2] =	stream.indirect.scatter.add.f32 [tilespmem:s18], [sflag:$0x4], $0x80, s24, s16, $0xb8;
	[tilespmem:$0x1EF80] =	vst v63  }
0x136: {  	_ =	swait.ge [sflag:s25], $0x2000  }
0x137: {  	[sflag:s25] =	ssyncset.done $0x0  }
0x138: {  	[sflag:s25] =	ssyncadd.s32 $0xFFFFE000  }
0x139: {  	[spmem:s2] =	stream.indirect.scatter.add.f32 [tilespmem:s20], [sflag:$0x5], $0x80, s26, s16, $0xb8;
	[tilespmem:$0x1EF80] =	vst v63  }
0x13a: {  	_ =	swait.ge [sflag:s28], $0x2000  }
0x13b: {  	[sflag:s28] =	ssyncset.done $0x0  }
0x13c: {  	[sflag:s28] =	ssyncadd.s32 $0xFFFFE000  }
0x13d: {  	_ =	swait.ge [sflag:s29], $0x2000  }
0x13e: {  	[sflag:s29] =	ssyncset.done $0x0  }
0x13f: {  	[sflag:s29] =	ssyncadd.s32 $0xFFFFE000  }
0x140: {  	[spmem:s2] =	stream.indirect.scatter.add.f32 [tilespmem:s22], [sflag:$0x6], $0x80, s30, s16, $0xb8;
	[tilespmem:$0x1EF80] =	vst v63  }
0x141: {  	_ =	swait.ge [sflag:s31], $0x2000  }
0x142: {  	[sflag:s31] =	ssyncset.done $0x0  }
0x143: {  	[sflag:s31] =	ssyncadd.s32 $0xFFFFE000  }
.Ltmp5:
0x144: {  	_ =	swait.ge [sflag:s0], $0x2000;
	(pc) =	sbr.rel @!p0 .LBB2_8-.Ltmp5, $4  }
0x145: {  	[sflag:s0] =	ssyncset.done $0x0  }
0x146: {  	[sflag:s0] =	ssyncadd.s32 $0xFFFFE000  }
0x147: {  	s12 =	sshll.u32 s1, $0x6;
	[bflag:$0x0] =	sbarrier.arrive $0xFFFF  }
0x148: {  	s11 =	sshrl.u32 s8, $0x3;
	s5 =	sshrl.u32 @!p1 s10, $0x3;
	s12 =	sor.u32 $0x1C07, s12  }
0x149: {  	s14 =	rddreg [dreg:$0x6]  }
0x14a: {  	[hbm:s14], [sflag:s12] =	dma.local [spmem:s11], $0x1900  }
0x14b: {  	s11 =	rddreg [dreg:$0x7]  }
0x14c: {  	[hbm:s11], [sflag:s12] =	dma.local @!p1 [spmem:s5], $0x1900  }
.Ltmp6:
0x14d: {  	_ = 	snop;
	(pc) =	sbr.rel @p2 .LBB2_11-.Ltmp6, $4  }
.Ltmp7:
0x14e: {  	_ = 	snop;
	(pc) =	sbr.rel @!p2 .LBB2_10-.Ltmp7, $4  }
0x14f: {  	_ =	swait.ge [sflag:s3], $0x1900  }
0x150: {  	[sflag:s3] =	ssyncset.done $0x0  }
0x151: {  	[sflag:s3] =	ssyncadd.s32 $0xFFFFE700  }
0x152: {  	_ = 	snop  }
.LBB2_8:
0x153: {  	s14 =	rddreg [dreg:$0x4]  }
0x154: {  	[hbm:s14], [sflag:s12] =	dma.local [spmem:s11], $0x1900  }
0x155: {  	s11 =	rddreg [dreg:$0x5]  }
0x156: {  	[hbm:s11], [sflag:s12] =	dma.local @!p1 [spmem:s5], $0x1900  }
.Ltmp8:
0x157: {  	_ = 	snop;
	(pc) =	sbr.rel @p3 .LBB2_10-.Ltmp8, $4  }
.Ltmp9:
0x158: {  	_ = 	snop;
	(pc) =	sbr.rel @!p3 .LBB2_11-.Ltmp9, $4  }
0x159: {  	_ =	swait.ge [sflag:s3], $0x1900  }
0x15a: {  	[sflag:s3] =	ssyncset.done $0x0  }
0x15b: {  	[sflag:s3] =	ssyncadd.s32 $0xFFFFE700  }
0x15c: {  	_ = 	snop  }
.LBB2_12:
0x15d: {  	_ =	sfence.sel $0x180000  }
0x15e: {  	[bflag:$0x0] =	sbarrier.arrive $0xFFFF  }
0x15f: {  	_ =	strace $0x9000004A  }
0x160: {  	[bflag:$0x2] =	sbarrier.arrive $0xFFFF  }
0x161: {  	p0 =	sne.s32 s1, $0x0;
	s0 =	rddreg [dreg:$0x2]  }
0x162: {  	s0 =	sadd.s32 @!p0 $0x100000, s0  }
0x163: {  	[sflag:s0] =	ssyncadd.tile.s32 @!p0 $0x1;
	_ =	shalt  }
.Lfunc_end2:
_tile_overlayer_lowered:
.L_overlay_start_2:
0x164: {  	(tag) =	ssettag $0x2  }
0x165: {  	s0 =	rddreg [dreg:$0x0];
	s2 =	stileid.u32  }
0x166: {  	s1 =	rddreg [dreg:$0x1];
	p0 =	sne.s32 s2, $0x0  }
0x167: {  	s3 =	rddreg [dreg:$0x2];
	[bflag:$0x3] =	sbarrier.arrive $0xFFFF;
	s2 =	simm.s32 @!p0 $0x1C08  }
0x168: {  	[timem:s3], [sflag:s2] =	dma.local @!p0 [hbm:s0], s1  }
0x169: {  	s0 =	simm.s32 @!p0 $0x8  }
0x16a: {  	_ =	swait.ge @!p0 [sflag:s0], s1  }
0x16b: {  	s1 =	ssub.s32 @!p0 $0x0, s1;
	[sflag:s0] =	ssyncset.done @!p0 $0x0  }
0x16c: {  	[sflag:s0] =	ssyncadd.s32 @!p0 s1  }
0x16d: {  	[bflag:$0x3] =	sbarrier.arrive $0xFFFF  }
0x16e: {  	_ =	shalt  }

// kernel: kernel.17.cloned.1.call-start
scs
__scs_entry_jumppad:
0x0: {  	(pc) =	sbr.rel $0x88, $3  }
0x1: {  	(tag) =	ssettag $0x0;
	lr =	simm.s32 $0x1  }
0x2: {  	[smem:$0x3F7B] =	sst lr;
	_ =	strace $0xD0000000  }
0x3: {  	_ = 	snop  }
0x4: {  	_ = 	snop  }
0x5: {  	_ = 	snop  }
0x6: {  	_ = 	snop  }
0x7: {  	_ = 	snop  }
__scs_overlays_trampoline_lowered:
0x8: {  	[smem:$0x3F8A] =	sst s0  }
0x9: {  	[smem:$0x3F8B] =	sst s1  }
0xa: {  	[smem:$0x3F8C] =	sst s2  }
0xb: {  	[smem:$0x3F8D] =	sst s3  }
0xc: {  	[smem:$0x3F8E] =	sst s4  }
0xd: {  	[smem:$0x3F8F] =	sst s5  }
0xe: {  	[smem:$0x3F90] =	sst s6  }
0xf: {  	[smem:$0x3F91] =	sst s7  }
0x10: {  	[smem:$0x3F92] =	sst s8  }
0x11: {  	[smem:$0x3F93] =	sst s9;
	s0 =	simm.s32 @!p0 $0x0  }
0x12: {  	s1 =	sld [smem:$0x3F79];
	s0 =	simm.s32 @p0 $0x1  }
0x13: {  	[smem:$0x3F94] =	sst s0;
	s0 =	simm.s32 @!p1 $0x0  }
0x14: {  	s2 =	sld [smem:$0x3F78];
	s0 =	simm.s32 @p1 $0x1  }
0x15: {  	[smem:$0x3F95] =	sst s0;
	s0 =	simm.s32 @!p2 $0x0  }
0x16: {  	s3 =	sld [smem:$0x3FDB];
	s0 =	simm.s32 @p2 $0x1  }
0x17: {  	s4 =	simm.s32 $0x1BF5;
	[smem:$0x3F97] =	sst s0  }
0x18: {  	s0 =	sld [smem:$0x3F7A];
	_ =	swait.ge [sflag:s4], $0x0  }
0x19: {  	s7 =	sld [smem:$0x3F7B]  }
0x1a: {  	s8 =	sadd.s32 $0xFFFFE003, lr  }
0x1b: {  	s9 =	sadd.s32 $0xFFFFFEF7, lr;
	s5 =	simm.s32 $0xFFFFFFFF;
	p2 =	slt.u32 s8, $0xFFFFF086  }
0x1c: {  	p1 =	slt.u32 s9, $0xF7A;
	s5 =	simm.s32 @!p2 $0x0  }
0x1d: {  	s5 =	simm.s32 @p1 $0x1;
	p0 =	seq.s32 s7, s2  }
0x1e: {  	s7 =	smul.u32 @!p0 $0xF7A, s2;
	p2 =	seq.s32 @!p0 s5, $0x0  }
0x1f: {  	s9 =	smul.u32 $0xF7A, s1;
	s8 =	simm.s32 @!p0 $0x1BF5;
	p2 =	por !p2, p0  }
0x20: {  	[sflag:s8] =	ssyncset.s32 @!p0 $0xFFFFF086;
	s6 =	sadd.s32 @!p0 s3, s7;
	s7 =	simm.s32 @!p0 $0x108  }
0x21: {  	s3 =	sadd.s32 s3, s9;
	s6 =	sadd.s32 @!p0 $0x88, s6;
	s7 =	simm.s32 @p2 $0x1082  }
0x22: {  	[simem:s7], [sflag:s8] =	dma.local @!p0 [hbm:s6], $0xF7A  }
0x23: {  	s9 =	sor.u32 $0xD0000000, s2;
	s6 =	simm.s32 $0x108;
	_ =	swait.ge @!p0 [sflag:s8], $0x0  }
0x24: {  	s3 =	sadd.s32 $0x88, s3;
	s6 =	simm.s32 @!p1 $0x1082;
	[sflag:s4] =	ssyncset.s32 $0xFFFFF086  }
0x25: {  	[simem:s6], [sflag:s4] =	dma.local [hbm:s3], $0xF7A  }
0x26: {  	[smem:$0x3F7B] =	sst s1;
	(tag) =	ssettag s2;
	_ =	strace s9  }
0x27: {  	s1 =	sld [smem:$0x3F8B]  }
0x28: {  	s2 =	sld [smem:$0x3F8C]  }
0x29: {  	s4 =	sld [smem:$0x3F8E]  }
0x2a: {  	p0 =	seq.s32 s5, $0x0;
	s5 =	sld [smem:$0x3F8F]  }
0x2b: {  	s6 =	sld [smem:$0x3F90]  }
0x2c: {  	s7 =	sld [smem:$0x3F91]  }
0x2d: {  	s3 =	simm.s32 $0x108;
	s8 =	sld [smem:$0x3F92]  }
0x2e: {  	s3 =	simm.s32 @!p0 $0x1082;
	s9 =	sld [smem:$0x3F93]  }
0x2f: {  	lr =	sadd.s32 s0, s3;
	s0 =	sld [smem:$0x3F8A]  }
0x30: {  	s3 =	sld [smem:$0x3F8D]  }
0x31: {  	[smem:$0x3F96] =	sst s10  }
0x32: {  	s10 =	sld [smem:$0x3F94];
	_ =	sdelay $0x3  }
0x33: {  	p0 =	seq.s32 s10, $0x1;
	s10 =	sld [smem:$0x3F96];
	_ =	sdelay $0x3  }
0x34: {  	[smem:$0x3F96] =	sst s10  }
0x35: {  	s10 =	sld [smem:$0x3F95];
	_ =	sdelay $0x3  }
0x36: {  	p1 =	seq.s32 s10, $0x1;
	s10 =	sld [smem:$0x3F96];
	_ =	sdelay $0x3  }
0x37: {  	[smem:$0x3F96] =	sst s10  }
0x38: {  	s10 =	sld [smem:$0x3F97]  }
0x39: {  	_ = 	snop;
	(pc) =	sbr.ind lr, $3  }
0x3a: {  	_ = 	snop  }
0x3b: {  	_ = 	snop  }
0x3c: {  	p2 =	seq.s32 s10, $0x1;
	s10 =	sld [smem:$0x3F96]  }
0x3d: {  	_ =	shalt  }
0x3e: {  	_ =	shalt  }
0x3f: {  	_ =	shalt  }
0x40: {  	_ =	shalt  }
0x41: {  	_ =	shalt  }
0x42: {  	_ =	shalt  }
0x43: {  	_ =	shalt  }
0x44: {  	_ =	shalt  }
0x45: {  	_ =	shalt  }
0x46: {  	_ =	shalt  }
0x47: {  	_ =	shalt  }
0x48: {  	_ =	shalt  }
0x49: {  	_ =	shalt  }
0x4a: {  	_ =	shalt  }
0x4b: {  	_ =	shalt  }
0x4c: {  	_ =	shalt  }
0x4d: {  	_ =	shalt  }
0x4e: {  	_ =	shalt  }
0x4f: {  	_ =	shalt  }
0x50: {  	_ =	shalt  }
0x51: {  	_ =	shalt  }
0x52: {  	_ =	shalt  }
0x53: {  	_ =	shalt  }
0x54: {  	_ =	shalt  }
0x55: {  	_ =	shalt  }
0x56: {  	_ =	shalt  }
0x57: {  	_ =	shalt  }
0x58: {  	_ =	shalt  }
0x59: {  	_ =	shalt  }
0x5a: {  	_ =	shalt  }
0x5b: {  	_ =	shalt  }
0x5c: {  	_ =	shalt  }
0x5d: {  	_ =	shalt  }
0x5e: {  	_ =	shalt  }
0x5f: {  	_ =	shalt  }
0x60: {  	_ =	shalt  }
0x61: {  	_ =	shalt  }
0x62: {  	_ =	shalt  }
0x63: {  	_ =	shalt  }
0x64: {  	_ =	shalt  }
0x65: {  	_ =	shalt  }
0x66: {  	_ =	shalt  }
0x67: {  	_ =	shalt  }
0x68: {  	_ =	shalt  }
0x69: {  	_ =	shalt  }
0x6a: {  	_ =	shalt  }
0x6b: {  	_ =	shalt  }
0x6c: {  	_ =	shalt  }
0x6d: {  	_ =	shalt  }
0x6e: {  	_ =	shalt  }
0x6f: {  	_ =	shalt  }
0x70: {  	_ =	shalt  }
0x71: {  	_ =	shalt  }
0x72: {  	_ =	shalt  }
0x73: {  	_ =	shalt  }
0x74: {  	_ =	shalt  }
0x75: {  	_ =	shalt  }
0x76: {  	_ =	shalt  }
0x77: {  	_ =	shalt  }
0x78: {  	_ =	shalt  }
0x79: {  	_ =	shalt  }
0x7a: {  	_ =	shalt  }
0x7b: {  	_ =	shalt  }
0x7c: {  	_ =	shalt  }
0x7d: {  	_ =	shalt  }
0x7e: {  	_ =	shalt  }
0x7f: {  	_ =	shalt  }
0x80: {  	_ =	shalt  }
0x81: {  	_ =	shalt  }
0x82: {  	_ =	shalt  }
0x83: {  	_ =	shalt  }
0x84: {  	_ =	shalt  }
0x85: {  	_ =	shalt  }
0x86: {  	_ =	shalt  }
0x87: {  	_ =	shalt  }
.Lfunc_end0:
.L_simem_size_0:
called_computation.2_lowered:
.L_overlay_start_0:
0x88: {  	s2 =	sld [smem:$0x3FD9]  }
0x89: {  	s3 =	sld [smem:$0x3FFE];
	_ =	sdelay $0x1  }
0x8a: {  	s1 =	srdreg.scid  }
0x8b: {  	s0 =	sand.u32 $0x1, s1  }
0x8c: {  	s16 =	sshll.u32 s0, $0xA;
	s2 =	sadd.s32 s3, s2  }
0x8d: {  	s2 =	sadd.s32 s2, s16  }
0x8e: {  	[smem:$0x3FA2] =	sst s2  }
0x8f: {  	_ = 	snop  }
0x90: {  	(tm) =	ssettm $0x1  }
0x91: {  	s17 =	sld [smem:$0x3FFB];
	_ =	sdelay $0x3  }
0x92: {  	_ =	strace s17  }
0x93: {  	s2 =	sld [smem:$0x3FFC];
	_ =	sdelay $0x3  }
0x94: {  	_ =	strace s2  }
0x95: {  	s2 =	sld [smem:$0x3FFD];
	_ =	sdelay $0x3  }
0x96: {  	_ =	strace s2  }
0x97: {  	_ =	strace $0x8FFFFFFF  }
0x98: {  	s18 =	sld [smem:$0x3FDB];
	_ =	sdelay $0x1  }
0x99: {  	s19 =	simm.s32 $_scs_section_size  }
0x9a: {  	s4 =	simm.s32 $_size__tile_overlayer_lowered;
	s5 =	simm.s32 $_tile_overlayer_lowered  }
0x9b: {  	s22 =	simm.s32 $0x1BFF;
	s21 =	sshll.u32 s5, $0x1;
	s2 =	sadd.s32 s19, s18  }
0x9c: {  	s6 =	simm.s32 $0x0;
	s20 =	sshll.u32 s4, $0x1;
	s4 =	sadd.s32 s21, s2  }
0x9d: {  	[timem:s6], [sflag:s22] =	dma.local [hbm:s4], s20  }
0x9e: {  	_ =	swait.ge [sflag:s22], s20  }
0x9f: {  	s3 =	ssub.s32 $0x0, s20;
	[sflag:s22] =	ssyncset.done $0x0  }
0xa0: {  	[sflag:s22] =	ssyncadd.s32 s3;
	_ =	sdelay $0x1  }
0xa1: {  	s23 =	simm.s32 $0x1B8B  }
0xa2: {  	_ =	swait.ge [sflag:s23], $0x1  }
0xa3: {  	[sflag:s23] =	ssyncset.done $0x0  }
0xa4: {  	s25 =	simm.s32 $0x1B8E;
	s24 =	sld [smem:$0x3FFE];
	[sflag:s23] =	ssyncadd.s32 $0xFFFFFFFF  }
0xa5: {  	s26 =	simm.s32 $execute0_lowered;
	[smem:$0x3FD2] =	sst s25  }
0xa6: {  	s4 =	sshll.u32 s26, $0x1;
	_ =	strace $0x8000004C;
	[dreg:$0x1] =	wrdreg $0xFFFFFFFF  }
0xa7: {  	s28 =	simm.s32 $_size_execute0_lowered;
	s2 =	sadd.s32 s2, s4;
	[dreg:$0x0] =	wrdreg $0x0  }
0xa8: {  	s4 =	sshll.u32 s28, $0x1;
	[dreg:$0x2] =	wrdreg s2  }
0xa9: {  	[dreg:$0x3] =	wrdreg s4  }
0xaa: {  	[dreg:$0x4] =	wrdreg $0xC0  }
0xab: {  	_ =	task [dreg:s6], $0x5FFFF  }
0xac: {  	[dreg:$0x1] =	wrdreg $0xFFFFFFFF  }
0xad: {  	[dreg:$0x0] =	wrdreg $0x60  }
0xae: {  	[dreg:$0x2] =	wrdreg s24  }
0xaf: {  	[dreg:$0x3] =	wrdreg $0xB7000  }
0xb0: {  	[dreg:$0x4] =	wrdreg $0x9  }
0xb1: {  	_ =	task.clear_ibuf [dreg:s6], $0x5FFFF;
	_ =	strace $0x9000004C  }
0xb2: {  	s29 =	simm.s32 $0x9;
	_ =	strace $0x8000004E  }
0xb3: {  	_ =	swait.ge [sflag:s29], $0x1  }
0xb4: {  	[sflag:s29] =	ssyncadd.s32 $0xFFFFFFFF  }
0xb5: {  	_ =	strace $0x9000004E  }
0xb6: {  	_ =	sfence  }
0xb7: {  	s30 =	sld [smem:$0x0];
	_ =	sdelay $0x2  }
0xb8: {  	s31 =	sshll.u32 s1, $0xD;
	s1 =	sshrl.u32 s1, $0x2  }
0xb9: {  	s3 =	sand.u32 $0x4000, s31;
	s1 =	sadd.s32 s1, s30  }
0xba: {  	s0 =	sor.u32 s3, s0;
	s1 =	sshll.u32 s1, $0x11  }
0xbb: {  	s0 =	sor.u32 s1, s0  }
0xbc: {  	s0 =	sadd.s32 $0x8F2B, s0  }
0xbd: {  	[sflag:s0] =	ssyncadd.remote.s32 $0x1  }
0xbe: {  	_ =	sfence.sel $0xFFFF  }
0xbf: {  	[dreg:$0x0] =	wrdreg $0xFFFFFFFF;
	(pc) =	sbr.abs _section_cstart, $3  }
0xc0: {  	[dreg:$0x1] =	wrdreg $0xFFFFFFFF  }
0xc1: {  	_ =	task.clear_ibuf [dreg:s6], $0x2FFFF;
	_ =	strace $0x9FFFFFFF  }
0xc2: {  	(tm) =	ssettm $0x7FFFFFFF  }
0xc3: {  	_ =	shalt  }
tec
execute0_lowered:
.L_overlay_start_1:
0x0: {  	(tag) =	ssettag $0x1  }
0x1: {  	s0 =	srdreg.scid;
	s3 =	rddreg [dreg:$0x0]  }
0x2: {  	s2 =	rddreg [dreg:$0x1];
	s1 =	stileid.u32;
	s5 =	simm.s32 $0x0  }
0x3: {  	s15 =	simm.s32 $0x8;
	s16 =	simm.s32 $0x40;
	s17 =	simm.s32 $0x5000  }
0x4: {  	s18 =	simm.s32 $0x5300;
	s19 =	simm.s32 $0x5100;
	s20 =	simm.s32 $0x7300  }
0x5: {  	s21 =	simm.s32 $0x5200;
	s28 =	simm.s32 $0x4;
	s29 =	simm.s32 $0x3  }
0x6: {  	s30 =	simm.s32 $0x5280;
	s31 =	simm.s32 $0x5;
	s0 =	sand.u32 $0x1, s0  }
0x7: {  	[smem:$0x7FF] =	sst s5;
	s9 =	sadd.s32 $0x43C00, s3;
	s8 =	smul.u32 $0x32000, s1  }
0x8: {  	s11 =	sor.u32 $0x10, s1;
	s24 =	smul.u32 $0x1900, s1;
	s26 =	sshll.u32 s1, $0xA  }
0x9: {  	p2 =	sgt.u32 s1, $0x8;
	p3 =	slt.u32 s1, $0x9;
	s4 =	sshll.u32 s0, $0x4  }
0xa: {  	_ =	strace $0x8000004D;
	s6 =	ssub.s32 $0x2, s0;
	s23 =	smul.u32 $0x32000, s11  }
0xb: {  	p0 =	seq.s32 s0, $0x1;
	s12 =	smul.u32 $0x1900, s11;
	s13 =	sadd.s32 s26, s2  }
0xc: {  	p1 =	sgt.u32 s11, $0x18;
	s26 =	simm.s32 $0x5180;
	s4 =	sor.u32 s1, s4  }
0xd: {  	s7 =	sshrl.u32 s6, $0x1;
	s8 =	sshrl.u32 s8, $0x2;
	s10 =	sadd.s32 s9, s24  }
0xe: {  	s22 =	smul.u32 $0xA00, s4;
	s4 =	sadd.s32 $0x8A00, s3;
	s7 =	ssub.s32 s6, s7  }
0xf: {  	s6 =	ssub.s32 $0x4E2, s1;
	s8 =	sadd.s32 s8, s2;
	[dreg:$0x4] =	wrdreg s10  }
0x10: {  	s25 =	sadd.s32 s9, s12;
	s9 =	simm.s32 $0x0;
	s7 =	smax.u32 s7, $0x1  }
0x11: {  	[dreg:$0x5] =	wrdreg s25;
	s25 =	simm.s32 $0x2;
	s5 =	sadd.s32 s22, s3  }
.Ltmp0:
0x12: {  	s3 =	sadd.s32 $0x6AE00, s3;
	s5 =	sadd.s32 $0x2FC00, s5;
	(pc) =	sbr.rel .LBB2_1-.Ltmp0, $4  }
0x13: {  	s22 =	simm.s32 $0x9300;
	s0 =	sadd.s32 s3, s24;
	[dreg:$0x3] =	wrdreg s5  }
0x14: {  	s3 =	sadd.s32 s3, s12;
	s24 =	simm.s32 $0x5080;
	[dreg:$0x6] =	wrdreg s0  }
0x15: {  	s5 =	sshrl.u32 s23, $0x2;
	[dreg:$0x7] =	wrdreg s3;
	s23 =	simm.s32 $0x1  }
0x16: {  	v0 =	vimm.f32 $0.0e+00;
	s0 =	simm.s32 $0x6;
	s3 =	simm.s32 $0x7;
	s10 =	sadd.s32 s5, s2  }
.LBB2_10:
0x17: {  	_ =	swait.ge [sflag:s3], $0x1900  }
0x18: {  	[sflag:s3] =	ssyncset.done $0x0  }
0x19: {  	[sflag:s3] =	ssyncadd.s32 $0xFFFFE700  }
.LBB2_11:
0x1a: {  	s9 =	sadd.s32 $0x1, s9  }
0x1b: {  	p4 =	sne.s32 s9, s7  }
.Ltmp1:
0x1c: {  	_ = 	snop;
	(pc) =	sbr.rel @!p4 .LBB2_12-.Ltmp1, $1  }
0x1d: {  	_ =	sdelay $0x3  }
.LBB2_1:
0x1e: {  	s5 =	simm.s32 $0x0;
	s11 =	rddreg [dreg:$0x3]  }
0x1f: {  	[tilespmem:s5], [sflag:$0x8] =	stream.linear.gather [hbm4b:s11+s5], $0x4F80, $0x38;
	[tilespmem:$0x1EF80] =	vst v63  }
0x20: {  	_ =	swait.ge [sflag:s15], $0x4F80  }
0x21: {  	[sflag:s15] =	ssyncset.done $0x0  }
0x22: {  	[sflag:s15] =	ssyncadd.s32 $0xFFFFB080  }
0x23: {  	v1 =	vld [tilespmem:$0x0];
	_ =	sdelay $0x1  }
0x24: {  	v2 =	vld [tilespmem:$0x10];
	_ =	sdelay $0x1  }
0x25: {  	v3 =	vld [tilespmem:$0x20]  }
0x26: {  	v4 =	vand.u32 $0xFFFF, v1  }
0x27: {  	v59 =	vld [tilespmem:$0x30];
	v1 =	vshrl.u32 v1, $0x10;
	[tilespmem:$0x5000] =	vst v4  }
0x28: {  	[tilespmem:$0x5080] =	vst v1;
	v1 =	vand.u32 $0xFFFF, v2  }
0x29: {  	[tilespmem:$0x5010] =	vst v1;
	v1 =	vshrl.u32 v2, $0x10  }
0x2a: {  	[tilespmem:$0x5090] =	vst v1;
	v1 =	vand.u32 $0xFFFF, v3  }
0x2b: {  	[tilespmem:$0x5020] =	vst v1;
	v1 =	vshrl.u32 v3, $0x10  }
0x2c: {  	[tilespmem:$0x50A0] =	vst v1;
	v1 =	vand.u32 $0xFFFF, v59  }
0x2d: {  	[tilespmem:$0x5030] =	vst v1;
	v1 =	vshrl.u32 v59, $0x10  }
0x2e: {  	[tilespmem:$0x50B0] =	vst v1  }
0x2f: {  	[tilespmem:s18], [sflag:$0x1] =	stream.indirect.gather [hbm4b:s4+s16], $0x80, s17, s16, $0xb8;
	[tilespmem:$0x1EF80] =	vst v63  }
0x30: {  	v1 =	vld [tilespmem:$0x80];
	_ =	sdelay $0x1  }
0x31: {  	v2 =	vld [tilespmem:$0x90];
	_ =	sdelay $0x1  }
0x32: {  	v3 =	vld [tilespmem:$0xA0]  }
0x33: {  	v60 =	vand.u32 $0xFFFF, v1  }
0x34: {  	v61 =	vld [tilespmem:$0xB0];
	v1 =	vshrl.u32 v1, $0x10;
	[tilespmem:$0x5100] =	vst v60  }
0x35: {  	[tilespmem:$0x5180] =	vst v1;
	v1 =	vand.u32 $0xFFFF, v2  }
0x36: {  	[tilespmem:$0x5110] =	vst v1;
	v1 =	vshrl.u32 v2, $0x10  }
0x37: {  	[tilespmem:$0x5190] =	vst v1;
	v1 =	vand.u32 $0xFFFF, v3  }
0x38: {  	[tilespmem:$0x5120] =	vst v1;
	v1 =	vshrl.u32 v3, $0x10  }
0x39: {  	[tilespmem:$0x51A0] =	vst v1;
	v1 =	vand.u32 $0xFFFF, v61  }
0x3a: {  	[tilespmem:$0x5130] =	vst v1;
	v1 =	vshrl.u32 v61, $0x10  }
0x3b: {  	[tilespmem:$0x51B0] =	vst v1  }
0x3c: {  	[tilespmem:s20], [sflag:$0x2] =	stream.indirect.gather [hbm4b:s4+s16], $0x80, s19, s16, $0xb8;
	[tilespmem:$0x1EF80] =	vst v63  }
0x3d: {  	v1 =	vld [tilespmem:$0x100];
	_ =	sdelay $0x1  }
0x3e: {  	v2 =	vld [tilespmem:$0x110];
	_ =	sdelay $0x1  }
0x3f: {  	v3 =	vld [tilespmem:$0x120]  }
0x40: {  	v62 =	vand.u32 $0xFFFF, v1  }
0x41: {  	v63 =	vld [tilespmem:$0x130];
	v1 =	vshrl.u32 v1, $0x10;
	[tilespmem:$0x5200] =	vst v62  }
0x42: {  	[tilespmem:$0x5280] =	vst v1;
	v1 =	vand.u32 $0xFFFF, v2  }
0x43: {  	[tilespmem:$0x5210] =	vst v1;
	v1 =	vshrl.u32 v2, $0x10  }
0x44: {  	[tilespmem:$0x5290] =	vst v1;
	v1 =	vand.u32 $0xFFFF, v3  }
0x45: {  	[tilespmem:$0x5220] =	vst v1;
	v1 =	vshrl.u32 v3, $0x10  }
0x46: {  	[tilespmem:$0x52A0] =	vst v1;
	v1 =	vand.u32 $0xFFFF, v63  }
0x47: {  	[tilespmem:$0x5230] =	vst v1;
	v1 =	vshrl.u32 v63, $0x10  }
0x48: {  	[tilespmem:$0x52B0] =	vst v1  }
0x49: {  	[tilespmem:s22], [sflag:$0x3] =	stream.indirect.gather [hbm4b:s4+s16], $0x80, s21, s16, $0xb8;
	[tilespmem:$0x1EF80] =	vst v63  }
0x4a: {  	[tilespmem:$0xB300] =	vst v0  }
0x4b: {  	[tilespmem:$0xB310] =	vst v0  }
0x4c: {  	[tilespmem:$0xB320] =	vst v0  }
0x4d: {  	[tilespmem:$0xB330] =	vst v0  }
0x4e: {  	[tilespmem:$0xB340] =	vst v0  }
0x4f: {  	[tilespmem:$0xB350] =	vst v0  }
0x50: {  	[tilespmem:$0xB360] =	vst v0  }
0x51: {  	[tilespmem:$0xB370] =	vst v0  }
0x52: {  	[tilespmem:$0xB380] =	vst v0  }
0x53: {  	[tilespmem:$0xB390] =	vst v0  }
0x54: {  	[tilespmem:$0xB3A0] =	vst v0  }
0x55: {  	[tilespmem:$0xB3B0] =	vst v0  }
0x56: {  	[tilespmem:$0xB3C0] =	vst v0  }
0x57: {  	[tilespmem:$0xB3D0] =	vst v0  }
0x58: {  	[tilespmem:$0xB3E0] =	vst v0  }
0x59: {  	[tilespmem:$0xB3F0] =	vst v0  }
0x5a: {  	[tilespmem:$0xB400] =	vst v0  }
0x5b: {  	[tilespmem:$0xB410] =	vst v0  }
0x5c: {  	[tilespmem:$0xB420] =	vst v0  }
0x5d: {  	[tilespmem:$0xB430] =	vst v0  }
0x5e: {  	[tilespmem:$0xB440] =	vst v0  }
0x5f: {  	[tilespmem:$0xB450] =	vst v0  }
0x60: {  	[tilespmem:$0xB460] =	vst v0  }
0x61: {  	[tilespmem:$0xB470] =	vst v0  }
0x62: {  	[tilespmem:$0xB480] =	vst v0  }
0x63: {  	[tilespmem:$0xB490] =	vst v0  }
0x64: {  	[tilespmem:$0xB4A0] =	vst v0  }
0x65: {  	[tilespmem:$0xB4B0] =	vst v0  }
0x66: {  	[tilespmem:$0xB4C0] =	vst v0  }
0x67: {  	[tilespmem:$0xB4D0] =	vst v0  }
0x68: {  	[tilespmem:$0xB4E0] =	vst v0  }
0x69: {  	[tilespmem:$0xB4F0] =	vst v0  }
0x6a: {  	[tilespmem:$0xB500] =	vst v0  }
0x6b: {  	[tilespmem:$0xB510] =	vst v0  }
0x6c: {  	[tilespmem:$0xB520] =	vst v0  }
0x6d: {  	[tilespmem:$0xB530] =	vst v0  }
0x6e: {  	[tilespmem:$0xB540] =	vst v0  }
0x6f: {  	[tilespmem:$0xB550] =	vst v0  }
0x70: {  	[tilespmem:$0xB560] =	vst v0  }
0x71: {  	[tilespmem:$0xB570] =	vst v0  }
0x72: {  	[tilespmem:$0xB580] =	vst v0  }
0x73: {  	[tilespmem:$0xB590] =	vst v0  }
0x74: {  	[tilespmem:$0xB5A0] =	vst v0  }
0x75: {  	[tilespmem:$0xB5B0] =	vst v0  }
0x76: {  	[tilespmem:$0xB5C0] =	vst v0  }
0x77: {  	[tilespmem:$0xB5D0] =	vst v0  }
0x78: {  	[tilespmem:$0xB5E0] =	vst v0  }
0x79: {  	[tilespmem:$0xB5F0] =	vst v0  }
0x7a: {  	[tilespmem:$0xB600] =	vst v0  }
0x7b: {  	[tilespmem:$0xB610] =	vst v0  }
0x7c: {  	[tilespmem:$0xB620] =	vst v0  }
0x7d: {  	[tilespmem:$0xB630] =	vst v0  }
0x7e: {  	[tilespmem:$0xB640] =	vst v0  }
0x7f: {  	[tilespmem:$0xB650] =	vst v0  }
0x80: {  	[tilespmem:$0xB660] =	vst v0  }
0x81: {  	[tilespmem:$0xB670] =	vst v0  }
0x82: {  	[tilespmem:$0xB680] =	vst v0  }
0x83: {  	[tilespmem:$0xB690] =	vst v0  }
0x84: {  	[tilespmem:$0xB6A0] =	vst v0  }
0x85: {  	[tilespmem:$0xB6B0] =	vst v0  }
0x86: {  	[tilespmem:$0xB6C0] =	vst v0  }
0x87: {  	s14 =	sadd.s32 $0x0, s1;
	[tilespmem:$0xB6D0] =	vst v0  }
0x88: {  	s12 =	sadd.s32 $0x4000, s13;
	p4 =	sgt.u32 s14, $0x4E1;
	[tilespmem:$0xB6E0] =	vst v0  }
0x89: {  	s11 =	simm.s32 $0x10;
	s14 =	smov.u32 s13;
	s5 =	simm.s32 @!p4 $0xB300;
	[tilespmem:$0xB6F0] =	vst v0  }
.LBB2_2:
0x8a: {  	[spmem:s14] =	stream.linear.scatter @!p4 [tilespmem:s5], [sflag:$0x7], $0x400, $0x38;
	[tilespmem:$0x1EF80] =	vst v63  }
0x8b: {  	s5 =	smov.u32 s11;
	s11 =	sadd.s32 $0x10, s11  }
0x8c: {  	p5 =	sne.s32 s11, $0x4F0  }
.Ltmp2:
0x8d: {  	(pc) =	sbr.rel @p5 .LBB2_2-.Ltmp2, $4  }
0x8e: {  	s14 =	smov.u32 s12  }
0x8f: {  	s5 =	sadd.s32 s5, s1  }
0x90: {  	p4 =	sgt.u32 s5, $0x4E1  }
0x91: {  	s12 =	sadd.s32 $0x4000, s12;
	s5 =	simm.s32 @!p4 $0xB300  }
0x92: {  	[spmem:s14] =	stream.linear.scatter @!p4 [tilespmem:s5], [sflag:$0x7], $0x400, $0x38;
	[tilespmem:$0x1EF80] =	vst v63  }
0x93: {  	p4 =	sle.u32 s6, $0x0  }
0x94: {  	s12 =	simm.s32 @!p4 $0x7  }
0x95: {  	_ =	swait.ge @!p4 [sflag:s12], $0x400  }
0x96: {  	s11 =	simm.s32 $0x10;
	[sflag:s12] =	ssyncset.done @!p4 $0x0  }
.LBB2_4:
0x97: {  	s5 =	smov.u32 s11;
	s11 =	sadd.s32 $0x10, s11  }
0x98: {  	[sflag:s12] =	ssyncadd.s32 @!p4 $0xFFFFFC00;
	p5 =	sne.s32 s11, $0x4F0  }
.Ltmp3:
0x99: {  	(pc) =	sbr.rel @p5 .LBB2_4-.Ltmp3, $4  }
0x9a: {  	p4 =	sge.u32 s5, s6  }
0x9b: {  	s12 =	simm.s32 @!p4 $0x7  }
0x9c: {  	_ =	swait.ge @!p4 [sflag:s12], $0x400  }
0x9d: {  	[sflag:s12] =	ssyncset.done @!p4 $0x0  }
0x9e: {  	[sflag:s12] =	ssyncadd.s32 @!p4 $0xFFFFFC00  }
0x9f: {  	[bflag:$0x0] =	sbarrier.arrive $0xFFFF  }
0xa0: {  	_ =	swait.ge [sflag:s23], $0x2000  }
0xa1: {  	[sflag:s23] =	ssyncset.done $0x0  }
0xa2: {  	[sflag:s23] =	ssyncadd.s32 $0xFFFFE000  }
0xa3: {  	[spmem:s2] =	stream.indirect.scatter.add.f32 [tilespmem:s18], [sflag:$0x4], $0x80, s24, s16, $0xb8;
	[tilespmem:$0x1EF80] =	vst v63  }
0xa4: {  	_ =	swait.ge [sflag:s25], $0x2000  }
0xa5: {  	[sflag:s25] =	ssyncset.done $0x0  }
0xa6: {  	[sflag:s25] =	ssyncadd.s32 $0xFFFFE000  }
0xa7: {  	[spmem:s2] =	stream.indirect.scatter.add.f32 [tilespmem:s20], [sflag:$0x5], $0x80, s26, s16, $0xb8;
	[tilespmem:$0x1EF80] =	vst v63  }
0xa8: {  	_ =	swait.ge [sflag:s28], $0x2000  }
0xa9: {  	[sflag:s28] =	ssyncset.done $0x0  }
0xaa: {  	s11 =	simm.s32 $0x2B0;
	[sflag:s28] =	ssyncadd.s32 $0xFFFFE000  }
0xab: {  	v1 =	vld [tilespmem:s11+$0xFFFFFED0];
	_ =	sdelay $0x4  }
0xac: {  	v2 =	vand.u32 $0xFFFF, v1  }
0xad: {  	v1 =	vshrl.u32 v1, $0x10;
	[tilespmem:$0x5000] =	vst v2  }
0xae: {  	[tilespmem:$0x5080] =	vst v1  }
0xaf: {  	v1 =	vld [tilespmem:s11+$0xFFFFFEE0];
	_ =	sdelay $0x4  }
0xb0: {  	v2 =	vand.u32 $0xFFFF, v1  }
0xb1: {  	v1 =	vshrl.u32 v1, $0x10;
	[tilespmem:$0x5010] =	vst v2  }
0xb2: {  	[tilespmem:$0x5090] =	vst v1  }
0xb3: {  	v1 =	vld [tilespmem:s11+$0xFFFFFEF0];
	_ =	sdelay $0x4  }
0xb4: {  	v2 =	vand.u32 $0xFFFF, v1  }
0xb5: {  	v1 =	vshrl.u32 v1, $0x10;
	[tilespmem:$0x5020] =	vst v2  }
0xb6: {  	[tilespmem:$0x50A0] =	vst v1  }
0xb7: {  	v1 =	vld [tilespmem:s11+$0xFFFFFF00];
	_ =	sdelay $0x4  }
0xb8: {  	v2 =	vand.u32 $0xFFFF, v1  }
0xb9: {  	v1 =	vshrl.u32 v1, $0x10;
	[tilespmem:$0x5030] =	vst v2  }
0xba: {  	[tilespmem:$0x50B0] =	vst v1  }
0xbb: {  	[tilespmem:s18], [sflag:$0x1] =	stream.indirect.gather [hbm4b:s4+s16], $0x80, s17, s16, $0xb8;
	[tilespmem:$0x1EF80] =	vst v63  }
0xbc: {  	_ =	swait.ge [sflag:s29], $0x2000  }
0xbd: {  	[sflag:s29] =	ssyncset.done $0x0  }
0xbe: {  	[sflag:s29] =	ssyncadd.s32 $0xFFFFE000  }
0xbf: {  	[spmem:s2] =	stream.indirect.scatter.add.f32 [tilespmem:s22], [sflag:$0x6], $0x80, s30, s16, $0xb8;
	[tilespmem:$0x1EF80] =	vst v63  }
0xc0: {  	_ =	swait.ge [sflag:s31], $0x2000  }
0xc1: {  	[sflag:s31] =	ssyncset.done $0x0  }
0xc2: {  	[sflag:s31] =	ssyncadd.s32 $0xFFFFE000  }
0xc3: {  	v1 =	vld [tilespmem:s11+$0xFFFFFF50];
	_ =	sdelay $0x4  }
0xc4: {  	v2 =	vand.u32 $0xFFFF, v1  }
0xc5: {  	v1 =	vshrl.u32 v1, $0x10;
	[tilespmem:$0x5100] =	vst v2  }
0xc6: {  	[tilespmem:$0x5180] =	vst v1  }
0xc7: {  	v1 =	vld [tilespmem:s11+$0xFFFFFF60];
	_ =	sdelay $0x4  }
0xc8: {  	v2 =	vand.u32 $0xFFFF, v1  }
0xc9: {  	v1 =	vshrl.u32 v1, $0x10;
	[tilespmem:$0x5110] =	vst v2  }
0xca: {  	[tilespmem:$0x5190] =	vst v1  }
0xcb: {  	v1 =	vld [tilespmem:s11+$0xFFFFFF70];
	_ =	sdelay $0x4  }
0xcc: {  	v2 =	vand.u32 $0xFFFF, v1  }
0xcd: {  	v1 =	vshrl.u32 v1, $0x10;
	[tilespmem:$0x5120] =	vst v2  }
0xce: {  	[tilespmem:$0x51A0] =	vst v1  }
0xcf: {  	v1 =	vld [tilespmem:s11+$0xFFFFFF80];
	_ =	sdelay $0x4  }
0xd0: {  	v2 =	vand.u32 $0xFFFF, v1  }
0xd1: {  	v1 =	vshrl.u32 v1, $0x10;
	[tilespmem:$0x5130] =	vst v2  }
0xd2: {  	[tilespmem:$0x51B0] =	vst v1  }
0xd3: {  	[tilespmem:s20], [sflag:$0x2] =	stream.indirect.gather [hbm4b:s4+s16], $0x80, s19, s16, $0xb8;
	[tilespmem:$0x1EF80] =	vst v63  }
0xd4: {  	_ =	swait.ge [sflag:s0], $0x2000  }
0xd5: {  	[sflag:s0] =	ssyncset.done $0x0  }
0xd6: {  	[sflag:s0] =	ssyncadd.s32 $0xFFFFE000  }
0xd7: {  	v1 =	vld [tilespmem:s11+$0xFFFFFFD0];
	_ =	sdelay $0x4  }
0xd8: {  	v2 =	vand.u32 $0xFFFF, v1  }
0xd9: {  	v1 =	vshrl.u32 v1, $0x10;
	[tilespmem:$0x5200] =	vst v2  }
0xda: {  	[tilespmem:$0x5280] =	vst v1  }
0xdb: {  	v1 =	vld [tilespmem:s11+$0xFFFFFFE0];
	_ =	sdelay $0x4  }
0xdc: {  	v2 =	vand.u32 $0xFFFF, v1  }
0xdd: {  	v1 =	vshrl.u32 v1, $0x10;
	[tilespmem:$0x5210] =	vst v2  }
0xde: {  	[tilespmem:$0x5290] =	vst v1  }
0xdf: {  	v1 =	vld [tilespmem:s11+$0xFFFFFFF0];
	_ =	sdelay $0x4  }
0xe0: {  	v2 =	vand.u32 $0xFFFF, v1  }
0xe1: {  	v1 =	vshrl.u32 v1, $0x10;
	[tilespmem:$0x5220] =	vst v2  }
0xe2: {  	[tilespmem:$0x52A0] =	vst v1  }
0xe3: {  	v1 =	vld [tilespmem:s11+$0x0];
	_ =	sdelay $0x4  }
0xe4: {  	v2 =	vand.u32 $0xFFFF, v1  }
0xe5: {  	s11 =	simm.s32 $0x10C0;
	v1 =	vshrl.u32 v1, $0x10;
	[tilespmem:$0x5230] =	vst v2  }
.LBB2_6:
0xe6: {  	p4 =	sne.s32 s11, $0x13CC0;
	[tilespmem:$0x52B0] =	vst v1;
	s5 =	smov.u32 s11;
	s11 =	sadd.s32 $0x600, s11  }
0xe7: {  	[tilespmem:s22], [sflag:$0x3] =	stream.indirect.gather [hbm4b:s4+s16], $0x80, s21, s16, $0xb8;
	[tilespmem:$0x1EF80] =	vst v63  }
0xe8: {  	_ =	swait.ge [sflag:s23], $0x2000  }
0xe9: {  	[sflag:s23] =	ssyncset.done $0x0  }
0xea: {  	[sflag:s23] =	ssyncadd.s32 $0xFFFFE000  }
0xeb: {  	[spmem:s2] =	stream.indirect.scatter.add.f32 [tilespmem:s18], [sflag:$0x4], $0x80, s24, s16, $0xb8;
	[tilespmem:$0x1EF80] =	vst v63  }
0xec: {  	_ =	swait.ge [sflag:s25], $0x2000  }
0xed: {  	[sflag:s25] =	ssyncset.done $0x0  }
0xee: {  	[sflag:s25] =	ssyncadd.s32 $0xFFFFE000  }
0xef: {  	[spmem:s2] =	stream.indirect.scatter.add.f32 [tilespmem:s20], [sflag:$0x5], $0x80, s26, s16, $0xb8;
	[tilespmem:$0x1EF80] =	vst v63  }
0xf0: {  	_ =	swait.ge [sflag:s28], $0x2000  }
0xf1: {  	[sflag:s28] =	ssyncset.done $0x0  }
0xf2: {  	s12 =	sshra.s32 s5, $0x2;
	[sflag:s28] =	ssyncadd.s32 $0xFFFFE000  }
0xf3: {  	v1 =	vld [tilespmem:s12+$0xFFFFFED0];
	_ =	sdelay $0x4  }
0xf4: {  	v2 =	vand.u32 $0xFFFF, v1;
	v1 =	vshrl.u32 v1, $0x10  }
0xf5: {  	[tilespmem:$0x5000] =	vst v2  }
0xf6: {  	[tilespmem:$0x5080] =	vst v1  }
0xf7: {  	v1 =	vld [tilespmem:s12+$0xFFFFFEE0];
	_ =	sdelay $0x4  }
0xf8: {  	v2 =	vand.u32 $0xFFFF, v1;
	v1 =	vshrl.u32 v1, $0x10  }
0xf9: {  	[tilespmem:$0x5010] =	vst v2  }
0xfa: {  	[tilespmem:$0x5090] =	vst v1  }
0xfb: {  	v1 =	vld [tilespmem:s12+$0xFFFFFEF0];
	_ =	sdelay $0x4  }
0xfc: {  	v2 =	vand.u32 $0xFFFF, v1;
	v1 =	vshrl.u32 v1, $0x10  }
0xfd: {  	[tilespmem:$0x5020] =	vst v2  }
0xfe: {  	[tilespmem:$0x50A0] =	vst v1  }
0xff: {  	v1 =	vld [tilespmem:s12+$0xFFFFFF00];
	_ =	sdelay $0x4  }
0x100: {  	v2 =	vand.u32 $0xFFFF, v1;
	v1 =	vshrl.u32 v1, $0x10  }
0x101: {  	[tilespmem:$0x5030] =	vst v2  }
0x102: {  	[tilespmem:$0x50B0] =	vst v1  }
0x103: {  	[tilespmem:s18], [sflag:$0x1] =	stream.indirect.gather [hbm4b:s4+s16], $0x80, s17, s16, $0xb8;
	[tilespmem:$0x1EF80] =	vst v63  }
0x104: {  	_ =	swait.ge [sflag:s29], $0x2000  }
0x105: {  	[sflag:s29] =	ssyncset.done $0x0  }
0x106: {  	[sflag:s29] =	ssyncadd.s32 $0xFFFFE000  }
0x107: {  	[spmem:s2] =	stream.indirect.scatter.add.f32 [tilespmem:s22], [sflag:$0x6], $0x80, s30, s16, $0xb8;
	[tilespmem:$0x1EF80] =	vst v63  }
0x108: {  	_ =	swait.ge [sflag:s31], $0x2000  }
0x109: {  	[sflag:s31] =	ssyncset.done $0x0  }
0x10a: {  	[sflag:s31] =	ssyncadd.s32 $0xFFFFE000  }
0x10b: {  	v1 =	vld [tilespmem:s12+$0xFFFFFF50];
	_ =	sdelay $0x4  }
0x10c: {  	v2 =	vand.u32 $0xFFFF, v1;
	v1 =	vshrl.u32 v1, $0x10  }
0x10d: {  	[tilespmem:$0x5100] =	vst v2  }
0x10e: {  	[tilespmem:$0x5180] =	vst v1  }
0x10f: {  	v1 =	vld [tilespmem:s12+$0xFFFFFF60];
	_ =	sdelay $0x4  }
0x110: {  	v2 =	vand.u32 $0xFFFF, v1;
	v1 =	vshrl.u32 v1, $0x10  }
0x111: {  	[tilespmem:$0x5110] =	vst v2  }
0x112: {  	[tilespmem:$0x5190] =	vst v1  }
0x113: {  	v1 =	vld [tilespmem:s12+$0xFFFFFF70];
	_ =	sdelay $0x4  }
0x114: {  	v2 =	vand.u32 $0xFFFF, v1;
	v1 =	vshrl.u32 v1, $0x10  }
0x115: {  	[tilespmem:$0x5120] =	vst v2  }
0x116: {  	[tilespmem:$0x51A0] =	vst v1  }
0x117: {  	v1 =	vld [tilespmem:s12+$0xFFFFFF80];
	_ =	sdelay $0x4  }
0x118: {  	v2 =	vand.u32 $0xFFFF, v1;
	v1 =	vshrl.u32 v1, $0x10  }
0x119: {  	[tilespmem:$0x5130] =	vst v2  }
0x11a: {  	[tilespmem:$0x51B0] =	vst v1  }
0x11b: {  	[tilespmem:s20], [sflag:$0x2] =	stream.indirect.gather [hbm4b:s4+s16], $0x80, s19, s16, $0xb8;
	[tilespmem:$0x1EF80] =	vst v63  }
0x11c: {  	_ =	swait.ge [sflag:s0], $0x2000  }
0x11d: {  	[sflag:s0] =	ssyncset.done $0x0  }
0x11e: {  	[sflag:s0] =	ssyncadd.s32 $0xFFFFE000  }
0x11f: {  	v1 =	vld [tilespmem:s12+$0xFFFFFFD0];
	_ =	sdelay $0x4  }
0x120: {  	v2 =	vand.u32 $0xFFFF, v1;
	v1 =	vshrl.u32 v1, $0x10  }
0x121: {  	[tilespmem:$0x5200] =	vst v2  }
0x122: {  	[tilespmem:$0x5280] =	vst v1  }
0x123: {  	v1 =	vld [tilespmem:s12+$0xFFFFFFE0];
	_ =	sdelay $0x4  }
0x124: {  	v2 =	vand.u32 $0xFFFF, v1;
	v1 =	vshrl.u32 v1, $0x10  }
0x125: {  	[tilespmem:$0x5210] =	vst v2  }
0x126: {  	[tilespmem:$0x5290] =	vst v1  }
0x127: {  	v1 =	vld [tilespmem:s12+$0xFFFFFFF0];
	_ =	sdelay $0x4  }
0x128: {  	v2 =	vand.u32 $0xFFFF, v1;
	v1 =	vshrl.u32 v1, $0x10  }
0x129: {  	[tilespmem:$0x5220] =	vst v2  }
0x12a: {  	[tilespmem:$0x52A0] =	vst v1  }
0x12b: {  	v1 =	vld [tilespmem:s12+$0x0];
	_ =	sdelay $0x1  }
.Ltmp4:
0x12c: {  	(pc) =	sbr.rel @p4 .LBB2_6-.Ltmp4, $3  }
0x12d: {  	_ =	sdelay $0x1  }
0x12e: {  	v2 =	vand.u32 $0xFFFF, v1;
	v1 =	vshrl.u32 v1, $0x10  }
0x12f: {  	[tilespmem:$0x5230] =	vst v2  }
0x130: {  	[tilespmem:$0x52B0] =	vst v1  }
0x131: {  	[tilespmem:s22], [sflag:$0x3] =	stream.indirect.gather [hbm4b:s4+s16], $0x80, s21, s16, $0xb8;
	[tilespmem:$0x1EF80] =	vst v63  }
0x132: {  	_ =	swait.ge [sflag:s23], $0x2000  }
0x133: {  	[sflag:s23] =	ssyncset.done $0x0  }
0x134: {  	[sflag:s23] =	ssyncadd.s32 $0xFFFFE000  }
0x135: {  	[spmem:s2] =	stream.indirect.scatter.add.f32 [tilespmem:s18], [sflag:$0x4], $0x80, s24, s16, $0xb8;
	[tilespmem:$0x1EF80] =	vst v63  }
0x136: {  	_ =	swait.ge [sflag:s25], $0x2000  }
0x137: {  	[sflag:s25] =	ssyncset.done $0x0  }
0x138: {  	[sflag:s25] =	ssyncadd.s32 $0xFFFFE000  }
0x139: {  	[spmem:s2] =	stream.indirect.scatter.add.f32 [tilespmem:s20], [sflag:$0x5], $0x80, s26, s16, $0xb8;
	[tilespmem:$0x1EF80] =	vst v63  }
0x13a: {  	_ =	swait.ge [sflag:s28], $0x2000  }
0x13b: {  	[sflag:s28] =	ssyncset.done $0x0  }
0x13c: {  	[sflag:s28] =	ssyncadd.s32 $0xFFFFE000  }
0x13d: {  	_ =	swait.ge [sflag:s29], $0x2000  }
0x13e: {  	[sflag:s29] =	ssyncset.done $0x0  }
0x13f: {  	[sflag:s29] =	ssyncadd.s32 $0xFFFFE000  }
0x140: {  	[spmem:s2] =	stream.indirect.scatter.add.f32 [tilespmem:s22], [sflag:$0x6], $0x80, s30, s16, $0xb8;
	[tilespmem:$0x1EF80] =	vst v63  }
0x141: {  	_ =	swait.ge [sflag:s31], $0x2000  }
0x142: {  	[sflag:s31] =	ssyncset.done $0x0  }
0x143: {  	[sflag:s31] =	ssyncadd.s32 $0xFFFFE000  }
.Ltmp5:
0x144: {  	_ =	swait.ge [sflag:s0], $0x2000;
	(pc) =	sbr.rel @!p0 .LBB2_8-.Ltmp5, $4  }
0x145: {  	[sflag:s0] =	ssyncset.done $0x0  }
0x146: {  	[sflag:s0] =	ssyncadd.s32 $0xFFFFE000  }
0x147: {  	s12 =	sshll.u32 s1, $0x6;
	[bflag:$0x0] =	sbarrier.arrive $0xFFFF  }
0x148: {  	s11 =	sshrl.u32 s8, $0x3;
	s5 =	sshrl.u32 @!p1 s10, $0x3;
	s12 =	sor.u32 $0x1C07, s12  }
0x149: {  	s14 =	rddreg [dreg:$0x6]  }
0x14a: {  	[hbm:s14], [sflag:s12] =	dma.local [spmem:s11], $0x1900  }
0x14b: {  	s11 =	rddreg [dreg:$0x7]  }
0x14c: {  	[hbm:s11], [sflag:s12] =	dma.local @!p1 [spmem:s5], $0x1900  }
.Ltmp6:
0x14d: {  	_ = 	snop;
	(pc) =	sbr.rel @p2 .LBB2_11-.Ltmp6, $4  }
.Ltmp7:
0x14e: {  	_ = 	snop;
	(pc) =	sbr.rel @!p2 .LBB2_10-.Ltmp7, $4  }
0x14f: {  	_ =	swait.ge [sflag:s3], $0x1900  }
0x150: {  	[sflag:s3] =	ssyncset.done $0x0  }
0x151: {  	[sflag:s3] =	ssyncadd.s32 $0xFFFFE700  }
0x152: {  	_ = 	snop  }
.LBB2_8:
0x153: {  	s14 =	rddreg [dreg:$0x4]  }
0x154: {  	[hbm:s14], [sflag:s12] =	dma.local [spmem:s11], $0x1900  }
0x155: {  	s11 =	rddreg [dreg:$0x5]  }
0x156: {  	[hbm:s11], [sflag:s12] =	dma.local @!p1 [spmem:s5], $0x1900  }
.Ltmp8:
0x157: {  	_ = 	snop;
	(pc) =	sbr.rel @p3 .LBB2_10-.Ltmp8, $4  }
.Ltmp9:
0x158: {  	_ = 	snop;
	(pc) =	sbr.rel @!p3 .LBB2_11-.Ltmp9, $4  }
0x159: {  	_ =	swait.ge [sflag:s3], $0x1900  }
0x15a: {  	[sflag:s3] =	ssyncset.done $0x0  }
0x15b: {  	[sflag:s3] =	ssyncadd.s32 $0xFFFFE700  }
0x15c: {  	_ = 	snop  }
.LBB2_12:
0x15d: {  	_ =	sfence.sel $0x180000  }
0x15e: {  	[bflag:$0x0] =	sbarrier.arrive $0xFFFF  }
0x15f: {  	_ =	strace $0x9000004D  }
0x160: {  	[bflag:$0x2] =	sbarrier.arrive $0xFFFF  }
0x161: {  	p0 =	sne.s32 s1, $0x0;
	s0 =	rddreg [dreg:$0x2]  }
0x162: {  	s0 =	sadd.s32 @!p0 $0x100000, s0  }
0x163: {  	[sflag:s0] =	ssyncadd.tile.s32 @!p0 $0x1;
	_ =	shalt  }
.Lfunc_end2:
_tile_overlayer_lowered:
.L_overlay_start_2:
0x164: {  	(tag) =	ssettag $0x2  }
0x165: {  	s0 =	rddreg [dreg:$0x0];
	s2 =	stileid.u32  }
0x166: {  	s1 =	rddreg [dreg:$0x1];
	p0 =	sne.s32 s2, $0x0  }
0x167: {  	s3 =	rddreg [dreg:$0x2];
	[bflag:$0x3] =	sbarrier.arrive $0xFFFF;
	s2 =	simm.s32 @!p0 $0x1C08  }
0x168: {  	[timem:s3], [sflag:s2] =	dma.local @!p0 [hbm:s0], s1  }
0x169: {  	s0 =	simm.s32 @!p0 $0x8  }
0x16a: {  	_ =	swait.ge @!p0 [sflag:s0], s1  }
0x16b: {  	s1 =	ssub.s32 @!p0 $0x0, s1;
	[sflag:s0] =	ssyncset.done @!p0 $0x0  }
0x16c: {  	[sflag:s0] =	ssyncadd.s32 @!p0 s1  }
0x16d: {  	[bflag:$0x3] =	sbarrier.arrive $0xFFFF  }
0x16e: {  	_ =	shalt  }

// kernel: kernel.20.cloned.1.call-start
scs
__scs_entry_jumppad:
0x0: {  	(pc) =	sbr.rel $0x88, $3  }
0x1: {  	(tag) =	ssettag $0x0;
	lr =	simm.s32 $0x1  }
0x2: {  	[smem:$0x3F7B] =	sst lr;
	_ =	strace $0xD0000000  }
0x3: {  	_ = 	snop  }
0x4: {  	_ = 	snop  }
0x5: {  	_ = 	snop  }
0x6: {  	_ = 	snop  }
0x7: {  	_ = 	snop  }
__scs_overlays_trampoline_lowered:
0x8: {  	[smem:$0x3F8A] =	sst s0  }
0x9: {  	[smem:$0x3F8B] =	sst s1  }
0xa: {  	[smem:$0x3F8C] =	sst s2  }
0xb: {  	[smem:$0x3F8D] =	sst s3  }
0xc: {  	[smem:$0x3F8E] =	sst s4  }
0xd: {  	[smem:$0x3F8F] =	sst s5  }
0xe: {  	[smem:$0x3F90] =	sst s6  }
0xf: {  	[smem:$0x3F91] =	sst s7  }
0x10: {  	[smem:$0x3F92] =	sst s8  }
0x11: {  	[smem:$0x3F93] =	sst s9;
	s0 =	simm.s32 @!p0 $0x0  }
0x12: {  	s1 =	sld [smem:$0x3F79];
	s0 =	simm.s32 @p0 $0x1  }
0x13: {  	[smem:$0x3F94] =	sst s0;
	s0 =	simm.s32 @!p1 $0x0  }
0x14: {  	s2 =	sld [smem:$0x3F78];
	s0 =	simm.s32 @p1 $0x1  }
0x15: {  	[smem:$0x3F95] =	sst s0;
	s0 =	simm.s32 @!p2 $0x0  }
0x16: {  	s3 =	sld [smem:$0x3FDB];
	s0 =	simm.s32 @p2 $0x1  }
0x17: {  	s4 =	simm.s32 $0x1BF5;
	[smem:$0x3F97] =	sst s0  }
0x18: {  	s0 =	sld [smem:$0x3F7A];
	_ =	swait.ge [sflag:s4], $0x0  }
0x19: {  	s7 =	sld [smem:$0x3F7B]  }
0x1a: {  	s8 =	sadd.s32 $0xFFFFE003, lr  }
0x1b: {  	s9 =	sadd.s32 $0xFFFFFEF7, lr;
	s5 =	simm.s32 $0xFFFFFFFF;
	p2 =	slt.u32 s8, $0xFFFFF086  }
0x1c: {  	p1 =	slt.u32 s9, $0xF7A;
	s5 =	simm.s32 @!p2 $0x0  }
0x1d: {  	s5 =	simm.s32 @p1 $0x1;
	p0 =	seq.s32 s7, s2  }
0x1e: {  	s7 =	smul.u32 @!p0 $0xF7A, s2;
	p2 =	seq.s32 @!p0 s5, $0x0  }
0x1f: {  	s9 =	smul.u32 $0xF7A, s1;
	s8 =	simm.s32 @!p0 $0x1BF5;
	p2 =	por !p2, p0  }
0x20: {  	[sflag:s8] =	ssyncset.s32 @!p0 $0xFFFFF086;
	s6 =	sadd.s32 @!p0 s3, s7;
	s7 =	simm.s32 @!p0 $0x108  }
0x21: {  	s3 =	sadd.s32 s3, s9;
	s6 =	sadd.s32 @!p0 $0x88, s6;
	s7 =	simm.s32 @p2 $0x1082  }
0x22: {  	[simem:s7], [sflag:s8] =	dma.local @!p0 [hbm:s6], $0xF7A  }
0x23: {  	s9 =	sor.u32 $0xD0000000, s2;
	s6 =	simm.s32 $0x108;
	_ =	swait.ge @!p0 [sflag:s8], $0x0  }
0x24: {  	s3 =	sadd.s32 $0x88, s3;
	s6 =	simm.s32 @!p1 $0x1082;
	[sflag:s4] =	ssyncset.s32 $0xFFFFF086  }
0x25: {  	[simem:s6], [sflag:s4] =	dma.local [hbm:s3], $0xF7A  }
0x26: {  	[smem:$0x3F7B] =	sst s1;
	(tag) =	ssettag s2;
	_ =	strace s9  }
0x27: {  	s1 =	sld [smem:$0x3F8B]  }
0x28: {  	s2 =	sld [smem:$0x3F8C]  }
0x29: {  	s4 =	sld [smem:$0x3F8E]  }
0x2a: {  	p0 =	seq.s32 s5, $0x0;
	s5 =	sld [smem:$0x3F8F]  }
0x2b: {  	s6 =	sld [smem:$0x3F90]  }
0x2c: {  	s7 =	sld [smem:$0x3F91]  }
0x2d: {  	s3 =	simm.s32 $0x108;
	s8 =	sld [smem:$0x3F92]  }
0x2e: {  	s3 =	simm.s32 @!p0 $0x1082;
	s9 =	sld [smem:$0x3F93]  }
0x2f: {  	lr =	sadd.s32 s0, s3;
	s0 =	sld [smem:$0x3F8A]  }
0x30: {  	s3 =	sld [smem:$0x3F8D]  }
0x31: {  	[smem:$0x3F96] =	sst s10  }
0x32: {  	s10 =	sld [smem:$0x3F94];
	_ =	sdelay $0x3  }
0x33: {  	p0 =	seq.s32 s10, $0x1;
	s10 =	sld [smem:$0x3F96];
	_ =	sdelay $0x3  }
0x34: {  	[smem:$0x3F96] =	sst s10  }
0x35: {  	s10 =	sld [smem:$0x3F95];
	_ =	sdelay $0x3  }
0x36: {  	p1 =	seq.s32 s10, $0x1;
	s10 =	sld [smem:$0x3F96];
	_ =	sdelay $0x3  }
0x37: {  	[smem:$0x3F96] =	sst s10  }
0x38: {  	s10 =	sld [smem:$0x3F97]  }
0x39: {  	_ = 	snop;
	(pc) =	sbr.ind lr, $3  }
0x3a: {  	_ = 	snop  }
0x3b: {  	_ = 	snop  }
0x3c: {  	p2 =	seq.s32 s10, $0x1;
	s10 =	sld [smem:$0x3F96]  }
0x3d: {  	_ =	shalt  }
0x3e: {  	_ =	shalt  }
0x3f: {  	_ =	shalt  }
0x40: {  	_ =	shalt  }
0x41: {  	_ =	shalt  }
0x42: {  	_ =	shalt  }
0x43: {  	_ =	shalt  }
0x44: {  	_ =	shalt  }
0x45: {  	_ =	shalt  }
0x46: {  	_ =	shalt  }
0x47: {  	_ =	shalt  }
0x48: {  	_ =	shalt  }
0x49: {  	_ =	shalt  }
0x4a: {  	_ =	shalt  }
0x4b: {  	_ =	shalt  }
0x4c: {  	_ =	shalt  }
0x4d: {  	_ =	shalt  }
0x4e: {  	_ =	shalt  }
0x4f: {  	_ =	shalt  }
0x50: {  	_ =	shalt  }
0x51: {  	_ =	shalt  }
0x52: {  	_ =	shalt  }
0x53: {  	_ =	shalt  }
0x54: {  	_ =	shalt  }
0x55: {  	_ =	shalt  }
0x56: {  	_ =	shalt  }
0x57: {  	_ =	shalt  }
0x58: {  	_ =	shalt  }
0x59: {  	_ =	shalt  }
0x5a: {  	_ =	shalt  }
0x5b: {  	_ =	shalt  }
0x5c: {  	_ =	shalt  }
0x5d: {  	_ =	shalt  }
0x5e: {  	_ =	shalt  }
0x5f: {  	_ =	shalt  }
0x60: {  	_ =	shalt  }
0x61: {  	_ =	shalt  }
0x62: {  	_ =	shalt  }
0x63: {  	_ =	shalt  }
0x64: {  	_ =	shalt  }
0x65: {  	_ =	shalt  }
0x66: {  	_ =	shalt  }
0x67: {  	_ =	shalt  }
0x68: {  	_ =	shalt  }
0x69: {  	_ =	shalt  }
0x6a: {  	_ =	shalt  }
0x6b: {  	_ =	shalt  }
0x6c: {  	_ =	shalt  }
0x6d: {  	_ =	shalt  }
0x6e: {  	_ =	shalt  }
0x6f: {  	_ =	shalt  }
0x70: {  	_ =	shalt  }
0x71: {  	_ =	shalt  }
0x72: {  	_ =	shalt  }
0x73: {  	_ =	shalt  }
0x74: {  	_ =	shalt  }
0x75: {  	_ =	shalt  }
0x76: {  	_ =	shalt  }
0x77: {  	_ =	shalt  }
0x78: {  	_ =	shalt  }
0x79: {  	_ =	shalt  }
0x7a: {  	_ =	shalt  }
0x7b: {  	_ =	shalt  }
0x7c: {  	_ =	shalt  }
0x7d: {  	_ =	shalt  }
0x7e: {  	_ =	shalt  }
0x7f: {  	_ =	shalt  }
0x80: {  	_ =	shalt  }
0x81: {  	_ =	shalt  }
0x82: {  	_ =	shalt  }
0x83: {  	_ =	shalt  }
0x84: {  	_ =	shalt  }
0x85: {  	_ =	shalt  }
0x86: {  	_ =	shalt  }
0x87: {  	_ =	shalt  }
.Lfunc_end0:
.L_simem_size_0:
called_computation.3_lowered:
.L_overlay_start_0:
0x88: {  	s2 =	sld [smem:$0x3FD9]  }
0x89: {  	s3 =	sld [smem:$0x3FFE];
	_ =	sdelay $0x1  }
0x8a: {  	s1 =	srdreg.scid  }
0x8b: {  	s0 =	sand.u32 $0x1, s1  }
0x8c: {  	s16 =	sshll.u32 s0, $0xA;
	s2 =	sadd.s32 s3, s2  }
0x8d: {  	s2 =	sadd.s32 s2, s16  }
0x8e: {  	[smem:$0x3FA2] =	sst s2  }
0x8f: {  	_ = 	snop  }
0x90: {  	(tm) =	ssettm $0x1  }
0x91: {  	s17 =	sld [smem:$0x3FFB];
	_ =	sdelay $0x3  }
0x92: {  	_ =	strace s17  }
0x93: {  	s2 =	sld [smem:$0x3FFC];
	_ =	sdelay $0x3  }
0x94: {  	_ =	strace s2  }
0x95: {  	s2 =	sld [smem:$0x3FFD];
	_ =	sdelay $0x3  }
0x96: {  	_ =	strace s2  }
0x97: {  	_ =	strace $0x8FFFFFFF  }
0x98: {  	s18 =	sld [smem:$0x3FDB];
	_ =	sdelay $0x1  }
0x99: {  	s19 =	simm.s32 $_scs_section_size  }
0x9a: {  	s4 =	simm.s32 $_size__tile_overlayer_lowered;
	s5 =	simm.s32 $_tile_overlayer_lowered  }
0x9b: {  	s22 =	simm.s32 $0x1BFF;
	s21 =	sshll.u32 s5, $0x1;
	s2 =	sadd.s32 s19, s18  }
0x9c: {  	s6 =	simm.s32 $0x0;
	s20 =	sshll.u32 s4, $0x1;
	s4 =	sadd.s32 s21, s2  }
0x9d: {  	[timem:s6], [sflag:s22] =	dma.local [hbm:s4], s20  }
0x9e: {  	_ =	swait.ge [sflag:s22], s20  }
0x9f: {  	s3 =	ssub.s32 $0x0, s20;
	[sflag:s22] =	ssyncset.done $0x0  }
0xa0: {  	[sflag:s22] =	ssyncadd.s32 s3;
	_ =	sdelay $0x1  }
0xa1: {  	s23 =	simm.s32 $0x1B8B  }
0xa2: {  	_ =	swait.ge [sflag:s23], $0x1  }
0xa3: {  	[sflag:s23] =	ssyncset.done $0x0  }
0xa4: {  	s25 =	simm.s32 $0x1B8E;
	s24 =	sld [smem:$0x3FFE];
	[sflag:s23] =	ssyncadd.s32 $0xFFFFFFFF  }
0xa5: {  	s26 =	simm.s32 $execute0_lowered;
	[smem:$0x3FD2] =	sst s25  }
0xa6: {  	s4 =	sshll.u32 s26, $0x1;
	_ =	strace $0x8000004F;
	[dreg:$0x1] =	wrdreg $0xFFFFFFFF  }
0xa7: {  	s28 =	simm.s32 $_size_execute0_lowered;
	s2 =	sadd.s32 s2, s4;
	[dreg:$0x0] =	wrdreg $0x0  }
0xa8: {  	s4 =	sshll.u32 s28, $0x1;
	[dreg:$0x2] =	wrdreg s2  }
0xa9: {  	[dreg:$0x3] =	wrdreg s4  }
0xaa: {  	[dreg:$0x4] =	wrdreg $0xC0  }
0xab: {  	_ =	task [dreg:s6], $0x5FFFF  }
0xac: {  	[dreg:$0x1] =	wrdreg $0xFFFFFFFF  }
0xad: {  	[dreg:$0x0] =	wrdreg $0x60  }
0xae: {  	[dreg:$0x2] =	wrdreg s24  }
0xaf: {  	[dreg:$0x3] =	wrdreg $0xB7000  }
0xb0: {  	[dreg:$0x4] =	wrdreg $0x9  }
0xb1: {  	_ =	task.clear_ibuf [dreg:s6], $0x5FFFF;
	_ =	strace $0x9000004F  }
0xb2: {  	s29 =	simm.s32 $0x9;
	_ =	strace $0x80000051  }
0xb3: {  	_ =	swait.ge [sflag:s29], $0x1  }
0xb4: {  	[sflag:s29] =	ssyncadd.s32 $0xFFFFFFFF  }
0xb5: {  	_ =	strace $0x90000051  }
0xb6: {  	_ =	sfence  }
0xb7: {  	s30 =	sld [smem:$0x0];
	_ =	sdelay $0x2  }
0xb8: {  	s31 =	sshll.u32 s1, $0xD;
	s1 =	sshrl.u32 s1, $0x2  }
0xb9: {  	s3 =	sand.u32 $0x4000, s31;
	s1 =	sadd.s32 s1, s30  }
0xba: {  	s0 =	sor.u32 s3, s0;
	s1 =	sshll.u32 s1, $0x11  }
0xbb: {  	s0 =	sor.u32 s1, s0  }
0xbc: {  	s0 =	sadd.s32 $0x8F2B, s0  }
0xbd: {  	[sflag:s0] =	ssyncadd.remote.s32 $0x1  }
0xbe: {  	_ =	sfence.sel $0xFFFF  }
0xbf: {  	[dreg:$0x0] =	wrdreg $0xFFFFFFFF;
	(pc) =	sbr.abs _section_cstart, $3  }
0xc0: {  	[dreg:$0x1] =	wrdreg $0xFFFFFFFF  }
0xc1: {  	_ =	task.clear_ibuf [dreg:s6], $0x2FFFF;
	_ =	strace $0x9FFFFFFF  }
0xc2: {  	(tm) =	ssettm $0x7FFFFFFF  }
0xc3: {  	_ =	shalt  }
tec
execute0_lowered:
.L_overlay_start_1:
0x0: {  	(tag) =	ssettag $0x1  }
0x1: {  	s0 =	srdreg.scid;
	s3 =	rddreg [dreg:$0x0]  }
0x2: {  	s2 =	rddreg [dreg:$0x1];
	s1 =	stileid.u32;
	s5 =	simm.s32 $0x0  }
0x3: {  	s15 =	simm.s32 $0x8;
	s16 =	simm.s32 $0x40;
	s17 =	simm.s32 $0x5000  }
0x4: {  	s18 =	simm.s32 $0x5300;
	s19 =	simm.s32 $0x5100;
	s20 =	simm.s32 $0x7300  }
0x5: {  	s21 =	simm.s32 $0x5200;
	s28 =	simm.s32 $0x4;
	s29 =	simm.s32 $0x3  }
0x6: {  	s30 =	simm.s32 $0x5280;
	s31 =	simm.s32 $0x5;
	s0 =	sand.u32 $0x1, s0  }
0x7: {  	[smem:$0x7FF] =	sst s5;
	s9 =	sadd.s32 $0x43C00, s3;
	s8 =	smul.u32 $0x32000, s1  }
0x8: {  	s11 =	sor.u32 $0x10, s1;
	s24 =	smul.u32 $0x1900, s1;
	s26 =	sshll.u32 s1, $0xA  }
0x9: {  	p2 =	sgt.u32 s1, $0x8;
	p3 =	slt.u32 s1, $0x9;
	s4 =	sshll.u32 s0, $0x4  }
0xa: {  	_ =	strace $0x80000050;
	s6 =	ssub.s32 $0x2, s0;
	s23 =	smul.u32 $0x32000, s11  }
0xb: {  	p0 =	seq.s32 s0, $0x1;
	s12 =	smul.u32 $0x1900, s11;
	s13 =	sadd.s32 s26, s2  }
0xc: {  	p1 =	sgt.u32 s11, $0x18;
	s26 =	simm.s32 $0x5180;
	s4 =	sor.u32 s1, s4  }
0xd: {  	s7 =	sshrl.u32 s6, $0x1;
	s8 =	sshrl.u32 s8, $0x2;
	s10 =	sadd.s32 s9, s24  }
0xe: {  	s22 =	smul.u32 $0xA00, s4;
	s4 =	sadd.s32 $0x8A00, s3;
	s7 =	ssub.s32 s6, s7  }
0xf: {  	s6 =	ssub.s32 $0x4E2, s1;
	s8 =	sadd.s32 s8, s2;
	[dreg:$0x4] =	wrdreg s10  }
0x10: {  	s25 =	sadd.s32 s9, s12;
	s9 =	simm.s32 $0x0;
	s7 =	smax.u32 s7, $0x1  }
0x11: {  	[dreg:$0x5] =	wrdreg s25;
	s25 =	simm.s32 $0x2;
	s5 =	sadd.s32 s22, s3  }
.Ltmp0:
0x12: {  	s3 =	sadd.s32 $0x6AE00, s3;
	s5 =	sadd.s32 $0x2FC00, s5;
	(pc) =	sbr.rel .LBB2_1-.Ltmp0, $4  }
0x13: {  	s22 =	simm.s32 $0x9300;
	s0 =	sadd.s32 s3, s24;
	[dreg:$0x3] =	wrdreg s5  }
0x14: {  	s3 =	sadd.s32 s3, s12;
	s24 =	simm.s32 $0x5080;
	[dreg:$0x6] =	wrdreg s0  }
0x15: {  	s5 =	sshrl.u32 s23, $0x2;
	[dreg:$0x7] =	wrdreg s3;
	s23 =	simm.s32 $0x1  }
0x16: {  	v0 =	vimm.f32 $0.0e+00;
	s0 =	simm.s32 $0x6;
	s3 =	simm.s32 $0x7;
	s10 =	sadd.s32 s5, s2  }
.LBB2_10:
0x17: {  	_ =	swait.ge [sflag:s3], $0x1900  }
0x18: {  	[sflag:s3] =	ssyncset.done $0x0  }
0x19: {  	[sflag:s3] =	ssyncadd.s32 $0xFFFFE700  }
.LBB2_11:
0x1a: {  	s9 =	sadd.s32 $0x1, s9  }
0x1b: {  	p4 =	sne.s32 s9, s7  }
.Ltmp1:
0x1c: {  	_ = 	snop;
	(pc) =	sbr.rel @!p4 .LBB2_12-.Ltmp1, $1  }
0x1d: {  	_ =	sdelay $0x3  }
.LBB2_1:
0x1e: {  	s5 =	simm.s32 $0x0;
	s11 =	rddreg [dreg:$0x3]  }
0x1f: {  	[tilespmem:s5], [sflag:$0x8] =	stream.linear.gather [hbm4b:s11+s5], $0x4F80, $0x38;
	[tilespmem:$0x1EF80] =	vst v63  }
0x20: {  	_ =	swait.ge [sflag:s15], $0x4F80  }
0x21: {  	[sflag:s15] =	ssyncset.done $0x0  }
0x22: {  	[sflag:s15] =	ssyncadd.s32 $0xFFFFB080  }
0x23: {  	v1 =	vld [tilespmem:$0x0];
	_ =	sdelay $0x1  }
0x24: {  	v2 =	vld [tilespmem:$0x10];
	_ =	sdelay $0x1  }
0x25: {  	v3 =	vld [tilespmem:$0x20]  }
0x26: {  	v4 =	vand.u32 $0xFFFF, v1  }
0x27: {  	v59 =	vld [tilespmem:$0x30];
	v1 =	vshrl.u32 v1, $0x10;
	[tilespmem:$0x5000] =	vst v4  }
0x28: {  	[tilespmem:$0x5080] =	vst v1;
	v1 =	vand.u32 $0xFFFF, v2  }
0x29: {  	[tilespmem:$0x5010] =	vst v1;
	v1 =	vshrl.u32 v2, $0x10  }
0x2a: {  	[tilespmem:$0x5090] =	vst v1;
	v1 =	vand.u32 $0xFFFF, v3  }
0x2b: {  	[tilespmem:$0x5020] =	vst v1;
	v1 =	vshrl.u32 v3, $0x10  }
0x2c: {  	[tilespmem:$0x50A0] =	vst v1;
	v1 =	vand.u32 $0xFFFF, v59  }
0x2d: {  	[tilespmem:$0x5030] =	vst v1;
	v1 =	vshrl.u32 v59, $0x10  }
0x2e: {  	[tilespmem:$0x50B0] =	vst v1  }
0x2f: {  	[tilespmem:s18], [sflag:$0x1] =	stream.indirect.gather [hbm4b:s4+s16], $0x80, s17, s16, $0xb8;
	[tilespmem:$0x1EF80] =	vst v63  }
0x30: {  	v1 =	vld [tilespmem:$0x80];
	_ =	sdelay $0x1  }
0x31: {  	v2 =	vld [tilespmem:$0x90];
	_ =	sdelay $0x1  }
0x32: {  	v3 =	vld [tilespmem:$0xA0]  }
0x33: {  	v60 =	vand.u32 $0xFFFF, v1  }
0x34: {  	v61 =	vld [tilespmem:$0xB0];
	v1 =	vshrl.u32 v1, $0x10;
	[tilespmem:$0x5100] =	vst v60  }
0x35: {  	[tilespmem:$0x5180] =	vst v1;
	v1 =	vand.u32 $0xFFFF, v2  }
0x36: {  	[tilespmem:$0x5110] =	vst v1;
	v1 =	vshrl.u32 v2, $0x10  }
0x37: {  	[tilespmem:$0x5190] =	vst v1;
	v1 =	vand.u32 $0xFFFF, v3  }
0x38: {  	[tilespmem:$0x5120] =	vst v1;
	v1 =	vshrl.u32 v3, $0x10  }
0x39: {  	[tilespmem:$0x51A0] =	vst v1;
	v1 =	vand.u32 $0xFFFF, v61  }
0x3a: {  	[tilespmem:$0x5130] =	vst v1;
	v1 =	vshrl.u32 v61, $0x10  }
0x3b: {  	[tilespmem:$0x51B0] =	vst v1  }
0x3c: {  	[tilespmem:s20], [sflag:$0x2] =	stream.indirect.gather [hbm4b:s4+s16], $0x80, s19, s16, $0xb8;
	[tilespmem:$0x1EF80] =	vst v63  }
0x3d: {  	v1 =	vld [tilespmem:$0x100];
	_ =	sdelay $0x1  }
0x3e: {  	v2 =	vld [tilespmem:$0x110];
	_ =	sdelay $0x1  }
0x3f: {  	v3 =	vld [tilespmem:$0x120]  }
0x40: {  	v62 =	vand.u32 $0xFFFF, v1  }
0x41: {  	v63 =	vld [tilespmem:$0x130];
	v1 =	vshrl.u32 v1, $0x10;
	[tilespmem:$0x5200] =	vst v62  }
0x42: {  	[tilespmem:$0x5280] =	vst v1;
	v1 =	vand.u32 $0xFFFF, v2  }
0x43: {  	[tilespmem:$0x5210] =	vst v1;
	v1 =	vshrl.u32 v2, $0x10  }
0x44: {  	[tilespmem:$0x5290] =	vst v1;
	v1 =	vand.u32 $0xFFFF, v3  }
0x45: {  	[tilespmem:$0x5220] =	vst v1;
	v1 =	vshrl.u32 v3, $0x10  }
0x46: {  	[tilespmem:$0x52A0] =	vst v1;
	v1 =	vand.u32 $0xFFFF, v63  }
0x47: {  	[tilespmem:$0x5230] =	vst v1;
	v1 =	vshrl.u32 v63, $0x10  }
0x48: {  	[tilespmem:$0x52B0] =	vst v1  }
0x49: {  	[tilespmem:s22], [sflag:$0x3] =	stream.indirect.gather [hbm4b:s4+s16], $0x80, s21, s16, $0xb8;
	[tilespmem:$0x1EF80] =	vst v63  }
0x4a: {  	[tilespmem:$0xB300] =	vst v0  }
0x4b: {  	[tilespmem:$0xB310] =	vst v0  }
0x4c: {  	[tilespmem:$0xB320] =	vst v0  }
0x4d: {  	[tilespmem:$0xB330] =	vst v0  }
0x4e: {  	[tilespmem:$0xB340] =	vst v0  }
0x4f: {  	[tilespmem:$0xB350] =	vst v0  }
0x50: {  	[tilespmem:$0xB360] =	vst v0  }
0x51: {  	[tilespmem:$0xB370] =	vst v0  }
0x52: {  	[tilespmem:$0xB380] =	vst v0  }
0x53: {  	[tilespmem:$0xB390] =	vst v0  }
0x54: {  	[tilespmem:$0xB3A0] =	vst v0  }
0x55: {  	[tilespmem:$0xB3B0] =	vst v0  }
0x56: {  	[tilespmem:$0xB3C0] =	vst v0  }
0x57: {  	[tilespmem:$0xB3D0] =	vst v0  }
0x58: {  	[tilespmem:$0xB3E0] =	vst v0  }
0x59: {  	[tilespmem:$0xB3F0] =	vst v0  }
0x5a: {  	[tilespmem:$0xB400] =	vst v0  }
0x5b: {  	[tilespmem:$0xB410] =	vst v0  }
0x5c: {  	[tilespmem:$0xB420] =	vst v0  }
0x5d: {  	[tilespmem:$0xB430] =	vst v0  }
0x5e: {  	[tilespmem:$0xB440] =	vst v0  }
0x5f: {  	[tilespmem:$0xB450] =	vst v0  }
0x60: {  	[tilespmem:$0xB460] =	vst v0  }
0x61: {  	[tilespmem:$0xB470] =	vst v0  }
0x62: {  	[tilespmem:$0xB480] =	vst v0  }
0x63: {  	[tilespmem:$0xB490] =	vst v0  }
0x64: {  	[tilespmem:$0xB4A0] =	vst v0  }
0x65: {  	[tilespmem:$0xB4B0] =	vst v0  }
0x66: {  	[tilespmem:$0xB4C0] =	vst v0  }
0x67: {  	[tilespmem:$0xB4D0] =	vst v0  }
0x68: {  	[tilespmem:$0xB4E0] =	vst v0  }
0x69: {  	[tilespmem:$0xB4F0] =	vst v0  }
0x6a: {  	[tilespmem:$0xB500] =	vst v0  }
0x6b: {  	[tilespmem:$0xB510] =	vst v0  }
0x6c: {  	[tilespmem:$0xB520] =	vst v0  }
0x6d: {  	[tilespmem:$0xB530] =	vst v0  }
0x6e: {  	[tilespmem:$0xB540] =	vst v0  }
0x6f: {  	[tilespmem:$0xB550] =	vst v0  }
0x70: {  	[tilespmem:$0xB560] =	vst v0  }
0x71: {  	[tilespmem:$0xB570] =	vst v0  }
0x72: {  	[tilespmem:$0xB580] =	vst v0  }
0x73: {  	[tilespmem:$0xB590] =	vst v0  }
0x74: {  	[tilespmem:$0xB5A0] =	vst v0  }
0x75: {  	[tilespmem:$0xB5B0] =	vst v0  }
0x76: {  	[tilespmem:$0xB5C0] =	vst v0  }
0x77: {  	[tilespmem:$0xB5D0] =	vst v0  }
0x78: {  	[tilespmem:$0xB5E0] =	vst v0  }
0x79: {  	[tilespmem:$0xB5F0] =	vst v0  }
0x7a: {  	[tilespmem:$0xB600] =	vst v0  }
0x7b: {  	[tilespmem:$0xB610] =	vst v0  }
0x7c: {  	[tilespmem:$0xB620] =	vst v0  }
0x7d: {  	[tilespmem:$0xB630] =	vst v0  }
0x7e: {  	[tilespmem:$0xB640] =	vst v0  }
0x7f: {  	[tilespmem:$0xB650] =	vst v0  }
0x80: {  	[tilespmem:$0xB660] =	vst v0  }
0x81: {  	[tilespmem:$0xB670] =	vst v0  }
0x82: {  	[tilespmem:$0xB680] =	vst v0  }
0x83: {  	[tilespmem:$0xB690] =	vst v0  }
0x84: {  	[tilespmem:$0xB6A0] =	vst v0  }
0x85: {  	[tilespmem:$0xB6B0] =	vst v0  }
0x86: {  	[tilespmem:$0xB6C0] =	vst v0  }
0x87: {  	s14 =	sadd.s32 $0x0, s1;
	[tilespmem:$0xB6D0] =	vst v0  }
0x88: {  	s12 =	sadd.s32 $0x4000, s13;
	p4 =	sgt.u32 s14, $0x4E1;
	[tilespmem:$0xB6E0] =	vst v0  }
0x89: {  	s11 =	simm.s32 $0x10;
	s14 =	smov.u32 s13;
	s5 =	simm.s32 @!p4 $0xB300;
	[tilespmem:$0xB6F0] =	vst v0  }
.LBB2_2:
0x8a: {  	[spmem:s14] =	stream.linear.scatter @!p4 [tilespmem:s5], [sflag:$0x7], $0x400, $0x38;
	[tilespmem:$0x1EF80] =	vst v63  }
0x8b: {  	s5 =	smov.u32 s11;
	s11 =	sadd.s32 $0x10, s11  }
0x8c: {  	p5 =	sne.s32 s11, $0x4F0  }
.Ltmp2:
0x8d: {  	(pc) =	sbr.rel @p5 .LBB2_2-.Ltmp2, $4  }
0x8e: {  	s14 =	smov.u32 s12  }
0x8f: {  	s5 =	sadd.s32 s5, s1  }
0x90: {  	p4 =	sgt.u32 s5, $0x4E1  }
0x91: {  	s12 =	sadd.s32 $0x4000, s12;
	s5 =	simm.s32 @!p4 $0xB300  }
0x92: {  	[spmem:s14] =	stream.linear.scatter @!p4 [tilespmem:s5], [sflag:$0x7], $0x400, $0x38;
	[tilespmem:$0x1EF80] =	vst v63  }
0x93: {  	p4 =	sle.u32 s6, $0x0  }
0x94: {  	s12 =	simm.s32 @!p4 $0x7  }
0x95: {  	_ =	swait.ge @!p4 [sflag:s12], $0x400  }
0x96: {  	s11 =	simm.s32 $0x10;
	[sflag:s12] =	ssyncset.done @!p4 $0x0  }
.LBB2_4:
0x97: {  	s5 =	smov.u32 s11;
	s11 =	sadd.s32 $0x10, s11  }
0x98: {  	[sflag:s12] =	ssyncadd.s32 @!p4 $0xFFFFFC00;
	p5 =	sne.s32 s11, $0x4F0  }
.Ltmp3:
0x99: {  	(pc) =	sbr.rel @p5 .LBB2_4-.Ltmp3, $4  }
0x9a: {  	p4 =	sge.u32 s5, s6  }
0x9b: {  	s12 =	simm.s32 @!p4 $0x7  }
0x9c: {  	_ =	swait.ge @!p4 [sflag:s12], $0x400  }
0x9d: {  	[sflag:s12] =	ssyncset.done @!p4 $0x0  }
0x9e: {  	[sflag:s12] =	ssyncadd.s32 @!p4 $0xFFFFFC00  }
0x9f: {  	[bflag:$0x0] =	sbarrier.arrive $0xFFFF  }
0xa0: {  	_ =	swait.ge [sflag:s23], $0x2000  }
0xa1: {  	[sflag:s23] =	ssyncset.done $0x0  }
0xa2: {  	[sflag:s23] =	ssyncadd.s32 $0xFFFFE000  }
0xa3: {  	[spmem:s2] =	stream.indirect.scatter.add.f32 [tilespmem:s18], [sflag:$0x4], $0x80, s24, s16, $0xb8;
	[tilespmem:$0x1EF80] =	vst v63  }
0xa4: {  	_ =	swait.ge [sflag:s25], $0x2000  }
0xa5: {  	[sflag:s25] =	ssyncset.done $0x0  }
0xa6: {  	[sflag:s25] =	ssyncadd.s32 $0xFFFFE000  }
0xa7: {  	[spmem:s2] =	stream.indirect.scatter.add.f32 [tilespmem:s20], [sflag:$0x5], $0x80, s26, s16, $0xb8;
	[tilespmem:$0x1EF80] =	vst v63  }
0xa8: {  	_ =	swait.ge [sflag:s28], $0x2000  }
0xa9: {  	[sflag:s28] =	ssyncset.done $0x0  }
0xaa: {  	s11 =	simm.s32 $0x2B0;
	[sflag:s28] =	ssyncadd.s32 $0xFFFFE000  }
0xab: {  	v1 =	vld [tilespmem:s11+$0xFFFFFED0];
	_ =	sdelay $0x4  }
0xac: {  	v2 =	vand.u32 $0xFFFF, v1  }
0xad: {  	v1 =	vshrl.u32 v1, $0x10;
	[tilespmem:$0x5000] =	vst v2  }
0xae: {  	[tilespmem:$0x5080] =	vst v1  }
0xaf: {  	v1 =	vld [tilespmem:s11+$0xFFFFFEE0];
	_ =	sdelay $0x4  }
0xb0: {  	v2 =	vand.u32 $0xFFFF, v1  }
0xb1: {  	v1 =	vshrl.u32 v1, $0x10;
	[tilespmem:$0x5010] =	vst v2  }
0xb2: {  	[tilespmem:$0x5090] =	vst v1  }
0xb3: {  	v1 =	vld [tilespmem:s11+$0xFFFFFEF0];
	_ =	sdelay $0x4  }
0xb4: {  	v2 =	vand.u32 $0xFFFF, v1  }
0xb5: {  	v1 =	vshrl.u32 v1, $0x10;
	[tilespmem:$0x5020] =	vst v2  }
0xb6: {  	[tilespmem:$0x50A0] =	vst v1  }
0xb7: {  	v1 =	vld [tilespmem:s11+$0xFFFFFF00];
	_ =	sdelay $0x4  }
0xb8: {  	v2 =	vand.u32 $0xFFFF, v1  }
0xb9: {  	v1 =	vshrl.u32 v1, $0x10;
	[tilespmem:$0x5030] =	vst v2  }
0xba: {  	[tilespmem:$0x50B0] =	vst v1  }
0xbb: {  	[tilespmem:s18], [sflag:$0x1] =	stream.indirect.gather [hbm4b:s4+s16], $0x80, s17, s16, $0xb8;
	[tilespmem:$0x1EF80] =	vst v63  }
0xbc: {  	_ =	swait.ge [sflag:s29], $0x2000  }
0xbd: {  	[sflag:s29] =	ssyncset.done $0x0  }
0xbe: {  	[sflag:s29] =	ssyncadd.s32 $0xFFFFE000  }
0xbf: {  	[spmem:s2] =	stream.indirect.scatter.add.f32 [tilespmem:s22], [sflag:$0x6], $0x80, s30, s16, $0xb8;
	[tilespmem:$0x1EF80] =	vst v63  }
0xc0: {  	_ =	swait.ge [sflag:s31], $0x2000  }
0xc1: {  	[sflag:s31] =	ssyncset.done $0x0  }
0xc2: {  	[sflag:s31] =	ssyncadd.s32 $0xFFFFE000  }
0xc3: {  	v1 =	vld [tilespmem:s11+$0xFFFFFF50];
	_ =	sdelay $0x4  }
0xc4: {  	v2 =	vand.u32 $0xFFFF, v1  }
0xc5: {  	v1 =	vshrl.u32 v1, $0x10;
	[tilespmem:$0x5100] =	vst v2  }
0xc6: {  	[tilespmem:$0x5180] =	vst v1  }
0xc7: {  	v1 =	vld [tilespmem:s11+$0xFFFFFF60];
	_ =	sdelay $0x4  }
0xc8: {  	v2 =	vand.u32 $0xFFFF, v1  }
0xc9: {  	v1 =	vshrl.u32 v1, $0x10;
	[tilespmem:$0x5110] =	vst v2  }
0xca: {  	[tilespmem:$0x5190] =	vst v1  }
0xcb: {  	v1 =	vld [tilespmem:s11+$0xFFFFFF70];
	_ =	sdelay $0x4  }
0xcc: {  	v2 =	vand.u32 $0xFFFF, v1  }
0xcd: {  	v1 =	vshrl.u32 v1, $0x10;
	[tilespmem:$0x5120] =	vst v2  }
0xce: {  	[tilespmem:$0x51A0] =	vst v1  }
0xcf: {  	v1 =	vld [tilespmem:s11+$0xFFFFFF80];
	_ =	sdelay $0x4  }
0xd0: {  	v2 =	vand.u32 $0xFFFF, v1  }
0xd1: {  	v1 =	vshrl.u32 v1, $0x10;
	[tilespmem:$0x5130] =	vst v2  }
0xd2: {  	[tilespmem:$0x51B0] =	vst v1  }
0xd3: {  	[tilespmem:s20], [sflag:$0x2] =	stream.indirect.gather [hbm4b:s4+s16], $0x80, s19, s16, $0xb8;
	[tilespmem:$0x1EF80] =	vst v63  }
0xd4: {  	_ =	swait.ge [sflag:s0], $0x2000  }
0xd5: {  	[sflag:s0] =	ssyncset.done $0x0  }
0xd6: {  	[sflag:s0] =	ssyncadd.s32 $0xFFFFE000  }
0xd7: {  	v1 =	vld [tilespmem:s11+$0xFFFFFFD0];
	_ =	sdelay $0x4  }
0xd8: {  	v2 =	vand.u32 $0xFFFF, v1  }
0xd9: {  	v1 =	vshrl.u32 v1, $0x10;
	[tilespmem:$0x5200] =	vst v2  }
0xda: {  	[tilespmem:$0x5280] =	vst v1  }
0xdb: {  	v1 =	vld [tilespmem:s11+$0xFFFFFFE0];
	_ =	sdelay $0x4  }
0xdc: {  	v2 =	vand.u32 $0xFFFF, v1  }
0xdd: {  	v1 =	vshrl.u32 v1, $0x10;
	[tilespmem:$0x5210] =	vst v2  }
0xde: {  	[tilespmem:$0x5290] =	vst v1  }
0xdf: {  	v1 =	vld [tilespmem:s11+$0xFFFFFFF0];
	_ =	sdelay $0x4  }
0xe0: {  	v2 =	vand.u32 $0xFFFF, v1  }
0xe1: {  	v1 =	vshrl.u32 v1, $0x10;
	[tilespmem:$0x5220] =	vst v2  }
0xe2: {  	[tilespmem:$0x52A0] =	vst v1  }
0xe3: {  	v1 =	vld [tilespmem:s11+$0x0];
	_ =	sdelay $0x4  }
0xe4: {  	v2 =	vand.u32 $0xFFFF, v1  }
0xe5: {  	s11 =	simm.s32 $0x10C0;
	v1 =	vshrl.u32 v1, $0x10;
	[tilespmem:$0x5230] =	vst v2  }
.LBB2_6:
0xe6: {  	p4 =	sne.s32 s11, $0x13CC0;
	[tilespmem:$0x52B0] =	vst v1;
	s5 =	smov.u32 s11;
	s11 =	sadd.s32 $0x600, s11  }
0xe7: {  	[tilespmem:s22], [sflag:$0x3] =	stream.indirect.gather [hbm4b:s4+s16], $0x80, s21, s16, $0xb8;
	[tilespmem:$0x1EF80] =	vst v63  }
0xe8: {  	_ =	swait.ge [sflag:s23], $0x2000  }
0xe9: {  	[sflag:s23] =	ssyncset.done $0x0  }
0xea: {  	[sflag:s23] =	ssyncadd.s32 $0xFFFFE000  }
0xeb: {  	[spmem:s2] =	stream.indirect.scatter.add.f32 [tilespmem:s18], [sflag:$0x4], $0x80, s24, s16, $0xb8;
	[tilespmem:$0x1EF80] =	vst v63  }
0xec: {  	_ =	swait.ge [sflag:s25], $0x2000  }
0xed: {  	[sflag:s25] =	ssyncset.done $0x0  }
0xee: {  	[sflag:s25] =	ssyncadd.s32 $0xFFFFE000  }
0xef: {  	[spmem:s2] =	stream.indirect.scatter.add.f32 [tilespmem:s20], [sflag:$0x5], $0x80, s26, s16, $0xb8;
	[tilespmem:$0x1EF80] =	vst v63  }
0xf0: {  	_ =	swait.ge [sflag:s28], $0x2000  }
0xf1: {  	[sflag:s28] =	ssyncset.done $0x0  }
0xf2: {  	s12 =	sshra.s32 s5, $0x2;
	[sflag:s28] =	ssyncadd.s32 $0xFFFFE000  }
0xf3: {  	v1 =	vld [tilespmem:s12+$0xFFFFFED0];
	_ =	sdelay $0x4  }
0xf4: {  	v2 =	vand.u32 $0xFFFF, v1;
	v1 =	vshrl.u32 v1, $0x10  }
0xf5: {  	[tilespmem:$0x5000] =	vst v2  }
0xf6: {  	[tilespmem:$0x5080] =	vst v1  }
0xf7: {  	v1 =	vld [tilespmem:s12+$0xFFFFFEE0];
	_ =	sdelay $0x4  }
0xf8: {  	v2 =	vand.u32 $0xFFFF, v1;
	v1 =	vshrl.u32 v1, $0x10  }
0xf9: {  	[tilespmem:$0x5010] =	vst v2  }
0xfa: {  	[tilespmem:$0x5090] =	vst v1  }
0xfb: {  	v1 =	vld [tilespmem:s12+$0xFFFFFEF0];
	_ =	sdelay $0x4  }
0xfc: {  	v2 =	vand.u32 $0xFFFF, v1;
	v1 =	vshrl.u32 v1, $0x10  }
0xfd: {  	[tilespmem:$0x5020] =	vst v2  }
0xfe: {  	[tilespmem:$0x50A0] =	vst v1  }
0xff: {  	v1 =	vld [tilespmem:s12+$0xFFFFFF00];
	_ =	sdelay $0x4  }
0x100: {  	v2 =	vand.u32 $0xFFFF, v1;
	v1 =	vshrl.u32 v1, $0x10  }
0x101: {  	[tilespmem:$0x5030] =	vst v2  }
0x102: {  	[tilespmem:$0x50B0] =	vst v1  }
0x103: {  	[tilespmem:s18], [sflag:$0x1] =	stream.indirect.gather [hbm4b:s4+s16], $0x80, s17, s16, $0xb8;
	[tilespmem:$0x1EF80] =	vst v63  }
0x104: {  	_ =	swait.ge [sflag:s29], $0x2000  }
0x105: {  	[sflag:s29] =	ssyncset.done $0x0  }
0x106: {  	[sflag:s29] =	ssyncadd.s32 $0xFFFFE000  }
0x107: {  	[spmem:s2] =	stream.indirect.scatter.add.f32 [tilespmem:s22], [sflag:$0x6], $0x80, s30, s16, $0xb8;
	[tilespmem:$0x1EF80] =	vst v63  }
0x108: {  	_ =	swait.ge [sflag:s31], $0x2000  }
0x109: {  	[sflag:s31] =	ssyncset.done $0x0  }
0x10a: {  	[sflag:s31] =	ssyncadd.s32 $0xFFFFE000  }
0x10b: {  	v1 =	vld [tilespmem:s12+$0xFFFFFF50];
	_ =	sdelay $0x4  }
0x10c: {  	v2 =	vand.u32 $0xFFFF, v1;
	v1 =	vshrl.u32 v1, $0x10  }
0x10d: {  	[tilespmem:$0x5100] =	vst v2  }
0x10e: {  	[tilespmem:$0x5180] =	vst v1  }
0x10f: {  	v1 =	vld [tilespmem:s12+$0xFFFFFF60];
	_ =	sdelay $0x4  }
0x110: {  	v2 =	vand.u32 $0xFFFF, v1;
	v1 =	vshrl.u32 v1, $0x10  }
0x111: {  	[tilespmem:$0x5110] =	vst v2  }
0x112: {  	[tilespmem:$0x5190] =	vst v1  }
0x113: {  	v1 =	vld [tilespmem:s12+$0xFFFFFF70];
	_ =	sdelay $0x4  }
0x114: {  	v2 =	vand.u32 $0xFFFF, v1;
	v1 =	vshrl.u32 v1, $0x10  }
0x115: {  	[tilespmem:$0x5120] =	vst v2  }
0x116: {  	[tilespmem:$0x51A0] =	vst v1  }
0x117: {  	v1 =	vld [tilespmem:s12+$0xFFFFFF80];
	_ =	sdelay $0x4  }
0x118: {  	v2 =	vand.u32 $0xFFFF, v1;
	v1 =	vshrl.u32 v1, $0x10  }
0x119: {  	[tilespmem:$0x5130] =	vst v2  }
0x11a: {  	[tilespmem:$0x51B0] =	vst v1  }
0x11b: {  	[tilespmem:s20], [sflag:$0x2] =	stream.indirect.gather [hbm4b:s4+s16], $0x80, s19, s16, $0xb8;
	[tilespmem:$0x1EF80] =	vst v63  }
0x11c: {  	_ =	swait.ge [sflag:s0], $0x2000  }
0x11d: {  	[sflag:s0] =	ssyncset.done $0x0  }
0x11e: {  	[sflag:s0] =	ssyncadd.s32 $0xFFFFE000  }
0x11f: {  	v1 =	vld [tilespmem:s12+$0xFFFFFFD0];
	_ =	sdelay $0x4  }
0x120: {  	v2 =	vand.u32 $0xFFFF, v1;
	v1 =	vshrl.u32 v1, $0x10  }
0x121: {  	[tilespmem:$0x5200] =	vst v2  }
0x122: {  	[tilespmem:$0x5280] =	vst v1  }
0x123: {  	v1 =	vld [tilespmem:s12+$0xFFFFFFE0];
	_ =	sdelay $0x4  }
0x124: {  	v2 =	vand.u32 $0xFFFF, v1;
	v1 =	vshrl.u32 v1, $0x10  }
0x125: {  	[tilespmem:$0x5210] =	vst v2  }
0x126: {  	[tilespmem:$0x5290] =	vst v1  }
0x127: {  	v1 =	vld [tilespmem:s12+$0xFFFFFFF0];
	_ =	sdelay $0x4  }
0x128: {  	v2 =	vand.u32 $0xFFFF, v1;
	v1 =	vshrl.u32 v1, $0x10  }
0x129: {  	[tilespmem:$0x5220] =	vst v2  }
0x12a: {  	[tilespmem:$0x52A0] =	vst v1  }
0x12b: {  	v1 =	vld [tilespmem:s12+$0x0];
	_ =	sdelay $0x1  }
.Ltmp4:
0x12c: {  	(pc) =	sbr.rel @p4 .LBB2_6-.Ltmp4, $3  }
0x12d: {  	_ =	sdelay $0x1  }
0x12e: {  	v2 =	vand.u32 $0xFFFF, v1;
	v1 =	vshrl.u32 v1, $0x10  }
0x12f: {  	[tilespmem:$0x5230] =	vst v2  }
0x130: {  	[tilespmem:$0x52B0] =	vst v1  }
0x131: {  	[tilespmem:s22], [sflag:$0x3] =	stream.indirect.gather [hbm4b:s4+s16], $0x80, s21, s16, $0xb8;
	[tilespmem:$0x1EF80] =	vst v63  }
0x132: {  	_ =	swait.ge [sflag:s23], $0x2000  }
0x133: {  	[sflag:s23] =	ssyncset.done $0x0  }
0x134: {  	[sflag:s23] =	ssyncadd.s32 $0xFFFFE000  }
0x135: {  	[spmem:s2] =	stream.indirect.scatter.add.f32 [tilespmem:s18], [sflag:$0x4], $0x80, s24, s16, $0xb8;
	[tilespmem:$0x1EF80] =	vst v63  }
0x136: {  	_ =	swait.ge [sflag:s25], $0x2000  }
0x137: {  	[sflag:s25] =	ssyncset.done $0x0  }
0x138: {  	[sflag:s25] =	ssyncadd.s32 $0xFFFFE000  }
0x139: {  	[spmem:s2] =	stream.indirect.scatter.add.f32 [tilespmem:s20], [sflag:$0x5], $0x80, s26, s16, $0xb8;
	[tilespmem:$0x1EF80] =	vst v63  }
0x13a: {  	_ =	swait.ge [sflag:s28], $0x2000  }
0x13b: {  	[sflag:s28] =	ssyncset.done $0x0  }
0x13c: {  	[sflag:s28] =	ssyncadd.s32 $0xFFFFE000  }
0x13d: {  	_ =	swait.ge [sflag:s29], $0x2000  }
0x13e: {  	[sflag:s29] =	ssyncset.done $0x0  }
0x13f: {  	[sflag:s29] =	ssyncadd.s32 $0xFFFFE000  }
0x140: {  	[spmem:s2] =	stream.indirect.scatter.add.f32 [tilespmem:s22], [sflag:$0x6], $0x80, s30, s16, $0xb8;
	[tilespmem:$0x1EF80] =	vst v63  }
0x141: {  	_ =	swait.ge [sflag:s31], $0x2000  }
0x142: {  	[sflag:s31] =	ssyncset.done $0x0  }
0x143: {  	[sflag:s31] =	ssyncadd.s32 $0xFFFFE000  }
.Ltmp5:
0x144: {  	_ =	swait.ge [sflag:s0], $0x2000;
	(pc) =	sbr.rel @!p0 .LBB2_8-.Ltmp5, $4  }
0x145: {  	[sflag:s0] =	ssyncset.done $0x0  }
0x146: {  	[sflag:s0] =	ssyncadd.s32 $0xFFFFE000  }
0x147: {  	s12 =	sshll.u32 s1, $0x6;
	[bflag:$0x0] =	sbarrier.arrive $0xFFFF  }
0x148: {  	s11 =	sshrl.u32 s8, $0x3;
	s5 =	sshrl.u32 @!p1 s10, $0x3;
	s12 =	sor.u32 $0x1C07, s12  }
0x149: {  	s14 =	rddreg [dreg:$0x6]  }
0x14a: {  	[hbm:s14], [sflag:s12] =	dma.local [spmem:s11], $0x1900  }
0x14b: {  	s11 =	rddreg [dreg:$0x7]  }
0x14c: {  	[hbm:s11], [sflag:s12] =	dma.local @!p1 [spmem:s5], $0x1900  }
.Ltmp6:
0x14d: {  	_ = 	snop;
	(pc) =	sbr.rel @p2 .LBB2_11-.Ltmp6, $4  }
.Ltmp7:
0x14e: {  	_ = 	snop;
	(pc) =	sbr.rel @!p2 .LBB2_10-.Ltmp7, $4  }
0x14f: {  	_ =	swait.ge [sflag:s3], $0x1900  }
0x150: {  	[sflag:s3] =	ssyncset.done $0x0  }
0x151: {  	[sflag:s3] =	ssyncadd.s32 $0xFFFFE700  }
0x152: {  	_ = 	snop  }
.LBB2_8:
0x153: {  	s14 =	rddreg [dreg:$0x4]  }
0x154: {  	[hbm:s14], [sflag:s12] =	dma.local [spmem:s11], $0x1900  }
0x155: {  	s11 =	rddreg [dreg:$0x5]  }
0x156: {  	[hbm:s11], [sflag:s12] =	dma.local @!p1 [spmem:s5], $0x1900  }
.Ltmp8:
0x157: {  	_ = 	snop;
	(pc) =	sbr.rel @p3 .LBB2_10-.Ltmp8, $4  }
.Ltmp9:
0x158: {  	_ = 	snop;
	(pc) =	sbr.rel @!p3 .LBB2_11-.Ltmp9, $4  }
0x159: {  	_ =	swait.ge [sflag:s3], $0x1900  }
0x15a: {  	[sflag:s3] =	ssyncset.done $0x0  }
0x15b: {  	[sflag:s3] =	ssyncadd.s32 $0xFFFFE700  }
0x15c: {  	_ = 	snop  }
.LBB2_12:
0x15d: {  	_ =	sfence.sel $0x180000  }
0x15e: {  	[bflag:$0x0] =	sbarrier.arrive $0xFFFF  }
0x15f: {  	_ =	strace $0x90000050  }
0x160: {  	[bflag:$0x2] =	sbarrier.arrive $0xFFFF  }
0x161: {  	p0 =	sne.s32 s1, $0x0;
	s0 =	rddreg [dreg:$0x2]  }
0x162: {  	s0 =	sadd.s32 @!p0 $0x100000, s0  }
0x163: {  	[sflag:s0] =	ssyncadd.tile.s32 @!p0 $0x1;
	_ =	shalt  }
.Lfunc_end2:
_tile_overlayer_lowered:
.L_overlay_start_2:
0x164: {  	(tag) =	ssettag $0x2  }
0x165: {  	s0 =	rddreg [dreg:$0x0];
	s2 =	stileid.u32  }
0x166: {  	s1 =	rddreg [dreg:$0x1];
	p0 =	sne.s32 s2, $0x0  }
0x167: {  	s3 =	rddreg [dreg:$0x2];
	[bflag:$0x3] =	sbarrier.arrive $0xFFFF;
	s2 =	simm.s32 @!p0 $0x1C08  }
0x168: {  	[timem:s3], [sflag:s2] =	dma.local @!p0 [hbm:s0], s1  }
0x169: {  	s0 =	simm.s32 @!p0 $0x8  }
0x16a: {  	_ =	swait.ge @!p0 [sflag:s0], s1  }
0x16b: {  	s1 =	ssub.s32 @!p0 $0x0, s1;
	[sflag:s0] =	ssyncset.done @!p0 $0x0  }
0x16c: {  	[sflag:s0] =	ssyncadd.s32 @!p0 s1  }
0x16d: {  	[bflag:$0x3] =	sbarrier.arrive $0xFFFF  }
0x16e: {  	_ =	shalt  }

</sc_bundles>
